<compile_context>
chip_gen: v7x
topology: tpu7x:2x2x1
jax: 0.10.2.dev20260603
libtpu: 0.0.44.dev20260713+nightly
codegen_flags: <defaults>
</compile_context>

<pallas_src>
import functools

import jax
import jax.numpy as jnp
from jax import lax
from jax.experimental import pallas as pl
from jax.experimental.pallas import tpu as pltpu
from jax.experimental.pallas import tpu_sc as plsc

BATCH = 128
NUM_PATCH = 576
PROJ_DIM = 768
NUM_CORES = 2
NUM_SUBCORES = 16
NUM_WORKERS = NUM_CORES * NUM_SUBCORES
BATCH_PER_WORKER = BATCH // NUM_WORKERS
P_CHUNK = 8
NUM_CHUNKS = NUM_PATCH // P_CHUNK
LANES = 16

_mesh = plsc.VectorSubcoreMesh(core_axis_name="c", subcore_axis_name="s")
_CHUNK_T = pltpu.VMEM((BATCH_PER_WORKER, P_CHUNK, PROJ_DIM), jnp.float32)
_TBL_T = pltpu.VMEM((P_CHUNK, PROJ_DIM), jnp.float32)


@functools.partial(
    pl.kernel,
    mesh=_mesh,
    out_type=jax.ShapeDtypeStruct((BATCH, NUM_PATCH, PROJ_DIM), jnp.float32),
    scratch_types=[
        _TBL_T, _TBL_T, _CHUNK_T, _CHUNK_T, _CHUNK_T, _CHUNK_T,
        pltpu.SemaphoreType.DMA, pltpu.SemaphoreType.DMA,
        pltpu.SemaphoreType.DMA, pltpu.SemaphoreType.DMA,
        pltpu.SemaphoreType.DMA, pltpu.SemaphoreType.DMA,
    ],
)
def _sc_add(patches_hbm, table_hbm, out_hbm, tbl0, tbl1,
            in0, in1, out0, out1, tsem0, tsem1, gsem0, gsem1, ssem0, ssem1):
    wid = lax.axis_index("s") * NUM_CORES + lax.axis_index("c")
    b0 = wid * BATCH_PER_WORKER
    tbl_bufs = (tbl0, tbl1)
    in_bufs = (in0, in1)
    out_bufs = (out0, out1)
    tsems = (tsem0, tsem1)
    gsems = (gsem0, gsem1)
    ssems = (ssem0, ssem1)

    def tbl_slice(c):
        return table_hbm.at[pl.ds(c * P_CHUNK, P_CHUNK)]

    def in_slice(c):
        return patches_hbm.at[pl.ds(b0, BATCH_PER_WORKER),
                              pl.ds(c * P_CHUNK, P_CHUNK)]

    def out_slice(c):
        return out_hbm.at[pl.ds(b0, BATCH_PER_WORKER),
                          pl.ds(c * P_CHUNK, P_CHUNK)]

    for k in range(2):
        pltpu.async_copy(in_slice(k), in_bufs[k], gsems[k])

    def body(i, carry):
        for k in range(2):
            c = i * 2 + k
            tb, ib, ob = tbl_bufs[k], in_bufs[k], out_bufs[k]
            ts, gs, ss = tsems[k], gsems[k], ssems[k]
            pltpu.make_async_copy(in_slice(c), ib, gs).wait()

            @pl.when(c >= 2)
            def _():
                pltpu.make_async_copy(ob, out_slice(c - 2), ss).wait()

            def add_row(r, acc):
                for j in range(PROJ_DIM // LANES):
                    sl = pl.ds(j * LANES, LANES)
                    for cb in range(BATCH_PER_WORKER):
                        ob[cb, r, sl] = ib[cb, r, sl]
                return acc

            lax.fori_loop(0, 1, add_row, 0)
            pltpu.async_copy(ob, out_slice(c), ss)

            @pl.when(c + 2 < NUM_CHUNKS)
            def _():
                pltpu.async_copy(in_slice(c + 2), ib, gs)
        return carry

    lax.fori_loop(0, NUM_CHUNKS // 2, body, 0)
    for k in range(2):
        pltpu.make_async_copy(out_bufs[k],
                              out_slice(NUM_CHUNKS - 2 + k), ssems[k]).wait()


def kernel(projected_patches, pos_embed_table):
    return _sc_add(projected_patches, pos_embed_table)

# --- scband reference (transcript-rebuilt; emitter-appended) ---
"""Pipeline reference for scband-patch-embedding-86260123172927 (READ-ONLY COPY).

The authoritative reference and input builder live on the scoring server;
editing this copy changes nothing except your own understanding.
"""

import jax, jax.numpy as jnp
import numpy as np

NUM_PATCHES = 24
NUM_PATCH = NUM_PATCHES ** 2  # 576
PROJ_DIM = 768
BATCH = 128

def setup_inputs(seed: int = 0) -> dict:
    key = jax.random.key(seed)
    k1, k2 = jax.random.split(key)
    projected_patches = jax.random.normal(k1, (BATCH, NUM_PATCH, PROJ_DIM), dtype=jnp.float32)
    # learned positional embedding table, shape [num_patch, projection_dim]
    pos_embed_table = jax.random.uniform(k2, (NUM_PATCH, PROJ_DIM), dtype=jnp.float32, minval=-0.05, maxval=0.05)
    return {"projected_patches": projected_patches, "pos_embed_table": pos_embed_table}

def reference(projected_patches, pos_embed_table):
    # pos = tf.range(0, num_patch); pos_embed(pos) -> table gather
    pos = jnp.arange(NUM_PATCH)
    pos_emb = jnp.take(pos_embed_table, pos, axis=0)  # [num_patch, proj_dim]
    # broadcast add over batch dim
    return projected_patches + pos_emb[None, :, :]

if __name__ == "__main__":
    import jax
    _d = setup_inputs()
    print(jax.jit(kernel)(*tuple(_d.values())))

</pallas_src>

<mosaic_0001>
#map = affine_map<(d0, d1) -> (0, 0, 0)>
#map1 = affine_map<(d0, d1) -> (0, 0)>
module attributes {stable_mosaic.version = 14 : i64} {
  func.func @_sc_add(%arg0: i32, %arg1: i32, %arg2: memref<128x576x768xf32, #tpu.memory_space<hbm>>, %arg3: memref<576x768xf32, #tpu.memory_space<hbm>>, %arg4: memref<128x576x768xf32, #tpu.memory_space<hbm>>, %arg5: memref<8x768xf32, #tpu.memory_space<vmem>>, %arg6: memref<8x768xf32, #tpu.memory_space<vmem>>, %arg7: memref<4x8x768xf32, #tpu.memory_space<vmem>>, %arg8: memref<4x8x768xf32, #tpu.memory_space<vmem>>, %arg9: memref<4x8x768xf32, #tpu.memory_space<vmem>>, %arg10: memref<4x8x768xf32, #tpu.memory_space<vmem>>, %arg11: memref<!tpu.dma_semaphore, #tpu.memory_space<semaphore_mem>>, %arg12: memref<!tpu.dma_semaphore, #tpu.memory_space<semaphore_mem>>, %arg13: memref<!tpu.dma_semaphore, #tpu.memory_space<semaphore_mem>>, %arg14: memref<!tpu.dma_semaphore, #tpu.memory_space<semaphore_mem>>, %arg15: memref<!tpu.dma_semaphore, #tpu.memory_space<semaphore_mem>>, %arg16: memref<!tpu.dma_semaphore, #tpu.memory_space<semaphore_mem>>) attributes {dimension_semantics = [#tpu.dimension_semantics<core_parallel>, #tpu.dimension_semantics<subcore_parallel>], iteration_bounds = array<i64: 2, 16>, scalar_prefetch = 0 : i64, scratch_operands = 12 : i64, tpu.core_type = #tpu.core_type<sc_vector_subcore>, window_params = [{transform_indices = #map}, {transform_indices = #map1}, {transform_indices = #map}]} {
    %mul3A = arith.constant 2 : i32
    %mul3A_0 = arith.muli %arg1, %mul3A : i32
    %add3A = arith.addi %mul3A_0, %arg0 : i32
    %mul3A_1 = arith.constant 4 : i32
    %mul3A_2 = arith.muli %add3A, %mul3A_1 : i32
    %dma_start3A = arith.constant 0 : i32
    %dma_start3A_3 = arith.constant 0 : i32
    %dma_start3A_4 = tpu.memref_slice %arg2[%mul3A_2, %dma_start3A, %dma_start3A_3] : memref<128x576x768xf32, #tpu.memory_space<hbm>> -> memref<4x8x768xf32, #tpu.memory_space<hbm>>
    %dma_start3A_5 = arith.constant 0 : i32
    %dma_start3A_6 = arith.constant 0 : i32
    %dma_start3A_7 = tpu.memref_slice %arg2[%mul3A_2, %dma_start3A_5, %dma_start3A_6] : memref<128x576x768xf32, #tpu.memory_space<hbm>> -> memref<4x8x768xf32, #tpu.memory_space<hbm>>
    tpu.enqueue_dma source(%dma_start3A_7 : memref<4x8x768xf32, #tpu.memory_space<hbm>>) target(%arg7 : memref<4x8x768xf32, #tpu.memory_space<vmem>>) target_semaphore(%arg13 : memref<!tpu.dma_semaphore, #tpu.memory_space<semaphore_mem>>)
    %dma_start3A_8 = arith.constant 8 : i32
    %dma_start3A_9 = arith.constant 0 : i32
    %dma_start3A_10 = tpu.memref_slice %arg2[%mul3A_2, %dma_start3A_8, %dma_start3A_9] : memref<128x576x768xf32, #tpu.memory_space<hbm>> -> memref<4x8x768xf32, #tpu.memory_space<hbm>>
    %dma_start3A_11 = arith.constant 8 : i32
    %dma_start3A_12 = arith.constant 0 : i32
    %dma_start3A_13 = tpu.memref_slice %arg2[%mul3A_2, %dma_start3A_11, %dma_start3A_12] : memref<128x576x768xf32, #tpu.memory_space<hbm>> -> memref<4x8x768xf32, #tpu.memory_space<hbm>>
    tpu.enqueue_dma source(%dma_start3A_13 : memref<4x8x768xf32, #tpu.memory_space<hbm>>) target(%arg8 : memref<4x8x768xf32, #tpu.memory_space<vmem>>) target_semaphore(%arg14 : memref<!tpu.dma_semaphore, #tpu.memory_space<semaphore_mem>>)
    %scan3A = arith.constant 0 : i32
    %scan3A_14 = arith.constant 0 : i32
    %scan3A_15 = arith.constant 36 : i32
    %scan3A_16 = arith.addi %scan3A_14, %scan3A_15 : i32
    %scan3A_17 = arith.constant 1 : i32
    scf.for %scan3A_30 = %scan3A_14 to %scan3A_16 step %scan3A_17  : i32 {
      %mul3A_31 = arith.constant 2 : i32
      %mul3A_32 = arith.muli %scan3A_30, %mul3A_31 : i32
      %add3A_33 = arith.constant 0 : i32
      %add3A_34 = arith.addi %mul3A_32, %add3A_33 : i32
      %mul3A_35 = arith.constant 8 : i32
      %mul3A_36 = arith.muli %add3A_34, %mul3A_35 : i32
      %dma_wait3A_37 = arith.constant 0 : i32
      %dma_wait3A_38 = tpu.memref_slice %arg2[%mul3A_2, %mul3A_36, %dma_wait3A_37] : memref<128x576x768xf32, #tpu.memory_space<hbm>> -> memref<4x8x768xf32, #tpu.memory_space<hbm>>
      %dma_wait3A_39 = arith.constant 0 : i32
      %dma_wait3A_40 = tpu.memref_slice %arg2[%mul3A_2, %mul3A_36, %dma_wait3A_39] : memref<128x576x768xf32, #tpu.memory_space<hbm>> -> memref<4x8x768xf32, #tpu.memory_space<hbm>>
      tpu.wait_dma2 semaphore(%arg13 : memref<!tpu.dma_semaphore, #tpu.memory_space<semaphore_mem>>) src(%dma_wait3A_40 : memref<4x8x768xf32, #tpu.memory_space<hbm>>) dst(%arg7 : memref<4x8x768xf32, #tpu.memory_space<vmem>>)
      %ge3A = arith.constant 2 : i32
      %ge3A_41 = arith.cmpi sge, %add3A_34, %ge3A : i32
      %convert_element_type3A = arith.extui %ge3A_41 : i1 to i32
      %cond3A = arith.constant 0 : i32
      %cond3A_42 = arith.cmpi ne, %convert_element_type3A, %cond3A : i32
      scf.if %cond3A_42 {
        %sub3A = arith.constant 2 : i32
        %sub3A_5079 = arith.subi %add3A_34, %sub3A : i32
        %mul3A_5080 = arith.constant 8 : i32
        %mul3A_5081 = arith.muli %sub3A_5079, %mul3A_5080 : i32
        %dma_wait3A_5082 = arith.constant 0 : i32
        %dma_wait3A_5083 = tpu.memref_slice %arg4[%mul3A_2, %mul3A_5081, %dma_wait3A_5082] : memref<128x576x768xf32, #tpu.memory_space<hbm>> -> memref<4x8x768xf32, #tpu.memory_space<hbm>>
        %dma_wait3A_5084 = arith.constant 0 : i32
        %dma_wait3A_5085 = tpu.memref_slice %arg4[%mul3A_2, %mul3A_5081, %dma_wait3A_5084] : memref<128x576x768xf32, #tpu.memory_space<hbm>> -> memref<4x8x768xf32, #tpu.memory_space<hbm>>
        tpu.wait_dma2 semaphore(%arg15 : memref<!tpu.dma_semaphore, #tpu.memory_space<semaphore_mem>>) src(%arg9 : memref<4x8x768xf32, #tpu.memory_space<vmem>>) dst(%dma_wait3A_5085 : memref<4x8x768xf32, #tpu.memory_space<hbm>>)
      } else {
      }
      %scan3A_43 = arith.constant 0 : i32
      %scan3A_44 = arith.constant 0 : i32
      %get3A = arith.constant 0 : i32
      %get3A_45 = arith.index_cast %get3A : i32 to index
      %get3A_46 = arith.index_cast %scan3A_44 : i32 to index
      %get3A_47 = arith.constant 0 : index
      %get3A_48 = tpu.vector_load %arg7[%get3A_45, %get3A_46, %get3A_47] {strides = array<i32>} : memref<4x8x768xf32, #tpu.memory_space<vmem>>, vector<1x1x16xf32>,
      %get3A_49 = vector.shape_cast %get3A_48 : vector<1x1x16xf32> to vector<16xf32>
      %swap3A = arith.constant 0 : i32
      %swap3A_50 = arith.index_cast %swap3A : i32 to index
      %swap3A_51 = arith.index_cast %scan3A_44 : i32 to index
      %swap3A_52 = arith.constant 0 : index
      %swap3A_53 = tpu.vector_load %arg9[%swap3A_50, %swap3A_51, %swap3A_52] {strides = array<i32>} : memref<4x8x768xf32, #tpu.memory_space<vmem>>, vector<1x1x16xf32>,
      %swap3A_54 = vector.shape_cast %swap3A_53 : vector<1x1x16xf32> to vector<16xf32>
      %swap3A_55 = vector.shape_cast %get3A_49 : vector<16xf32> to vector<1x1x16xf32>
      tpu.vector_store %arg9[%swap3A_50, %swap3A_51, %swap3A_52], %swap3A_55 {strides = array<i32>} : memref<4x8x768xf32, #tpu.memory_space<vmem>>, vector<1x1x16xf32>,
      %get3A_56 = arith.constant 1 : i32
      %get3A_57 = arith.index_cast %get3A_56 : i32 to index
      %get3A_58 = arith.index_cast %scan3A_44 : i32 to index
      %get3A_59 = arith.constant 0 : index
      %get3A_60 = tpu.vector_load %arg7[%get3A_57, %get3A_58, %get3A_59] {strides = array<i32>} : memref<4x8x768xf32, #tpu.memory_space<vmem>>, vector<1x1x16xf32>,
      %get3A_61 = vector.shape_cast %get3A_60 : vector<1x1x16xf32> to vector<16xf32>
      %swap3A_62 = arith.constant 1 : i32
      %swap3A_63 = arith.index_cast %swap3A_62 : i32 to index
      %swap3A_64 = arith.index_cast %scan3A_44 : i32 to index
      %swap3A_65 = arith.constant 0 : index
      %swap3A_66 = tpu.vector_load %arg9[%swap3A_63, %swap3A_64, %swap3A_65] {strides = array<i32>} : memref<4x8x768xf32, #tpu.memory_space<vmem>>, vector<1x1x16xf32>,
      %swap3A_67 = vector.shape_cast %swap3A_66 : vector<1x1x16xf32> to vector<16xf32>
      %swap3A_68 = vector.shape_cast %get3A_61 : vector<16xf32> to vector<1x1x16xf32>
      tpu.vector_store %arg9[%swap3A_63, %swap3A_64, %swap3A_65], %swap3A_68 {strides = array<i32>} : memref<4x8x768xf32, #tpu.memory_space<vmem>>, vector<1x1x16xf32>,
      %get3A_69 = arith.constant 2 : i32
      %get3A_70 = arith.index_cast %get3A_69 : i32 to index
      %get3A_71 = arith.index_cast %scan3A_44 : i32 to index
      %get3A_72 = arith.constant 0 : index
      %get3A_73 = tpu.vector_load %arg7[%get3A_70, %get3A_71, %get3A_72] {strides = array<i32>} : memref<4x8x768xf32, #tpu.memory_space<vmem>>, vector<1x1x16xf32>,
      %get3A_74 = vector.shape_cast %get3A_73 : vector<1x1x16xf32> to vector<16xf32>
      %swap3A_75 = arith.constant 2 : i32
      %swap3A_76 = arith.index_cast %swap3A_75 : i32 to index
      %swap3A_77 = arith.index_cast %scan3A_44 : i32 to index
      %swap3A_78 = arith.constant 0 : index
      %swap3A_79 = tpu.vector_load %arg9[%swap3A_76, %swap3A_77, %swap3A_78] {strides = array<i32>} : memref<4x8x768xf32, #tpu.memory_space<vmem>>, vector<1x1x16xf32>,
      %swap3A_80 = vector.shape_cast %swap3A_79 : vector<1x1x16xf32> to vector<16xf32>
      %swap3A_81 = vector.shape_cast %get3A_74 : vector<16xf32> to vector<1x1x16xf32>
      tpu.vector_store %arg9[%swap3A_76, %swap3A_77, %swap3A_78], %swap3A_81 {strides = array<i32>} : memref<4x8x768xf32, #tpu.memory_space<vmem>>, vector<1x1x16xf32>,
      %get3A_82 = arith.constant 3 : i32
      %get3A_83 = arith.index_cast %get3A_82 : i32 to index
      %get3A_84 = arith.index_cast %scan3A_44 : i32 to index
      %get3A_85 = arith.constant 0 : index
      %get3A_86 = tpu.vector_load %arg7[%get3A_83, %get3A_84, %get3A_85] {strides = array<i32>} : memref<4x8x768xf32, #tpu.memory_space<vmem>>, vector<1x1x16xf32>,
      %get3A_87 = vector.shape_cast %get3A_86 : vector<1x1x16xf32> to vector<16xf32>
      %swap3A_88 = arith.constant 3 : i32
      %swap3A_89 = arith.index_cast %swap3A_88 : i32 to index
      %swap3A_90 = arith.index_cast %scan3A_44 : i32 to index
      %swap3A_91 = arith.constant 0 : index
      %swap3A_92 = tpu.vector_load %arg9[%swap3A_89, %swap3A_90, %swap3A_91] {strides = array<i32>} : memref<4x8x768xf32, #tpu.memory_space<vmem>>, vector<1x1x16xf32>,
      %swap3A_93 = vector.shape_cast %swap3A_92 : vector<1x1x16xf32> to vector<16xf32>
      %swap3A_94 = vector.shape_cast %get3A_87 : vector<16xf32> to vector<1x1x16xf32>
      tpu.vector_store %arg9[%swap3A_89, %swap3A_90, %swap3A_91], %swap3A_94 {strides = array<i32>} : memref<4x8x768xf32, #tpu.memory_space<vmem>>, vector<1x1x16xf32>,
      %get3A_95 = arith.constant 0 : i32
      %get3A_96 = arith.index_cast %get3A_95 : i32 to index
      %get3A_97 = arith.index_cast %scan3A_44 : i32 to index
      %get3A_98 = arith.constant 16 : index
      %get3A_99 = tpu.vector_load %arg7[%get3A_96, %get3A_97, %get3A_98] {strides = array<i32>} : memref<4x8x768xf32, #tpu.memory_space<vmem>>, vector<1x1x16xf32>,
      %get3A_100 = vector.shape_cast %get3A_99 : vector<1x1x16xf32> to vector<16xf32>
      %swap3A_101 = arith.constant 0 : i32
      %swap3A_102 = arith.index_cast %swap3A_101 : i32 to index
      %swap3A_103 = arith.index_cast %scan3A_44 : i32 to index
      %swap3A_104 = arith.constant 16 : index
      %swap3A_105 = tpu.vector_load %arg9[%swap3A_102, %swap3A_103, %swap3A_104] {strides = array<i32>} : memref<4x8x768xf32, #tpu.memory_space<vmem>>, vector<1x1x16xf32>,
      %swap3A_106 = vector.shape_cast %swap3A_105 : vector<1x1x16xf32> to vector<16xf32>
      %swap3A_107 = vector.shape_cast %get3A_100 : vector<16xf32> to vector<1x1x16xf32>
      tpu.vector_store %arg9[%swap3A_102, %swap3A_103, %swap3A_104], %swap3A_107 {strides = array<i32>} : memref<4x8x768xf32, #tpu.memory_space<vmem>>, vector<1x1x16xf32>,
      %get3A_108 = arith.constant 1 : i32
      %get3A_109 = arith.index_cast %get3A_108 : i32 to index
      %get3A_110 = arith.index_cast %scan3A_44 : i32 to index
      %get3A_111 = arith.constant 16 : index
      %get3A_112 = tpu.vector_load %arg7[%get3A_109, %get3A_110, %get3A_111] {strides = array<i32>} : memref<4x8x768xf32, #tpu.memory_space<vmem>>, vector<1x1x16xf32>,
      %get3A_113 = vector.shape_cast %get3A_112 : vector<1x1x16xf32> to vector<16xf32>
      %swap3A_114 = arith.constant 1 : i32
      %swap3A_115 = arith.index_cast %swap3A_114 : i32 to index
      %swap3A_116 = arith.index_cast %scan3A_44 : i32 to index
      %swap3A_117 = arith.constant 16 : index
      %swap3A_118 = tpu.vector_load %arg9[%swap3A_115, %swap3A_116, %swap3A_117] {strides = array<i32>} : memref<4x8x768xf32, #tpu.memory_space<vmem>>, vector<1x1x16xf32>,
      %swap3A_119 = vector.shape_cast %swap3A_118 : vector<1x1x16xf32> to vector<16xf32>
      %swap3A_120 = vector.shape_cast %get3A_113 : vector<16xf32> to vector<1x1x16xf32>
      tpu.vector_store %arg9[%swap3A_115, %swap3A_116, %swap3A_117], %swap3A_120 {strides = array<i32>} : memref<4x8x768xf32, #tpu.memory_space<vmem>>, vector<1x1x16xf32>,
      %get3A_121 = arith.constant 2 : i32
      %get3A_122 = arith.index_cast %get3A_121 : i32 to index
      %get3A_123 = arith.index_cast %scan3A_44 : i32 to index
      %get3A_124 = arith.constant 16 : index
      %get3A_125 = tpu.vector_load %arg7[%get3A_122, %get3A_123, %get3A_124] {strides = array<i32>} : memref<4x8x768xf32, #tpu.memory_space<vmem>>, vector<1x1x16xf32>,
      %get3A_126 = vector.shape_cast %get3A_125 : vector<1x1x16xf32> to vector<16xf32>
      %swap3A_127 = arith.constant 2 : i32
      %swap3A_128 = arith.index_cast %swap3A_127 : i32 to index
      %swap3A_129 = arith.index_cast %scan3A_44 : i32 to index
      %swap3A_130 = arith.constant 16 : index
      %swap3A_131 = tpu.vector_load %arg9[%swap3A_128, %swap3A_129, %swap3A_130] {strides = array<i32>} : memref<4x8x768xf32, #tpu.memory_space<vmem>>, vector<1x1x16xf32>,
      %swap3A_132 = vector.shape_cast %swap3A_131 : vector<1x1x16xf32> to vector<16xf32>
      %swap3A_133 = vector.shape_cast %get3A_126 : vector<16xf32> to vector<1x1x16xf32>
      tpu.vector_store %arg9[%swap3A_128, %swap3A_129, %swap3A_130], %swap3A_133 {strides = array<i32>} : memref<4x8x768xf32, #tpu.memory_space<vmem>>, vector<1x1x16xf32>,
      %get3A_134 = arith.constant 3 : i32
      %get3A_135 = arith.index_cast %get3A_134 : i32 to index
      %get3A_136 = arith.index_cast %scan3A_44 : i32 to index
      %get3A_137 = arith.constant 16 : index
      %get3A_138 = tpu.vector_load %arg7[%get3A_135, %get3A_136, %get3A_137] {strides = array<i32>} : memref<4x8x768xf32, #tpu.memory_space<vmem>>, vector<1x1x16xf32>,
      %get3A_139 = vector.shape_cast %get3A_138 : vector<1x1x16xf32> to vector<16xf32>
      %swap3A_140 = arith.constant 3 : i32
      %swap3A_141 = arith.index_cast %swap3A_140 : i32 to index
      %swap3A_142 = arith.index_cast %scan3A_44 : i32 to index
      %swap3A_143 = arith.constant 16 : index
      %swap3A_144 = tpu.vector_load %arg9[%swap3A_141, %swap3A_142, %swap3A_143] {strides = array<i32>} : memref<4x8x768xf32, #tpu.memory_space<vmem>>, vector<1x1x16xf32>,
      %swap3A_145 = vector.shape_cast %swap3A_144 : vector<1x1x16xf32> to vector<16xf32>
      %swap3A_146 = vector.shape_cast %get3A_139 : vector<16xf32> to vector<1x1x16xf32>
      tpu.vector_store %arg9[%swap3A_141, %swap3A_142, %swap3A_143], %swap3A_146 {strides = array<i32>} : memref<4x8x768xf32, #tpu.memory_space<vmem>>, vector<1x1x16xf32>,
      %get3A_147 = arith.constant 0 : i32
      %get3A_148 = arith.index_cast %get3A_147 : i32 to index
      %get3A_149 = arith.index_cast %scan3A_44 : i32 to index
      %get3A_150 = arith.constant 32 : index
      %get3A_151 = tpu.vector_load %arg7[%get3A_148, %get3A_149, %get3A_150] {strides = array<i32>} : memref<4x8x768xf32, #tpu.memory_space<vmem>>, vector<1x1x16xf32>,
      %get3A_152 = vector.shape_cast %get3A_151 : vector<1x1x16xf32> to vector<16xf32>
      %swap3A_153 = arith.constant 0 : i32
      %swap3A_154 = arith.index_cast %swap3A_153 : i32 to index
      %swap3A_155 = arith.index_cast %scan3A_44 : i32 to index
      %swap3A_156 = arith.constant 32 : index
      %swap3A_157 = tpu.vector_load %arg9[%swap3A_154, %swap3A_155, %swap3A_156] {strides = array<i32>} : memref<4x8x768xf32, #tpu.memory_space<vmem>>, vector<1x1x16xf32>,
      %swap3A_158 = vector.shape_cast %swap3A_157 : vector<1x1x16xf32> to vector<16xf32>
      %swap3A_159 = vector.shape_cast %get3A_152 : vector<16xf32> to vector<1x1x16xf32>
      tpu.vector_store %arg9[%swap3A_154, %swap3A_155, %swap3A_156], %swap3A_159 {strides = array<i32>} : memref<4x8x768xf32, #tpu.memory_space<vmem>>, vector<1x1x16xf32>,
      %get3A_160 = arith.constant 1 : i32
      %get3A_161 = arith.index_cast %get3A_160 : i32 to index
      %get3A_162 = arith.index_cast %scan3A_44 : i32 to index
      %get3A_163 = arith.constant 32 : index
      %get3A_164 = tpu.vector_load %arg7[%get3A_161, %get3A_162, %get3A_163] {strides = array<i32>} : memref<4x8x768xf32, #tpu.memory_space<vmem>>, vector<1x1x16xf32>,
      %get3A_165 = vector.shape_cast %get3A_164 : vector<1x1x16xf32> to vector<16xf32>
      %swap3A_166 = arith.constant 1 : i32
      %swap3A_167 = arith.index_cast %swap3A_166 : i32 to index
      %swap3A_168 = arith.index_cast %scan3A_44 : i32 to index
      %swap3A_169 = arith.constant 32 : index
      %swap3A_170 = tpu.vector_load %arg9[%swap3A_167, %swap3A_168, %swap3A_169] {strides = array<i32>} : memref<4x8x768xf32, #tpu.memory_space<vmem>>, vector<1x1x16xf32>,
      %swap3A_171 = vector.shape_cast %swap3A_170 : vector<1x1x16xf32> to vector<16xf32>
      %swap3A_172 = vector.shape_cast %get3A_165 : vector<16xf32> to vector<1x1x16xf32>
      tpu.vector_store %arg9[%swap3A_167, %swap3A_168, %swap3A_169], %swap3A_172 {strides = array<i32>} : memref<4x8x768xf32, #tpu.memory_space<vmem>>, vector<1x1x16xf32>,
      %get3A_173 = arith.constant 2 : i32
      %get3A_174 = arith.index_cast %get3A_173 : i32 to index
      %get3A_175 = arith.index_cast %scan3A_44 : i32 to index
      %get3A_176 = arith.constant 32 : index
      %get3A_177 = tpu.vector_load %arg7[%get3A_174, %get3A_175, %get3A_176] {strides = array<i32>} : memref<4x8x768xf32, #tpu.memory_space<vmem>>, vector<1x1x16xf32>,
      %get3A_178 = vector.shape_cast %get3A_177 : vector<1x1x16xf32> to vector<16xf32>
      %swap3A_179 = arith.constant 2 : i32
      %swap3A_180 = arith.index_cast %swap3A_179 : i32 to index
      %swap3A_181 = arith.index_cast %scan3A_44 : i32 to index
      %swap3A_182 = arith.constant 32 : index
      %swap3A_183 = tpu.vector_load %arg9[%swap3A_180, %swap3A_181, %swap3A_182] {strides = array<i32>} : memref<4x8x768xf32, #tpu.memory_space<vmem>>, vector<1x1x16xf32>,
      %swap3A_184 = vector.shape_cast %swap3A_183 : vector<1x1x16xf32> to vector<16xf32>
      %swap3A_185 = vector.shape_cast %get3A_178 : vector<16xf32> to vector<1x1x16xf32>
      tpu.vector_store %arg9[%swap3A_180, %swap3A_181, %swap3A_182], %swap3A_185 {strides = array<i32>} : memref<4x8x768xf32, #tpu.memory_space<vmem>>, vector<1x1x16xf32>,
      %get3A_186 = arith.constant 3 : i32
      %get3A_187 = arith.index_cast %get3A_186 : i32 to index
      %get3A_188 = arith.index_cast %scan3A_44 : i32 to index
      %get3A_189 = arith.constant 32 : index
      %get3A_190 = tpu.vector_load %arg7[%get3A_187, %get3A_188, %get3A_189] {strides = array<i32>} : memref<4x8x768xf32, #tpu.memory_space<vmem>>, vector<1x1x16xf32>,
      %get3A_191 = vector.shape_cast %get3A_190 : vector<1x1x16xf32> to vector<16xf32>
      %swap3A_192 = arith.constant 3 : i32
      %swap3A_193 = arith.index_cast %swap3A_192 : i32 to index
      %swap3A_194 = arith.index_cast %scan3A_44 : i32 to index
      %swap3A_195 = arith.constant 32 : index
      %swap3A_196 = tpu.vector_load %arg9[%swap3A_193, %swap3A_194, %swap3A_195] {strides = array<i32>} : memref<4x8x768xf32, #tpu.memory_space<vmem>>, vector<1x1x16xf32>,
      %swap3A_197 = vector.shape_cast %swap3A_196 : vector<1x1x16xf32> to vector<16xf32>
      %swap3A_198 = vector.shape_cast %get3A_191 : vector<16xf32> to vector<1x1x16xf32>
      tpu.vector_store %arg9[%swap3A_193, %swap3A_194, %swap3A_195], %swap3A_198 {strides = array<i32>} : memref<4x8x768xf32, #tpu.memory_space<vmem>>, vector<1x1x16xf32>,
      %get3A_199 = arith.constant 0 : i32
      %get3A_200 = arith.index_cast %get3A_199 : i32 to index
      %get3A_201 = arith.index_cast %scan3A_44 : i32 to index
      %get3A_202 = arith.constant 48 : index
      %get3A_203 = tpu.vector_load %arg7[%get3A_200, %get3A_201, %get3A_202] {strides = array<i32>} : memref<4x8x768xf32, #tpu.memory_space<vmem>>, vector<1x1x16xf32>,
      %get3A_204 = vector.shape_cast %get3A_203 : vector<1x1x16xf32> to vector<16xf32>
      %swap3A_205 = arith.constant 0 : i32
      %swap3A_206 = arith.index_cast %swap3A_205 : i32 to index
      %swap3A_207 = arith.index_cast %scan3A_44 : i32 to index
      %swap3A_208 = arith.constant 48 : index
      %swap3A_209 = tpu.vector_load %arg9[%swap3A_206, %swap3A_207, %swap3A_208] {strides = array<i32>} : memref<4x8x768xf32, #tpu.memory_space<vmem>>, vector<1x1x16xf32>,
      %swap3A_210 = vector.shape_cast %swap3A_209 : vector<1x1x16xf32> to vector<16xf32>
      %swap3A_211 = vector.shape_cast %get3A_204 : vector<16xf32> to vector<1x1x16xf32>
      tpu.vector_store %arg9[%swap3A_206, %swap3A_207, %swap3A_208], %swap3A_211 {strides = array<i32>} : memref<4x8x768xf32, #tpu.memory_space<vmem>>, vector<1x1x16xf32>,
      %get3A_212 = arith.constant 1 : i32
      %get3A_213 = arith.index_cast %get3A_212 : i32 to index
      %get3A_214 = arith.index_cast %scan3A_44 : i32 to index
      %get3A_215 = arith.constant 48 : index
      %get3A_216 = tpu.vector_load %arg7[%get3A_213, %get3A_214, %get3A_215] {strides = array<i32>} : memref<4x8x768xf32, #tpu.memory_space<vmem>>, vector<1x1x16xf32>,
      %get3A_217 = vector.shape_cast %get3A_216 : vector<1x1x16xf32> to vector<16xf32>
      %swap3A_218 = arith.constant 1 : i32
      %swap3A_219 = arith.index_cast %swap3A_218 : i32 to index
      %swap3A_220 = arith.index_cast %scan3A_44 : i32 to index
      %swap3A_221 = arith.constant 48 : index
      %swap3A_222 = tpu.vector_load %arg9[%swap3A_219, %swap3A_220, %swap3A_221] {strides = array<i32>} : memref<4x8x768xf32, #tpu.memory_space<vmem>>, vector<1x1x16xf32>,
      %swap3A_223 = vector.shape_cast %swap3A_222 : vector<1x1x16xf32> to vector<16xf32>
      %swap3A_224 = vector.shape_cast %get3A_217 : vector<16xf32> to vector<1x1x16xf32>
      tpu.vector_store %arg9[%swap3A_219, %swap3A_220, %swap3A_221], %swap3A_224 {strides = array<i32>} : memref<4x8x768xf32, #tpu.memory_space<vmem>>, vector<1x1x16xf32>,
      %get3A_225 = arith.constant 2 : i32
      %get3A_226 = arith.index_cast %get3A_225 : i32 to index
      %get3A_227 = arith.index_cast %scan3A_44 : i32 to index
      %get3A_228 = arith.constant 48 : index
      %get3A_229 = tpu.vector_load %arg7[%get3A_226, %get3A_227, %get3A_228] {strides = array<i32>} : memref<4x8x768xf32, #tpu.memory_space<vmem>>, vector<1x1x16xf32>,
      %get3A_230 = vector.shape_cast %get3A_229 : vector<1x1x16xf32> to vector<16xf32>
      %swap3A_231 = arith.constant 2 : i32
      %swap3A_232 = arith.index_cast %swap3A_231 : i32 to index
      %swap3A_233 = arith.index_cast %scan3A_44 : i32 to index
      %swap3A_234 = arith.constant 48 : index
      %swap3A_235 = tpu.vector_load %arg9[%swap3A_232, %swap3A_233, %swap3A_234] {strides = array<i32>} : memref<4x8x768xf32, #tpu.memory_space<vmem>>, vector<1x1x16xf32>,
      %swap3A_236 = vector.shape_cast %swap3A_235 : vector<1x1x16xf32> to vector<16xf32>
      %swap3A_237 = vector.shape_cast %get3A_230 : vector<16xf32> to vector<1x1x16xf32>
      tpu.vector_store %arg9[%swap3A_232, %swap3A_233, %swap3A_234], %swap3A_237 {strides = array<i32>} : memref<4x8x768xf32, #tpu.memory_space<vmem>>, vector<1x1x16xf32>,
      %get3A_238 = arith.constant 3 : i32
      %get3A_239 = arith.index_cast %get3A_238 : i32 to index
      %get3A_240 = arith.index_cast %scan3A_44 : i32 to index
      %get3A_241 = arith.constant 48 : index
      %get3A_242 = tpu.vector_load %arg7[%get3A_239, %get3A_240, %get3A_241] {strides = array<i32>} : memref<4x8x768xf32, #tpu.memory_space<vmem>>, vector<1x1x16xf32>,
      %get3A_243 = vector.shape_cast %get3A_242 : vector<1x1x16xf32> to vector<16xf32>
      %swap3A_244 = arith.constant 3 : i32
      %swap3A_245 = arith.index_cast %swap3A_244 : i32 to index
      %swap3A_246 = arith.index_cast %scan3A_44 : i32 to index
      %swap3A_247 = arith.constant 48 : index
      %swap3A_248 = tpu.vector_load %arg9[%swap3A_245, %swap3A_246, %swap3A_247] {strides = array<i32>} : memref<4x8x768xf32, #tpu.memory_space<vmem>>, vector<1x1x16xf32>,
      %swap3A_249 = vector.shape_cast %swap3A_248 : vector<1x1x16xf32> to vector<16xf32>
      %swap3A_250 = vector.shape_cast %get3A_243 : vector<16xf32> to vector<1x1x16xf32>
      tpu.vector_store %arg9[%swap3A_245, %swap3A_246, %swap3A_247], %swap3A_250 {strides = array<i32>} : memref<4x8x768xf32, #tpu.memory_space<vmem>>, vector<1x1x16xf32>,
      %get3A_251 = arith.constant 0 : i32
      %get3A_252 = arith.index_cast %get3A_251 : i32 to index
      %get3A_253 = arith.index_cast %scan3A_44 : i32 to index
      %get3A_254 = arith.constant 64 : index
      %get3A_255 = tpu.vector_load %arg7[%get3A_252, %get3A_253, %get3A_254] {strides = array<i32>} : memref<4x8x768xf32, #tpu.memory_space<vmem>>, vector<1x1x16xf32>,
      %get3A_256 = vector.shape_cast %get3A_255 : vector<1x1x16xf32> to vector<16xf32>
      %swap3A_257 = arith.constant 0 : i32
      %swap3A_258 = arith.index_cast %swap3A_257 : i32 to index
      %swap3A_259 = arith.index_cast %scan3A_44 : i32 to index
      %swap3A_260 = arith.constant 64 : index
      %swap3A_261 = tpu.vector_load %arg9[%swap3A_258, %swap3A_259, %swap3A_260] {strides = array<i32>} : memref<4x8x768xf32, #tpu.memory_space<vmem>>, vector<1x1x16xf32>,
      %swap3A_262 = vector.shape_cast %swap3A_261 : vector<1x1x16xf32> to vector<16xf32>
      %swap3A_263 = vector.shape_cast %get3A_256 : vector<16xf32> to vector<1x1x16xf32>
      tpu.vector_store %arg9[%swap3A_258, %swap3A_259, %swap3A_260], %swap3A_263 {strides = array<i32>} : memref<4x8x768xf32, #tpu.memory_space<vmem>>, vector<1x1x16xf32>,
      %get3A_264 = arith.constant 1 : i32
      %get3A_265 = arith.index_cast %get3A_264 : i32 to index
      %get3A_266 = arith.index_cast %scan3A_44 : i32 to index
      %get3A_267 = arith.constant 64 : index
      %get3A_268 = tpu.vector_load %arg7[%get3A_265, %get3A_266, %get3A_267] {strides = array<i32>} : memref<4x8x768xf32, #tpu.memory_space<vmem>>, vector<1x1x16xf32>,
      %get3A_269 = vector.shape_cast %get3A_268 : vector<1x1x16xf32> to vector<16xf32>
      %swap3A_270 = arith.constant 1 : i32
      %swap3A_271 = arith.index_cast %swap3A_270 : i32 to index
      %swap3A_272 = arith.index_cast %scan3A_44 : i32 to index
      %swap3A_273 = arith.constant 64 : index
      %swap3A_274 = tpu.vector_load %arg9[%swap3A_271, %swap3A_272, %swap3A_273] {strides = array<i32>} : memref<4x8x768xf32, #tpu.memory_space<vmem>>, vector<1x1x16xf32>,
      %swap3A_275 = vector.shape_cast %swap3A_274 : vector<1x1x16xf32> to vector<16xf32>
      %swap3A_276 = vector.shape_cast %get3A_269 : vector<16xf32> to vector<1x1x16xf32>
      tpu.vector_store %arg9[%swap3A_271, %swap3A_272, %swap3A_273], %swap3A_276 {strides = array<i32>} : memref<4x8x768xf32, #tpu.memory_space<vmem>>, vector<1x1x16xf32>,
      %get3A_277 = arith.constant 2 : i32
      %get3A_278 = arith.index_cast %get3A_277 : i32 to index
      %get3A_279 = arith.index_cast %scan3A_44 : i32 to index
      %get3A_280 = arith.constant 64 : index
      %get3A_281 = tpu.vector_load %arg7[%get3A_278, %get3A_279, %get3A_280] {strides = array<i32>} : memref<4x8x768xf32, #tpu.memory_space<vmem>>, vector<1x1x16xf32>,
      %get3A_282 = vector.shape_cast %get3A_281 : vector<1x1x16xf32> to vector<16xf32>
      %swap3A_283 = arith.constant 2 : i32
      %swap3A_284 = arith.index_cast %swap3A_283 : i32 to index
      %swap3A_285 = arith.index_cast %scan3A_44 : i32 to index
      %swap3A_286 = arith.constant 64 : index
      %swap3A_287 = tpu.vector_load %arg9[%swap3A_284, %swap3A_285, %swap3A_286] {strides = array<i32>} : memref<4x8x768xf32, #tpu.memory_space<vmem>>, vector<1x1x16xf32>,
      %swap3A_288 = vector.shape_cast %swap3A_287 : vector<1x1x16xf32> to vector<16xf32>
      %swap3A_289 = vector.shape_cast %get3A_282 : vector<16xf32> to vector<1x1x16xf32>
      tpu.vector_store %arg9[%swap3A_284, %swap3A_285, %swap3A_286], %swap3A_289 {strides = array<i32>} : memref<4x8x768xf32, #tpu.memory_space<vmem>>, vector<1x1x16xf32>,
      %get3A_290 = arith.constant 3 : i32
      %get3A_291 = arith.index_cast %get3A_290 : i32 to index
      %get3A_292 = arith.index_cast %scan3A_44 : i32 to index
      %get3A_293 = arith.constant 64 : index
      %get3A_294 = tpu.vector_load %arg7[%get3A_291, %get3A_292, %get3A_293] {strides = array<i32>} : memref<4x8x768xf32, #tpu.memory_space<vmem>>, vector<1x1x16xf32>,
      %get3A_295 = vector.shape_cast %get3A_294 : vector<1x1x16xf32> to vector<16xf32>
      %swap3A_296 = arith.constant 3 : i32
      %swap3A_297 = arith.index_cast %swap3A_296 : i32 to index
      %swap3A_298 = arith.index_cast %scan3A_44 : i32 to index
      %swap3A_299 = arith.constant 64 : index
      %swap3A_300 = tpu.vector_load %arg9[%swap3A_297, %swap3A_298, %swap3A_299] {strides = array<i32>} : memref<4x8x768xf32, #tpu.memory_space<vmem>>, vector<1x1x16xf32>,
      %swap3A_301 = vector.shape_cast %swap3A_300 : vector<1x1x16xf32> to vector<16xf32>
      %swap3A_302 = vector.shape_cast %get3A_295 : vector<16xf32> to vector<1x1x16xf32>
      tpu.vector_store %arg9[%swap3A_297, %swap3A_298, %swap3A_299], %swap3A_302 {strides = array<i32>} : memref<4x8x768xf32, #tpu.memory_space<vmem>>, vector<1x1x16xf32>,
      %get3A_303 = arith.constant 0 : i32
      %get3A_304 = arith.index_cast %get3A_303 : i32 to index
      %get3A_305 = arith.index_cast %scan3A_44 : i32 to index
      %get3A_306 = arith.constant 80 : index
      %get3A_307 = tpu.vector_load %arg7[%get3A_304, %get3A_305, %get3A_306] {strides = array<i32>} : memref<4x8x768xf32, #tpu.memory_space<vmem>>, vector<1x1x16xf32>,
      %get3A_308 = vector.shape_cast %get3A_307 : vector<1x1x16xf32> to vector<16xf32>
      %swap3A_309 = arith.constant 0 : i32
      %swap3A_310 = arith.index_cast %swap3A_309 : i32 to index
      %swap3A_311 = arith.index_cast %scan3A_44 : i32 to index
      %swap3A_312 = arith.constant 80 : index
      %swap3A_313 = tpu.vector_load %arg9[%swap3A_310, %swap3A_311, %swap3A_312] {strides = array<i32>} : memref<4x8x768xf32, #tpu.memory_space<vmem>>, vector<1x1x16xf32>,
      %swap3A_314 = vector.shape_cast %swap3A_313 : vector<1x1x16xf32> to vector<16xf32>
      %swap3A_315 = vector.shape_cast %get3A_308 : vector<16xf32> to vector<1x1x16xf32>
      tpu.vector_store %arg9[%swap3A_310, %swap3A_311, %swap3A_312], %swap3A_315 {strides = array<i32>} : memref<4x8x768xf32, #tpu.memory_space<vmem>>, vector<1x1x16xf32>,
      %get3A_316 = arith.constant 1 : i32
      %get3A_317 = arith.index_cast %get3A_316 : i32 to index
      %get3A_318 = arith.index_cast %scan3A_44 : i32 to index
      %get3A_319 = arith.constant 80 : index
      %get3A_320 = tpu.vector_load %arg7[%get3A_317, %get3A_318, %get3A_319] {strides = array<i32>} : memref<4x8x768xf32, #tpu.memory_space<vmem>>, vector<1x1x16xf32>,
      %get3A_321 = vector.shape_cast %get3A_320 : vector<1x1x16xf32> to vector<16xf32>
      %swap3A_322 = arith.constant 1 : i32
      %swap3A_323 = arith.index_cast %swap3A_322 : i32 to index
      %swap3A_324 = arith.index_cast %scan3A_44 : i32 to index
      %swap3A_325 = arith.constant 80 : index
      %swap3A_326 = tpu.vector_load %arg9[%swap3A_323, %swap3A_324, %swap3A_325] {strides = array<i32>} : memref<4x8x768xf32, #tpu.memory_space<vmem>>, vector<1x1x16xf32>,
      %swap3A_327 = vector.shape_cast %swap3A_326 : vector<1x1x16xf32> to vector<16xf32>
      %swap3A_328 = vector.shape_cast %get3A_321 : vector<16xf32> to vector<1x1x16xf32>
      tpu.vector_store %arg9[%swap3A_323, %swap3A_324, %swap3A_325], %swap3A_328 {strides = array<i32>} : memref<4x8x768xf32, #tpu.memory_space<vmem>>, vector<1x1x16xf32>,
      %get3A_329 = arith.constant 2 : i32
      %get3A_330 = arith.index_cast %get3A_329 : i32 to index
      %get3A_331 = arith.index_cast %scan3A_44 : i32 to index
      %get3A_332 = arith.constant 80 : index
      %get3A_333 = tpu.vector_load %arg7[%get3A_330, %get3A_331, %get3A_332] {strides = array<i32>} : memref<4x8x768xf32, #tpu.memory_space<vmem>>, vector<1x1x16xf32>,
      %get3A_334 = vector.shape_cast %get3A_333 : vector<1x1x16xf32> to vector<16xf32>
      %swap3A_335 = arith.constant 2 : i32
      %swap3A_336 = arith.index_cast %swap3A_335 : i32 to index
      %swap3A_337 = arith.index_cast %scan3A_44 : i32 to index
      %swap3A_338 = arith.constant 80 : index
      %swap3A_339 = tpu.vector_load %arg9[%swap3A_336, %swap3A_337, %swap3A_338] {strides = array<i32>} : memref<4x8x768xf32, #tpu.memory_space<vmem>>, vector<1x1x16xf32>,
      %swap3A_340 = vector.shape_cast %swap3A_339 : vector<1x1x16xf32> to vector<16xf32>
      %swap3A_341 = vector.shape_cast %get3A_334 : vector<16xf32> to vector<1x1x16xf32>
      tpu.vector_store %arg9[%swap3A_336, %swap3A_337, %swap3A_338], %swap3A_341 {strides = array<i32>} : memref<4x8x768xf32, #tpu.memory_space<vmem>>, vector<1x1x16xf32>,
      %get3A_342 = arith.constant 3 : i32
      %get3A_343 = arith.index_cast %get3A_342 : i32 to index
      %get3A_344 = arith.index_cast %scan3A_44 : i32 to index
      %get3A_345 = arith.constant 80 : index
      %get3A_346 = tpu.vector_load %arg7[%get3A_343, %get3A_344, %get3A_345] {strides = array<i32>} : memref<4x8x768xf32, #tpu.memory_space<vmem>>, vector<1x1x16xf32>,
      %get3A_347 = vector.shape_cast %get3A_346 : vector<1x1x16xf32> to vector<16xf32>
      %swap3A_348 = arith.constant 3 : i32
      %swap3A_349 = arith.index_cast %swap3A_348 : i32 to index
      %swap3A_350 = arith.index_cast %scan3A_44 : i32 to index
      %swap3A_351 = arith.constant 80 : index
      %swap3A_352 = tpu.vector_load %arg9[%swap3A_349, %swap3A_350, %swap3A_351] {strides = array<i32>} : memref<4x8x768xf32, #tpu.memory_space<vmem>>, vector<1x1x16xf32>,
      %swap3A_353 = vector.shape_cast %swap3A_352 : vector<1x1x16xf32> to vector<16xf32>
      %swap3A_354 = vector.shape_cast %get3A_347 : vector<16xf32> to vector<1x1x16xf32>
      tpu.vector_store %arg9[%swap3A_349, %swap3A_350, %swap3A_351], %swap3A_354 {strides = array<i32>} : memref<4x8x768xf32, #tpu.memory_space<vmem>>, vector<1x1x16xf32>,
      %get3A_355 = arith.constant 0 : i32
      %get3A_356 = arith.index_cast %get3A_355 : i32 to index
      %get3A_357 = arith.index_cast %scan3A_44 : i32 to index
      %get3A_358 = arith.constant 96 : index
      %get3A_359 = tpu.vector_load %arg7[%get3A_356, %get3A_357, %get3A_358] {strides = array<i32>} : memref<4x8x768xf32, #tpu.memory_space<vmem>>, vector<1x1x16xf32>,
      %get3A_360 = vector.shape_cast %get3A_359 : vector<1x1x16xf32> to vector<16xf32>
      %swap3A_361 = arith.constant 0 : i32
      %swap3A_362 = arith.index_cast %swap3A_361 : i32 to index
      %swap3A_363 = arith.index_cast %scan3A_44 : i32 to index
      %swap3A_364 = arith.constant 96 : index
      %swap3A_365 = tpu.vector_load %arg9[%swap3A_362, %swap3A_363, %swap3A_364] {strides = array<i32>} : memref<4x8x768xf32, #tpu.memory_space<vmem>>, vector<1x1x16xf32>,
      %swap3A_366 = vector.shape_cast %swap3A_365 : vector<1x1x16xf32> to vector<16xf32>
      %swap3A_367 = vector.shape_cast %get3A_360 : vector<16xf32> to vector<1x1x16xf32>
      tpu.vector_store %arg9[%swap3A_362, %swap3A_363, %swap3A_364], %swap3A_367 {strides = array<i32>} : memref<4x8x768xf32, #tpu.memory_space<vmem>>, vector<1x1x16xf32>,
      %get3A_368 = arith.constant 1 : i32
      %get3A_369 = arith.index_cast %get3A_368 : i32 to index
      %get3A_370 = arith.index_cast %scan3A_44 : i32 to index
      %get3A_371 = arith.constant 96 : index
      %get3A_372 = tpu.vector_load %arg7[%get3A_369, %get3A_370, %get3A_371] {strides = array<i32>} : memref<4x8x768xf32, #tpu.memory_space<vmem>>, vector<1x1x16xf32>,
      %get3A_373 = vector.shape_cast %get3A_372 : vector<1x1x16xf32> to vector<16xf32>
      %swap3A_374 = arith.constant 1 : i32
      %swap3A_375 = arith.index_cast %swap3A_374 : i32 to index
      %swap3A_376 = arith.index_cast %scan3A_44 : i32 to index
      %swap3A_377 = arith.constant 96 : index
      %swap3A_378 = tpu.vector_load %arg9[%swap3A_375, %swap3A_376, %swap3A_377] {strides = array<i32>} : memref<4x8x768xf32, #tpu.memory_space<vmem>>, vector<1x1x16xf32>,
      %swap3A_379 = vector.shape_cast %swap3A_378 : vector<1x1x16xf32> to vector<16xf32>
      %swap3A_380 = vector.shape_cast %get3A_373 : vector<16xf32> to vector<1x1x16xf32>
      tpu.vector_store %arg9[%swap3A_375, %swap3A_376, %swap3A_377], %swap3A_380 {strides = array<i32>} : memref<4x8x768xf32, #tpu.memory_space<vmem>>, vector<1x1x16xf32>,
      %get3A_381 = arith.constant 2 : i32
      %get3A_382 = arith.index_cast %get3A_381 : i32 to index
      %get3A_383 = arith.index_cast %scan3A_44 : i32 to index
      %get3A_384 = arith.constant 96 : index
      %get3A_385 = tpu.vector_load %arg7[%get3A_382, %get3A_383, %get3A_384] {strides = array<i32>} : memref<4x8x768xf32, #tpu.memory_space<vmem>>, vector<1x1x16xf32>,
      %get3A_386 = vector.shape_cast %get3A_385 : vector<1x1x16xf32> to vector<16xf32>
      %swap3A_387 = arith.constant 2 : i32
      %swap3A_388 = arith.index_cast %swap3A_387 : i32 to index
      %swap3A_389 = arith.index_cast %scan3A_44 : i32 to index
      %swap3A_390 = arith.constant 96 : index
      %swap3A_391 = tpu.vector_load %arg9[%swap3A_388, %swap3A_389, %swap3A_390] {strides = array<i32>} : memref<4x8x768xf32, #tpu.memory_space<vmem>>, vector<1x1x16xf32>,
      %swap3A_392 = vector.shape_cast %swap3A_391 : vector<1x1x16xf32> to vector<16xf32>
      %swap3A_393 = vector.shape_cast %get3A_386 : vector<16xf32> to vector<1x1x16xf32>
      tpu.vector_store %arg9[%swap3A_388, %swap3A_389, %swap3A_390], %swap3A_393 {strides = array<i32>} : memref<4x8x768xf32, #tpu.memory_space<vmem>>, vector<1x1x16xf32>,
      %get3A_394 = arith.constant 3 : i32
      %get3A_395 = arith.index_cast %get3A_394 : i32 to index
      %get3A_396 = arith.index_cast %scan3A_44 : i32 to index
      %get3A_397 = arith.constant 96 : index
      %get3A_398 = tpu.vector_load %arg7[%get3A_395, %get3A_396, %get3A_397] {strides = array<i32>} : memref<4x8x768xf32, #tpu.memory_space<vmem>>, vector<1x1x16xf32>,
      %get3A_399 = vector.shape_cast %get3A_398 : vector<1x1x16xf32> to vector<16xf32>
      %swap3A_400 = arith.constant 3 : i32
      %swap3A_401 = arith.index_cast %swap3A_400 : i32 to index
      %swap3A_402 = arith.index_cast %scan3A_44 : i32 to index
      %swap3A_403 = arith.constant 96 : index
      %swap3A_404 = tpu.vector_load %arg9[%swap3A_401, %swap3A_402, %swap3A_403] {strides = array<i32>} : memref<4x8x768xf32, #tpu.memory_space<vmem>>, vector<1x1x16xf32>,
      %swap3A_405 = vector.shape_cast %swap3A_404 : vector<1x1x16xf32> to vector<16xf32>
      %swap3A_406 = vector.shape_cast %get3A_399 : vector<16xf32> to vector<1x1x16xf32>
      tpu.vector_store %arg9[%swap3A_401, %swap3A_402, %swap3A_403], %swap3A_406 {strides = array<i32>} : memref<4x8x768xf32, #tpu.memory_space<vmem>>, vector<1x1x16xf32>,
      %get3A_407 = arith.constant 0 : i32
      %get3A_408 = arith.index_cast %get3A_407 : i32 to index
      %get3A_409 = arith.index_cast %scan3A_44 : i32 to index
      %get3A_410 = arith.constant 112 : index
      %get3A_411 = tpu.vector_load %arg7[%get3A_408, %get3A_409, %get3A_410] {strides = array<i32>} : memref<4x8x768xf32, #tpu.memory_space<vmem>>, vector<1x1x16xf32>,
      %get3A_412 = vector.shape_cast %get3A_411 : vector<1x1x16xf32> to vector<16xf32>
      %swap3A_413 = arith.constant 0 : i32
      %swap3A_414 = arith.index_cast %swap3A_413 : i32 to index
      %swap3A_415 = arith.index_cast %scan3A_44 : i32 to index
      %swap3A_416 = arith.constant 112 : index
      %swap3A_417 = tpu.vector_load %arg9[%swap3A_414, %swap3A_415, %swap3A_416] {strides = array<i32>} : memref<4x8x768xf32, #tpu.memory_space<vmem>>, vector<1x1x16xf32>,
      %swap3A_418 = vector.shape_cast %swap3A_417 : vector<1x1x16xf32> to vector<16xf32>
      %swap3A_419 = vector.shape_cast %get3A_412 : vector<16xf32> to vector<1x1x16xf32>
      tpu.vector_store %arg9[%swap3A_414, %swap3A_415, %swap3A_416], %swap3A_419 {strides = array<i32>} : memref<4x8x768xf32, #tpu.memory_space<vmem>>, vector<1x1x16xf32>,
      %get3A_420 = arith.constant 1 : i32
      %get3A_421 = arith.index_cast %get3A_420 : i32 to index
      %get3A_422 = arith.index_cast %scan3A_44 : i32 to index
      %get3A_423 = arith.constant 112 : index
      %get3A_424 = tpu.vector_load %arg7[%get3A_421, %get3A_422, %get3A_423] {strides = array<i32>} : memref<4x8x768xf32, #tpu.memory_space<vmem>>, vector<1x1x16xf32>,
      %get3A_425 = vector.shape_cast %get3A_424 : vector<1x1x16xf32> to vector<16xf32>
      %swap3A_426 = arith.constant 1 : i32
      %swap3A_427 = arith.index_cast %swap3A_426 : i32 to index
      %swap3A_428 = arith.index_cast %scan3A_44 : i32 to index
      %swap3A_429 = arith.constant 112 : index
      %swap3A_430 = tpu.vector_load %arg9[%swap3A_427, %swap3A_428, %swap3A_429] {strides = array<i32>} : memref<4x8x768xf32, #tpu.memory_space<vmem>>, vector<1x1x16xf32>,
      %swap3A_431 = vector.shape_cast %swap3A_430 : vector<1x1x16xf32> to vector<16xf32>
      %swap3A_432 = vector.shape_cast %get3A_425 : vector<16xf32> to vector<1x1x16xf32>
      tpu.vector_store %arg9[%swap3A_427, %swap3A_428, %swap3A_429], %swap3A_432 {strides = array<i32>} : memref<4x8x768xf32, #tpu.memory_space<vmem>>, vector<1x1x16xf32>,
      %get3A_433 = arith.constant 2 : i32
      %get3A_434 = arith.index_cast %get3A_433 : i32 to index
      %get3A_435 = arith.index_cast %scan3A_44 : i32 to index
      %get3A_436 = arith.constant 112 : index
      %get3A_437 = tpu.vector_load %arg7[%get3A_434, %get3A_435, %get3A_436] {strides = array<i32>} : memref<4x8x768xf32, #tpu.memory_space<vmem>>, vector<1x1x16xf32>,
      %get3A_438 = vector.shape_cast %get3A_437 : vector<1x1x16xf32> to vector<16xf32>
      %swap3A_439 = arith.constant 2 : i32
      %swap3A_440 = arith.index_cast %swap3A_439 : i32 to index
      %swap3A_441 = arith.index_cast %scan3A_44 : i32 to index
      %swap3A_442 = arith.constant 112 : index
      %swap3A_443 = tpu.vector_load %arg9[%swap3A_440, %swap3A_441, %swap3A_442] {strides = array<i32>} : memref<4x8x768xf32, #tpu.memory_space<vmem>>, vector<1x1x16xf32>,
      %swap3A_444 = vector.shape_cast %swap3A_443 : vector<1x1x16xf32> to vector<16xf32>
      %swap3A_445 = vector.shape_cast %get3A_438 : vector<16xf32> to vector<1x1x16xf32>
      tpu.vector_store %arg9[%swap3A_440, %swap3A_441, %swap3A_442], %swap3A_445 {strides = array<i32>} : memref<4x8x768xf32, #tpu.memory_space<vmem>>, vector<1x1x16xf32>,
      %get3A_446 = arith.constant 3 : i32
      %get3A_447 = arith.index_cast %get3A_446 : i32 to index
      %get3A_448 = arith.index_cast %scan3A_44 : i32 to index
      %get3A_449 = arith.constant 112 : index
      %get3A_450 = tpu.vector_load %arg7[%get3A_447, %get3A_448, %get3A_449] {strides = array<i32>} : memref<4x8x768xf32, #tpu.memory_space<vmem>>, vector<1x1x16xf32>,
      %get3A_451 = vector.shape_cast %get3A_450 : vector<1x1x16xf32> to vector<16xf32>
      %swap3A_452 = arith.constant 3 : i32
      %swap3A_453 = arith.index_cast %swap3A_452 : i32 to index
      %swap3A_454 = arith.index_cast %scan3A_44 : i32 to index
      %swap3A_455 = arith.constant 112 : index
      %swap3A_456 = tpu.vector_load %arg9[%swap3A_453, %swap3A_454, %swap3A_455] {strides = array<i32>} : memref<4x8x768xf32, #tpu.memory_space<vmem>>, vector<1x1x16xf32>,
      %swap3A_457 = vector.shape_cast %swap3A_456 : vector<1x1x16xf32> to vector<16xf32>
      %swap3A_458 = vector.shape_cast %get3A_451 : vector<16xf32> to vector<1x1x16xf32>
      tpu.vector_store %arg9[%swap3A_453, %swap3A_454, %swap3A_455], %swap3A_458 {strides = array<i32>} : memref<4x8x768xf32, #tpu.memory_space<vmem>>, vector<1x1x16xf32>,
      %get3A_459 = arith.constant 0 : i32
      %get3A_460 = arith.index_cast %get3A_459 : i32 to index
      %get3A_461 = arith.index_cast %scan3A_44 : i32 to index
      %get3A_462 = arith.constant 128 : index
      %get3A_463 = tpu.vector_load %arg7[%get3A_460, %get3A_461, %get3A_462] {strides = array<i32>} : memref<4x8x768xf32, #tpu.memory_space<vmem>>, vector<1x1x16xf32>,
      %get3A_464 = vector.shape_cast %get3A_463 : vector<1x1x16xf32> to vector<16xf32>
      %swap3A_465 = arith.constant 0 : i32
      %swap3A_466 = arith.index_cast %swap3A_465 : i32 to index
      %swap3A_467 = arith.index_cast %scan3A_44 : i32 to index
      %swap3A_468 = arith.constant 128 : index
      %swap3A_469 = tpu.vector_load %arg9[%swap3A_466, %swap3A_467, %swap3A_468] {strides = array<i32>} : memref<4x8x768xf32, #tpu.memory_space<vmem>>, vector<1x1x16xf32>,
      %swap3A_470 = vector.shape_cast %swap3A_469 : vector<1x1x16xf32> to vector<16xf32>
      %swap3A_471 = vector.shape_cast %get3A_464 : vector<16xf32> to vector<1x1x16xf32>
      tpu.vector_store %arg9[%swap3A_466, %swap3A_467, %swap3A_468], %swap3A_471 {strides = array<i32>} : memref<4x8x768xf32, #tpu.memory_space<vmem>>, vector<1x1x16xf32>,
      %get3A_472 = arith.constant 1 : i32
      %get3A_473 = arith.index_cast %get3A_472 : i32 to index
      %get3A_474 = arith.index_cast %scan3A_44 : i32 to index
      %get3A_475 = arith.constant 128 : index
      %get3A_476 = tpu.vector_load %arg7[%get3A_473, %get3A_474, %get3A_475] {strides = array<i32>} : memref<4x8x768xf32, #tpu.memory_space<vmem>>, vector<1x1x16xf32>,
      %get3A_477 = vector.shape_cast %get3A_476 : vector<1x1x16xf32> to vector<16xf32>
      %swap3A_478 = arith.constant 1 : i32
      %swap3A_479 = arith.index_cast %swap3A_478 : i32 to index
      %swap3A_480 = arith.index_cast %scan3A_44 : i32 to index
      %swap3A_481 = arith.constant 128 : index
      %swap3A_482 = tpu.vector_load %arg9[%swap3A_479, %swap3A_480, %swap3A_481] {strides = array<i32>} : memref<4x8x768xf32, #tpu.memory_space<vmem>>, vector<1x1x16xf32>,
      %swap3A_483 = vector.shape_cast %swap3A_482 : vector<1x1x16xf32> to vector<16xf32>
      %swap3A_484 = vector.shape_cast %get3A_477 : vector<16xf32> to vector<1x1x16xf32>
      tpu.vector_store %arg9[%swap3A_479, %swap3A_480, %swap3A_481], %swap3A_484 {strides = array<i32>} : memref<4x8x768xf32, #tpu.memory_space<vmem>>, vector<1x1x16xf32>,
      %get3A_485 = arith.constant 2 : i32
      %get3A_486 = arith.index_cast %get3A_485 : i32 to index
      %get3A_487 = arith.index_cast %scan3A_44 : i32 to index
      %get3A_488 = arith.constant 128 : index
      %get3A_489 = tpu.vector_load %arg7[%get3A_486, %get3A_487, %get3A_488] {strides = array<i32>} : memref<4x8x768xf32, #tpu.memory_space<vmem>>, vector<1x1x16xf32>,
      %get3A_490 = vector.shape_cast %get3A_489 : vector<1x1x16xf32> to vector<16xf32>
      %swap3A_491 = arith.constant 2 : i32
      %swap3A_492 = arith.index_cast %swap3A_491 : i32 to index
      %swap3A_493 = arith.index_cast %scan3A_44 : i32 to index
      %swap3A_494 = arith.constant 128 : index
      %swap3A_495 = tpu.vector_load %arg9[%swap3A_492, %swap3A_493, %swap3A_494] {strides = array<i32>} : memref<4x8x768xf32, #tpu.memory_space<vmem>>, vector<1x1x16xf32>,
      %swap3A_496 = vector.shape_cast %swap3A_495 : vector<1x1x16xf32> to vector<16xf32>
      %swap3A_497 = vector.shape_cast %get3A_490 : vector<16xf32> to vector<1x1x16xf32>
      tpu.vector_store %arg9[%swap3A_492, %swap3A_493, %swap3A_494], %swap3A_497 {strides = array<i32>} : memref<4x8x768xf32, #tpu.memory_space<vmem>>, vector<1x1x16xf32>,
      %get3A_498 = arith.constant 3 : i32
      %get3A_499 = arith.index_cast %get3A_498 : i32 to index
      %get3A_500 = arith.index_cast %scan3A_44 : i32 to index
      %get3A_501 = arith.constant 128 : index
      %get3A_502 = tpu.vector_load %arg7[%get3A_499, %get3A_500, %get3A_501] {strides = array<i32>} : memref<4x8x768xf32, #tpu.memory_space<vmem>>, vector<1x1x16xf32>,
      %get3A_503 = vector.shape_cast %get3A_502 : vector<1x1x16xf32> to vector<16xf32>
      %swap3A_504 = arith.constant 3 : i32
      %swap3A_505 = arith.index_cast %swap3A_504 : i32 to index
      %swap3A_506 = arith.index_cast %scan3A_44 : i32 to index
      %swap3A_507 = arith.constant 128 : index
      %swap3A_508 = tpu.vector_load %arg9[%swap3A_505, %swap3A_506, %swap3A_507] {strides = array<i32>} : memref<4x8x768xf32, #tpu.memory_space<vmem>>, vector<1x1x16xf32>,
      %swap3A_509 = vector.shape_cast %swap3A_508 : vector<1x1x16xf32> to vector<16xf32>
      %swap3A_510 = vector.shape_cast %get3A_503 : vector<16xf32> to vector<1x1x16xf32>
      tpu.vector_store %arg9[%swap3A_505, %swap3A_506, %swap3A_507], %swap3A_510 {strides = array<i32>} : memref<4x8x768xf32, #tpu.memory_space<vmem>>, vector<1x1x16xf32>,
      %get3A_511 = arith.constant 0 : i32
      %get3A_512 = arith.index_cast %get3A_511 : i32 to index
      %get3A_513 = arith.index_cast %scan3A_44 : i32 to index
      %get3A_514 = arith.constant 144 : index
      %get3A_515 = tpu.vector_load %arg7[%get3A_512, %get3A_513, %get3A_514] {strides = array<i32>} : memref<4x8x768xf32, #tpu.memory_space<vmem>>, vector<1x1x16xf32>,
      %get3A_516 = vector.shape_cast %get3A_515 : vector<1x1x16xf32> to vector<16xf32>
      %swap3A_517 = arith.constant 0 : i32
      %swap3A_518 = arith.index_cast %swap3A_517 : i32 to index
      %swap3A_519 = arith.index_cast %scan3A_44 : i32 to index
      %swap3A_520 = arith.constant 144 : index
      %swap3A_521 = tpu.vector_load %arg9[%swap3A_518, %swap3A_519, %swap3A_520] {strides = array<i32>} : memref<4x8x768xf32, #tpu.memory_space<vmem>>, vector<1x1x16xf32>,
      %swap3A_522 = vector.shape_cast %swap3A_521 : vector<1x1x16xf32> to vector<16xf32>
      %swap3A_523 = vector.shape_cast %get3A_516 : vector<16xf32> to vector<1x1x16xf32>
      tpu.vector_store %arg9[%swap3A_518, %swap3A_519, %swap3A_520], %swap3A_523 {strides = array<i32>} : memref<4x8x768xf32, #tpu.memory_space<vmem>>, vector<1x1x16xf32>,
      %get3A_524 = arith.constant 1 : i32
      %get3A_525 = arith.index_cast %get3A_524 : i32 to index
      %get3A_526 = arith.index_cast %scan3A_44 : i32 to index
      %get3A_527 = arith.constant 144 : index
      %get3A_528 = tpu.vector_load %arg7[%get3A_525, %get3A_526, %get3A_527] {strides = array<i32>} : memref<4x8x768xf32, #tpu.memory_space<vmem>>, vector<1x1x16xf32>,
      %get3A_529 = vector.shape_cast %get3A_528 : vector<1x1x16xf32> to vector<16xf32>
      %swap3A_530 = arith.constant 1 : i32
      %swap3A_531 = arith.index_cast %swap3A_530 : i32 to index
      %swap3A_532 = arith.index_cast %scan3A_44 : i32 to index
      %swap3A_533 = arith.constant 144 : index
      %swap3A_534 = tpu.vector_load %arg9[%swap3A_531, %swap3A_532, %swap3A_533] {strides = array<i32>} : memref<4x8x768xf32, #tpu.memory_space<vmem>>, vector<1x1x16xf32>,
      %swap3A_535 = vector.shape_cast %swap3A_534 : vector<1x1x16xf32> to vector<16xf32>
      %swap3A_536 = vector.shape_cast %get3A_529 : vector<16xf32> to vector<1x1x16xf32>
      tpu.vector_store %arg9[%swap3A_531, %swap3A_532, %swap3A_533], %swap3A_536 {strides = array<i32>} : memref<4x8x768xf32, #tpu.memory_space<vmem>>, vector<1x1x16xf32>,
      %get3A_537 = arith.constant 2 : i32
      %get3A_538 = arith.index_cast %get3A_537 : i32 to index
      %get3A_539 = arith.index_cast %scan3A_44 : i32 to index
      %get3A_540 = arith.constant 144 : index
      %get3A_541 = tpu.vector_load %arg7[%get3A_538, %get3A_539, %get3A_540] {strides = array<i32>} : memref<4x8x768xf32, #tpu.memory_space<vmem>>, vector<1x1x16xf32>,
      %get3A_542 = vector.shape_cast %get3A_541 : vector<1x1x16xf32> to vector<16xf32>
      %swap3A_543 = arith.constant 2 : i32
      %swap3A_544 = arith.index_cast %swap3A_543 : i32 to index
      %swap3A_545 = arith.index_cast %scan3A_44 : i32 to index
      %swap3A_546 = arith.constant 144 : index
      %swap3A_547 = tpu.vector_load %arg9[%swap3A_544, %swap3A_545, %swap3A_546] {strides = array<i32>} : memref<4x8x768xf32, #tpu.memory_space<vmem>>, vector<1x1x16xf32>,
      %swap3A_548 = vector.shape_cast %swap3A_547 : vector<1x1x16xf32> to vector<16xf32>
      %swap3A_549 = vector.shape_cast %get3A_542 : vector<16xf32> to vector<1x1x16xf32>
      tpu.vector_store %arg9[%swap3A_544, %swap3A_545, %swap3A_546], %swap3A_549 {strides = array<i32>} : memref<4x8x768xf32, #tpu.memory_space<vmem>>, vector<1x1x16xf32>,
      %get3A_550 = arith.constant 3 : i32
      %get3A_551 = arith.index_cast %get3A_550 : i32 to index
      %get3A_552 = arith.index_cast %scan3A_44 : i32 to index
      %get3A_553 = arith.constant 144 : index
      %get3A_554 = tpu.vector_load %arg7[%get3A_551, %get3A_552, %get3A_553] {strides = array<i32>} : memref<4x8x768xf32, #tpu.memory_space<vmem>>, vector<1x1x16xf32>,
      %get3A_555 = vector.shape_cast %get3A_554 : vector<1x1x16xf32> to vector<16xf32>
      %swap3A_556 = arith.constant 3 : i32
      %swap3A_557 = arith.index_cast %swap3A_556 : i32 to index
      %swap3A_558 = arith.index_cast %scan3A_44 : i32 to index
      %swap3A_559 = arith.constant 144 : index
      %swap3A_560 = tpu.vector_load %arg9[%swap3A_557, %swap3A_558, %swap3A_559] {strides = array<i32>} : memref<4x8x768xf32, #tpu.memory_space<vmem>>, vector<1x1x16xf32>,
      %swap3A_561 = vector.shape_cast %swap3A_560 : vector<1x1x16xf32> to vector<16xf32>
      %swap3A_562 = vector.shape_cast %get3A_555 : vector<16xf32> to vector<1x1x16xf32>
      tpu.vector_store %arg9[%swap3A_557, %swap3A_558, %swap3A_559], %swap3A_562 {strides = array<i32>} : memref<4x8x768xf32, #tpu.memory_space<vmem>>, vector<1x1x16xf32>,
      %get3A_563 = arith.constant 0 : i32
      %get3A_564 = arith.index_cast %get3A_563 : i32 to index
      %get3A_565 = arith.index_cast %scan3A_44 : i32 to index
      %get3A_566 = arith.constant 160 : index
      %get3A_567 = tpu.vector_load %arg7[%get3A_564, %get3A_565, %get3A_566] {strides = array<i32>} : memref<4x8x768xf32, #tpu.memory_space<vmem>>, vector<1x1x16xf32>,
      %get3A_568 = vector.shape_cast %get3A_567 : vector<1x1x16xf32> to vector<16xf32>
      %swap3A_569 = arith.constant 0 : i32
      %swap3A_570 = arith.index_cast %swap3A_569 : i32 to index
      %swap3A_571 = arith.index_cast %scan3A_44 : i32 to index
      %swap3A_572 = arith.constant 160 : index
      %swap3A_573 = tpu.vector_load %arg9[%swap3A_570, %swap3A_571, %swap3A_572] {strides = array<i32>} : memref<4x8x768xf32, #tpu.memory_space<vmem>>, vector<1x1x16xf32>,
      %swap3A_574 = vector.shape_cast %swap3A_573 : vector<1x1x16xf32> to vector<16xf32>
      %swap3A_575 = vector.shape_cast %get3A_568 : vector<16xf32> to vector<1x1x16xf32>
      tpu.vector_store %arg9[%swap3A_570, %swap3A_571, %swap3A_572], %swap3A_575 {strides = array<i32>} : memref<4x8x768xf32, #tpu.memory_space<vmem>>, vector<1x1x16xf32>,
      %get3A_576 = arith.constant 1 : i32
      %get3A_577 = arith.index_cast %get3A_576 : i32 to index
      %get3A_578 = arith.index_cast %scan3A_44 : i32 to index
      %get3A_579 = arith.constant 160 : index
      %get3A_580 = tpu.vector_load %arg7[%get3A_577, %get3A_578, %get3A_579] {strides = array<i32>} : memref<4x8x768xf32, #tpu.memory_space<vmem>>, vector<1x1x16xf32>,
      %get3A_581 = vector.shape_cast %get3A_580 : vector<1x1x16xf32> to vector<16xf32>
      %swap3A_582 = arith.constant 1 : i32
      %swap3A_583 = arith.index_cast %swap3A_582 : i32 to index
      %swap3A_584 = arith.index_cast %scan3A_44 : i32 to index
      %swap3A_585 = arith.constant 160 : index
      %swap3A_586 = tpu.vector_load %arg9[%swap3A_583, %swap3A_584, %swap3A_585] {strides = array<i32>} : memref<4x8x768xf32, #tpu.memory_space<vmem>>, vector<1x1x16xf32>,
      %swap3A_587 = vector.shape_cast %swap3A_586 : vector<1x1x16xf32> to vector<16xf32>
      %swap3A_588 = vector.shape_cast %get3A_581 : vector<16xf32> to vector<1x1x16xf32>
      tpu.vector_store %arg9[%swap3A_583, %swap3A_584, %swap3A_585], %swap3A_588 {strides = array<i32>} : memref<4x8x768xf32, #tpu.memory_space<vmem>>, vector<1x1x16xf32>,
      %get3A_589 = arith.constant 2 : i32
      %get3A_590 = arith.index_cast %get3A_589 : i32 to index
      %get3A_591 = arith.index_cast %scan3A_44 : i32 to index
      %get3A_592 = arith.constant 160 : index
      %get3A_593 = tpu.vector_load %arg7[%get3A_590, %get3A_591, %get3A_592] {strides = array<i32>} : memref<4x8x768xf32, #tpu.memory_space<vmem>>, vector<1x1x16xf32>,
      %get3A_594 = vector.shape_cast %get3A_593 : vector<1x1x16xf32> to vector<16xf32>
      %swap3A_595 = arith.constant 2 : i32
      %swap3A_596 = arith.index_cast %swap3A_595 : i32 to index
      %swap3A_597 = arith.index_cast %scan3A_44 : i32 to index
      %swap3A_598 = arith.constant 160 : index
      %swap3A_599 = tpu.vector_load %arg9[%swap3A_596, %swap3A_597, %swap3A_598] {strides = array<i32>} : memref<4x8x768xf32, #tpu.memory_space<vmem>>, vector<1x1x16xf32>,
      %swap3A_600 = vector.shape_cast %swap3A_599 : vector<1x1x16xf32> to vector<16xf32>
      %swap3A_601 = vector.shape_cast %get3A_594 : vector<16xf32> to vector<1x1x16xf32>
      tpu.vector_store %arg9[%swap3A_596, %swap3A_597, %swap3A_598], %swap3A_601 {strides = array<i32>} : memref<4x8x768xf32, #tpu.memory_space<vmem>>, vector<1x1x16xf32>,
      %get3A_602 = arith.constant 3 : i32
      %get3A_603 = arith.index_cast %get3A_602 : i32 to index
      %get3A_604 = arith.index_cast %scan3A_44 : i32 to index
      %get3A_605 = arith.constant 160 : index
      %get3A_606 = tpu.vector_load %arg7[%get3A_603, %get3A_604, %get3A_605] {strides = array<i32>} : memref<4x8x768xf32, #tpu.memory_space<vmem>>, vector<1x1x16xf32>,
      %get3A_607 = vector.shape_cast %get3A_606 : vector<1x1x16xf32> to vector<16xf32>
      %swap3A_608 = arith.constant 3 : i32
      %swap3A_609 = arith.index_cast %swap3A_608 : i32 to index
      %swap3A_610 = arith.index_cast %scan3A_44 : i32 to index
      %swap3A_611 = arith.constant 160 : index
      %swap3A_612 = tpu.vector_load %arg9[%swap3A_609, %swap3A_610, %swap3A_611] {strides = array<i32>} : memref<4x8x768xf32, #tpu.memory_space<vmem>>, vector<1x1x16xf32>,
      %swap3A_613 = vector.shape_cast %swap3A_612 : vector<1x1x16xf32> to vector<16xf32>
      %swap3A_614 = vector.shape_cast %get3A_607 : vector<16xf32> to vector<1x1x16xf32>
      tpu.vector_store %arg9[%swap3A_609, %swap3A_610, %swap3A_611], %swap3A_614 {strides = array<i32>} : memref<4x8x768xf32, #tpu.memory_space<vmem>>, vector<1x1x16xf32>,
      %get3A_615 = arith.constant 0 : i32
      %get3A_616 = arith.index_cast %get3A_615 : i32 to index
      %get3A_617 = arith.index_cast %scan3A_44 : i32 to index
      %get3A_618 = arith.constant 176 : index
      %get3A_619 = tpu.vector_load %arg7[%get3A_616, %get3A_617, %get3A_618] {strides = array<i32>} : memref<4x8x768xf32, #tpu.memory_space<vmem>>, vector<1x1x16xf32>,
      %get3A_620 = vector.shape_cast %get3A_619 : vector<1x1x16xf32> to vector<16xf32>
      %swap3A_621 = arith.constant 0 : i32
      %swap3A_622 = arith.index_cast %swap3A_621 : i32 to index
      %swap3A_623 = arith.index_cast %scan3A_44 : i32 to index
      %swap3A_624 = arith.constant 176 : index
      %swap3A_625 = tpu.vector_load %arg9[%swap3A_622, %swap3A_623, %swap3A_624] {strides = array<i32>} : memref<4x8x768xf32, #tpu.memory_space<vmem>>, vector<1x1x16xf32>,
      %swap3A_626 = vector.shape_cast %swap3A_625 : vector<1x1x16xf32> to vector<16xf32>
      %swap3A_627 = vector.shape_cast %get3A_620 : vector<16xf32> to vector<1x1x16xf32>
      tpu.vector_store %arg9[%swap3A_622, %swap3A_623, %swap3A_624], %swap3A_627 {strides = array<i32>} : memref<4x8x768xf32, #tpu.memory_space<vmem>>, vector<1x1x16xf32>,
      %get3A_628 = arith.constant 1 : i32
      %get3A_629 = arith.index_cast %get3A_628 : i32 to index
      %get3A_630 = arith.index_cast %scan3A_44 : i32 to index
      %get3A_631 = arith.constant 176 : index
      %get3A_632 = tpu.vector_load %arg7[%get3A_629, %get3A_630, %get3A_631] {strides = array<i32>} : memref<4x8x768xf32, #tpu.memory_space<vmem>>, vector<1x1x16xf32>,
      %get3A_633 = vector.shape_cast %get3A_632 : vector<1x1x16xf32> to vector<16xf32>
      %swap3A_634 = arith.constant 1 : i32
      %swap3A_635 = arith.index_cast %swap3A_634 : i32 to index
      %swap3A_636 = arith.index_cast %scan3A_44 : i32 to index
      %swap3A_637 = arith.constant 176 : index
      %swap3A_638 = tpu.vector_load %arg9[%swap3A_635, %swap3A_636, %swap3A_637] {strides = array<i32>} : memref<4x8x768xf32, #tpu.memory_space<vmem>>, vector<1x1x16xf32>,
      %swap3A_639 = vector.shape_cast %swap3A_638 : vector<1x1x16xf32> to vector<16xf32>
      %swap3A_640 = vector.shape_cast %get3A_633 : vector<16xf32> to vector<1x1x16xf32>
      tpu.vector_store %arg9[%swap3A_635, %swap3A_636, %swap3A_637], %swap3A_640 {strides = array<i32>} : memref<4x8x768xf32, #tpu.memory_space<vmem>>, vector<1x1x16xf32>,
      %get3A_641 = arith.constant 2 : i32
      %get3A_642 = arith.index_cast %get3A_641 : i32 to index
      %get3A_643 = arith.index_cast %scan3A_44 : i32 to index
      %get3A_644 = arith.constant 176 : index
      %get3A_645 = tpu.vector_load %arg7[%get3A_642, %get3A_643, %get3A_644] {strides = array<i32>} : memref<4x8x768xf32, #tpu.memory_space<vmem>>, vector<1x1x16xf32>,
      %get3A_646 = vector.shape_cast %get3A_645 : vector<1x1x16xf32> to vector<16xf32>
      %swap3A_647 = arith.constant 2 : i32
      %swap3A_648 = arith.index_cast %swap3A_647 : i32 to index
      %swap3A_649 = arith.index_cast %scan3A_44 : i32 to index
      %swap3A_650 = arith.constant 176 : index
      %swap3A_651 = tpu.vector_load %arg9[%swap3A_648, %swap3A_649, %swap3A_650] {strides = array<i32>} : memref<4x8x768xf32, #tpu.memory_space<vmem>>, vector<1x1x16xf32>,
      %swap3A_652 = vector.shape_cast %swap3A_651 : vector<1x1x16xf32> to vector<16xf32>
      %swap3A_653 = vector.shape_cast %get3A_646 : vector<16xf32> to vector<1x1x16xf32>
      tpu.vector_store %arg9[%swap3A_648, %swap3A_649, %swap3A_650], %swap3A_653 {strides = array<i32>} : memref<4x8x768xf32, #tpu.memory_space<vmem>>, vector<1x1x16xf32>,
      %get3A_654 = arith.constant 3 : i32
      %get3A_655 = arith.index_cast %get3A_654 : i32 to index
      %get3A_656 = arith.index_cast %scan3A_44 : i32 to index
      %get3A_657 = arith.constant 176 : index
      %get3A_658 = tpu.vector_load %arg7[%get3A_655, %get3A_656, %get3A_657] {strides = array<i32>} : memref<4x8x768xf32, #tpu.memory_space<vmem>>, vector<1x1x16xf32>,
      %get3A_659 = vector.shape_cast %get3A_658 : vector<1x1x16xf32> to vector<16xf32>
      %swap3A_660 = arith.constant 3 : i32
      %swap3A_661 = arith.index_cast %swap3A_660 : i32 to index
      %swap3A_662 = arith.index_cast %scan3A_44 : i32 to index
      %swap3A_663 = arith.constant 176 : index
      %swap3A_664 = tpu.vector_load %arg9[%swap3A_661, %swap3A_662, %swap3A_663] {strides = array<i32>} : memref<4x8x768xf32, #tpu.memory_space<vmem>>, vector<1x1x16xf32>,
      %swap3A_665 = vector.shape_cast %swap3A_664 : vector<1x1x16xf32> to vector<16xf32>
      %swap3A_666 = vector.shape_cast %get3A_659 : vector<16xf32> to vector<1x1x16xf32>
      tpu.vector_store %arg9[%swap3A_661, %swap3A_662, %swap3A_663], %swap3A_666 {strides = array<i32>} : memref<4x8x768xf32, #tpu.memory_space<vmem>>, vector<1x1x16xf32>,
      %get3A_667 = arith.constant 0 : i32
      %get3A_668 = arith.index_cast %get3A_667 : i32 to index
      %get3A_669 = arith.index_cast %scan3A_44 : i32 to index
      %get3A_670 = arith.constant 192 : index
      %get3A_671 = tpu.vector_load %arg7[%get3A_668, %get3A_669, %get3A_670] {strides = array<i32>} : memref<4x8x768xf32, #tpu.memory_space<vmem>>, vector<1x1x16xf32>,
      %get3A_672 = vector.shape_cast %get3A_671 : vector<1x1x16xf32> to vector<16xf32>
      %swap3A_673 = arith.constant 0 : i32
      %swap3A_674 = arith.index_cast %swap3A_673 : i32 to index
      %swap3A_675 = arith.index_cast %scan3A_44 : i32 to index
      %swap3A_676 = arith.constant 192 : index
      %swap3A_677 = tpu.vector_load %arg9[%swap3A_674, %swap3A_675, %swap3A_676] {strides = array<i32>} : memref<4x8x768xf32, #tpu.memory_space<vmem>>, vector<1x1x16xf32>,
      %swap3A_678 = vector.shape_cast %swap3A_677 : vector<1x1x16xf32> to vector<16xf32>
      %swap3A_679 = vector.shape_cast %get3A_672 : vector<16xf32> to vector<1x1x16xf32>
      tpu.vector_store %arg9[%swap3A_674, %swap3A_675, %swap3A_676], %swap3A_679 {strides = array<i32>} : memref<4x8x768xf32, #tpu.memory_space<vmem>>, vector<1x1x16xf32>,
      %get3A_680 = arith.constant 1 : i32
      %get3A_681 = arith.index_cast %get3A_680 : i32 to index
      %get3A_682 = arith.index_cast %scan3A_44 : i32 to index
      %get3A_683 = arith.constant 192 : index
      %get3A_684 = tpu.vector_load %arg7[%get3A_681, %get3A_682, %get3A_683] {strides = array<i32>} : memref<4x8x768xf32, #tpu.memory_space<vmem>>, vector<1x1x16xf32>,
      %get3A_685 = vector.shape_cast %get3A_684 : vector<1x1x16xf32> to vector<16xf32>
      %swap3A_686 = arith.constant 1 : i32
      %swap3A_687 = arith.index_cast %swap3A_686 : i32 to index
      %swap3A_688 = arith.index_cast %scan3A_44 : i32 to index
      %swap3A_689 = arith.constant 192 : index
      %swap3A_690 = tpu.vector_load %arg9[%swap3A_687, %swap3A_688, %swap3A_689] {strides = array<i32>} : memref<4x8x768xf32, #tpu.memory_space<vmem>>, vector<1x1x16xf32>,
      %swap3A_691 = vector.shape_cast %swap3A_690 : vector<1x1x16xf32> to vector<16xf32>
      %swap3A_692 = vector.shape_cast %get3A_685 : vector<16xf32> to vector<1x1x16xf32>
      tpu.vector_store %arg9[%swap3A_687, %swap3A_688, %swap3A_689], %swap3A_692 {strides = array<i32>} : memref<4x8x768xf32, #tpu.memory_space<vmem>>, vector<1x1x16xf32>,
      %get3A_693 = arith.constant 2 : i32
      %get3A_694 = arith.index_cast %get3A_693 : i32 to index
      %get3A_695 = arith.index_cast %scan3A_44 : i32 to index
      %get3A_696 = arith.constant 192 : index
      %get3A_697 = tpu.vector_load %arg7[%get3A_694, %get3A_695, %get3A_696] {strides = array<i32>} : memref<4x8x768xf32, #tpu.memory_space<vmem>>, vector<1x1x16xf32>,
      %get3A_698 = vector.shape_cast %get3A_697 : vector<1x1x16xf32> to vector<16xf32>
      %swap3A_699 = arith.constant 2 : i32
      %swap3A_700 = arith.index_cast %swap3A_699 : i32 to index
      %swap3A_701 = arith.index_cast %scan3A_44 : i32 to index
      %swap3A_702 = arith.constant 192 : index
      %swap3A_703 = tpu.vector_load %arg9[%swap3A_700, %swap3A_701, %swap3A_702] {strides = array<i32>} : memref<4x8x768xf32, #tpu.memory_space<vmem>>, vector<1x1x16xf32>,
      %swap3A_704 = vector.shape_cast %swap3A_703 : vector<1x1x16xf32> to vector<16xf32>
      %swap3A_705 = vector.shape_cast %get3A_698 : vector<16xf32> to vector<1x1x16xf32>
      tpu.vector_store %arg9[%swap3A_700, %swap3A_701, %swap3A_702], %swap3A_705 {strides = array<i32>} : memref<4x8x768xf32, #tpu.memory_space<vmem>>, vector<1x1x16xf32>,
      %get3A_706 = arith.constant 3 : i32
      %get3A_707 = arith.index_cast %get3A_706 : i32 to index
      %get3A_708 = arith.index_cast %scan3A_44 : i32 to index
      %get3A_709 = arith.constant 192 : index
      %get3A_710 = tpu.vector_load %arg7[%get3A_707, %get3A_708, %get3A_709] {strides = array<i32>} : memref<4x8x768xf32, #tpu.memory_space<vmem>>, vector<1x1x16xf32>,
      %get3A_711 = vector.shape_cast %get3A_710 : vector<1x1x16xf32> to vector<16xf32>
      %swap3A_712 = arith.constant 3 : i32
      %swap3A_713 = arith.index_cast %swap3A_712 : i32 to index
      %swap3A_714 = arith.index_cast %scan3A_44 : i32 to index
      %swap3A_715 = arith.constant 192 : index
      %swap3A_716 = tpu.vector_load %arg9[%swap3A_713, %swap3A_714, %swap3A_715] {strides = array<i32>} : memref<4x8x768xf32, #tpu.memory_space<vmem>>, vector<1x1x16xf32>,
      %swap3A_717 = vector.shape_cast %swap3A_716 : vector<1x1x16xf32> to vector<16xf32>
      %swap3A_718 = vector.shape_cast %get3A_711 : vector<16xf32> to vector<1x1x16xf32>
      tpu.vector_store %arg9[%swap3A_713, %swap3A_714, %swap3A_715], %swap3A_718 {strides = array<i32>} : memref<4x8x768xf32, #tpu.memory_space<vmem>>, vector<1x1x16xf32>,
      %get3A_719 = arith.constant 0 : i32
      %get3A_720 = arith.index_cast %get3A_719 : i32 to index
      %get3A_721 = arith.index_cast %scan3A_44 : i32 to index
      %get3A_722 = arith.constant 208 : index
      %get3A_723 = tpu.vector_load %arg7[%get3A_720, %get3A_721, %get3A_722] {strides = array<i32>} : memref<4x8x768xf32, #tpu.memory_space<vmem>>, vector<1x1x16xf32>,
      %get3A_724 = vector.shape_cast %get3A_723 : vector<1x1x16xf32> to vector<16xf32>
      %swap3A_725 = arith.constant 0 : i32
      %swap3A_726 = arith.index_cast %swap3A_725 : i32 to index
      %swap3A_727 = arith.index_cast %scan3A_44 : i32 to index
      %swap3A_728 = arith.constant 208 : index
      %swap3A_729 = tpu.vector_load %arg9[%swap3A_726, %swap3A_727, %swap3A_728] {strides = array<i32>} : memref<4x8x768xf32, #tpu.memory_space<vmem>>, vector<1x1x16xf32>,
      %swap3A_730 = vector.shape_cast %swap3A_729 : vector<1x1x16xf32> to vector<16xf32>
      %swap3A_731 = vector.shape_cast %get3A_724 : vector<16xf32> to vector<1x1x16xf32>
      tpu.vector_store %arg9[%swap3A_726, %swap3A_727, %swap3A_728], %swap3A_731 {strides = array<i32>} : memref<4x8x768xf32, #tpu.memory_space<vmem>>, vector<1x1x16xf32>,
      %get3A_732 = arith.constant 1 : i32
      %get3A_733 = arith.index_cast %get3A_732 : i32 to index
      %get3A_734 = arith.index_cast %scan3A_44 : i32 to index
      %get3A_735 = arith.constant 208 : index
      %get3A_736 = tpu.vector_load %arg7[%get3A_733, %get3A_734, %get3A_735] {strides = array<i32>} : memref<4x8x768xf32, #tpu.memory_space<vmem>>, vector<1x1x16xf32>,
      %get3A_737 = vector.shape_cast %get3A_736 : vector<1x1x16xf32> to vector<16xf32>
      %swap3A_738 = arith.constant 1 : i32
      %swap3A_739 = arith.index_cast %swap3A_738 : i32 to index
      %swap3A_740 = arith.index_cast %scan3A_44 : i32 to index
      %swap3A_741 = arith.constant 208 : index
      %swap3A_742 = tpu.vector_load %arg9[%swap3A_739, %swap3A_740, %swap3A_741] {strides = array<i32>} : memref<4x8x768xf32, #tpu.memory_space<vmem>>, vector<1x1x16xf32>,
      %swap3A_743 = vector.shape_cast %swap3A_742 : vector<1x1x16xf32> to vector<16xf32>
      %swap3A_744 = vector.shape_cast %get3A_737 : vector<16xf32> to vector<1x1x16xf32>
      tpu.vector_store %arg9[%swap3A_739, %swap3A_740, %swap3A_741], %swap3A_744 {strides = array<i32>} : memref<4x8x768xf32, #tpu.memory_space<vmem>>, vector<1x1x16xf32>,
      %get3A_745 = arith.constant 2 : i32
      %get3A_746 = arith.index_cast %get3A_745 : i32 to index
      %get3A_747 = arith.index_cast %scan3A_44 : i32 to index
      %get3A_748 = arith.constant 208 : index
      %get3A_749 = tpu.vector_load %arg7[%get3A_746, %get3A_747, %get3A_748] {strides = array<i32>} : memref<4x8x768xf32, #tpu.memory_space<vmem>>, vector<1x1x16xf32>,
      %get3A_750 = vector.shape_cast %get3A_749 : vector<1x1x16xf32> to vector<16xf32>
      %swap3A_751 = arith.constant 2 : i32
      %swap3A_752 = arith.index_cast %swap3A_751 : i32 to index
      %swap3A_753 = arith.index_cast %scan3A_44 : i32 to index
      %swap3A_754 = arith.constant 208 : index
      %swap3A_755 = tpu.vector_load %arg9[%swap3A_752, %swap3A_753, %swap3A_754] {strides = array<i32>} : memref<4x8x768xf32, #tpu.memory_space<vmem>>, vector<1x1x16xf32>,
      %swap3A_756 = vector.shape_cast %swap3A_755 : vector<1x1x16xf32> to vector<16xf32>
      %swap3A_757 = vector.shape_cast %get3A_750 : vector<16xf32> to vector<1x1x16xf32>
      tpu.vector_store %arg9[%swap3A_752, %swap3A_753, %swap3A_754], %swap3A_757 {strides = array<i32>} : memref<4x8x768xf32, #tpu.memory_space<vmem>>, vector<1x1x16xf32>,
      %get3A_758 = arith.constant 3 : i32
      %get3A_759 = arith.index_cast %get3A_758 : i32 to index
      %get3A_760 = arith.index_cast %scan3A_44 : i32 to index
      %get3A_761 = arith.constant 208 : index
      %get3A_762 = tpu.vector_load %arg7[%get3A_759, %get3A_760, %get3A_761] {strides = array<i32>} : memref<4x8x768xf32, #tpu.memory_space<vmem>>, vector<1x1x16xf32>,
      %get3A_763 = vector.shape_cast %get3A_762 : vector<1x1x16xf32> to vector<16xf32>
      %swap3A_764 = arith.constant 3 : i32
      %swap3A_765 = arith.index_cast %swap3A_764 : i32 to index
      %swap3A_766 = arith.index_cast %scan3A_44 : i32 to index
      %swap3A_767 = arith.constant 208 : index
      %swap3A_768 = tpu.vector_load %arg9[%swap3A_765, %swap3A_766, %swap3A_767] {strides = array<i32>} : memref<4x8x768xf32, #tpu.memory_space<vmem>>, vector<1x1x16xf32>,
      %swap3A_769 = vector.shape_cast %swap3A_768 : vector<1x1x16xf32> to vector<16xf32>
      %swap3A_770 = vector.shape_cast %get3A_763 : vector<16xf32> to vector<1x1x16xf32>
      tpu.vector_store %arg9[%swap3A_765, %swap3A_766, %swap3A_767], %swap3A_770 {strides = array<i32>} : memref<4x8x768xf32, #tpu.memory_space<vmem>>, vector<1x1x16xf32>,
      %get3A_771 = arith.constant 0 : i32
      %get3A_772 = arith.index_cast %get3A_771 : i32 to index
      %get3A_773 = arith.index_cast %scan3A_44 : i32 to index
      %get3A_774 = arith.constant 224 : index
      %get3A_775 = tpu.vector_load %arg7[%get3A_772, %get3A_773, %get3A_774] {strides = array<i32>} : memref<4x8x768xf32, #tpu.memory_space<vmem>>, vector<1x1x16xf32>,
      %get3A_776 = vector.shape_cast %get3A_775 : vector<1x1x16xf32> to vector<16xf32>
      %swap3A_777 = arith.constant 0 : i32
      %swap3A_778 = arith.index_cast %swap3A_777 : i32 to index
      %swap3A_779 = arith.index_cast %scan3A_44 : i32 to index
      %swap3A_780 = arith.constant 224 : index
      %swap3A_781 = tpu.vector_load %arg9[%swap3A_778, %swap3A_779, %swap3A_780] {strides = array<i32>} : memref<4x8x768xf32, #tpu.memory_space<vmem>>, vector<1x1x16xf32>,
      %swap3A_782 = vector.shape_cast %swap3A_781 : vector<1x1x16xf32> to vector<16xf32>
      %swap3A_783 = vector.shape_cast %get3A_776 : vector<16xf32> to vector<1x1x16xf32>
      tpu.vector_store %arg9[%swap3A_778, %swap3A_779, %swap3A_780], %swap3A_783 {strides = array<i32>} : memref<4x8x768xf32, #tpu.memory_space<vmem>>, vector<1x1x16xf32>,
      %get3A_784 = arith.constant 1 : i32
      %get3A_785 = arith.index_cast %get3A_784 : i32 to index
      %get3A_786 = arith.index_cast %scan3A_44 : i32 to index
      %get3A_787 = arith.constant 224 : index
      %get3A_788 = tpu.vector_load %arg7[%get3A_785, %get3A_786, %get3A_787] {strides = array<i32>} : memref<4x8x768xf32, #tpu.memory_space<vmem>>, vector<1x1x16xf32>,
      %get3A_789 = vector.shape_cast %get3A_788 : vector<1x1x16xf32> to vector<16xf32>
      %swap3A_790 = arith.constant 1 : i32
      %swap3A_791 = arith.index_cast %swap3A_790 : i32 to index
      %swap3A_792 = arith.index_cast %scan3A_44 : i32 to index
      %swap3A_793 = arith.constant 224 : index
      %swap3A_794 = tpu.vector_load %arg9[%swap3A_791, %swap3A_792, %swap3A_793] {strides = array<i32>} : memref<4x8x768xf32, #tpu.memory_space<vmem>>, vector<1x1x16xf32>,
      %swap3A_795 = vector.shape_cast %swap3A_794 : vector<1x1x16xf32> to vector<16xf32>
      %swap3A_796 = vector.shape_cast %get3A_789 : vector<16xf32> to vector<1x1x16xf32>
      tpu.vector_store %arg9[%swap3A_791, %swap3A_792, %swap3A_793], %swap3A_796 {strides = array<i32>} : memref<4x8x768xf32, #tpu.memory_space<vmem>>, vector<1x1x16xf32>,
      %get3A_797 = arith.constant 2 : i32
      %get3A_798 = arith.index_cast %get3A_797 : i32 to index
      %get3A_799 = arith.index_cast %scan3A_44 : i32 to index
      %get3A_800 = arith.constant 224 : index
      %get3A_801 = tpu.vector_load %arg7[%get3A_798, %get3A_799, %get3A_800] {strides = array<i32>} : memref<4x8x768xf32, #tpu.memory_space<vmem>>, vector<1x1x16xf32>,
      %get3A_802 = vector.shape_cast %get3A_801 : vector<1x1x16xf32> to vector<16xf32>
      %swap3A_803 = arith.constant 2 : i32
      %swap3A_804 = arith.index_cast %swap3A_803 : i32 to index
      %swap3A_805 = arith.index_cast %scan3A_44 : i32 to index
      %swap3A_806 = arith.constant 224 : index
      %swap3A_807 = tpu.vector_load %arg9[%swap3A_804, %swap3A_805, %swap3A_806] {strides = array<i32>} : memref<4x8x768xf32, #tpu.memory_space<vmem>>, vector<1x1x16xf32>,
      %swap3A_808 = vector.shape_cast %swap3A_807 : vector<1x1x16xf32> to vector<16xf32>
      %swap3A_809 = vector.shape_cast %get3A_802 : vector<16xf32> to vector<1x1x16xf32>
      tpu.vector_store %arg9[%swap3A_804, %swap3A_805, %swap3A_806], %swap3A_809 {strides = array<i32>} : memref<4x8x768xf32, #tpu.memory_space<vmem>>, vector<1x1x16xf32>,
      %get3A_810 = arith.constant 3 : i32
      %get3A_811 = arith.index_cast %get3A_810 : i32 to index
      %get3A_812 = arith.index_cast %scan3A_44 : i32 to index
      %get3A_813 = arith.constant 224 : index
      %get3A_814 = tpu.vector_load %arg7[%get3A_811, %get3A_812, %get3A_813] {strides = array<i32>} : memref<4x8x768xf32, #tpu.memory_space<vmem>>, vector<1x1x16xf32>,
      %get3A_815 = vector.shape_cast %get3A_814 : vector<1x1x16xf32> to vector<16xf32>
      %swap3A_816 = arith.constant 3 : i32
      %swap3A_817 = arith.index_cast %swap3A_816 : i32 to index
      %swap3A_818 = arith.index_cast %scan3A_44 : i32 to index
      %swap3A_819 = arith.constant 224 : index
      %swap3A_820 = tpu.vector_load %arg9[%swap3A_817, %swap3A_818, %swap3A_819] {strides = array<i32>} : memref<4x8x768xf32, #tpu.memory_space<vmem>>, vector<1x1x16xf32>,
      %swap3A_821 = vector.shape_cast %swap3A_820 : vector<1x1x16xf32> to vector<16xf32>
      %swap3A_822 = vector.shape_cast %get3A_815 : vector<16xf32> to vector<1x1x16xf32>
      tpu.vector_store %arg9[%swap3A_817, %swap3A_818, %swap3A_819], %swap3A_822 {strides = array<i32>} : memref<4x8x768xf32, #tpu.memory_space<vmem>>, vector<1x1x16xf32>,
      %get3A_823 = arith.constant 0 : i32
      %get3A_824 = arith.index_cast %get3A_823 : i32 to index
      %get3A_825 = arith.index_cast %scan3A_44 : i32 to index
      %get3A_826 = arith.constant 240 : index
      %get3A_827 = tpu.vector_load %arg7[%get3A_824, %get3A_825, %get3A_826] {strides = array<i32>} : memref<4x8x768xf32, #tpu.memory_space<vmem>>, vector<1x1x16xf32>,
      %get3A_828 = vector.shape_cast %get3A_827 : vector<1x1x16xf32> to vector<16xf32>
      %swap3A_829 = arith.constant 0 : i32
      %swap3A_830 = arith.index_cast %swap3A_829 : i32 to index
      %swap3A_831 = arith.index_cast %scan3A_44 : i32 to index
      %swap3A_832 = arith.constant 240 : index
      %swap3A_833 = tpu.vector_load %arg9[%swap3A_830, %swap3A_831, %swap3A_832] {strides = array<i32>} : memref<4x8x768xf32, #tpu.memory_space<vmem>>, vector<1x1x16xf32>,
      %swap3A_834 = vector.shape_cast %swap3A_833 : vector<1x1x16xf32> to vector<16xf32>
      %swap3A_835 = vector.shape_cast %get3A_828 : vector<16xf32> to vector<1x1x16xf32>
      tpu.vector_store %arg9[%swap3A_830, %swap3A_831, %swap3A_832], %swap3A_835 {strides = array<i32>} : memref<4x8x768xf32, #tpu.memory_space<vmem>>, vector<1x1x16xf32>,
      %get3A_836 = arith.constant 1 : i32
      %get3A_837 = arith.index_cast %get3A_836 : i32 to index
      %get3A_838 = arith.index_cast %scan3A_44 : i32 to index
      %get3A_839 = arith.constant 240 : index
      %get3A_840 = tpu.vector_load %arg7[%get3A_837, %get3A_838, %get3A_839] {strides = array<i32>} : memref<4x8x768xf32, #tpu.memory_space<vmem>>, vector<1x1x16xf32>,
      %get3A_841 = vector.shape_cast %get3A_840 : vector<1x1x16xf32> to vector<16xf32>
      %swap3A_842 = arith.constant 1 : i32
      %swap3A_843 = arith.index_cast %swap3A_842 : i32 to index
      %swap3A_844 = arith.index_cast %scan3A_44 : i32 to index
      %swap3A_845 = arith.constant 240 : index
      %swap3A_846 = tpu.vector_load %arg9[%swap3A_843, %swap3A_844, %swap3A_845] {strides = array<i32>} : memref<4x8x768xf32, #tpu.memory_space<vmem>>, vector<1x1x16xf32>,
      %swap3A_847 = vector.shape_cast %swap3A_846 : vector<1x1x16xf32> to vector<16xf32>
      %swap3A_848 = vector.shape_cast %get3A_841 : vector<16xf32> to vector<1x1x16xf32>
      tpu.vector_store %arg9[%swap3A_843, %swap3A_844, %swap3A_845], %swap3A_848 {strides = array<i32>} : memref<4x8x768xf32, #tpu.memory_space<vmem>>, vector<1x1x16xf32>,
      %get3A_849 = arith.constant 2 : i32
      %get3A_850 = arith.index_cast %get3A_849 : i32 to index
      %get3A_851 = arith.index_cast %scan3A_44 : i32 to index
      %get3A_852 = arith.constant 240 : index
      %get3A_853 = tpu.vector_load %arg7[%get3A_850, %get3A_851, %get3A_852] {strides = array<i32>} : memref<4x8x768xf32, #tpu.memory_space<vmem>>, vector<1x1x16xf32>,
      %get3A_854 = vector.shape_cast %get3A_853 : vector<1x1x16xf32> to vector<16xf32>
      %swap3A_855 = arith.constant 2 : i32
      %swap3A_856 = arith.index_cast %swap3A_855 : i32 to index
      %swap3A_857 = arith.index_cast %scan3A_44 : i32 to index
      %swap3A_858 = arith.constant 240 : index
      %swap3A_859 = tpu.vector_load %arg9[%swap3A_856, %swap3A_857, %swap3A_858] {strides = array<i32>} : memref<4x8x768xf32, #tpu.memory_space<vmem>>, vector<1x1x16xf32>,
      %swap3A_860 = vector.shape_cast %swap3A_859 : vector<1x1x16xf32> to vector<16xf32>
      %swap3A_861 = vector.shape_cast %get3A_854 : vector<16xf32> to vector<1x1x16xf32>
      tpu.vector_store %arg9[%swap3A_856, %swap3A_857, %swap3A_858], %swap3A_861 {strides = array<i32>} : memref<4x8x768xf32, #tpu.memory_space<vmem>>, vector<1x1x16xf32>,
      %get3A_862 = arith.constant 3 : i32
      %get3A_863 = arith.index_cast %get3A_862 : i32 to index
      %get3A_864 = arith.index_cast %scan3A_44 : i32 to index
      %get3A_865 = arith.constant 240 : index
      %get3A_866 = tpu.vector_load %arg7[%get3A_863, %get3A_864, %get3A_865] {strides = array<i32>} : memref<4x8x768xf32, #tpu.memory_space<vmem>>, vector<1x1x16xf32>,
      %get3A_867 = vector.shape_cast %get3A_866 : vector<1x1x16xf32> to vector<16xf32>
      %swap3A_868 = arith.constant 3 : i32
      %swap3A_869 = arith.index_cast %swap3A_868 : i32 to index
      %swap3A_870 = arith.index_cast %scan3A_44 : i32 to index
      %swap3A_871 = arith.constant 240 : index
      %swap3A_872 = tpu.vector_load %arg9[%swap3A_869, %swap3A_870, %swap3A_871] {strides = array<i32>} : memref<4x8x768xf32, #tpu.memory_space<vmem>>, vector<1x1x16xf32>,
      %swap3A_873 = vector.shape_cast %swap3A_872 : vector<1x1x16xf32> to vector<16xf32>
      %swap3A_874 = vector.shape_cast %get3A_867 : vector<16xf32> to vector<1x1x16xf32>
      tpu.vector_store %arg9[%swap3A_869, %swap3A_870, %swap3A_871], %swap3A_874 {strides = array<i32>} : memref<4x8x768xf32, #tpu.memory_space<vmem>>, vector<1x1x16xf32>,
      %get3A_875 = arith.constant 0 : i32
      %get3A_876 = arith.index_cast %get3A_875 : i32 to index
      %get3A_877 = arith.index_cast %scan3A_44 : i32 to index
      %get3A_878 = arith.constant 256 : index
      %get3A_879 = tpu.vector_load %arg7[%get3A_876, %get3A_877, %get3A_878] {strides = array<i32>} : memref<4x8x768xf32, #tpu.memory_space<vmem>>, vector<1x1x16xf32>,
      %get3A_880 = vector.shape_cast %get3A_879 : vector<1x1x16xf32> to vector<16xf32>
      %swap3A_881 = arith.constant 0 : i32
      %swap3A_882 = arith.index_cast %swap3A_881 : i32 to index
      %swap3A_883 = arith.index_cast %scan3A_44 : i32 to index
      %swap3A_884 = arith.constant 256 : index
      %swap3A_885 = tpu.vector_load %arg9[%swap3A_882, %swap3A_883, %swap3A_884] {strides = array<i32>} : memref<4x8x768xf32, #tpu.memory_space<vmem>>, vector<1x1x16xf32>,
      %swap3A_886 = vector.shape_cast %swap3A_885 : vector<1x1x16xf32> to vector<16xf32>
      %swap3A_887 = vector.shape_cast %get3A_880 : vector<16xf32> to vector<1x1x16xf32>
      tpu.vector_store %arg9[%swap3A_882, %swap3A_883, %swap3A_884], %swap3A_887 {strides = array<i32>} : memref<4x8x768xf32, #tpu.memory_space<vmem>>, vector<1x1x16xf32>,
      %get3A_888 = arith.constant 1 : i32
      %get3A_889 = arith.index_cast %get3A_888 : i32 to index
      %get3A_890 = arith.index_cast %scan3A_44 : i32 to index
      %get3A_891 = arith.constant 256 : index
      %get3A_892 = tpu.vector_load %arg7[%get3A_889, %get3A_890, %get3A_891] {strides = array<i32>} : memref<4x8x768xf32, #tpu.memory_space<vmem>>, vector<1x1x16xf32>,
      %get3A_893 = vector.shape_cast %get3A_892 : vector<1x1x16xf32> to vector<16xf32>
      %swap3A_894 = arith.constant 1 : i32
      %swap3A_895 = arith.index_cast %swap3A_894 : i32 to index
      %swap3A_896 = arith.index_cast %scan3A_44 : i32 to index
      %swap3A_897 = arith.constant 256 : index
      %swap3A_898 = tpu.vector_load %arg9[%swap3A_895, %swap3A_896, %swap3A_897] {strides = array<i32>} : memref<4x8x768xf32, #tpu.memory_space<vmem>>, vector<1x1x16xf32>,
      %swap3A_899 = vector.shape_cast %swap3A_898 : vector<1x1x16xf32> to vector<16xf32>
      %swap3A_900 = vector.shape_cast %get3A_893 : vector<16xf32> to vector<1x1x16xf32>
      tpu.vector_store %arg9[%swap3A_895, %swap3A_896, %swap3A_897], %swap3A_900 {strides = array<i32>} : memref<4x8x768xf32, #tpu.memory_space<vmem>>, vector<1x1x16xf32>,
      %get3A_901 = arith.constant 2 : i32
      %get3A_902 = arith.index_cast %get3A_901 : i32 to index
      %get3A_903 = arith.index_cast %scan3A_44 : i32 to index
      %get3A_904 = arith.constant 256 : index
      %get3A_905 = tpu.vector_load %arg7[%get3A_902, %get3A_903, %get3A_904] {strides = array<i32>} : memref<4x8x768xf32, #tpu.memory_space<vmem>>, vector<1x1x16xf32>,
      %get3A_906 = vector.shape_cast %get3A_905 : vector<1x1x16xf32> to vector<16xf32>
      %swap3A_907 = arith.constant 2 : i32
      %swap3A_908 = arith.index_cast %swap3A_907 : i32 to index
      %swap3A_909 = arith.index_cast %scan3A_44 : i32 to index
      %swap3A_910 = arith.constant 256 : index
      %swap3A_911 = tpu.vector_load %arg9[%swap3A_908, %swap3A_909, %swap3A_910] {strides = array<i32>} : memref<4x8x768xf32, #tpu.memory_space<vmem>>, vector<1x1x16xf32>,
      %swap3A_912 = vector.shape_cast %swap3A_911 : vector<1x1x16xf32> to vector<16xf32>
      %swap3A_913 = vector.shape_cast %get3A_906 : vector<16xf32> to vector<1x1x16xf32>
      tpu.vector_store %arg9[%swap3A_908, %swap3A_909, %swap3A_910], %swap3A_913 {strides = array<i32>} : memref<4x8x768xf32, #tpu.memory_space<vmem>>, vector<1x1x16xf32>,
      %get3A_914 = arith.constant 3 : i32
      %get3A_915 = arith.index_cast %get3A_914 : i32 to index
      %get3A_916 = arith.index_cast %scan3A_44 : i32 to index
      %get3A_917 = arith.constant 256 : index
      %get3A_918 = tpu.vector_load %arg7[%get3A_915, %get3A_916, %get3A_917] {strides = array<i32>} : memref<4x8x768xf32, #tpu.memory_space<vmem>>, vector<1x1x16xf32>,
      %get3A_919 = vector.shape_cast %get3A_918 : vector<1x1x16xf32> to vector<16xf32>
      %swap3A_920 = arith.constant 3 : i32
      %swap3A_921 = arith.index_cast %swap3A_920 : i32 to index
      %swap3A_922 = arith.index_cast %scan3A_44 : i32 to index
      %swap3A_923 = arith.constant 256 : index
      %swap3A_924 = tpu.vector_load %arg9[%swap3A_921, %swap3A_922, %swap3A_923] {strides = array<i32>} : memref<4x8x768xf32, #tpu.memory_space<vmem>>, vector<1x1x16xf32>,
      %swap3A_925 = vector.shape_cast %swap3A_924 : vector<1x1x16xf32> to vector<16xf32>
      %swap3A_926 = vector.shape_cast %get3A_919 : vector<16xf32> to vector<1x1x16xf32>
      tpu.vector_store %arg9[%swap3A_921, %swap3A_922, %swap3A_923], %swap3A_926 {strides = array<i32>} : memref<4x8x768xf32, #tpu.memory_space<vmem>>, vector<1x1x16xf32>,
      %get3A_927 = arith.constant 0 : i32
      %get3A_928 = arith.index_cast %get3A_927 : i32 to index
      %get3A_929 = arith.index_cast %scan3A_44 : i32 to index
      %get3A_930 = arith.constant 272 : index
      %get3A_931 = tpu.vector_load %arg7[%get3A_928, %get3A_929, %get3A_930] {strides = array<i32>} : memref<4x8x768xf32, #tpu.memory_space<vmem>>, vector<1x1x16xf32>,
      %get3A_932 = vector.shape_cast %get3A_931 : vector<1x1x16xf32> to vector<16xf32>
      %swap3A_933 = arith.constant 0 : i32
      %swap3A_934 = arith.index_cast %swap3A_933 : i32 to index
      %swap3A_935 = arith.index_cast %scan3A_44 : i32 to index
      %swap3A_936 = arith.constant 272 : index
      %swap3A_937 = tpu.vector_load %arg9[%swap3A_934, %swap3A_935, %swap3A_936] {strides = array<i32>} : memref<4x8x768xf32, #tpu.memory_space<vmem>>, vector<1x1x16xf32>,
      %swap3A_938 = vector.shape_cast %swap3A_937 : vector<1x1x16xf32> to vector<16xf32>
      %swap3A_939 = vector.shape_cast %get3A_932 : vector<16xf32> to vector<1x1x16xf32>
      tpu.vector_store %arg9[%swap3A_934, %swap3A_935, %swap3A_936], %swap3A_939 {strides = array<i32>} : memref<4x8x768xf32, #tpu.memory_space<vmem>>, vector<1x1x16xf32>,
      %get3A_940 = arith.constant 1 : i32
      %get3A_941 = arith.index_cast %get3A_940 : i32 to index
      %get3A_942 = arith.index_cast %scan3A_44 : i32 to index
      %get3A_943 = arith.constant 272 : index
      %get3A_944 = tpu.vector_load %arg7[%get3A_941, %get3A_942, %get3A_943] {strides = array<i32>} : memref<4x8x768xf32, #tpu.memory_space<vmem>>, vector<1x1x16xf32>,
      %get3A_945 = vector.shape_cast %get3A_944 : vector<1x1x16xf32> to vector<16xf32>
      %swap3A_946 = arith.constant 1 : i32
      %swap3A_947 = arith.index_cast %swap3A_946 : i32 to index
      %swap3A_948 = arith.index_cast %scan3A_44 : i32 to index
      %swap3A_949 = arith.constant 272 : index
      %swap3A_950 = tpu.vector_load %arg9[%swap3A_947, %swap3A_948, %swap3A_949] {strides = array<i32>} : memref<4x8x768xf32, #tpu.memory_space<vmem>>, vector<1x1x16xf32>,
      %swap3A_951 = vector.shape_cast %swap3A_950 : vector<1x1x16xf32> to vector<16xf32>
      %swap3A_952 = vector.shape_cast %get3A_945 : vector<16xf32> to vector<1x1x16xf32>
      tpu.vector_store %arg9[%swap3A_947, %swap3A_948, %swap3A_949], %swap3A_952 {strides = array<i32>} : memref<4x8x768xf32, #tpu.memory_space<vmem>>, vector<1x1x16xf32>,
      %get3A_953 = arith.constant 2 : i32
      %get3A_954 = arith.index_cast %get3A_953 : i32 to index
      %get3A_955 = arith.index_cast %scan3A_44 : i32 to index
      %get3A_956 = arith.constant 272 : index
      %get3A_957 = tpu.vector_load %arg7[%get3A_954, %get3A_955, %get3A_956] {strides = array<i32>} : memref<4x8x768xf32, #tpu.memory_space<vmem>>, vector<1x1x16xf32>,
      %get3A_958 = vector.shape_cast %get3A_957 : vector<1x1x16xf32> to vector<16xf32>
      %swap3A_959 = arith.constant 2 : i32
      %swap3A_960 = arith.index_cast %swap3A_959 : i32 to index
      %swap3A_961 = arith.index_cast %scan3A_44 : i32 to index
      %swap3A_962 = arith.constant 272 : index
      %swap3A_963 = tpu.vector_load %arg9[%swap3A_960, %swap3A_961, %swap3A_962] {strides = array<i32>} : memref<4x8x768xf32, #tpu.memory_space<vmem>>, vector<1x1x16xf32>,
      %swap3A_964 = vector.shape_cast %swap3A_963 : vector<1x1x16xf32> to vector<16xf32>
      %swap3A_965 = vector.shape_cast %get3A_958 : vector<16xf32> to vector<1x1x16xf32>
      tpu.vector_store %arg9[%swap3A_960, %swap3A_961, %swap3A_962], %swap3A_965 {strides = array<i32>} : memref<4x8x768xf32, #tpu.memory_space<vmem>>, vector<1x1x16xf32>,
      %get3A_966 = arith.constant 3 : i32
      %get3A_967 = arith.index_cast %get3A_966 : i32 to index
      %get3A_968 = arith.index_cast %scan3A_44 : i32 to index
      %get3A_969 = arith.constant 272 : index
      %get3A_970 = tpu.vector_load %arg7[%get3A_967, %get3A_968, %get3A_969] {strides = array<i32>} : memref<4x8x768xf32, #tpu.memory_space<vmem>>, vector<1x1x16xf32>,
      %get3A_971 = vector.shape_cast %get3A_970 : vector<1x1x16xf32> to vector<16xf32>
      %swap3A_972 = arith.constant 3 : i32
      %swap3A_973 = arith.index_cast %swap3A_972 : i32 to index
      %swap3A_974 = arith.index_cast %scan3A_44 : i32 to index
      %swap3A_975 = arith.constant 272 : index
      %swap3A_976 = tpu.vector_load %arg9[%swap3A_973, %swap3A_974, %swap3A_975] {strides = array<i32>} : memref<4x8x768xf32, #tpu.memory_space<vmem>>, vector<1x1x16xf32>,
      %swap3A_977 = vector.shape_cast %swap3A_976 : vector<1x1x16xf32> to vector<16xf32>
      %swap3A_978 = vector.shape_cast %get3A_971 : vector<16xf32> to vector<1x1x16xf32>
      tpu.vector_store %arg9[%swap3A_973, %swap3A_974, %swap3A_975], %swap3A_978 {strides = array<i32>} : memref<4x8x768xf32, #tpu.memory_space<vmem>>, vector<1x1x16xf32>,
      %get3A_979 = arith.constant 0 : i32
      %get3A_980 = arith.index_cast %get3A_979 : i32 to index
      %get3A_981 = arith.index_cast %scan3A_44 : i32 to index
      %get3A_982 = arith.constant 288 : index
      %get3A_983 = tpu.vector_load %arg7[%get3A_980, %get3A_981, %get3A_982] {strides = array<i32>} : memref<4x8x768xf32, #tpu.memory_space<vmem>>, vector<1x1x16xf32>,
      %get3A_984 = vector.shape_cast %get3A_983 : vector<1x1x16xf32> to vector<16xf32>
      %swap3A_985 = arith.constant 0 : i32
      %swap3A_986 = arith.index_cast %swap3A_985 : i32 to index
      %swap3A_987 = arith.index_cast %scan3A_44 : i32 to index
      %swap3A_988 = arith.constant 288 : index
      %swap3A_989 = tpu.vector_load %arg9[%swap3A_986, %swap3A_987, %swap3A_988] {strides = array<i32>} : memref<4x8x768xf32, #tpu.memory_space<vmem>>, vector<1x1x16xf32>,
      %swap3A_990 = vector.shape_cast %swap3A_989 : vector<1x1x16xf32> to vector<16xf32>
      %swap3A_991 = vector.shape_cast %get3A_984 : vector<16xf32> to vector<1x1x16xf32>
      tpu.vector_store %arg9[%swap3A_986, %swap3A_987, %swap3A_988], %swap3A_991 {strides = array<i32>} : memref<4x8x768xf32, #tpu.memory_space<vmem>>, vector<1x1x16xf32>,
      %get3A_992 = arith.constant 1 : i32
      %get3A_993 = arith.index_cast %get3A_992 : i32 to index
      %get3A_994 = arith.index_cast %scan3A_44 : i32 to index
      %get3A_995 = arith.constant 288 : index
      %get3A_996 = tpu.vector_load %arg7[%get3A_993, %get3A_994, %get3A_995] {strides = array<i32>} : memref<4x8x768xf32, #tpu.memory_space<vmem>>, vector<1x1x16xf32>,
      %get3A_997 = vector.shape_cast %get3A_996 : vector<1x1x16xf32> to vector<16xf32>
      %swap3A_998 = arith.constant 1 : i32
      %swap3A_999 = arith.index_cast %swap3A_998 : i32 to index
      %swap3A_1000 = arith.index_cast %scan3A_44 : i32 to index
      %swap3A_1001 = arith.constant 288 : index
      %swap3A_1002 = tpu.vector_load %arg9[%swap3A_999, %swap3A_1000, %swap3A_1001] {strides = array<i32>} : memref<4x8x768xf32, #tpu.memory_space<vmem>>, vector<1x1x16xf32>,
      %swap3A_1003 = vector.shape_cast %swap3A_1002 : vector<1x1x16xf32> to vector<16xf32>
      %swap3A_1004 = vector.shape_cast %get3A_997 : vector<16xf32> to vector<1x1x16xf32>
      tpu.vector_store %arg9[%swap3A_999, %swap3A_1000, %swap3A_1001], %swap3A_1004 {strides = array<i32>} : memref<4x8x768xf32, #tpu.memory_space<vmem>>, vector<1x1x16xf32>,
      %get3A_1005 = arith.constant 2 : i32
      %get3A_1006 = arith.index_cast %get3A_1005 : i32 to index
      %get3A_1007 = arith.index_cast %scan3A_44 : i32 to index
      %get3A_1008 = arith.constant 288 : index
      %get3A_1009 = tpu.vector_load %arg7[%get3A_1006, %get3A_1007, %get3A_1008] {strides = array<i32>} : memref<4x8x768xf32, #tpu.memory_space<vmem>>, vector<1x1x16xf32>,
      %get3A_1010 = vector.shape_cast %get3A_1009 : vector<1x1x16xf32> to vector<16xf32>
      %swap3A_1011 = arith.constant 2 : i32
      %swap3A_1012 = arith.index_cast %swap3A_1011 : i32 to index
      %swap3A_1013 = arith.index_cast %scan3A_44 : i32 to index
      %swap3A_1014 = arith.constant 288 : index
      %swap3A_1015 = tpu.vector_load %arg9[%swap3A_1012, %swap3A_1013, %swap3A_1014] {strides = array<i32>} : memref<4x8x768xf32, #tpu.memory_space<vmem>>, vector<1x1x16xf32>,
      %swap3A_1016 = vector.shape_cast %swap3A_1015 : vector<1x1x16xf32> to vector<16xf32>
      %swap3A_1017 = vector.shape_cast %get3A_1010 : vector<16xf32> to vector<1x1x16xf32>
      tpu.vector_store %arg9[%swap3A_1012, %swap3A_1013, %swap3A_1014], %swap3A_1017 {strides = array<i32>} : memref<4x8x768xf32, #tpu.memory_space<vmem>>, vector<1x1x16xf32>,
      %get3A_1018 = arith.constant 3 : i32
      %get3A_1019 = arith.index_cast %get3A_1018 : i32 to index
      %get3A_1020 = arith.index_cast %scan3A_44 : i32 to index
      %get3A_1021 = arith.constant 288 : index
      %get3A_1022 = tpu.vector_load %arg7[%get3A_1019, %get3A_1020, %get3A_1021] {strides = array<i32>} : memref<4x8x768xf32, #tpu.memory_space<vmem>>, vector<1x1x16xf32>,
      %get3A_1023 = vector.shape_cast %get3A_1022 : vector<1x1x16xf32> to vector<16xf32>
      %swap3A_1024 = arith.constant 3 : i32
      %swap3A_1025 = arith.index_cast %swap3A_1024 : i32 to index
      %swap3A_1026 = arith.index_cast %scan3A_44 : i32 to index
      %swap3A_1027 = arith.constant 288 : index
      %swap3A_1028 = tpu.vector_load %arg9[%swap3A_1025, %swap3A_1026, %swap3A_1027] {strides = array<i32>} : memref<4x8x768xf32, #tpu.memory_space<vmem>>, vector<1x1x16xf32>,
      %swap3A_1029 = vector.shape_cast %swap3A_1028 : vector<1x1x16xf32> to vector<16xf32>
      %swap3A_1030 = vector.shape_cast %get3A_1023 : vector<16xf32> to vector<1x1x16xf32>
      tpu.vector_store %arg9[%swap3A_1025, %swap3A_1026, %swap3A_1027], %swap3A_1030 {strides = array<i32>} : memref<4x8x768xf32, #tpu.memory_space<vmem>>, vector<1x1x16xf32>,
      %get3A_1031 = arith.constant 0 : i32
      %get3A_1032 = arith.index_cast %get3A_1031 : i32 to index
      %get3A_1033 = arith.index_cast %scan3A_44 : i32 to index
      %get3A_1034 = arith.constant 304 : index
      %get3A_1035 = tpu.vector_load %arg7[%get3A_1032, %get3A_1033, %get3A_1034] {strides = array<i32>} : memref<4x8x768xf32, #tpu.memory_space<vmem>>, vector<1x1x16xf32>,
      %get3A_1036 = vector.shape_cast %get3A_1035 : vector<1x1x16xf32> to vector<16xf32>
      %swap3A_1037 = arith.constant 0 : i32
      %swap3A_1038 = arith.index_cast %swap3A_1037 : i32 to index
      %swap3A_1039 = arith.index_cast %scan3A_44 : i32 to index
      %swap3A_1040 = arith.constant 304 : index
      %swap3A_1041 = tpu.vector_load %arg9[%swap3A_1038, %swap3A_1039, %swap3A_1040] {strides = array<i32>} : memref<4x8x768xf32, #tpu.memory_space<vmem>>, vector<1x1x16xf32>,
      %swap3A_1042 = vector.shape_cast %swap3A_1041 : vector<1x1x16xf32> to vector<16xf32>
      %swap3A_1043 = vector.shape_cast %get3A_1036 : vector<16xf32> to vector<1x1x16xf32>
      tpu.vector_store %arg9[%swap3A_1038, %swap3A_1039, %swap3A_1040], %swap3A_1043 {strides = array<i32>} : memref<4x8x768xf32, #tpu.memory_space<vmem>>, vector<1x1x16xf32>,
      %get3A_1044 = arith.constant 1 : i32
      %get3A_1045 = arith.index_cast %get3A_1044 : i32 to index
      %get3A_1046 = arith.index_cast %scan3A_44 : i32 to index
      %get3A_1047 = arith.constant 304 : index
      %get3A_1048 = tpu.vector_load %arg7[%get3A_1045, %get3A_1046, %get3A_1047] {strides = array<i32>} : memref<4x8x768xf32, #tpu.memory_space<vmem>>, vector<1x1x16xf32>,
      %get3A_1049 = vector.shape_cast %get3A_1048 : vector<1x1x16xf32> to vector<16xf32>
      %swap3A_1050 = arith.constant 1 : i32
      %swap3A_1051 = arith.index_cast %swap3A_1050 : i32 to index
      %swap3A_1052 = arith.index_cast %scan3A_44 : i32 to index
      %swap3A_1053 = arith.constant 304 : index
      %swap3A_1054 = tpu.vector_load %arg9[%swap3A_1051, %swap3A_1052, %swap3A_1053] {strides = array<i32>} : memref<4x8x768xf32, #tpu.memory_space<vmem>>, vector<1x1x16xf32>,
      %swap3A_1055 = vector.shape_cast %swap3A_1054 : vector<1x1x16xf32> to vector<16xf32>
      %swap3A_1056 = vector.shape_cast %get3A_1049 : vector<16xf32> to vector<1x1x16xf32>
      tpu.vector_store %arg9[%swap3A_1051, %swap3A_1052, %swap3A_1053], %swap3A_1056 {strides = array<i32>} : memref<4x8x768xf32, #tpu.memory_space<vmem>>, vector<1x1x16xf32>,
      %get3A_1057 = arith.constant 2 : i32
      %get3A_1058 = arith.index_cast %get3A_1057 : i32 to index
      %get3A_1059 = arith.index_cast %scan3A_44 : i32 to index
      %get3A_1060 = arith.constant 304 : index
      %get3A_1061 = tpu.vector_load %arg7[%get3A_1058, %get3A_1059, %get3A_1060] {strides = array<i32>} : memref<4x8x768xf32, #tpu.memory_space<vmem>>, vector<1x1x16xf32>,
      %get3A_1062 = vector.shape_cast %get3A_1061 : vector<1x1x16xf32> to vector<16xf32>
      %swap3A_1063 = arith.constant 2 : i32
      %swap3A_1064 = arith.index_cast %swap3A_1063 : i32 to index
      %swap3A_1065 = arith.index_cast %scan3A_44 : i32 to index
      %swap3A_1066 = arith.constant 304 : index
      %swap3A_1067 = tpu.vector_load %arg9[%swap3A_1064, %swap3A_1065, %swap3A_1066] {strides = array<i32>} : memref<4x8x768xf32, #tpu.memory_space<vmem>>, vector<1x1x16xf32>,
      %swap3A_1068 = vector.shape_cast %swap3A_1067 : vector<1x1x16xf32> to vector<16xf32>
      %swap3A_1069 = vector.shape_cast %get3A_1062 : vector<16xf32> to vector<1x1x16xf32>
      tpu.vector_store %arg9[%swap3A_1064, %swap3A_1065, %swap3A_1066], %swap3A_1069 {strides = array<i32>} : memref<4x8x768xf32, #tpu.memory_space<vmem>>, vector<1x1x16xf32>,
      %get3A_1070 = arith.constant 3 : i32
      %get3A_1071 = arith.index_cast %get3A_1070 : i32 to index
      %get3A_1072 = arith.index_cast %scan3A_44 : i32 to index
      %get3A_1073 = arith.constant 304 : index
      %get3A_1074 = tpu.vector_load %arg7[%get3A_1071, %get3A_1072, %get3A_1073] {strides = array<i32>} : memref<4x8x768xf32, #tpu.memory_space<vmem>>, vector<1x1x16xf32>,
      %get3A_1075 = vector.shape_cast %get3A_1074 : vector<1x1x16xf32> to vector<16xf32>
      %swap3A_1076 = arith.constant 3 : i32
      %swap3A_1077 = arith.index_cast %swap3A_1076 : i32 to index
      %swap3A_1078 = arith.index_cast %scan3A_44 : i32 to index
      %swap3A_1079 = arith.constant 304 : index
      %swap3A_1080 = tpu.vector_load %arg9[%swap3A_1077, %swap3A_1078, %swap3A_1079] {strides = array<i32>} : memref<4x8x768xf32, #tpu.memory_space<vmem>>, vector<1x1x16xf32>,
      %swap3A_1081 = vector.shape_cast %swap3A_1080 : vector<1x1x16xf32> to vector<16xf32>
      %swap3A_1082 = vector.shape_cast %get3A_1075 : vector<16xf32> to vector<1x1x16xf32>
      tpu.vector_store %arg9[%swap3A_1077, %swap3A_1078, %swap3A_1079], %swap3A_1082 {strides = array<i32>} : memref<4x8x768xf32, #tpu.memory_space<vmem>>, vector<1x1x16xf32>,
      %get3A_1083 = arith.constant 0 : i32
      %get3A_1084 = arith.index_cast %get3A_1083 : i32 to index
      %get3A_1085 = arith.index_cast %scan3A_44 : i32 to index
      %get3A_1086 = arith.constant 320 : index
      %get3A_1087 = tpu.vector_load %arg7[%get3A_1084, %get3A_1085, %get3A_1086] {strides = array<i32>} : memref<4x8x768xf32, #tpu.memory_space<vmem>>, vector<1x1x16xf32>,
      %get3A_1088 = vector.shape_cast %get3A_1087 : vector<1x1x16xf32> to vector<16xf32>
      %swap3A_1089 = arith.constant 0 : i32
      %swap3A_1090 = arith.index_cast %swap3A_1089 : i32 to index
      %swap3A_1091 = arith.index_cast %scan3A_44 : i32 to index
      %swap3A_1092 = arith.constant 320 : index
      %swap3A_1093 = tpu.vector_load %arg9[%swap3A_1090, %swap3A_1091, %swap3A_1092] {strides = array<i32>} : memref<4x8x768xf32, #tpu.memory_space<vmem>>, vector<1x1x16xf32>,
      %swap3A_1094 = vector.shape_cast %swap3A_1093 : vector<1x1x16xf32> to vector<16xf32>
      %swap3A_1095 = vector.shape_cast %get3A_1088 : vector<16xf32> to vector<1x1x16xf32>
      tpu.vector_store %arg9[%swap3A_1090, %swap3A_1091, %swap3A_1092], %swap3A_1095 {strides = array<i32>} : memref<4x8x768xf32, #tpu.memory_space<vmem>>, vector<1x1x16xf32>,
      %get3A_1096 = arith.constant 1 : i32
      %get3A_1097 = arith.index_cast %get3A_1096 : i32 to index
      %get3A_1098 = arith.index_cast %scan3A_44 : i32 to index
      %get3A_1099 = arith.constant 320 : index
      %get3A_1100 = tpu.vector_load %arg7[%get3A_1097, %get3A_1098, %get3A_1099] {strides = array<i32>} : memref<4x8x768xf32, #tpu.memory_space<vmem>>, vector<1x1x16xf32>,
      %get3A_1101 = vector.shape_cast %get3A_1100 : vector<1x1x16xf32> to vector<16xf32>
      %swap3A_1102 = arith.constant 1 : i32
      %swap3A_1103 = arith.index_cast %swap3A_1102 : i32 to index
      %swap3A_1104 = arith.index_cast %scan3A_44 : i32 to index
      %swap3A_1105 = arith.constant 320 : index
      %swap3A_1106 = tpu.vector_load %arg9[%swap3A_1103, %swap3A_1104, %swap3A_1105] {strides = array<i32>} : memref<4x8x768xf32, #tpu.memory_space<vmem>>, vector<1x1x16xf32>,
      %swap3A_1107 = vector.shape_cast %swap3A_1106 : vector<1x1x16xf32> to vector<16xf32>
      %swap3A_1108 = vector.shape_cast %get3A_1101 : vector<16xf32> to vector<1x1x16xf32>
      tpu.vector_store %arg9[%swap3A_1103, %swap3A_1104, %swap3A_1105], %swap3A_1108 {strides = array<i32>} : memref<4x8x768xf32, #tpu.memory_space<vmem>>, vector<1x1x16xf32>,
      %get3A_1109 = arith.constant 2 : i32
      %get3A_1110 = arith.index_cast %get3A_1109 : i32 to index
      %get3A_1111 = arith.index_cast %scan3A_44 : i32 to index
      %get3A_1112 = arith.constant 320 : index
      %get3A_1113 = tpu.vector_load %arg7[%get3A_1110, %get3A_1111, %get3A_1112] {strides = array<i32>} : memref<4x8x768xf32, #tpu.memory_space<vmem>>, vector<1x1x16xf32>,
      %get3A_1114 = vector.shape_cast %get3A_1113 : vector<1x1x16xf32> to vector<16xf32>
      %swap3A_1115 = arith.constant 2 : i32
      %swap3A_1116 = arith.index_cast %swap3A_1115 : i32 to index
      %swap3A_1117 = arith.index_cast %scan3A_44 : i32 to index
      %swap3A_1118 = arith.constant 320 : index
      %swap3A_1119 = tpu.vector_load %arg9[%swap3A_1116, %swap3A_1117, %swap3A_1118] {strides = array<i32>} : memref<4x8x768xf32, #tpu.memory_space<vmem>>, vector<1x1x16xf32>,
      %swap3A_1120 = vector.shape_cast %swap3A_1119 : vector<1x1x16xf32> to vector<16xf32>
      %swap3A_1121 = vector.shape_cast %get3A_1114 : vector<16xf32> to vector<1x1x16xf32>
      tpu.vector_store %arg9[%swap3A_1116, %swap3A_1117, %swap3A_1118], %swap3A_1121 {strides = array<i32>} : memref<4x8x768xf32, #tpu.memory_space<vmem>>, vector<1x1x16xf32>,
      %get3A_1122 = arith.constant 3 : i32
      %get3A_1123 = arith.index_cast %get3A_1122 : i32 to index
      %get3A_1124 = arith.index_cast %scan3A_44 : i32 to index
      %get3A_1125 = arith.constant 320 : index
      %get3A_1126 = tpu.vector_load %arg7[%get3A_1123, %get3A_1124, %get3A_1125] {strides = array<i32>} : memref<4x8x768xf32, #tpu.memory_space<vmem>>, vector<1x1x16xf32>,
      %get3A_1127 = vector.shape_cast %get3A_1126 : vector<1x1x16xf32> to vector<16xf32>
      %swap3A_1128 = arith.constant 3 : i32
      %swap3A_1129 = arith.index_cast %swap3A_1128 : i32 to index
      %swap3A_1130 = arith.index_cast %scan3A_44 : i32 to index
      %swap3A_1131 = arith.constant 320 : index
      %swap3A_1132 = tpu.vector_load %arg9[%swap3A_1129, %swap3A_1130, %swap3A_1131] {strides = array<i32>} : memref<4x8x768xf32, #tpu.memory_space<vmem>>, vector<1x1x16xf32>,
      %swap3A_1133 = vector.shape_cast %swap3A_1132 : vector<1x1x16xf32> to vector<16xf32>
      %swap3A_1134 = vector.shape_cast %get3A_1127 : vector<16xf32> to vector<1x1x16xf32>
      tpu.vector_store %arg9[%swap3A_1129, %swap3A_1130, %swap3A_1131], %swap3A_1134 {strides = array<i32>} : memref<4x8x768xf32, #tpu.memory_space<vmem>>, vector<1x1x16xf32>,
      %get3A_1135 = arith.constant 0 : i32
      %get3A_1136 = arith.index_cast %get3A_1135 : i32 to index
      %get3A_1137 = arith.index_cast %scan3A_44 : i32 to index
      %get3A_1138 = arith.constant 336 : index
      %get3A_1139 = tpu.vector_load %arg7[%get3A_1136, %get3A_1137, %get3A_1138] {strides = array<i32>} : memref<4x8x768xf32, #tpu.memory_space<vmem>>, vector<1x1x16xf32>,
      %get3A_1140 = vector.shape_cast %get3A_1139 : vector<1x1x16xf32> to vector<16xf32>
      %swap3A_1141 = arith.constant 0 : i32
      %swap3A_1142 = arith.index_cast %swap3A_1141 : i32 to index
      %swap3A_1143 = arith.index_cast %scan3A_44 : i32 to index
      %swap3A_1144 = arith.constant 336 : index
      %swap3A_1145 = tpu.vector_load %arg9[%swap3A_1142, %swap3A_1143, %swap3A_1144] {strides = array<i32>} : memref<4x8x768xf32, #tpu.memory_space<vmem>>, vector<1x1x16xf32>,
      %swap3A_1146 = vector.shape_cast %swap3A_1145 : vector<1x1x16xf32> to vector<16xf32>
      %swap3A_1147 = vector.shape_cast %get3A_1140 : vector<16xf32> to vector<1x1x16xf32>
      tpu.vector_store %arg9[%swap3A_1142, %swap3A_1143, %swap3A_1144], %swap3A_1147 {strides = array<i32>} : memref<4x8x768xf32, #tpu.memory_space<vmem>>, vector<1x1x16xf32>,
      %get3A_1148 = arith.constant 1 : i32
      %get3A_1149 = arith.index_cast %get3A_1148 : i32 to index
      %get3A_1150 = arith.index_cast %scan3A_44 : i32 to index
      %get3A_1151 = arith.constant 336 : index
      %get3A_1152 = tpu.vector_load %arg7[%get3A_1149, %get3A_1150, %get3A_1151] {strides = array<i32>} : memref<4x8x768xf32, #tpu.memory_space<vmem>>, vector<1x1x16xf32>,
      %get3A_1153 = vector.shape_cast %get3A_1152 : vector<1x1x16xf32> to vector<16xf32>
      %swap3A_1154 = arith.constant 1 : i32
      %swap3A_1155 = arith.index_cast %swap3A_1154 : i32 to index
      %swap3A_1156 = arith.index_cast %scan3A_44 : i32 to index
      %swap3A_1157 = arith.constant 336 : index
      %swap3A_1158 = tpu.vector_load %arg9[%swap3A_1155, %swap3A_1156, %swap3A_1157] {strides = array<i32>} : memref<4x8x768xf32, #tpu.memory_space<vmem>>, vector<1x1x16xf32>,
      %swap3A_1159 = vector.shape_cast %swap3A_1158 : vector<1x1x16xf32> to vector<16xf32>
      %swap3A_1160 = vector.shape_cast %get3A_1153 : vector<16xf32> to vector<1x1x16xf32>
      tpu.vector_store %arg9[%swap3A_1155, %swap3A_1156, %swap3A_1157], %swap3A_1160 {strides = array<i32>} : memref<4x8x768xf32, #tpu.memory_space<vmem>>, vector<1x1x16xf32>,
      %get3A_1161 = arith.constant 2 : i32
      %get3A_1162 = arith.index_cast %get3A_1161 : i32 to index
      %get3A_1163 = arith.index_cast %scan3A_44 : i32 to index
      %get3A_1164 = arith.constant 336 : index
      %get3A_1165 = tpu.vector_load %arg7[%get3A_1162, %get3A_1163, %get3A_1164] {strides = array<i32>} : memref<4x8x768xf32, #tpu.memory_space<vmem>>, vector<1x1x16xf32>,
      %get3A_1166 = vector.shape_cast %get3A_1165 : vector<1x1x16xf32> to vector<16xf32>
      %swap3A_1167 = arith.constant 2 : i32
      %swap3A_1168 = arith.index_cast %swap3A_1167 : i32 to index
      %swap3A_1169 = arith.index_cast %scan3A_44 : i32 to index
      %swap3A_1170 = arith.constant 336 : index
      %swap3A_1171 = tpu.vector_load %arg9[%swap3A_1168, %swap3A_1169, %swap3A_1170] {strides = array<i32>} : memref<4x8x768xf32, #tpu.memory_space<vmem>>, vector<1x1x16xf32>,
      %swap3A_1172 = vector.shape_cast %swap3A_1171 : vector<1x1x16xf32> to vector<16xf32>
      %swap3A_1173 = vector.shape_cast %get3A_1166 : vector<16xf32> to vector<1x1x16xf32>
      tpu.vector_store %arg9[%swap3A_1168, %swap3A_1169, %swap3A_1170], %swap3A_1173 {strides = array<i32>} : memref<4x8x768xf32, #tpu.memory_space<vmem>>, vector<1x1x16xf32>,
      %get3A_1174 = arith.constant 3 : i32
      %get3A_1175 = arith.index_cast %get3A_1174 : i32 to index
      %get3A_1176 = arith.index_cast %scan3A_44 : i32 to index
      %get3A_1177 = arith.constant 336 : index
      %get3A_1178 = tpu.vector_load %arg7[%get3A_1175, %get3A_1176, %get3A_1177] {strides = array<i32>} : memref<4x8x768xf32, #tpu.memory_space<vmem>>, vector<1x1x16xf32>,
      %get3A_1179 = vector.shape_cast %get3A_1178 : vector<1x1x16xf32> to vector<16xf32>
      %swap3A_1180 = arith.constant 3 : i32
      %swap3A_1181 = arith.index_cast %swap3A_1180 : i32 to index
      %swap3A_1182 = arith.index_cast %scan3A_44 : i32 to index
      %swap3A_1183 = arith.constant 336 : index
      %swap3A_1184 = tpu.vector_load %arg9[%swap3A_1181, %swap3A_1182, %swap3A_1183] {strides = array<i32>} : memref<4x8x768xf32, #tpu.memory_space<vmem>>, vector<1x1x16xf32>,
      %swap3A_1185 = vector.shape_cast %swap3A_1184 : vector<1x1x16xf32> to vector<16xf32>
      %swap3A_1186 = vector.shape_cast %get3A_1179 : vector<16xf32> to vector<1x1x16xf32>
      tpu.vector_store %arg9[%swap3A_1181, %swap3A_1182, %swap3A_1183], %swap3A_1186 {strides = array<i32>} : memref<4x8x768xf32, #tpu.memory_space<vmem>>, vector<1x1x16xf32>,
      %get3A_1187 = arith.constant 0 : i32
      %get3A_1188 = arith.index_cast %get3A_1187 : i32 to index
      %get3A_1189 = arith.index_cast %scan3A_44 : i32 to index
      %get3A_1190 = arith.constant 352 : index
      %get3A_1191 = tpu.vector_load %arg7[%get3A_1188, %get3A_1189, %get3A_1190] {strides = array<i32>} : memref<4x8x768xf32, #tpu.memory_space<vmem>>, vector<1x1x16xf32>,
      %get3A_1192 = vector.shape_cast %get3A_1191 : vector<1x1x16xf32> to vector<16xf32>
      %swap3A_1193 = arith.constant 0 : i32
      %swap3A_1194 = arith.index_cast %swap3A_1193 : i32 to index
      %swap3A_1195 = arith.index_cast %scan3A_44 : i32 to index
      %swap3A_1196 = arith.constant 352 : index
      %swap3A_1197 = tpu.vector_load %arg9[%swap3A_1194, %swap3A_1195, %swap3A_1196] {strides = array<i32>} : memref<4x8x768xf32, #tpu.memory_space<vmem>>, vector<1x1x16xf32>,
      %swap3A_1198 = vector.shape_cast %swap3A_1197 : vector<1x1x16xf32> to vector<16xf32>
      %swap3A_1199 = vector.shape_cast %get3A_1192 : vector<16xf32> to vector<1x1x16xf32>
      tpu.vector_store %arg9[%swap3A_1194, %swap3A_1195, %swap3A_1196], %swap3A_1199 {strides = array<i32>} : memref<4x8x768xf32, #tpu.memory_space<vmem>>, vector<1x1x16xf32>,
      %get3A_1200 = arith.constant 1 : i32
      %get3A_1201 = arith.index_cast %get3A_1200 : i32 to index
      %get3A_1202 = arith.index_cast %scan3A_44 : i32 to index
      %get3A_1203 = arith.constant 352 : index
      %get3A_1204 = tpu.vector_load %arg7[%get3A_1201, %get3A_1202, %get3A_1203] {strides = array<i32>} : memref<4x8x768xf32, #tpu.memory_space<vmem>>, vector<1x1x16xf32>,
      %get3A_1205 = vector.shape_cast %get3A_1204 : vector<1x1x16xf32> to vector<16xf32>
      %swap3A_1206 = arith.constant 1 : i32
      %swap3A_1207 = arith.index_cast %swap3A_1206 : i32 to index
      %swap3A_1208 = arith.index_cast %scan3A_44 : i32 to index
      %swap3A_1209 = arith.constant 352 : index
      %swap3A_1210 = tpu.vector_load %arg9[%swap3A_1207, %swap3A_1208, %swap3A_1209] {strides = array<i32>} : memref<4x8x768xf32, #tpu.memory_space<vmem>>, vector<1x1x16xf32>,
      %swap3A_1211 = vector.shape_cast %swap3A_1210 : vector<1x1x16xf32> to vector<16xf32>
      %swap3A_1212 = vector.shape_cast %get3A_1205 : vector<16xf32> to vector<1x1x16xf32>
      tpu.vector_store %arg9[%swap3A_1207, %swap3A_1208, %swap3A_1209], %swap3A_1212 {strides = array<i32>} : memref<4x8x768xf32, #tpu.memory_space<vmem>>, vector<1x1x16xf32>,
      %get3A_1213 = arith.constant 2 : i32
      %get3A_1214 = arith.index_cast %get3A_1213 : i32 to index
      %get3A_1215 = arith.index_cast %scan3A_44 : i32 to index
      %get3A_1216 = arith.constant 352 : index
      %get3A_1217 = tpu.vector_load %arg7[%get3A_1214, %get3A_1215, %get3A_1216] {strides = array<i32>} : memref<4x8x768xf32, #tpu.memory_space<vmem>>, vector<1x1x16xf32>,
      %get3A_1218 = vector.shape_cast %get3A_1217 : vector<1x1x16xf32> to vector<16xf32>
      %swap3A_1219 = arith.constant 2 : i32
      %swap3A_1220 = arith.index_cast %swap3A_1219 : i32 to index
      %swap3A_1221 = arith.index_cast %scan3A_44 : i32 to index
      %swap3A_1222 = arith.constant 352 : index
      %swap3A_1223 = tpu.vector_load %arg9[%swap3A_1220, %swap3A_1221, %swap3A_1222] {strides = array<i32>} : memref<4x8x768xf32, #tpu.memory_space<vmem>>, vector<1x1x16xf32>,
      %swap3A_1224 = vector.shape_cast %swap3A_1223 : vector<1x1x16xf32> to vector<16xf32>
      %swap3A_1225 = vector.shape_cast %get3A_1218 : vector<16xf32> to vector<1x1x16xf32>
      tpu.vector_store %arg9[%swap3A_1220, %swap3A_1221, %swap3A_1222], %swap3A_1225 {strides = array<i32>} : memref<4x8x768xf32, #tpu.memory_space<vmem>>, vector<1x1x16xf32>,
      %get3A_1226 = arith.constant 3 : i32
      %get3A_1227 = arith.index_cast %get3A_1226 : i32 to index
      %get3A_1228 = arith.index_cast %scan3A_44 : i32 to index
      %get3A_1229 = arith.constant 352 : index
      %get3A_1230 = tpu.vector_load %arg7[%get3A_1227, %get3A_1228, %get3A_1229] {strides = array<i32>} : memref<4x8x768xf32, #tpu.memory_space<vmem>>, vector<1x1x16xf32>,
      %get3A_1231 = vector.shape_cast %get3A_1230 : vector<1x1x16xf32> to vector<16xf32>
      %swap3A_1232 = arith.constant 3 : i32
      %swap3A_1233 = arith.index_cast %swap3A_1232 : i32 to index
      %swap3A_1234 = arith.index_cast %scan3A_44 : i32 to index
      %swap3A_1235 = arith.constant 352 : index
      %swap3A_1236 = tpu.vector_load %arg9[%swap3A_1233, %swap3A_1234, %swap3A_1235] {strides = array<i32>} : memref<4x8x768xf32, #tpu.memory_space<vmem>>, vector<1x1x16xf32>,
      %swap3A_1237 = vector.shape_cast %swap3A_1236 : vector<1x1x16xf32> to vector<16xf32>
      %swap3A_1238 = vector.shape_cast %get3A_1231 : vector<16xf32> to vector<1x1x16xf32>
      tpu.vector_store %arg9[%swap3A_1233, %swap3A_1234, %swap3A_1235], %swap3A_1238 {strides = array<i32>} : memref<4x8x768xf32, #tpu.memory_space<vmem>>, vector<1x1x16xf32>,
      %get3A_1239 = arith.constant 0 : i32
      %get3A_1240 = arith.index_cast %get3A_1239 : i32 to index
      %get3A_1241 = arith.index_cast %scan3A_44 : i32 to index
      %get3A_1242 = arith.constant 368 : index
      %get3A_1243 = tpu.vector_load %arg7[%get3A_1240, %get3A_1241, %get3A_1242] {strides = array<i32>} : memref<4x8x768xf32, #tpu.memory_space<vmem>>, vector<1x1x16xf32>,
      %get3A_1244 = vector.shape_cast %get3A_1243 : vector<1x1x16xf32> to vector<16xf32>
      %swap3A_1245 = arith.constant 0 : i32
      %swap3A_1246 = arith.index_cast %swap3A_1245 : i32 to index
      %swap3A_1247 = arith.index_cast %scan3A_44 : i32 to index
      %swap3A_1248 = arith.constant 368 : index
      %swap3A_1249 = tpu.vector_load %arg9[%swap3A_1246, %swap3A_1247, %swap3A_1248] {strides = array<i32>} : memref<4x8x768xf32, #tpu.memory_space<vmem>>, vector<1x1x16xf32>,
      %swap3A_1250 = vector.shape_cast %swap3A_1249 : vector<1x1x16xf32> to vector<16xf32>
      %swap3A_1251 = vector.shape_cast %get3A_1244 : vector<16xf32> to vector<1x1x16xf32>
      tpu.vector_store %arg9[%swap3A_1246, %swap3A_1247, %swap3A_1248], %swap3A_1251 {strides = array<i32>} : memref<4x8x768xf32, #tpu.memory_space<vmem>>, vector<1x1x16xf32>,
      %get3A_1252 = arith.constant 1 : i32
      %get3A_1253 = arith.index_cast %get3A_1252 : i32 to index
      %get3A_1254 = arith.index_cast %scan3A_44 : i32 to index
      %get3A_1255 = arith.constant 368 : index
      %get3A_1256 = tpu.vector_load %arg7[%get3A_1253, %get3A_1254, %get3A_1255] {strides = array<i32>} : memref<4x8x768xf32, #tpu.memory_space<vmem>>, vector<1x1x16xf32>,
      %get3A_1257 = vector.shape_cast %get3A_1256 : vector<1x1x16xf32> to vector<16xf32>
      %swap3A_1258 = arith.constant 1 : i32
      %swap3A_1259 = arith.index_cast %swap3A_1258 : i32 to index
      %swap3A_1260 = arith.index_cast %scan3A_44 : i32 to index
      %swap3A_1261 = arith.constant 368 : index
      %swap3A_1262 = tpu.vector_load %arg9[%swap3A_1259, %swap3A_1260, %swap3A_1261] {strides = array<i32>} : memref<4x8x768xf32, #tpu.memory_space<vmem>>, vector<1x1x16xf32>,
      %swap3A_1263 = vector.shape_cast %swap3A_1262 : vector<1x1x16xf32> to vector<16xf32>
      %swap3A_1264 = vector.shape_cast %get3A_1257 : vector<16xf32> to vector<1x1x16xf32>
      tpu.vector_store %arg9[%swap3A_1259, %swap3A_1260, %swap3A_1261], %swap3A_1264 {strides = array<i32>} : memref<4x8x768xf32, #tpu.memory_space<vmem>>, vector<1x1x16xf32>,
      %get3A_1265 = arith.constant 2 : i32
      %get3A_1266 = arith.index_cast %get3A_1265 : i32 to index
      %get3A_1267 = arith.index_cast %scan3A_44 : i32 to index
      %get3A_1268 = arith.constant 368 : index
      %get3A_1269 = tpu.vector_load %arg7[%get3A_1266, %get3A_1267, %get3A_1268] {strides = array<i32>} : memref<4x8x768xf32, #tpu.memory_space<vmem>>, vector<1x1x16xf32>,
      %get3A_1270 = vector.shape_cast %get3A_1269 : vector<1x1x16xf32> to vector<16xf32>
      %swap3A_1271 = arith.constant 2 : i32
      %swap3A_1272 = arith.index_cast %swap3A_1271 : i32 to index
      %swap3A_1273 = arith.index_cast %scan3A_44 : i32 to index
      %swap3A_1274 = arith.constant 368 : index
      %swap3A_1275 = tpu.vector_load %arg9[%swap3A_1272, %swap3A_1273, %swap3A_1274] {strides = array<i32>} : memref<4x8x768xf32, #tpu.memory_space<vmem>>, vector<1x1x16xf32>,
      %swap3A_1276 = vector.shape_cast %swap3A_1275 : vector<1x1x16xf32> to vector<16xf32>
      %swap3A_1277 = vector.shape_cast %get3A_1270 : vector<16xf32> to vector<1x1x16xf32>
      tpu.vector_store %arg9[%swap3A_1272, %swap3A_1273, %swap3A_1274], %swap3A_1277 {strides = array<i32>} : memref<4x8x768xf32, #tpu.memory_space<vmem>>, vector<1x1x16xf32>,
      %get3A_1278 = arith.constant 3 : i32
      %get3A_1279 = arith.index_cast %get3A_1278 : i32 to index
      %get3A_1280 = arith.index_cast %scan3A_44 : i32 to index
      %get3A_1281 = arith.constant 368 : index
      %get3A_1282 = tpu.vector_load %arg7[%get3A_1279, %get3A_1280, %get3A_1281] {strides = array<i32>} : memref<4x8x768xf32, #tpu.memory_space<vmem>>, vector<1x1x16xf32>,
      %get3A_1283 = vector.shape_cast %get3A_1282 : vector<1x1x16xf32> to vector<16xf32>
      %swap3A_1284 = arith.constant 3 : i32
      %swap3A_1285 = arith.index_cast %swap3A_1284 : i32 to index
      %swap3A_1286 = arith.index_cast %scan3A_44 : i32 to index
      %swap3A_1287 = arith.constant 368 : index
      %swap3A_1288 = tpu.vector_load %arg9[%swap3A_1285, %swap3A_1286, %swap3A_1287] {strides = array<i32>} : memref<4x8x768xf32, #tpu.memory_space<vmem>>, vector<1x1x16xf32>,
      %swap3A_1289 = vector.shape_cast %swap3A_1288 : vector<1x1x16xf32> to vector<16xf32>
      %swap3A_1290 = vector.shape_cast %get3A_1283 : vector<16xf32> to vector<1x1x16xf32>
      tpu.vector_store %arg9[%swap3A_1285, %swap3A_1286, %swap3A_1287], %swap3A_1290 {strides = array<i32>} : memref<4x8x768xf32, #tpu.memory_space<vmem>>, vector<1x1x16xf32>,
      %get3A_1291 = arith.constant 0 : i32
      %get3A_1292 = arith.index_cast %get3A_1291 : i32 to index
      %get3A_1293 = arith.index_cast %scan3A_44 : i32 to index
      %get3A_1294 = arith.constant 384 : index
      %get3A_1295 = tpu.vector_load %arg7[%get3A_1292, %get3A_1293, %get3A_1294] {strides = array<i32>} : memref<4x8x768xf32, #tpu.memory_space<vmem>>, vector<1x1x16xf32>,
      %get3A_1296 = vector.shape_cast %get3A_1295 : vector<1x1x16xf32> to vector<16xf32>
      %swap3A_1297 = arith.constant 0 : i32
      %swap3A_1298 = arith.index_cast %swap3A_1297 : i32 to index
      %swap3A_1299 = arith.index_cast %scan3A_44 : i32 to index
      %swap3A_1300 = arith.constant 384 : index
      %swap3A_1301 = tpu.vector_load %arg9[%swap3A_1298, %swap3A_1299, %swap3A_1300] {strides = array<i32>} : memref<4x8x768xf32, #tpu.memory_space<vmem>>, vector<1x1x16xf32>,
      %swap3A_1302 = vector.shape_cast %swap3A_1301 : vector<1x1x16xf32> to vector<16xf32>
      %swap3A_1303 = vector.shape_cast %get3A_1296 : vector<16xf32> to vector<1x1x16xf32>
      tpu.vector_store %arg9[%swap3A_1298, %swap3A_1299, %swap3A_1300], %swap3A_1303 {strides = array<i32>} : memref<4x8x768xf32, #tpu.memory_space<vmem>>, vector<1x1x16xf32>,
      %get3A_1304 = arith.constant 1 : i32
      %get3A_1305 = arith.index_cast %get3A_1304 : i32 to index
      %get3A_1306 = arith.index_cast %scan3A_44 : i32 to index
      %get3A_1307 = arith.constant 384 : index
      %get3A_1308 = tpu.vector_load %arg7[%get3A_1305, %get3A_1306, %get3A_1307] {strides = array<i32>} : memref<4x8x768xf32, #tpu.memory_space<vmem>>, vector<1x1x16xf32>,
      %get3A_1309 = vector.shape_cast %get3A_1308 : vector<1x1x16xf32> to vector<16xf32>
      %swap3A_1310 = arith.constant 1 : i32
      %swap3A_1311 = arith.index_cast %swap3A_1310 : i32 to index
      %swap3A_1312 = arith.index_cast %scan3A_44 : i32 to index
      %swap3A_1313 = arith.constant 384 : index
      %swap3A_1314 = tpu.vector_load %arg9[%swap3A_1311, %swap3A_1312, %swap3A_1313] {strides = array<i32>} : memref<4x8x768xf32, #tpu.memory_space<vmem>>, vector<1x1x16xf32>,
      %swap3A_1315 = vector.shape_cast %swap3A_1314 : vector<1x1x16xf32> to vector<16xf32>
      %swap3A_1316 = vector.shape_cast %get3A_1309 : vector<16xf32> to vector<1x1x16xf32>
      tpu.vector_store %arg9[%swap3A_1311, %swap3A_1312, %swap3A_1313], %swap3A_1316 {strides = array<i32>} : memref<4x8x768xf32, #tpu.memory_space<vmem>>, vector<1x1x16xf32>,
      %get3A_1317 = arith.constant 2 : i32
      %get3A_1318 = arith.index_cast %get3A_1317 : i32 to index
      %get3A_1319 = arith.index_cast %scan3A_44 : i32 to index
      %get3A_1320 = arith.constant 384 : index
      %get3A_1321 = tpu.vector_load %arg7[%get3A_1318, %get3A_1319, %get3A_1320] {strides = array<i32>} : memref<4x8x768xf32, #tpu.memory_space<vmem>>, vector<1x1x16xf32>,
      %get3A_1322 = vector.shape_cast %get3A_1321 : vector<1x1x16xf32> to vector<16xf32>
      %swap3A_1323 = arith.constant 2 : i32
      %swap3A_1324 = arith.index_cast %swap3A_1323 : i32 to index
      %swap3A_1325 = arith.index_cast %scan3A_44 : i32 to index
      %swap3A_1326 = arith.constant 384 : index
      %swap3A_1327 = tpu.vector_load %arg9[%swap3A_1324, %swap3A_1325, %swap3A_1326] {strides = array<i32>} : memref<4x8x768xf32, #tpu.memory_space<vmem>>, vector<1x1x16xf32>,
      %swap3A_1328 = vector.shape_cast %swap3A_1327 : vector<1x1x16xf32> to vector<16xf32>
      %swap3A_1329 = vector.shape_cast %get3A_1322 : vector<16xf32> to vector<1x1x16xf32>
      tpu.vector_store %arg9[%swap3A_1324, %swap3A_1325, %swap3A_1326], %swap3A_1329 {strides = array<i32>} : memref<4x8x768xf32, #tpu.memory_space<vmem>>, vector<1x1x16xf32>,
      %get3A_1330 = arith.constant 3 : i32
      %get3A_1331 = arith.index_cast %get3A_1330 : i32 to index
      %get3A_1332 = arith.index_cast %scan3A_44 : i32 to index
      %get3A_1333 = arith.constant 384 : index
      %get3A_1334 = tpu.vector_load %arg7[%get3A_1331, %get3A_1332, %get3A_1333] {strides = array<i32>} : memref<4x8x768xf32, #tpu.memory_space<vmem>>, vector<1x1x16xf32>,
      %get3A_1335 = vector.shape_cast %get3A_1334 : vector<1x1x16xf32> to vector<16xf32>
      %swap3A_1336 = arith.constant 3 : i32
      %swap3A_1337 = arith.index_cast %swap3A_1336 : i32 to index
      %swap3A_1338 = arith.index_cast %scan3A_44 : i32 to index
      %swap3A_1339 = arith.constant 384 : index
      %swap3A_1340 = tpu.vector_load %arg9[%swap3A_1337, %swap3A_1338, %swap3A_1339] {strides = array<i32>} : memref<4x8x768xf32, #tpu.memory_space<vmem>>, vector<1x1x16xf32>,
      %swap3A_1341 = vector.shape_cast %swap3A_1340 : vector<1x1x16xf32> to vector<16xf32>
      %swap3A_1342 = vector.shape_cast %get3A_1335 : vector<16xf32> to vector<1x1x16xf32>
      tpu.vector_store %arg9[%swap3A_1337, %swap3A_1338, %swap3A_1339], %swap3A_1342 {strides = array<i32>} : memref<4x8x768xf32, #tpu.memory_space<vmem>>, vector<1x1x16xf32>,
      %get3A_1343 = arith.constant 0 : i32
      %get3A_1344 = arith.index_cast %get3A_1343 : i32 to index
      %get3A_1345 = arith.index_cast %scan3A_44 : i32 to index
      %get3A_1346 = arith.constant 400 : index
      %get3A_1347 = tpu.vector_load %arg7[%get3A_1344, %get3A_1345, %get3A_1346] {strides = array<i32>} : memref<4x8x768xf32, #tpu.memory_space<vmem>>, vector<1x1x16xf32>,
      %get3A_1348 = vector.shape_cast %get3A_1347 : vector<1x1x16xf32> to vector<16xf32>
      %swap3A_1349 = arith.constant 0 : i32
      %swap3A_1350 = arith.index_cast %swap3A_1349 : i32 to index
      %swap3A_1351 = arith.index_cast %scan3A_44 : i32 to index
      %swap3A_1352 = arith.constant 400 : index
      %swap3A_1353 = tpu.vector_load %arg9[%swap3A_1350, %swap3A_1351, %swap3A_1352] {strides = array<i32>} : memref<4x8x768xf32, #tpu.memory_space<vmem>>, vector<1x1x16xf32>,
      %swap3A_1354 = vector.shape_cast %swap3A_1353 : vector<1x1x16xf32> to vector<16xf32>
      %swap3A_1355 = vector.shape_cast %get3A_1348 : vector<16xf32> to vector<1x1x16xf32>
      tpu.vector_store %arg9[%swap3A_1350, %swap3A_1351, %swap3A_1352], %swap3A_1355 {strides = array<i32>} : memref<4x8x768xf32, #tpu.memory_space<vmem>>, vector<1x1x16xf32>,
      %get3A_1356 = arith.constant 1 : i32
      %get3A_1357 = arith.index_cast %get3A_1356 : i32 to index
      %get3A_1358 = arith.index_cast %scan3A_44 : i32 to index
      %get3A_1359 = arith.constant 400 : index
      %get3A_1360 = tpu.vector_load %arg7[%get3A_1357, %get3A_1358, %get3A_1359] {strides = array<i32>} : memref<4x8x768xf32, #tpu.memory_space<vmem>>, vector<1x1x16xf32>,
      %get3A_1361 = vector.shape_cast %get3A_1360 : vector<1x1x16xf32> to vector<16xf32>
      %swap3A_1362 = arith.constant 1 : i32
      %swap3A_1363 = arith.index_cast %swap3A_1362 : i32 to index
      %swap3A_1364 = arith.index_cast %scan3A_44 : i32 to index
      %swap3A_1365 = arith.constant 400 : index
      %swap3A_1366 = tpu.vector_load %arg9[%swap3A_1363, %swap3A_1364, %swap3A_1365] {strides = array<i32>} : memref<4x8x768xf32, #tpu.memory_space<vmem>>, vector<1x1x16xf32>,
      %swap3A_1367 = vector.shape_cast %swap3A_1366 : vector<1x1x16xf32> to vector<16xf32>
      %swap3A_1368 = vector.shape_cast %get3A_1361 : vector<16xf32> to vector<1x1x16xf32>
      tpu.vector_store %arg9[%swap3A_1363, %swap3A_1364, %swap3A_1365], %swap3A_1368 {strides = array<i32>} : memref<4x8x768xf32, #tpu.memory_space<vmem>>, vector<1x1x16xf32>,
      %get3A_1369 = arith.constant 2 : i32
      %get3A_1370 = arith.index_cast %get3A_1369 : i32 to index
      %get3A_1371 = arith.index_cast %scan3A_44 : i32 to index
      %get3A_1372 = arith.constant 400 : index
      %get3A_1373 = tpu.vector_load %arg7[%get3A_1370, %get3A_1371, %get3A_1372] {strides = array<i32>} : memref<4x8x768xf32, #tpu.memory_space<vmem>>, vector<1x1x16xf32>,
      %get3A_1374 = vector.shape_cast %get3A_1373 : vector<1x1x16xf32> to vector<16xf32>
      %swap3A_1375 = arith.constant 2 : i32
      %swap3A_1376 = arith.index_cast %swap3A_1375 : i32 to index
      %swap3A_1377 = arith.index_cast %scan3A_44 : i32 to index
      %swap3A_1378 = arith.constant 400 : index
      %swap3A_1379 = tpu.vector_load %arg9[%swap3A_1376, %swap3A_1377, %swap3A_1378] {strides = array<i32>} : memref<4x8x768xf32, #tpu.memory_space<vmem>>, vector<1x1x16xf32>,
      %swap3A_1380 = vector.shape_cast %swap3A_1379 : vector<1x1x16xf32> to vector<16xf32>
      %swap3A_1381 = vector.shape_cast %get3A_1374 : vector<16xf32> to vector<1x1x16xf32>
      tpu.vector_store %arg9[%swap3A_1376, %swap3A_1377, %swap3A_1378], %swap3A_1381 {strides = array<i32>} : memref<4x8x768xf32, #tpu.memory_space<vmem>>, vector<1x1x16xf32>,
      %get3A_1382 = arith.constant 3 : i32
      %get3A_1383 = arith.index_cast %get3A_1382 : i32 to index
      %get3A_1384 = arith.index_cast %scan3A_44 : i32 to index
      %get3A_1385 = arith.constant 400 : index
      %get3A_1386 = tpu.vector_load %arg7[%get3A_1383, %get3A_1384, %get3A_1385] {strides = array<i32>} : memref<4x8x768xf32, #tpu.memory_space<vmem>>, vector<1x1x16xf32>,
      %get3A_1387 = vector.shape_cast %get3A_1386 : vector<1x1x16xf32> to vector<16xf32>
      %swap3A_1388 = arith.constant 3 : i32
      %swap3A_1389 = arith.index_cast %swap3A_1388 : i32 to index
      %swap3A_1390 = arith.index_cast %scan3A_44 : i32 to index
      %swap3A_1391 = arith.constant 400 : index
      %swap3A_1392 = tpu.vector_load %arg9[%swap3A_1389, %swap3A_1390, %swap3A_1391] {strides = array<i32>} : memref<4x8x768xf32, #tpu.memory_space<vmem>>, vector<1x1x16xf32>,
      %swap3A_1393 = vector.shape_cast %swap3A_1392 : vector<1x1x16xf32> to vector<16xf32>
      %swap3A_1394 = vector.shape_cast %get3A_1387 : vector<16xf32> to vector<1x1x16xf32>
      tpu.vector_store %arg9[%swap3A_1389, %swap3A_1390, %swap3A_1391], %swap3A_1394 {strides = array<i32>} : memref<4x8x768xf32, #tpu.memory_space<vmem>>, vector<1x1x16xf32>,
      %get3A_1395 = arith.constant 0 : i32
      %get3A_1396 = arith.index_cast %get3A_1395 : i32 to index
      %get3A_1397 = arith.index_cast %scan3A_44 : i32 to index
      %get3A_1398 = arith.constant 416 : index
      %get3A_1399 = tpu.vector_load %arg7[%get3A_1396, %get3A_1397, %get3A_1398] {strides = array<i32>} : memref<4x8x768xf32, #tpu.memory_space<vmem>>, vector<1x1x16xf32>,
      %get3A_1400 = vector.shape_cast %get3A_1399 : vector<1x1x16xf32> to vector<16xf32>
      %swap3A_1401 = arith.constant 0 : i32
      %swap3A_1402 = arith.index_cast %swap3A_1401 : i32 to index
      %swap3A_1403 = arith.index_cast %scan3A_44 : i32 to index
      %swap3A_1404 = arith.constant 416 : index
      %swap3A_1405 = tpu.vector_load %arg9[%swap3A_1402, %swap3A_1403, %swap3A_1404] {strides = array<i32>} : memref<4x8x768xf32, #tpu.memory_space<vmem>>, vector<1x1x16xf32>,
      %swap3A_1406 = vector.shape_cast %swap3A_1405 : vector<1x1x16xf32> to vector<16xf32>
      %swap3A_1407 = vector.shape_cast %get3A_1400 : vector<16xf32> to vector<1x1x16xf32>
      tpu.vector_store %arg9[%swap3A_1402, %swap3A_1403, %swap3A_1404], %swap3A_1407 {strides = array<i32>} : memref<4x8x768xf32, #tpu.memory_space<vmem>>, vector<1x1x16xf32>,
      %get3A_1408 = arith.constant 1 : i32
      %get3A_1409 = arith.index_cast %get3A_1408 : i32 to index
      %get3A_1410 = arith.index_cast %scan3A_44 : i32 to index
      %get3A_1411 = arith.constant 416 : index
      %get3A_1412 = tpu.vector_load %arg7[%get3A_1409, %get3A_1410, %get3A_1411] {strides = array<i32>} : memref<4x8x768xf32, #tpu.memory_space<vmem>>, vector<1x1x16xf32>,
      %get3A_1413 = vector.shape_cast %get3A_1412 : vector<1x1x16xf32> to vector<16xf32>
      %swap3A_1414 = arith.constant 1 : i32
      %swap3A_1415 = arith.index_cast %swap3A_1414 : i32 to index
      %swap3A_1416 = arith.index_cast %scan3A_44 : i32 to index
      %swap3A_1417 = arith.constant 416 : index
      %swap3A_1418 = tpu.vector_load %arg9[%swap3A_1415, %swap3A_1416, %swap3A_1417] {strides = array<i32>} : memref<4x8x768xf32, #tpu.memory_space<vmem>>, vector<1x1x16xf32>,
      %swap3A_1419 = vector.shape_cast %swap3A_1418 : vector<1x1x16xf32> to vector<16xf32>
      %swap3A_1420 = vector.shape_cast %get3A_1413 : vector<16xf32> to vector<1x1x16xf32>
      tpu.vector_store %arg9[%swap3A_1415, %swap3A_1416, %swap3A_1417], %swap3A_1420 {strides = array<i32>} : memref<4x8x768xf32, #tpu.memory_space<vmem>>, vector<1x1x16xf32>,
      %get3A_1421 = arith.constant 2 : i32
      %get3A_1422 = arith.index_cast %get3A_1421 : i32 to index
      %get3A_1423 = arith.index_cast %scan3A_44 : i32 to index
      %get3A_1424 = arith.constant 416 : index
      %get3A_1425 = tpu.vector_load %arg7[%get3A_1422, %get3A_1423, %get3A_1424] {strides = array<i32>} : memref<4x8x768xf32, #tpu.memory_space<vmem>>, vector<1x1x16xf32>,
      %get3A_1426 = vector.shape_cast %get3A_1425 : vector<1x1x16xf32> to vector<16xf32>
      %swap3A_1427 = arith.constant 2 : i32
      %swap3A_1428 = arith.index_cast %swap3A_1427 : i32 to index
      %swap3A_1429 = arith.index_cast %scan3A_44 : i32 to index
      %swap3A_1430 = arith.constant 416 : index
      %swap3A_1431 = tpu.vector_load %arg9[%swap3A_1428, %swap3A_1429, %swap3A_1430] {strides = array<i32>} : memref<4x8x768xf32, #tpu.memory_space<vmem>>, vector<1x1x16xf32>,
      %swap3A_1432 = vector.shape_cast %swap3A_1431 : vector<1x1x16xf32> to vector<16xf32>
      %swap3A_1433 = vector.shape_cast %get3A_1426 : vector<16xf32> to vector<1x1x16xf32>
      tpu.vector_store %arg9[%swap3A_1428, %swap3A_1429, %swap3A_1430], %swap3A_1433 {strides = array<i32>} : memref<4x8x768xf32, #tpu.memory_space<vmem>>, vector<1x1x16xf32>,
      %get3A_1434 = arith.constant 3 : i32
      %get3A_1435 = arith.index_cast %get3A_1434 : i32 to index
      %get3A_1436 = arith.index_cast %scan3A_44 : i32 to index
      %get3A_1437 = arith.constant 416 : index
      %get3A_1438 = tpu.vector_load %arg7[%get3A_1435, %get3A_1436, %get3A_1437] {strides = array<i32>} : memref<4x8x768xf32, #tpu.memory_space<vmem>>, vector<1x1x16xf32>,
      %get3A_1439 = vector.shape_cast %get3A_1438 : vector<1x1x16xf32> to vector<16xf32>
      %swap3A_1440 = arith.constant 3 : i32
      %swap3A_1441 = arith.index_cast %swap3A_1440 : i32 to index
      %swap3A_1442 = arith.index_cast %scan3A_44 : i32 to index
      %swap3A_1443 = arith.constant 416 : index
      %swap3A_1444 = tpu.vector_load %arg9[%swap3A_1441, %swap3A_1442, %swap3A_1443] {strides = array<i32>} : memref<4x8x768xf32, #tpu.memory_space<vmem>>, vector<1x1x16xf32>,
      %swap3A_1445 = vector.shape_cast %swap3A_1444 : vector<1x1x16xf32> to vector<16xf32>
      %swap3A_1446 = vector.shape_cast %get3A_1439 : vector<16xf32> to vector<1x1x16xf32>
      tpu.vector_store %arg9[%swap3A_1441, %swap3A_1442, %swap3A_1443], %swap3A_1446 {strides = array<i32>} : memref<4x8x768xf32, #tpu.memory_space<vmem>>, vector<1x1x16xf32>,
      %get3A_1447 = arith.constant 0 : i32
      %get3A_1448 = arith.index_cast %get3A_1447 : i32 to index
      %get3A_1449 = arith.index_cast %scan3A_44 : i32 to index
      %get3A_1450 = arith.constant 432 : index
      %get3A_1451 = tpu.vector_load %arg7[%get3A_1448, %get3A_1449, %get3A_1450] {strides = array<i32>} : memref<4x8x768xf32, #tpu.memory_space<vmem>>, vector<1x1x16xf32>,
      %get3A_1452 = vector.shape_cast %get3A_1451 : vector<1x1x16xf32> to vector<16xf32>
      %swap3A_1453 = arith.constant 0 : i32
      %swap3A_1454 = arith.index_cast %swap3A_1453 : i32 to index
      %swap3A_1455 = arith.index_cast %scan3A_44 : i32 to index
      %swap3A_1456 = arith.constant 432 : index
      %swap3A_1457 = tpu.vector_load %arg9[%swap3A_1454, %swap3A_1455, %swap3A_1456] {strides = array<i32>} : memref<4x8x768xf32, #tpu.memory_space<vmem>>, vector<1x1x16xf32>,
      %swap3A_1458 = vector.shape_cast %swap3A_1457 : vector<1x1x16xf32> to vector<16xf32>
      %swap3A_1459 = vector.shape_cast %get3A_1452 : vector<16xf32> to vector<1x1x16xf32>
      tpu.vector_store %arg9[%swap3A_1454, %swap3A_1455, %swap3A_1456], %swap3A_1459 {strides = array<i32>} : memref<4x8x768xf32, #tpu.memory_space<vmem>>, vector<1x1x16xf32>,
      %get3A_1460 = arith.constant 1 : i32
      %get3A_1461 = arith.index_cast %get3A_1460 : i32 to index
      %get3A_1462 = arith.index_cast %scan3A_44 : i32 to index
      %get3A_1463 = arith.constant 432 : index
      %get3A_1464 = tpu.vector_load %arg7[%get3A_1461, %get3A_1462, %get3A_1463] {strides = array<i32>} : memref<4x8x768xf32, #tpu.memory_space<vmem>>, vector<1x1x16xf32>,
      %get3A_1465 = vector.shape_cast %get3A_1464 : vector<1x1x16xf32> to vector<16xf32>
      %swap3A_1466 = arith.constant 1 : i32
      %swap3A_1467 = arith.index_cast %swap3A_1466 : i32 to index
      %swap3A_1468 = arith.index_cast %scan3A_44 : i32 to index
      %swap3A_1469 = arith.constant 432 : index
      %swap3A_1470 = tpu.vector_load %arg9[%swap3A_1467, %swap3A_1468, %swap3A_1469] {strides = array<i32>} : memref<4x8x768xf32, #tpu.memory_space<vmem>>, vector<1x1x16xf32>,
      %swap3A_1471 = vector.shape_cast %swap3A_1470 : vector<1x1x16xf32> to vector<16xf32>
      %swap3A_1472 = vector.shape_cast %get3A_1465 : vector<16xf32> to vector<1x1x16xf32>
      tpu.vector_store %arg9[%swap3A_1467, %swap3A_1468, %swap3A_1469], %swap3A_1472 {strides = array<i32>} : memref<4x8x768xf32, #tpu.memory_space<vmem>>, vector<1x1x16xf32>,
      %get3A_1473 = arith.constant 2 : i32
      %get3A_1474 = arith.index_cast %get3A_1473 : i32 to index
      %get3A_1475 = arith.index_cast %scan3A_44 : i32 to index
      %get3A_1476 = arith.constant 432 : index
      %get3A_1477 = tpu.vector_load %arg7[%get3A_1474, %get3A_1475, %get3A_1476] {strides = array<i32>} : memref<4x8x768xf32, #tpu.memory_space<vmem>>, vector<1x1x16xf32>,
      %get3A_1478 = vector.shape_cast %get3A_1477 : vector<1x1x16xf32> to vector<16xf32>
      %swap3A_1479 = arith.constant 2 : i32
      %swap3A_1480 = arith.index_cast %swap3A_1479 : i32 to index
      %swap3A_1481 = arith.index_cast %scan3A_44 : i32 to index
      %swap3A_1482 = arith.constant 432 : index
      %swap3A_1483 = tpu.vector_load %arg9[%swap3A_1480, %swap3A_1481, %swap3A_1482] {strides = array<i32>} : memref<4x8x768xf32, #tpu.memory_space<vmem>>, vector<1x1x16xf32>,
      %swap3A_1484 = vector.shape_cast %swap3A_1483 : vector<1x1x16xf32> to vector<16xf32>
      %swap3A_1485 = vector.shape_cast %get3A_1478 : vector<16xf32> to vector<1x1x16xf32>
      tpu.vector_store %arg9[%swap3A_1480, %swap3A_1481, %swap3A_1482], %swap3A_1485 {strides = array<i32>} : memref<4x8x768xf32, #tpu.memory_space<vmem>>, vector<1x1x16xf32>,
      %get3A_1486 = arith.constant 3 : i32
      %get3A_1487 = arith.index_cast %get3A_1486 : i32 to index
      %get3A_1488 = arith.index_cast %scan3A_44 : i32 to index
      %get3A_1489 = arith.constant 432 : index
      %get3A_1490 = tpu.vector_load %arg7[%get3A_1487, %get3A_1488, %get3A_1489] {strides = array<i32>} : memref<4x8x768xf32, #tpu.memory_space<vmem>>, vector<1x1x16xf32>,
      %get3A_1491 = vector.shape_cast %get3A_1490 : vector<1x1x16xf32> to vector<16xf32>
      %swap3A_1492 = arith.constant 3 : i32
      %swap3A_1493 = arith.index_cast %swap3A_1492 : i32 to index
      %swap3A_1494 = arith.index_cast %scan3A_44 : i32 to index
      %swap3A_1495 = arith.constant 432 : index
      %swap3A_1496 = tpu.vector_load %arg9[%swap3A_1493, %swap3A_1494, %swap3A_1495] {strides = array<i32>} : memref<4x8x768xf32, #tpu.memory_space<vmem>>, vector<1x1x16xf32>,
      %swap3A_1497 = vector.shape_cast %swap3A_1496 : vector<1x1x16xf32> to vector<16xf32>
      %swap3A_1498 = vector.shape_cast %get3A_1491 : vector<16xf32> to vector<1x1x16xf32>
      tpu.vector_store %arg9[%swap3A_1493, %swap3A_1494, %swap3A_1495], %swap3A_1498 {strides = array<i32>} : memref<4x8x768xf32, #tpu.memory_space<vmem>>, vector<1x1x16xf32>,
      %get3A_1499 = arith.constant 0 : i32
      %get3A_1500 = arith.index_cast %get3A_1499 : i32 to index
      %get3A_1501 = arith.index_cast %scan3A_44 : i32 to index
      %get3A_1502 = arith.constant 448 : index
      %get3A_1503 = tpu.vector_load %arg7[%get3A_1500, %get3A_1501, %get3A_1502] {strides = array<i32>} : memref<4x8x768xf32, #tpu.memory_space<vmem>>, vector<1x1x16xf32>,
      %get3A_1504 = vector.shape_cast %get3A_1503 : vector<1x1x16xf32> to vector<16xf32>
      %swap3A_1505 = arith.constant 0 : i32
      %swap3A_1506 = arith.index_cast %swap3A_1505 : i32 to index
      %swap3A_1507 = arith.index_cast %scan3A_44 : i32 to index
      %swap3A_1508 = arith.constant 448 : index
      %swap3A_1509 = tpu.vector_load %arg9[%swap3A_1506, %swap3A_1507, %swap3A_1508] {strides = array<i32>} : memref<4x8x768xf32, #tpu.memory_space<vmem>>, vector<1x1x16xf32>,
      %swap3A_1510 = vector.shape_cast %swap3A_1509 : vector<1x1x16xf32> to vector<16xf32>
      %swap3A_1511 = vector.shape_cast %get3A_1504 : vector<16xf32> to vector<1x1x16xf32>
      tpu.vector_store %arg9[%swap3A_1506, %swap3A_1507, %swap3A_1508], %swap3A_1511 {strides = array<i32>} : memref<4x8x768xf32, #tpu.memory_space<vmem>>, vector<1x1x16xf32>,
      %get3A_1512 = arith.constant 1 : i32
      %get3A_1513 = arith.index_cast %get3A_1512 : i32 to index
      %get3A_1514 = arith.index_cast %scan3A_44 : i32 to index
      %get3A_1515 = arith.constant 448 : index
      %get3A_1516 = tpu.vector_load %arg7[%get3A_1513, %get3A_1514, %get3A_1515] {strides = array<i32>} : memref<4x8x768xf32, #tpu.memory_space<vmem>>, vector<1x1x16xf32>,
      %get3A_1517 = vector.shape_cast %get3A_1516 : vector<1x1x16xf32> to vector<16xf32>
      %swap3A_1518 = arith.constant 1 : i32
      %swap3A_1519 = arith.index_cast %swap3A_1518 : i32 to index
      %swap3A_1520 = arith.index_cast %scan3A_44 : i32 to index
      %swap3A_1521 = arith.constant 448 : index
      %swap3A_1522 = tpu.vector_load %arg9[%swap3A_1519, %swap3A_1520, %swap3A_1521] {strides = array<i32>} : memref<4x8x768xf32, #tpu.memory_space<vmem>>, vector<1x1x16xf32>,
      %swap3A_1523 = vector.shape_cast %swap3A_1522 : vector<1x1x16xf32> to vector<16xf32>
      %swap3A_1524 = vector.shape_cast %get3A_1517 : vector<16xf32> to vector<1x1x16xf32>
      tpu.vector_store %arg9[%swap3A_1519, %swap3A_1520, %swap3A_1521], %swap3A_1524 {strides = array<i32>} : memref<4x8x768xf32, #tpu.memory_space<vmem>>, vector<1x1x16xf32>,
      %get3A_1525 = arith.constant 2 : i32
      %get3A_1526 = arith.index_cast %get3A_1525 : i32 to index
      %get3A_1527 = arith.index_cast %scan3A_44 : i32 to index
      %get3A_1528 = arith.constant 448 : index
      %get3A_1529 = tpu.vector_load %arg7[%get3A_1526, %get3A_1527, %get3A_1528] {strides = array<i32>} : memref<4x8x768xf32, #tpu.memory_space<vmem>>, vector<1x1x16xf32>,
      %get3A_1530 = vector.shape_cast %get3A_1529 : vector<1x1x16xf32> to vector<16xf32>
      %swap3A_1531 = arith.constant 2 : i32
      %swap3A_1532 = arith.index_cast %swap3A_1531 : i32 to index
      %swap3A_1533 = arith.index_cast %scan3A_44 : i32 to index
      %swap3A_1534 = arith.constant 448 : index
      %swap3A_1535 = tpu.vector_load %arg9[%swap3A_1532, %swap3A_1533, %swap3A_1534] {strides = array<i32>} : memref<4x8x768xf32, #tpu.memory_space<vmem>>, vector<1x1x16xf32>,
      %swap3A_1536 = vector.shape_cast %swap3A_1535 : vector<1x1x16xf32> to vector<16xf32>
      %swap3A_1537 = vector.shape_cast %get3A_1530 : vector<16xf32> to vector<1x1x16xf32>
      tpu.vector_store %arg9[%swap3A_1532, %swap3A_1533, %swap3A_1534], %swap3A_1537 {strides = array<i32>} : memref<4x8x768xf32, #tpu.memory_space<vmem>>, vector<1x1x16xf32>,
      %get3A_1538 = arith.constant 3 : i32
      %get3A_1539 = arith.index_cast %get3A_1538 : i32 to index
      %get3A_1540 = arith.index_cast %scan3A_44 : i32 to index
      %get3A_1541 = arith.constant 448 : index
      %get3A_1542 = tpu.vector_load %arg7[%get3A_1539, %get3A_1540, %get3A_1541] {strides = array<i32>} : memref<4x8x768xf32, #tpu.memory_space<vmem>>, vector<1x1x16xf32>,
      %get3A_1543 = vector.shape_cast %get3A_1542 : vector<1x1x16xf32> to vector<16xf32>
      %swap3A_1544 = arith.constant 3 : i32
      %swap3A_1545 = arith.index_cast %swap3A_1544 : i32 to index
      %swap3A_1546 = arith.index_cast %scan3A_44 : i32 to index
      %swap3A_1547 = arith.constant 448 : index
      %swap3A_1548 = tpu.vector_load %arg9[%swap3A_1545, %swap3A_1546, %swap3A_1547] {strides = array<i32>} : memref<4x8x768xf32, #tpu.memory_space<vmem>>, vector<1x1x16xf32>,
      %swap3A_1549 = vector.shape_cast %swap3A_1548 : vector<1x1x16xf32> to vector<16xf32>
      %swap3A_1550 = vector.shape_cast %get3A_1543 : vector<16xf32> to vector<1x1x16xf32>
      tpu.vector_store %arg9[%swap3A_1545, %swap3A_1546, %swap3A_1547], %swap3A_1550 {strides = array<i32>} : memref<4x8x768xf32, #tpu.memory_space<vmem>>, vector<1x1x16xf32>,
      %get3A_1551 = arith.constant 0 : i32
      %get3A_1552 = arith.index_cast %get3A_1551 : i32 to index
      %get3A_1553 = arith.index_cast %scan3A_44 : i32 to index
      %get3A_1554 = arith.constant 464 : index
      %get3A_1555 = tpu.vector_load %arg7[%get3A_1552, %get3A_1553, %get3A_1554] {strides = array<i32>} : memref<4x8x768xf32, #tpu.memory_space<vmem>>, vector<1x1x16xf32>,
      %get3A_1556 = vector.shape_cast %get3A_1555 : vector<1x1x16xf32> to vector<16xf32>
      %swap3A_1557 = arith.constant 0 : i32
      %swap3A_1558 = arith.index_cast %swap3A_1557 : i32 to index
      %swap3A_1559 = arith.index_cast %scan3A_44 : i32 to index
      %swap3A_1560 = arith.constant 464 : index
      %swap3A_1561 = tpu.vector_load %arg9[%swap3A_1558, %swap3A_1559, %swap3A_1560] {strides = array<i32>} : memref<4x8x768xf32, #tpu.memory_space<vmem>>, vector<1x1x16xf32>,
      %swap3A_1562 = vector.shape_cast %swap3A_1561 : vector<1x1x16xf32> to vector<16xf32>
      %swap3A_1563 = vector.shape_cast %get3A_1556 : vector<16xf32> to vector<1x1x16xf32>
      tpu.vector_store %arg9[%swap3A_1558, %swap3A_1559, %swap3A_1560], %swap3A_1563 {strides = array<i32>} : memref<4x8x768xf32, #tpu.memory_space<vmem>>, vector<1x1x16xf32>,
      %get3A_1564 = arith.constant 1 : i32
      %get3A_1565 = arith.index_cast %get3A_1564 : i32 to index
      %get3A_1566 = arith.index_cast %scan3A_44 : i32 to index
      %get3A_1567 = arith.constant 464 : index
      %get3A_1568 = tpu.vector_load %arg7[%get3A_1565, %get3A_1566, %get3A_1567] {strides = array<i32>} : memref<4x8x768xf32, #tpu.memory_space<vmem>>, vector<1x1x16xf32>,
      %get3A_1569 = vector.shape_cast %get3A_1568 : vector<1x1x16xf32> to vector<16xf32>
      %swap3A_1570 = arith.constant 1 : i32
      %swap3A_1571 = arith.index_cast %swap3A_1570 : i32 to index
      %swap3A_1572 = arith.index_cast %scan3A_44 : i32 to index
      %swap3A_1573 = arith.constant 464 : index
      %swap3A_1574 = tpu.vector_load %arg9[%swap3A_1571, %swap3A_1572, %swap3A_1573] {strides = array<i32>} : memref<4x8x768xf32, #tpu.memory_space<vmem>>, vector<1x1x16xf32>,
      %swap3A_1575 = vector.shape_cast %swap3A_1574 : vector<1x1x16xf32> to vector<16xf32>
      %swap3A_1576 = vector.shape_cast %get3A_1569 : vector<16xf32> to vector<1x1x16xf32>
      tpu.vector_store %arg9[%swap3A_1571, %swap3A_1572, %swap3A_1573], %swap3A_1576 {strides = array<i32>} : memref<4x8x768xf32, #tpu.memory_space<vmem>>, vector<1x1x16xf32>,
      %get3A_1577 = arith.constant 2 : i32
      %get3A_1578 = arith.index_cast %get3A_1577 : i32 to index
      %get3A_1579 = arith.index_cast %scan3A_44 : i32 to index
      %get3A_1580 = arith.constant 464 : index
      %get3A_1581 = tpu.vector_load %arg7[%get3A_1578, %get3A_1579, %get3A_1580] {strides = array<i32>} : memref<4x8x768xf32, #tpu.memory_space<vmem>>, vector<1x1x16xf32>,
      %get3A_1582 = vector.shape_cast %get3A_1581 : vector<1x1x16xf32> to vector<16xf32>
      %swap3A_1583 = arith.constant 2 : i32
      %swap3A_1584 = arith.index_cast %swap3A_1583 : i32 to index
      %swap3A_1585 = arith.index_cast %scan3A_44 : i32 to index
      %swap3A_1586 = arith.constant 464 : index
      %swap3A_1587 = tpu.vector_load %arg9[%swap3A_1584, %swap3A_1585, %swap3A_1586] {strides = array<i32>} : memref<4x8x768xf32, #tpu.memory_space<vmem>>, vector<1x1x16xf32>,
      %swap3A_1588 = vector.shape_cast %swap3A_1587 : vector<1x1x16xf32> to vector<16xf32>
      %swap3A_1589 = vector.shape_cast %get3A_1582 : vector<16xf32> to vector<1x1x16xf32>
      tpu.vector_store %arg9[%swap3A_1584, %swap3A_1585, %swap3A_1586], %swap3A_1589 {strides = array<i32>} : memref<4x8x768xf32, #tpu.memory_space<vmem>>, vector<1x1x16xf32>,
      %get3A_1590 = arith.constant 3 : i32
      %get3A_1591 = arith.index_cast %get3A_1590 : i32 to index
      %get3A_1592 = arith.index_cast %scan3A_44 : i32 to index
      %get3A_1593 = arith.constant 464 : index
      %get3A_1594 = tpu.vector_load %arg7[%get3A_1591, %get3A_1592, %get3A_1593] {strides = array<i32>} : memref<4x8x768xf32, #tpu.memory_space<vmem>>, vector<1x1x16xf32>,
      %get3A_1595 = vector.shape_cast %get3A_1594 : vector<1x1x16xf32> to vector<16xf32>
      %swap3A_1596 = arith.constant 3 : i32
      %swap3A_1597 = arith.index_cast %swap3A_1596 : i32 to index
      %swap3A_1598 = arith.index_cast %scan3A_44 : i32 to index
      %swap3A_1599 = arith.constant 464 : index
      %swap3A_1600 = tpu.vector_load %arg9[%swap3A_1597, %swap3A_1598, %swap3A_1599] {strides = array<i32>} : memref<4x8x768xf32, #tpu.memory_space<vmem>>, vector<1x1x16xf32>,
      %swap3A_1601 = vector.shape_cast %swap3A_1600 : vector<1x1x16xf32> to vector<16xf32>
      %swap3A_1602 = vector.shape_cast %get3A_1595 : vector<16xf32> to vector<1x1x16xf32>
      tpu.vector_store %arg9[%swap3A_1597, %swap3A_1598, %swap3A_1599], %swap3A_1602 {strides = array<i32>} : memref<4x8x768xf32, #tpu.memory_space<vmem>>, vector<1x1x16xf32>,
      %get3A_1603 = arith.constant 0 : i32
      %get3A_1604 = arith.index_cast %get3A_1603 : i32 to index
      %get3A_1605 = arith.index_cast %scan3A_44 : i32 to index
      %get3A_1606 = arith.constant 480 : index
      %get3A_1607 = tpu.vector_load %arg7[%get3A_1604, %get3A_1605, %get3A_1606] {strides = array<i32>} : memref<4x8x768xf32, #tpu.memory_space<vmem>>, vector<1x1x16xf32>,
      %get3A_1608 = vector.shape_cast %get3A_1607 : vector<1x1x16xf32> to vector<16xf32>
      %swap3A_1609 = arith.constant 0 : i32
      %swap3A_1610 = arith.index_cast %swap3A_1609 : i32 to index
      %swap3A_1611 = arith.index_cast %scan3A_44 : i32 to index
      %swap3A_1612 = arith.constant 480 : index
      %swap3A_1613 = tpu.vector_load %arg9[%swap3A_1610, %swap3A_1611, %swap3A_1612] {strides = array<i32>} : memref<4x8x768xf32, #tpu.memory_space<vmem>>, vector<1x1x16xf32>,
      %swap3A_1614 = vector.shape_cast %swap3A_1613 : vector<1x1x16xf32> to vector<16xf32>
      %swap3A_1615 = vector.shape_cast %get3A_1608 : vector<16xf32> to vector<1x1x16xf32>
      tpu.vector_store %arg9[%swap3A_1610, %swap3A_1611, %swap3A_1612], %swap3A_1615 {strides = array<i32>} : memref<4x8x768xf32, #tpu.memory_space<vmem>>, vector<1x1x16xf32>,
      %get3A_1616 = arith.constant 1 : i32
      %get3A_1617 = arith.index_cast %get3A_1616 : i32 to index
      %get3A_1618 = arith.index_cast %scan3A_44 : i32 to index
      %get3A_1619 = arith.constant 480 : index
      %get3A_1620 = tpu.vector_load %arg7[%get3A_1617, %get3A_1618, %get3A_1619] {strides = array<i32>} : memref<4x8x768xf32, #tpu.memory_space<vmem>>, vector<1x1x16xf32>,
      %get3A_1621 = vector.shape_cast %get3A_1620 : vector<1x1x16xf32> to vector<16xf32>
      %swap3A_1622 = arith.constant 1 : i32
      %swap3A_1623 = arith.index_cast %swap3A_1622 : i32 to index
      %swap3A_1624 = arith.index_cast %scan3A_44 : i32 to index
      %swap3A_1625 = arith.constant 480 : index
      %swap3A_1626 = tpu.vector_load %arg9[%swap3A_1623, %swap3A_1624, %swap3A_1625] {strides = array<i32>} : memref<4x8x768xf32, #tpu.memory_space<vmem>>, vector<1x1x16xf32>,
      %swap3A_1627 = vector.shape_cast %swap3A_1626 : vector<1x1x16xf32> to vector<16xf32>
      %swap3A_1628 = vector.shape_cast %get3A_1621 : vector<16xf32> to vector<1x1x16xf32>
      tpu.vector_store %arg9[%swap3A_1623, %swap3A_1624, %swap3A_1625], %swap3A_1628 {strides = array<i32>} : memref<4x8x768xf32, #tpu.memory_space<vmem>>, vector<1x1x16xf32>,
      %get3A_1629 = arith.constant 2 : i32
      %get3A_1630 = arith.index_cast %get3A_1629 : i32 to index
      %get3A_1631 = arith.index_cast %scan3A_44 : i32 to index
      %get3A_1632 = arith.constant 480 : index
      %get3A_1633 = tpu.vector_load %arg7[%get3A_1630, %get3A_1631, %get3A_1632] {strides = array<i32>} : memref<4x8x768xf32, #tpu.memory_space<vmem>>, vector<1x1x16xf32>,
      %get3A_1634 = vector.shape_cast %get3A_1633 : vector<1x1x16xf32> to vector<16xf32>
      %swap3A_1635 = arith.constant 2 : i32
      %swap3A_1636 = arith.index_cast %swap3A_1635 : i32 to index
      %swap3A_1637 = arith.index_cast %scan3A_44 : i32 to index
      %swap3A_1638 = arith.constant 480 : index
      %swap3A_1639 = tpu.vector_load %arg9[%swap3A_1636, %swap3A_1637, %swap3A_1638] {strides = array<i32>} : memref<4x8x768xf32, #tpu.memory_space<vmem>>, vector<1x1x16xf32>,
      %swap3A_1640 = vector.shape_cast %swap3A_1639 : vector<1x1x16xf32> to vector<16xf32>
      %swap3A_1641 = vector.shape_cast %get3A_1634 : vector<16xf32> to vector<1x1x16xf32>
      tpu.vector_store %arg9[%swap3A_1636, %swap3A_1637, %swap3A_1638], %swap3A_1641 {strides = array<i32>} : memref<4x8x768xf32, #tpu.memory_space<vmem>>, vector<1x1x16xf32>,
      %get3A_1642 = arith.constant 3 : i32
      %get3A_1643 = arith.index_cast %get3A_1642 : i32 to index
      %get3A_1644 = arith.index_cast %scan3A_44 : i32 to index
      %get3A_1645 = arith.constant 480 : index
      %get3A_1646 = tpu.vector_load %arg7[%get3A_1643, %get3A_1644, %get3A_1645] {strides = array<i32>} : memref<4x8x768xf32, #tpu.memory_space<vmem>>, vector<1x1x16xf32>,
      %get3A_1647 = vector.shape_cast %get3A_1646 : vector<1x1x16xf32> to vector<16xf32>
      %swap3A_1648 = arith.constant 3 : i32
      %swap3A_1649 = arith.index_cast %swap3A_1648 : i32 to index
      %swap3A_1650 = arith.index_cast %scan3A_44 : i32 to index
      %swap3A_1651 = arith.constant 480 : index
      %swap3A_1652 = tpu.vector_load %arg9[%swap3A_1649, %swap3A_1650, %swap3A_1651] {strides = array<i32>} : memref<4x8x768xf32, #tpu.memory_space<vmem>>, vector<1x1x16xf32>,
      %swap3A_1653 = vector.shape_cast %swap3A_1652 : vector<1x1x16xf32> to vector<16xf32>
      %swap3A_1654 = vector.shape_cast %get3A_1647 : vector<16xf32> to vector<1x1x16xf32>
      tpu.vector_store %arg9[%swap3A_1649, %swap3A_1650, %swap3A_1651], %swap3A_1654 {strides = array<i32>} : memref<4x8x768xf32, #tpu.memory_space<vmem>>, vector<1x1x16xf32>,
      %get3A_1655 = arith.constant 0 : i32
      %get3A_1656 = arith.index_cast %get3A_1655 : i32 to index
      %get3A_1657 = arith.index_cast %scan3A_44 : i32 to index
      %get3A_1658 = arith.constant 496 : index
      %get3A_1659 = tpu.vector_load %arg7[%get3A_1656, %get3A_1657, %get3A_1658] {strides = array<i32>} : memref<4x8x768xf32, #tpu.memory_space<vmem>>, vector<1x1x16xf32>,
      %get3A_1660 = vector.shape_cast %get3A_1659 : vector<1x1x16xf32> to vector<16xf32>
      %swap3A_1661 = arith.constant 0 : i32
      %swap3A_1662 = arith.index_cast %swap3A_1661 : i32 to index
      %swap3A_1663 = arith.index_cast %scan3A_44 : i32 to index
      %swap3A_1664 = arith.constant 496 : index
      %swap3A_1665 = tpu.vector_load %arg9[%swap3A_1662, %swap3A_1663, %swap3A_1664] {strides = array<i32>} : memref<4x8x768xf32, #tpu.memory_space<vmem>>, vector<1x1x16xf32>,
      %swap3A_1666 = vector.shape_cast %swap3A_1665 : vector<1x1x16xf32> to vector<16xf32>
      %swap3A_1667 = vector.shape_cast %get3A_1660 : vector<16xf32> to vector<1x1x16xf32>
      tpu.vector_store %arg9[%swap3A_1662, %swap3A_1663, %swap3A_1664], %swap3A_1667 {strides = array<i32>} : memref<4x8x768xf32, #tpu.memory_space<vmem>>, vector<1x1x16xf32>,
      %get3A_1668 = arith.constant 1 : i32
      %get3A_1669 = arith.index_cast %get3A_1668 : i32 to index
      %get3A_1670 = arith.index_cast %scan3A_44 : i32 to index
      %get3A_1671 = arith.constant 496 : index
      %get3A_1672 = tpu.vector_load %arg7[%get3A_1669, %get3A_1670, %get3A_1671] {strides = array<i32>} : memref<4x8x768xf32, #tpu.memory_space<vmem>>, vector<1x1x16xf32>,
      %get3A_1673 = vector.shape_cast %get3A_1672 : vector<1x1x16xf32> to vector<16xf32>
      %swap3A_1674 = arith.constant 1 : i32
      %swap3A_1675 = arith.index_cast %swap3A_1674 : i32 to index
      %swap3A_1676 = arith.index_cast %scan3A_44 : i32 to index
      %swap3A_1677 = arith.constant 496 : index
      %swap3A_1678 = tpu.vector_load %arg9[%swap3A_1675, %swap3A_1676, %swap3A_1677] {strides = array<i32>} : memref<4x8x768xf32, #tpu.memory_space<vmem>>, vector<1x1x16xf32>,
      %swap3A_1679 = vector.shape_cast %swap3A_1678 : vector<1x1x16xf32> to vector<16xf32>
      %swap3A_1680 = vector.shape_cast %get3A_1673 : vector<16xf32> to vector<1x1x16xf32>
      tpu.vector_store %arg9[%swap3A_1675, %swap3A_1676, %swap3A_1677], %swap3A_1680 {strides = array<i32>} : memref<4x8x768xf32, #tpu.memory_space<vmem>>, vector<1x1x16xf32>,
      %get3A_1681 = arith.constant 2 : i32
      %get3A_1682 = arith.index_cast %get3A_1681 : i32 to index
      %get3A_1683 = arith.index_cast %scan3A_44 : i32 to index
      %get3A_1684 = arith.constant 496 : index
      %get3A_1685 = tpu.vector_load %arg7[%get3A_1682, %get3A_1683, %get3A_1684] {strides = array<i32>} : memref<4x8x768xf32, #tpu.memory_space<vmem>>, vector<1x1x16xf32>,
      %get3A_1686 = vector.shape_cast %get3A_1685 : vector<1x1x16xf32> to vector<16xf32>
      %swap3A_1687 = arith.constant 2 : i32
      %swap3A_1688 = arith.index_cast %swap3A_1687 : i32 to index
      %swap3A_1689 = arith.index_cast %scan3A_44 : i32 to index
      %swap3A_1690 = arith.constant 496 : index
      %swap3A_1691 = tpu.vector_load %arg9[%swap3A_1688, %swap3A_1689, %swap3A_1690] {strides = array<i32>} : memref<4x8x768xf32, #tpu.memory_space<vmem>>, vector<1x1x16xf32>,
      %swap3A_1692 = vector.shape_cast %swap3A_1691 : vector<1x1x16xf32> to vector<16xf32>
      %swap3A_1693 = vector.shape_cast %get3A_1686 : vector<16xf32> to vector<1x1x16xf32>
      tpu.vector_store %arg9[%swap3A_1688, %swap3A_1689, %swap3A_1690], %swap3A_1693 {strides = array<i32>} : memref<4x8x768xf32, #tpu.memory_space<vmem>>, vector<1x1x16xf32>,
      %get3A_1694 = arith.constant 3 : i32
      %get3A_1695 = arith.index_cast %get3A_1694 : i32 to index
      %get3A_1696 = arith.index_cast %scan3A_44 : i32 to index
      %get3A_1697 = arith.constant 496 : index
      %get3A_1698 = tpu.vector_load %arg7[%get3A_1695, %get3A_1696, %get3A_1697] {strides = array<i32>} : memref<4x8x768xf32, #tpu.memory_space<vmem>>, vector<1x1x16xf32>,
      %get3A_1699 = vector.shape_cast %get3A_1698 : vector<1x1x16xf32> to vector<16xf32>
      %swap3A_1700 = arith.constant 3 : i32
      %swap3A_1701 = arith.index_cast %swap3A_1700 : i32 to index
      %swap3A_1702 = arith.index_cast %scan3A_44 : i32 to index
      %swap3A_1703 = arith.constant 496 : index
      %swap3A_1704 = tpu.vector_load %arg9[%swap3A_1701, %swap3A_1702, %swap3A_1703] {strides = array<i32>} : memref<4x8x768xf32, #tpu.memory_space<vmem>>, vector<1x1x16xf32>,
      %swap3A_1705 = vector.shape_cast %swap3A_1704 : vector<1x1x16xf32> to vector<16xf32>
      %swap3A_1706 = vector.shape_cast %get3A_1699 : vector<16xf32> to vector<1x1x16xf32>
      tpu.vector_store %arg9[%swap3A_1701, %swap3A_1702, %swap3A_1703], %swap3A_1706 {strides = array<i32>} : memref<4x8x768xf32, #tpu.memory_space<vmem>>, vector<1x1x16xf32>,
      %get3A_1707 = arith.constant 0 : i32
      %get3A_1708 = arith.index_cast %get3A_1707 : i32 to index
      %get3A_1709 = arith.index_cast %scan3A_44 : i32 to index
      %get3A_1710 = arith.constant 512 : index
      %get3A_1711 = tpu.vector_load %arg7[%get3A_1708, %get3A_1709, %get3A_1710] {strides = array<i32>} : memref<4x8x768xf32, #tpu.memory_space<vmem>>, vector<1x1x16xf32>,
      %get3A_1712 = vector.shape_cast %get3A_1711 : vector<1x1x16xf32> to vector<16xf32>
      %swap3A_1713 = arith.constant 0 : i32
      %swap3A_1714 = arith.index_cast %swap3A_1713 : i32 to index
      %swap3A_1715 = arith.index_cast %scan3A_44 : i32 to index
      %swap3A_1716 = arith.constant 512 : index
      %swap3A_1717 = tpu.vector_load %arg9[%swap3A_1714, %swap3A_1715, %swap3A_1716] {strides = array<i32>} : memref<4x8x768xf32, #tpu.memory_space<vmem>>, vector<1x1x16xf32>,
      %swap3A_1718 = vector.shape_cast %swap3A_1717 : vector<1x1x16xf32> to vector<16xf32>
      %swap3A_1719 = vector.shape_cast %get3A_1712 : vector<16xf32> to vector<1x1x16xf32>
      tpu.vector_store %arg9[%swap3A_1714, %swap3A_1715, %swap3A_1716], %swap3A_1719 {strides = array<i32>} : memref<4x8x768xf32, #tpu.memory_space<vmem>>, vector<1x1x16xf32>,
      %get3A_1720 = arith.constant 1 : i32
      %get3A_1721 = arith.index_cast %get3A_1720 : i32 to index
      %get3A_1722 = arith.index_cast %scan3A_44 : i32 to index
      %get3A_1723 = arith.constant 512 : index
      %get3A_1724 = tpu.vector_load %arg7[%get3A_1721, %get3A_1722, %get3A_1723] {strides = array<i32>} : memref<4x8x768xf32, #tpu.memory_space<vmem>>, vector<1x1x16xf32>,
      %get3A_1725 = vector.shape_cast %get3A_1724 : vector<1x1x16xf32> to vector<16xf32>
      %swap3A_1726 = arith.constant 1 : i32
      %swap3A_1727 = arith.index_cast %swap3A_1726 : i32 to index
      %swap3A_1728 = arith.index_cast %scan3A_44 : i32 to index
      %swap3A_1729 = arith.constant 512 : index
      %swap3A_1730 = tpu.vector_load %arg9[%swap3A_1727, %swap3A_1728, %swap3A_1729] {strides = array<i32>} : memref<4x8x768xf32, #tpu.memory_space<vmem>>, vector<1x1x16xf32>,
      %swap3A_1731 = vector.shape_cast %swap3A_1730 : vector<1x1x16xf32> to vector<16xf32>
      %swap3A_1732 = vector.shape_cast %get3A_1725 : vector<16xf32> to vector<1x1x16xf32>
      tpu.vector_store %arg9[%swap3A_1727, %swap3A_1728, %swap3A_1729], %swap3A_1732 {strides = array<i32>} : memref<4x8x768xf32, #tpu.memory_space<vmem>>, vector<1x1x16xf32>,
      %get3A_1733 = arith.constant 2 : i32
      %get3A_1734 = arith.index_cast %get3A_1733 : i32 to index
      %get3A_1735 = arith.index_cast %scan3A_44 : i32 to index
      %get3A_1736 = arith.constant 512 : index
      %get3A_1737 = tpu.vector_load %arg7[%get3A_1734, %get3A_1735, %get3A_1736] {strides = array<i32>} : memref<4x8x768xf32, #tpu.memory_space<vmem>>, vector<1x1x16xf32>,
      %get3A_1738 = vector.shape_cast %get3A_1737 : vector<1x1x16xf32> to vector<16xf32>
      %swap3A_1739 = arith.constant 2 : i32
      %swap3A_1740 = arith.index_cast %swap3A_1739 : i32 to index
      %swap3A_1741 = arith.index_cast %scan3A_44 : i32 to index
      %swap3A_1742 = arith.constant 512 : index
      %swap3A_1743 = tpu.vector_load %arg9[%swap3A_1740, %swap3A_1741, %swap3A_1742] {strides = array<i32>} : memref<4x8x768xf32, #tpu.memory_space<vmem>>, vector<1x1x16xf32>,
      %swap3A_1744 = vector.shape_cast %swap3A_1743 : vector<1x1x16xf32> to vector<16xf32>
      %swap3A_1745 = vector.shape_cast %get3A_1738 : vector<16xf32> to vector<1x1x16xf32>
      tpu.vector_store %arg9[%swap3A_1740, %swap3A_1741, %swap3A_1742], %swap3A_1745 {strides = array<i32>} : memref<4x8x768xf32, #tpu.memory_space<vmem>>, vector<1x1x16xf32>,
      %get3A_1746 = arith.constant 3 : i32
      %get3A_1747 = arith.index_cast %get3A_1746 : i32 to index
      %get3A_1748 = arith.index_cast %scan3A_44 : i32 to index
      %get3A_1749 = arith.constant 512 : index
      %get3A_1750 = tpu.vector_load %arg7[%get3A_1747, %get3A_1748, %get3A_1749] {strides = array<i32>} : memref<4x8x768xf32, #tpu.memory_space<vmem>>, vector<1x1x16xf32>,
      %get3A_1751 = vector.shape_cast %get3A_1750 : vector<1x1x16xf32> to vector<16xf32>
      %swap3A_1752 = arith.constant 3 : i32
      %swap3A_1753 = arith.index_cast %swap3A_1752 : i32 to index
      %swap3A_1754 = arith.index_cast %scan3A_44 : i32 to index
      %swap3A_1755 = arith.constant 512 : index
      %swap3A_1756 = tpu.vector_load %arg9[%swap3A_1753, %swap3A_1754, %swap3A_1755] {strides = array<i32>} : memref<4x8x768xf32, #tpu.memory_space<vmem>>, vector<1x1x16xf32>,
      %swap3A_1757 = vector.shape_cast %swap3A_1756 : vector<1x1x16xf32> to vector<16xf32>
      %swap3A_1758 = vector.shape_cast %get3A_1751 : vector<16xf32> to vector<1x1x16xf32>
      tpu.vector_store %arg9[%swap3A_1753, %swap3A_1754, %swap3A_1755], %swap3A_1758 {strides = array<i32>} : memref<4x8x768xf32, #tpu.memory_space<vmem>>, vector<1x1x16xf32>,
      %get3A_1759 = arith.constant 0 : i32
      %get3A_1760 = arith.index_cast %get3A_1759 : i32 to index
      %get3A_1761 = arith.index_cast %scan3A_44 : i32 to index
      %get3A_1762 = arith.constant 528 : index
      %get3A_1763 = tpu.vector_load %arg7[%get3A_1760, %get3A_1761, %get3A_1762] {strides = array<i32>} : memref<4x8x768xf32, #tpu.memory_space<vmem>>, vector<1x1x16xf32>,
      %get3A_1764 = vector.shape_cast %get3A_1763 : vector<1x1x16xf32> to vector<16xf32>
      %swap3A_1765 = arith.constant 0 : i32
      %swap3A_1766 = arith.index_cast %swap3A_1765 : i32 to index
      %swap3A_1767 = arith.index_cast %scan3A_44 : i32 to index
      %swap3A_1768 = arith.constant 528 : index
      %swap3A_1769 = tpu.vector_load %arg9[%swap3A_1766, %swap3A_1767, %swap3A_1768] {strides = array<i32>} : memref<4x8x768xf32, #tpu.memory_space<vmem>>, vector<1x1x16xf32>,
      %swap3A_1770 = vector.shape_cast %swap3A_1769 : vector<1x1x16xf32> to vector<16xf32>
      %swap3A_1771 = vector.shape_cast %get3A_1764 : vector<16xf32> to vector<1x1x16xf32>
      tpu.vector_store %arg9[%swap3A_1766, %swap3A_1767, %swap3A_1768], %swap3A_1771 {strides = array<i32>} : memref<4x8x768xf32, #tpu.memory_space<vmem>>, vector<1x1x16xf32>,
      %get3A_1772 = arith.constant 1 : i32
      %get3A_1773 = arith.index_cast %get3A_1772 : i32 to index
      %get3A_1774 = arith.index_cast %scan3A_44 : i32 to index
      %get3A_1775 = arith.constant 528 : index
      %get3A_1776 = tpu.vector_load %arg7[%get3A_1773, %get3A_1774, %get3A_1775] {strides = array<i32>} : memref<4x8x768xf32, #tpu.memory_space<vmem>>, vector<1x1x16xf32>,
      %get3A_1777 = vector.shape_cast %get3A_1776 : vector<1x1x16xf32> to vector<16xf32>
      %swap3A_1778 = arith.constant 1 : i32
      %swap3A_1779 = arith.index_cast %swap3A_1778 : i32 to index
      %swap3A_1780 = arith.index_cast %scan3A_44 : i32 to index
      %swap3A_1781 = arith.constant 528 : index
      %swap3A_1782 = tpu.vector_load %arg9[%swap3A_1779, %swap3A_1780, %swap3A_1781] {strides = array<i32>} : memref<4x8x768xf32, #tpu.memory_space<vmem>>, vector<1x1x16xf32>,
      %swap3A_1783 = vector.shape_cast %swap3A_1782 : vector<1x1x16xf32> to vector<16xf32>
      %swap3A_1784 = vector.shape_cast %get3A_1777 : vector<16xf32> to vector<1x1x16xf32>
      tpu.vector_store %arg9[%swap3A_1779, %swap3A_1780, %swap3A_1781], %swap3A_1784 {strides = array<i32>} : memref<4x8x768xf32, #tpu.memory_space<vmem>>, vector<1x1x16xf32>,
      %get3A_1785 = arith.constant 2 : i32
      %get3A_1786 = arith.index_cast %get3A_1785 : i32 to index
      %get3A_1787 = arith.index_cast %scan3A_44 : i32 to index
      %get3A_1788 = arith.constant 528 : index
      %get3A_1789 = tpu.vector_load %arg7[%get3A_1786, %get3A_1787, %get3A_1788] {strides = array<i32>} : memref<4x8x768xf32, #tpu.memory_space<vmem>>, vector<1x1x16xf32>,
      %get3A_1790 = vector.shape_cast %get3A_1789 : vector<1x1x16xf32> to vector<16xf32>
      %swap3A_1791 = arith.constant 2 : i32
      %swap3A_1792 = arith.index_cast %swap3A_1791 : i32 to index
      %swap3A_1793 = arith.index_cast %scan3A_44 : i32 to index
      %swap3A_1794 = arith.constant 528 : index
      %swap3A_1795 = tpu.vector_load %arg9[%swap3A_1792, %swap3A_1793, %swap3A_1794] {strides = array<i32>} : memref<4x8x768xf32, #tpu.memory_space<vmem>>, vector<1x1x16xf32>,
      %swap3A_1796 = vector.shape_cast %swap3A_1795 : vector<1x1x16xf32> to vector<16xf32>
      %swap3A_1797 = vector.shape_cast %get3A_1790 : vector<16xf32> to vector<1x1x16xf32>
      tpu.vector_store %arg9[%swap3A_1792, %swap3A_1793, %swap3A_1794], %swap3A_1797 {strides = array<i32>} : memref<4x8x768xf32, #tpu.memory_space<vmem>>, vector<1x1x16xf32>,
      %get3A_1798 = arith.constant 3 : i32
      %get3A_1799 = arith.index_cast %get3A_1798 : i32 to index
      %get3A_1800 = arith.index_cast %scan3A_44 : i32 to index
      %get3A_1801 = arith.constant 528 : index
      %get3A_1802 = tpu.vector_load %arg7[%get3A_1799, %get3A_1800, %get3A_1801] {strides = array<i32>} : memref<4x8x768xf32, #tpu.memory_space<vmem>>, vector<1x1x16xf32>,
      %get3A_1803 = vector.shape_cast %get3A_1802 : vector<1x1x16xf32> to vector<16xf32>
      %swap3A_1804 = arith.constant 3 : i32
      %swap3A_1805 = arith.index_cast %swap3A_1804 : i32 to index
      %swap3A_1806 = arith.index_cast %scan3A_44 : i32 to index
      %swap3A_1807 = arith.constant 528 : index
      %swap3A_1808 = tpu.vector_load %arg9[%swap3A_1805, %swap3A_1806, %swap3A_1807] {strides = array<i32>} : memref<4x8x768xf32, #tpu.memory_space<vmem>>, vector<1x1x16xf32>,
      %swap3A_1809 = vector.shape_cast %swap3A_1808 : vector<1x1x16xf32> to vector<16xf32>
      %swap3A_1810 = vector.shape_cast %get3A_1803 : vector<16xf32> to vector<1x1x16xf32>
      tpu.vector_store %arg9[%swap3A_1805, %swap3A_1806, %swap3A_1807], %swap3A_1810 {strides = array<i32>} : memref<4x8x768xf32, #tpu.memory_space<vmem>>, vector<1x1x16xf32>,
      %get3A_1811 = arith.constant 0 : i32
      %get3A_1812 = arith.index_cast %get3A_1811 : i32 to index
      %get3A_1813 = arith.index_cast %scan3A_44 : i32 to index
      %get3A_1814 = arith.constant 544 : index
      %get3A_1815 = tpu.vector_load %arg7[%get3A_1812, %get3A_1813, %get3A_1814] {strides = array<i32>} : memref<4x8x768xf32, #tpu.memory_space<vmem>>, vector<1x1x16xf32>,
      %get3A_1816 = vector.shape_cast %get3A_1815 : vector<1x1x16xf32> to vector<16xf32>
      %swap3A_1817 = arith.constant 0 : i32
      %swap3A_1818 = arith.index_cast %swap3A_1817 : i32 to index
      %swap3A_1819 = arith.index_cast %scan3A_44 : i32 to index
      %swap3A_1820 = arith.constant 544 : index
      %swap3A_1821 = tpu.vector_load %arg9[%swap3A_1818, %swap3A_1819, %swap3A_1820] {strides = array<i32>} : memref<4x8x768xf32, #tpu.memory_space<vmem>>, vector<1x1x16xf32>,
      %swap3A_1822 = vector.shape_cast %swap3A_1821 : vector<1x1x16xf32> to vector<16xf32>
      %swap3A_1823 = vector.shape_cast %get3A_1816 : vector<16xf32> to vector<1x1x16xf32>
      tpu.vector_store %arg9[%swap3A_1818, %swap3A_1819, %swap3A_1820], %swap3A_1823 {strides = array<i32>} : memref<4x8x768xf32, #tpu.memory_space<vmem>>, vector<1x1x16xf32>,
      %get3A_1824 = arith.constant 1 : i32
      %get3A_1825 = arith.index_cast %get3A_1824 : i32 to index
      %get3A_1826 = arith.index_cast %scan3A_44 : i32 to index
      %get3A_1827 = arith.constant 544 : index
      %get3A_1828 = tpu.vector_load %arg7[%get3A_1825, %get3A_1826, %get3A_1827] {strides = array<i32>} : memref<4x8x768xf32, #tpu.memory_space<vmem>>, vector<1x1x16xf32>,
      %get3A_1829 = vector.shape_cast %get3A_1828 : vector<1x1x16xf32> to vector<16xf32>
      %swap3A_1830 = arith.constant 1 : i32
      %swap3A_1831 = arith.index_cast %swap3A_1830 : i32 to index
      %swap3A_1832 = arith.index_cast %scan3A_44 : i32 to index
      %swap3A_1833 = arith.constant 544 : index
      %swap3A_1834 = tpu.vector_load %arg9[%swap3A_1831, %swap3A_1832, %swap3A_1833] {strides = array<i32>} : memref<4x8x768xf32, #tpu.memory_space<vmem>>, vector<1x1x16xf32>,
      %swap3A_1835 = vector.shape_cast %swap3A_1834 : vector<1x1x16xf32> to vector<16xf32>
      %swap3A_1836 = vector.shape_cast %get3A_1829 : vector<16xf32> to vector<1x1x16xf32>
      tpu.vector_store %arg9[%swap3A_1831, %swap3A_1832, %swap3A_1833], %swap3A_1836 {strides = array<i32>} : memref<4x8x768xf32, #tpu.memory_space<vmem>>, vector<1x1x16xf32>,
      %get3A_1837 = arith.constant 2 : i32
      %get3A_1838 = arith.index_cast %get3A_1837 : i32 to index
      %get3A_1839 = arith.index_cast %scan3A_44 : i32 to index
      %get3A_1840 = arith.constant 544 : index
      %get3A_1841 = tpu.vector_load %arg7[%get3A_1838, %get3A_1839, %get3A_1840] {strides = array<i32>} : memref<4x8x768xf32, #tpu.memory_space<vmem>>, vector<1x1x16xf32>,
      %get3A_1842 = vector.shape_cast %get3A_1841 : vector<1x1x16xf32> to vector<16xf32>
      %swap3A_1843 = arith.constant 2 : i32
      %swap3A_1844 = arith.index_cast %swap3A_1843 : i32 to index
      %swap3A_1845 = arith.index_cast %scan3A_44 : i32 to index
      %swap3A_1846 = arith.constant 544 : index
      %swap3A_1847 = tpu.vector_load %arg9[%swap3A_1844, %swap3A_1845, %swap3A_1846] {strides = array<i32>} : memref<4x8x768xf32, #tpu.memory_space<vmem>>, vector<1x1x16xf32>,
      %swap3A_1848 = vector.shape_cast %swap3A_1847 : vector<1x1x16xf32> to vector<16xf32>
      %swap3A_1849 = vector.shape_cast %get3A_1842 : vector<16xf32> to vector<1x1x16xf32>
      tpu.vector_store %arg9[%swap3A_1844, %swap3A_1845, %swap3A_1846], %swap3A_1849 {strides = array<i32>} : memref<4x8x768xf32, #tpu.memory_space<vmem>>, vector<1x1x16xf32>,
      %get3A_1850 = arith.constant 3 : i32
      %get3A_1851 = arith.index_cast %get3A_1850 : i32 to index
      %get3A_1852 = arith.index_cast %scan3A_44 : i32 to index
      %get3A_1853 = arith.constant 544 : index
      %get3A_1854 = tpu.vector_load %arg7[%get3A_1851, %get3A_1852, %get3A_1853] {strides = array<i32>} : memref<4x8x768xf32, #tpu.memory_space<vmem>>, vector<1x1x16xf32>,
      %get3A_1855 = vector.shape_cast %get3A_1854 : vector<1x1x16xf32> to vector<16xf32>
      %swap3A_1856 = arith.constant 3 : i32
      %swap3A_1857 = arith.index_cast %swap3A_1856 : i32 to index
      %swap3A_1858 = arith.index_cast %scan3A_44 : i32 to index
      %swap3A_1859 = arith.constant 544 : index
      %swap3A_1860 = tpu.vector_load %arg9[%swap3A_1857, %swap3A_1858, %swap3A_1859] {strides = array<i32>} : memref<4x8x768xf32, #tpu.memory_space<vmem>>, vector<1x1x16xf32>,
      %swap3A_1861 = vector.shape_cast %swap3A_1860 : vector<1x1x16xf32> to vector<16xf32>
      %swap3A_1862 = vector.shape_cast %get3A_1855 : vector<16xf32> to vector<1x1x16xf32>
      tpu.vector_store %arg9[%swap3A_1857, %swap3A_1858, %swap3A_1859], %swap3A_1862 {strides = array<i32>} : memref<4x8x768xf32, #tpu.memory_space<vmem>>, vector<1x1x16xf32>,
      %get3A_1863 = arith.constant 0 : i32
      %get3A_1864 = arith.index_cast %get3A_1863 : i32 to index
      %get3A_1865 = arith.index_cast %scan3A_44 : i32 to index
      %get3A_1866 = arith.constant 560 : index
      %get3A_1867 = tpu.vector_load %arg7[%get3A_1864, %get3A_1865, %get3A_1866] {strides = array<i32>} : memref<4x8x768xf32, #tpu.memory_space<vmem>>, vector<1x1x16xf32>,
      %get3A_1868 = vector.shape_cast %get3A_1867 : vector<1x1x16xf32> to vector<16xf32>
      %swap3A_1869 = arith.constant 0 : i32
      %swap3A_1870 = arith.index_cast %swap3A_1869 : i32 to index
      %swap3A_1871 = arith.index_cast %scan3A_44 : i32 to index
      %swap3A_1872 = arith.constant 560 : index
      %swap3A_1873 = tpu.vector_load %arg9[%swap3A_1870, %swap3A_1871, %swap3A_1872] {strides = array<i32>} : memref<4x8x768xf32, #tpu.memory_space<vmem>>, vector<1x1x16xf32>,
      %swap3A_1874 = vector.shape_cast %swap3A_1873 : vector<1x1x16xf32> to vector<16xf32>
      %swap3A_1875 = vector.shape_cast %get3A_1868 : vector<16xf32> to vector<1x1x16xf32>
      tpu.vector_store %arg9[%swap3A_1870, %swap3A_1871, %swap3A_1872], %swap3A_1875 {strides = array<i32>} : memref<4x8x768xf32, #tpu.memory_space<vmem>>, vector<1x1x16xf32>,
      %get3A_1876 = arith.constant 1 : i32
      %get3A_1877 = arith.index_cast %get3A_1876 : i32 to index
      %get3A_1878 = arith.index_cast %scan3A_44 : i32 to index
      %get3A_1879 = arith.constant 560 : index
      %get3A_1880 = tpu.vector_load %arg7[%get3A_1877, %get3A_1878, %get3A_1879] {strides = array<i32>} : memref<4x8x768xf32, #tpu.memory_space<vmem>>, vector<1x1x16xf32>,
      %get3A_1881 = vector.shape_cast %get3A_1880 : vector<1x1x16xf32> to vector<16xf32>
      %swap3A_1882 = arith.constant 1 : i32
      %swap3A_1883 = arith.index_cast %swap3A_1882 : i32 to index
      %swap3A_1884 = arith.index_cast %scan3A_44 : i32 to index
      %swap3A_1885 = arith.constant 560 : index
      %swap3A_1886 = tpu.vector_load %arg9[%swap3A_1883, %swap3A_1884, %swap3A_1885] {strides = array<i32>} : memref<4x8x768xf32, #tpu.memory_space<vmem>>, vector<1x1x16xf32>,
      %swap3A_1887 = vector.shape_cast %swap3A_1886 : vector<1x1x16xf32> to vector<16xf32>
      %swap3A_1888 = vector.shape_cast %get3A_1881 : vector<16xf32> to vector<1x1x16xf32>
      tpu.vector_store %arg9[%swap3A_1883, %swap3A_1884, %swap3A_1885], %swap3A_1888 {strides = array<i32>} : memref<4x8x768xf32, #tpu.memory_space<vmem>>, vector<1x1x16xf32>,
      %get3A_1889 = arith.constant 2 : i32
      %get3A_1890 = arith.index_cast %get3A_1889 : i32 to index
      %get3A_1891 = arith.index_cast %scan3A_44 : i32 to index
      %get3A_1892 = arith.constant 560 : index
      %get3A_1893 = tpu.vector_load %arg7[%get3A_1890, %get3A_1891, %get3A_1892] {strides = array<i32>} : memref<4x8x768xf32, #tpu.memory_space<vmem>>, vector<1x1x16xf32>,
      %get3A_1894 = vector.shape_cast %get3A_1893 : vector<1x1x16xf32> to vector<16xf32>
      %swap3A_1895 = arith.constant 2 : i32
      %swap3A_1896 = arith.index_cast %swap3A_1895 : i32 to index
      %swap3A_1897 = arith.index_cast %scan3A_44 : i32 to index
      %swap3A_1898 = arith.constant 560 : index
      %swap3A_1899 = tpu.vector_load %arg9[%swap3A_1896, %swap3A_1897, %swap3A_1898] {strides = array<i32>} : memref<4x8x768xf32, #tpu.memory_space<vmem>>, vector<1x1x16xf32>,
      %swap3A_1900 = vector.shape_cast %swap3A_1899 : vector<1x1x16xf32> to vector<16xf32>
      %swap3A_1901 = vector.shape_cast %get3A_1894 : vector<16xf32> to vector<1x1x16xf32>
      tpu.vector_store %arg9[%swap3A_1896, %swap3A_1897, %swap3A_1898], %swap3A_1901 {strides = array<i32>} : memref<4x8x768xf32, #tpu.memory_space<vmem>>, vector<1x1x16xf32>,
      %get3A_1902 = arith.constant 3 : i32
      %get3A_1903 = arith.index_cast %get3A_1902 : i32 to index
      %get3A_1904 = arith.index_cast %scan3A_44 : i32 to index
      %get3A_1905 = arith.constant 560 : index
      %get3A_1906 = tpu.vector_load %arg7[%get3A_1903, %get3A_1904, %get3A_1905] {strides = array<i32>} : memref<4x8x768xf32, #tpu.memory_space<vmem>>, vector<1x1x16xf32>,
      %get3A_1907 = vector.shape_cast %get3A_1906 : vector<1x1x16xf32> to vector<16xf32>
      %swap3A_1908 = arith.constant 3 : i32
      %swap3A_1909 = arith.index_cast %swap3A_1908 : i32 to index
      %swap3A_1910 = arith.index_cast %scan3A_44 : i32 to index
      %swap3A_1911 = arith.constant 560 : index
      %swap3A_1912 = tpu.vector_load %arg9[%swap3A_1909, %swap3A_1910, %swap3A_1911] {strides = array<i32>} : memref<4x8x768xf32, #tpu.memory_space<vmem>>, vector<1x1x16xf32>,
      %swap3A_1913 = vector.shape_cast %swap3A_1912 : vector<1x1x16xf32> to vector<16xf32>
      %swap3A_1914 = vector.shape_cast %get3A_1907 : vector<16xf32> to vector<1x1x16xf32>
      tpu.vector_store %arg9[%swap3A_1909, %swap3A_1910, %swap3A_1911], %swap3A_1914 {strides = array<i32>} : memref<4x8x768xf32, #tpu.memory_space<vmem>>, vector<1x1x16xf32>,
      %get3A_1915 = arith.constant 0 : i32
      %get3A_1916 = arith.index_cast %get3A_1915 : i32 to index
      %get3A_1917 = arith.index_cast %scan3A_44 : i32 to index
      %get3A_1918 = arith.constant 576 : index
      %get3A_1919 = tpu.vector_load %arg7[%get3A_1916, %get3A_1917, %get3A_1918] {strides = array<i32>} : memref<4x8x768xf32, #tpu.memory_space<vmem>>, vector<1x1x16xf32>,
      %get3A_1920 = vector.shape_cast %get3A_1919 : vector<1x1x16xf32> to vector<16xf32>
      %swap3A_1921 = arith.constant 0 : i32
      %swap3A_1922 = arith.index_cast %swap3A_1921 : i32 to index
      %swap3A_1923 = arith.index_cast %scan3A_44 : i32 to index
      %swap3A_1924 = arith.constant 576 : index
      %swap3A_1925 = tpu.vector_load %arg9[%swap3A_1922, %swap3A_1923, %swap3A_1924] {strides = array<i32>} : memref<4x8x768xf32, #tpu.memory_space<vmem>>, vector<1x1x16xf32>,
      %swap3A_1926 = vector.shape_cast %swap3A_1925 : vector<1x1x16xf32> to vector<16xf32>
      %swap3A_1927 = vector.shape_cast %get3A_1920 : vector<16xf32> to vector<1x1x16xf32>
      tpu.vector_store %arg9[%swap3A_1922, %swap3A_1923, %swap3A_1924], %swap3A_1927 {strides = array<i32>} : memref<4x8x768xf32, #tpu.memory_space<vmem>>, vector<1x1x16xf32>,
      %get3A_1928 = arith.constant 1 : i32
      %get3A_1929 = arith.index_cast %get3A_1928 : i32 to index
      %get3A_1930 = arith.index_cast %scan3A_44 : i32 to index
      %get3A_1931 = arith.constant 576 : index
      %get3A_1932 = tpu.vector_load %arg7[%get3A_1929, %get3A_1930, %get3A_1931] {strides = array<i32>} : memref<4x8x768xf32, #tpu.memory_space<vmem>>, vector<1x1x16xf32>,
      %get3A_1933 = vector.shape_cast %get3A_1932 : vector<1x1x16xf32> to vector<16xf32>
      %swap3A_1934 = arith.constant 1 : i32
      %swap3A_1935 = arith.index_cast %swap3A_1934 : i32 to index
      %swap3A_1936 = arith.index_cast %scan3A_44 : i32 to index
      %swap3A_1937 = arith.constant 576 : index
      %swap3A_1938 = tpu.vector_load %arg9[%swap3A_1935, %swap3A_1936, %swap3A_1937] {strides = array<i32>} : memref<4x8x768xf32, #tpu.memory_space<vmem>>, vector<1x1x16xf32>,
      %swap3A_1939 = vector.shape_cast %swap3A_1938 : vector<1x1x16xf32> to vector<16xf32>
      %swap3A_1940 = vector.shape_cast %get3A_1933 : vector<16xf32> to vector<1x1x16xf32>
      tpu.vector_store %arg9[%swap3A_1935, %swap3A_1936, %swap3A_1937], %swap3A_1940 {strides = array<i32>} : memref<4x8x768xf32, #tpu.memory_space<vmem>>, vector<1x1x16xf32>,
      %get3A_1941 = arith.constant 2 : i32
      %get3A_1942 = arith.index_cast %get3A_1941 : i32 to index
      %get3A_1943 = arith.index_cast %scan3A_44 : i32 to index
      %get3A_1944 = arith.constant 576 : index
      %get3A_1945 = tpu.vector_load %arg7[%get3A_1942, %get3A_1943, %get3A_1944] {strides = array<i32>} : memref<4x8x768xf32, #tpu.memory_space<vmem>>, vector<1x1x16xf32>,
      %get3A_1946 = vector.shape_cast %get3A_1945 : vector<1x1x16xf32> to vector<16xf32>
      %swap3A_1947 = arith.constant 2 : i32
      %swap3A_1948 = arith.index_cast %swap3A_1947 : i32 to index
      %swap3A_1949 = arith.index_cast %scan3A_44 : i32 to index
      %swap3A_1950 = arith.constant 576 : index
      %swap3A_1951 = tpu.vector_load %arg9[%swap3A_1948, %swap3A_1949, %swap3A_1950] {strides = array<i32>} : memref<4x8x768xf32, #tpu.memory_space<vmem>>, vector<1x1x16xf32>,
      %swap3A_1952 = vector.shape_cast %swap3A_1951 : vector<1x1x16xf32> to vector<16xf32>
      %swap3A_1953 = vector.shape_cast %get3A_1946 : vector<16xf32> to vector<1x1x16xf32>
      tpu.vector_store %arg9[%swap3A_1948, %swap3A_1949, %swap3A_1950], %swap3A_1953 {strides = array<i32>} : memref<4x8x768xf32, #tpu.memory_space<vmem>>, vector<1x1x16xf32>,
      %get3A_1954 = arith.constant 3 : i32
      %get3A_1955 = arith.index_cast %get3A_1954 : i32 to index
      %get3A_1956 = arith.index_cast %scan3A_44 : i32 to index
      %get3A_1957 = arith.constant 576 : index
      %get3A_1958 = tpu.vector_load %arg7[%get3A_1955, %get3A_1956, %get3A_1957] {strides = array<i32>} : memref<4x8x768xf32, #tpu.memory_space<vmem>>, vector<1x1x16xf32>,
      %get3A_1959 = vector.shape_cast %get3A_1958 : vector<1x1x16xf32> to vector<16xf32>
      %swap3A_1960 = arith.constant 3 : i32
      %swap3A_1961 = arith.index_cast %swap3A_1960 : i32 to index
      %swap3A_1962 = arith.index_cast %scan3A_44 : i32 to index
      %swap3A_1963 = arith.constant 576 : index
      %swap3A_1964 = tpu.vector_load %arg9[%swap3A_1961, %swap3A_1962, %swap3A_1963] {strides = array<i32>} : memref<4x8x768xf32, #tpu.memory_space<vmem>>, vector<1x1x16xf32>,
      %swap3A_1965 = vector.shape_cast %swap3A_1964 : vector<1x1x16xf32> to vector<16xf32>
      %swap3A_1966 = vector.shape_cast %get3A_1959 : vector<16xf32> to vector<1x1x16xf32>
      tpu.vector_store %arg9[%swap3A_1961, %swap3A_1962, %swap3A_1963], %swap3A_1966 {strides = array<i32>} : memref<4x8x768xf32, #tpu.memory_space<vmem>>, vector<1x1x16xf32>,
      %get3A_1967 = arith.constant 0 : i32
      %get3A_1968 = arith.index_cast %get3A_1967 : i32 to index
      %get3A_1969 = arith.index_cast %scan3A_44 : i32 to index
      %get3A_1970 = arith.constant 592 : index
      %get3A_1971 = tpu.vector_load %arg7[%get3A_1968, %get3A_1969, %get3A_1970] {strides = array<i32>} : memref<4x8x768xf32, #tpu.memory_space<vmem>>, vector<1x1x16xf32>,
      %get3A_1972 = vector.shape_cast %get3A_1971 : vector<1x1x16xf32> to vector<16xf32>
      %swap3A_1973 = arith.constant 0 : i32
      %swap3A_1974 = arith.index_cast %swap3A_1973 : i32 to index
      %swap3A_1975 = arith.index_cast %scan3A_44 : i32 to index
      %swap3A_1976 = arith.constant 592 : index
      %swap3A_1977 = tpu.vector_load %arg9[%swap3A_1974, %swap3A_1975, %swap3A_1976] {strides = array<i32>} : memref<4x8x768xf32, #tpu.memory_space<vmem>>, vector<1x1x16xf32>,
      %swap3A_1978 = vector.shape_cast %swap3A_1977 : vector<1x1x16xf32> to vector<16xf32>
      %swap3A_1979 = vector.shape_cast %get3A_1972 : vector<16xf32> to vector<1x1x16xf32>
      tpu.vector_store %arg9[%swap3A_1974, %swap3A_1975, %swap3A_1976], %swap3A_1979 {strides = array<i32>} : memref<4x8x768xf32, #tpu.memory_space<vmem>>, vector<1x1x16xf32>,
      %get3A_1980 = arith.constant 1 : i32
      %get3A_1981 = arith.index_cast %get3A_1980 : i32 to index
      %get3A_1982 = arith.index_cast %scan3A_44 : i32 to index
      %get3A_1983 = arith.constant 592 : index
      %get3A_1984 = tpu.vector_load %arg7[%get3A_1981, %get3A_1982, %get3A_1983] {strides = array<i32>} : memref<4x8x768xf32, #tpu.memory_space<vmem>>, vector<1x1x16xf32>,
      %get3A_1985 = vector.shape_cast %get3A_1984 : vector<1x1x16xf32> to vector<16xf32>
      %swap3A_1986 = arith.constant 1 : i32
      %swap3A_1987 = arith.index_cast %swap3A_1986 : i32 to index
      %swap3A_1988 = arith.index_cast %scan3A_44 : i32 to index
      %swap3A_1989 = arith.constant 592 : index
      %swap3A_1990 = tpu.vector_load %arg9[%swap3A_1987, %swap3A_1988, %swap3A_1989] {strides = array<i32>} : memref<4x8x768xf32, #tpu.memory_space<vmem>>, vector<1x1x16xf32>,
      %swap3A_1991 = vector.shape_cast %swap3A_1990 : vector<1x1x16xf32> to vector<16xf32>
      %swap3A_1992 = vector.shape_cast %get3A_1985 : vector<16xf32> to vector<1x1x16xf32>
      tpu.vector_store %arg9[%swap3A_1987, %swap3A_1988, %swap3A_1989], %swap3A_1992 {strides = array<i32>} : memref<4x8x768xf32, #tpu.memory_space<vmem>>, vector<1x1x16xf32>,
      %get3A_1993 = arith.constant 2 : i32
      %get3A_1994 = arith.index_cast %get3A_1993 : i32 to index
      %get3A_1995 = arith.index_cast %scan3A_44 : i32 to index
      %get3A_1996 = arith.constant 592 : index
      %get3A_1997 = tpu.vector_load %arg7[%get3A_1994, %get3A_1995, %get3A_1996] {strides = array<i32>} : memref<4x8x768xf32, #tpu.memory_space<vmem>>, vector<1x1x16xf32>,
      %get3A_1998 = vector.shape_cast %get3A_1997 : vector<1x1x16xf32> to vector<16xf32>
      %swap3A_1999 = arith.constant 2 : i32
      %swap3A_2000 = arith.index_cast %swap3A_1999 : i32 to index
      %swap3A_2001 = arith.index_cast %scan3A_44 : i32 to index
      %swap3A_2002 = arith.constant 592 : index
      %swap3A_2003 = tpu.vector_load %arg9[%swap3A_2000, %swap3A_2001, %swap3A_2002] {strides = array<i32>} : memref<4x8x768xf32, #tpu.memory_space<vmem>>, vector<1x1x16xf32>,
      %swap3A_2004 = vector.shape_cast %swap3A_2003 : vector<1x1x16xf32> to vector<16xf32>
      %swap3A_2005 = vector.shape_cast %get3A_1998 : vector<16xf32> to vector<1x1x16xf32>
      tpu.vector_store %arg9[%swap3A_2000, %swap3A_2001, %swap3A_2002], %swap3A_2005 {strides = array<i32>} : memref<4x8x768xf32, #tpu.memory_space<vmem>>, vector<1x1x16xf32>,
      %get3A_2006 = arith.constant 3 : i32
      %get3A_2007 = arith.index_cast %get3A_2006 : i32 to index
      %get3A_2008 = arith.index_cast %scan3A_44 : i32 to index
      %get3A_2009 = arith.constant 592 : index
      %get3A_2010 = tpu.vector_load %arg7[%get3A_2007, %get3A_2008, %get3A_2009] {strides = array<i32>} : memref<4x8x768xf32, #tpu.memory_space<vmem>>, vector<1x1x16xf32>,
      %get3A_2011 = vector.shape_cast %get3A_2010 : vector<1x1x16xf32> to vector<16xf32>
      %swap3A_2012 = arith.constant 3 : i32
      %swap3A_2013 = arith.index_cast %swap3A_2012 : i32 to index
      %swap3A_2014 = arith.index_cast %scan3A_44 : i32 to index
      %swap3A_2015 = arith.constant 592 : index
      %swap3A_2016 = tpu.vector_load %arg9[%swap3A_2013, %swap3A_2014, %swap3A_2015] {strides = array<i32>} : memref<4x8x768xf32, #tpu.memory_space<vmem>>, vector<1x1x16xf32>,
      %swap3A_2017 = vector.shape_cast %swap3A_2016 : vector<1x1x16xf32> to vector<16xf32>
      %swap3A_2018 = vector.shape_cast %get3A_2011 : vector<16xf32> to vector<1x1x16xf32>
      tpu.vector_store %arg9[%swap3A_2013, %swap3A_2014, %swap3A_2015], %swap3A_2018 {strides = array<i32>} : memref<4x8x768xf32, #tpu.memory_space<vmem>>, vector<1x1x16xf32>,
      %get3A_2019 = arith.constant 0 : i32
      %get3A_2020 = arith.index_cast %get3A_2019 : i32 to index
      %get3A_2021 = arith.index_cast %scan3A_44 : i32 to index
      %get3A_2022 = arith.constant 608 : index
      %get3A_2023 = tpu.vector_load %arg7[%get3A_2020, %get3A_2021, %get3A_2022] {strides = array<i32>} : memref<4x8x768xf32, #tpu.memory_space<vmem>>, vector<1x1x16xf32>,
      %get3A_2024 = vector.shape_cast %get3A_2023 : vector<1x1x16xf32> to vector<16xf32>
      %swap3A_2025 = arith.constant 0 : i32
      %swap3A_2026 = arith.index_cast %swap3A_2025 : i32 to index
      %swap3A_2027 = arith.index_cast %scan3A_44 : i32 to index
      %swap3A_2028 = arith.constant 608 : index
      %swap3A_2029 = tpu.vector_load %arg9[%swap3A_2026, %swap3A_2027, %swap3A_2028] {strides = array<i32>} : memref<4x8x768xf32, #tpu.memory_space<vmem>>, vector<1x1x16xf32>,
      %swap3A_2030 = vector.shape_cast %swap3A_2029 : vector<1x1x16xf32> to vector<16xf32>
      %swap3A_2031 = vector.shape_cast %get3A_2024 : vector<16xf32> to vector<1x1x16xf32>
      tpu.vector_store %arg9[%swap3A_2026, %swap3A_2027, %swap3A_2028], %swap3A_2031 {strides = array<i32>} : memref<4x8x768xf32, #tpu.memory_space<vmem>>, vector<1x1x16xf32>,
      %get3A_2032 = arith.constant 1 : i32
      %get3A_2033 = arith.index_cast %get3A_2032 : i32 to index
      %get3A_2034 = arith.index_cast %scan3A_44 : i32 to index
      %get3A_2035 = arith.constant 608 : index
      %get3A_2036 = tpu.vector_load %arg7[%get3A_2033, %get3A_2034, %get3A_2035] {strides = array<i32>} : memref<4x8x768xf32, #tpu.memory_space<vmem>>, vector<1x1x16xf32>,
      %get3A_2037 = vector.shape_cast %get3A_2036 : vector<1x1x16xf32> to vector<16xf32>
      %swap3A_2038 = arith.constant 1 : i32
      %swap3A_2039 = arith.index_cast %swap3A_2038 : i32 to index
      %swap3A_2040 = arith.index_cast %scan3A_44 : i32 to index
      %swap3A_2041 = arith.constant 608 : index
      %swap3A_2042 = tpu.vector_load %arg9[%swap3A_2039, %swap3A_2040, %swap3A_2041] {strides = array<i32>} : memref<4x8x768xf32, #tpu.memory_space<vmem>>, vector<1x1x16xf32>,
      %swap3A_2043 = vector.shape_cast %swap3A_2042 : vector<1x1x16xf32> to vector<16xf32>
      %swap3A_2044 = vector.shape_cast %get3A_2037 : vector<16xf32> to vector<1x1x16xf32>
      tpu.vector_store %arg9[%swap3A_2039, %swap3A_2040, %swap3A_2041], %swap3A_2044 {strides = array<i32>} : memref<4x8x768xf32, #tpu.memory_space<vmem>>, vector<1x1x16xf32>,
      %get3A_2045 = arith.constant 2 : i32
      %get3A_2046 = arith.index_cast %get3A_2045 : i32 to index
      %get3A_2047 = arith.index_cast %scan3A_44 : i32 to index
      %get3A_2048 = arith.constant 608 : index
      %get3A_2049 = tpu.vector_load %arg7[%get3A_2046, %get3A_2047, %get3A_2048] {strides = array<i32>} : memref<4x8x768xf32, #tpu.memory_space<vmem>>, vector<1x1x16xf32>,
      %get3A_2050 = vector.shape_cast %get3A_2049 : vector<1x1x16xf32> to vector<16xf32>
      %swap3A_2051 = arith.constant 2 : i32
      %swap3A_2052 = arith.index_cast %swap3A_2051 : i32 to index
      %swap3A_2053 = arith.index_cast %scan3A_44 : i32 to index
      %swap3A_2054 = arith.constant 608 : index
      %swap3A_2055 = tpu.vector_load %arg9[%swap3A_2052, %swap3A_2053, %swap3A_2054] {strides = array<i32>} : memref<4x8x768xf32, #tpu.memory_space<vmem>>, vector<1x1x16xf32>,
      %swap3A_2056 = vector.shape_cast %swap3A_2055 : vector<1x1x16xf32> to vector<16xf32>
      %swap3A_2057 = vector.shape_cast %get3A_2050 : vector<16xf32> to vector<1x1x16xf32>
      tpu.vector_store %arg9[%swap3A_2052, %swap3A_2053, %swap3A_2054], %swap3A_2057 {strides = array<i32>} : memref<4x8x768xf32, #tpu.memory_space<vmem>>, vector<1x1x16xf32>,
      %get3A_2058 = arith.constant 3 : i32
      %get3A_2059 = arith.index_cast %get3A_2058 : i32 to index
      %get3A_2060 = arith.index_cast %scan3A_44 : i32 to index
      %get3A_2061 = arith.constant 608 : index
      %get3A_2062 = tpu.vector_load %arg7[%get3A_2059, %get3A_2060, %get3A_2061] {strides = array<i32>} : memref<4x8x768xf32, #tpu.memory_space<vmem>>, vector<1x1x16xf32>,
      %get3A_2063 = vector.shape_cast %get3A_2062 : vector<1x1x16xf32> to vector<16xf32>
      %swap3A_2064 = arith.constant 3 : i32
      %swap3A_2065 = arith.index_cast %swap3A_2064 : i32 to index
      %swap3A_2066 = arith.index_cast %scan3A_44 : i32 to index
      %swap3A_2067 = arith.constant 608 : index
      %swap3A_2068 = tpu.vector_load %arg9[%swap3A_2065, %swap3A_2066, %swap3A_2067] {strides = array<i32>} : memref<4x8x768xf32, #tpu.memory_space<vmem>>, vector<1x1x16xf32>,
      %swap3A_2069 = vector.shape_cast %swap3A_2068 : vector<1x1x16xf32> to vector<16xf32>
      %swap3A_2070 = vector.shape_cast %get3A_2063 : vector<16xf32> to vector<1x1x16xf32>
      tpu.vector_store %arg9[%swap3A_2065, %swap3A_2066, %swap3A_2067], %swap3A_2070 {strides = array<i32>} : memref<4x8x768xf32, #tpu.memory_space<vmem>>, vector<1x1x16xf32>,
      %get3A_2071 = arith.constant 0 : i32
      %get3A_2072 = arith.index_cast %get3A_2071 : i32 to index
      %get3A_2073 = arith.index_cast %scan3A_44 : i32 to index
      %get3A_2074 = arith.constant 624 : index
      %get3A_2075 = tpu.vector_load %arg7[%get3A_2072, %get3A_2073, %get3A_2074] {strides = array<i32>} : memref<4x8x768xf32, #tpu.memory_space<vmem>>, vector<1x1x16xf32>,
      %get3A_2076 = vector.shape_cast %get3A_2075 : vector<1x1x16xf32> to vector<16xf32>
      %swap3A_2077 = arith.constant 0 : i32
      %swap3A_2078 = arith.index_cast %swap3A_2077 : i32 to index
      %swap3A_2079 = arith.index_cast %scan3A_44 : i32 to index
      %swap3A_2080 = arith.constant 624 : index
      %swap3A_2081 = tpu.vector_load %arg9[%swap3A_2078, %swap3A_2079, %swap3A_2080] {strides = array<i32>} : memref<4x8x768xf32, #tpu.memory_space<vmem>>, vector<1x1x16xf32>,
      %swap3A_2082 = vector.shape_cast %swap3A_2081 : vector<1x1x16xf32> to vector<16xf32>
      %swap3A_2083 = vector.shape_cast %get3A_2076 : vector<16xf32> to vector<1x1x16xf32>
      tpu.vector_store %arg9[%swap3A_2078, %swap3A_2079, %swap3A_2080], %swap3A_2083 {strides = array<i32>} : memref<4x8x768xf32, #tpu.memory_space<vmem>>, vector<1x1x16xf32>,
      %get3A_2084 = arith.constant 1 : i32
      %get3A_2085 = arith.index_cast %get3A_2084 : i32 to index
      %get3A_2086 = arith.index_cast %scan3A_44 : i32 to index
      %get3A_2087 = arith.constant 624 : index
      %get3A_2088 = tpu.vector_load %arg7[%get3A_2085, %get3A_2086, %get3A_2087] {strides = array<i32>} : memref<4x8x768xf32, #tpu.memory_space<vmem>>, vector<1x1x16xf32>,
      %get3A_2089 = vector.shape_cast %get3A_2088 : vector<1x1x16xf32> to vector<16xf32>
      %swap3A_2090 = arith.constant 1 : i32
      %swap3A_2091 = arith.index_cast %swap3A_2090 : i32 to index
      %swap3A_2092 = arith.index_cast %scan3A_44 : i32 to index
      %swap3A_2093 = arith.constant 624 : index
      %swap3A_2094 = tpu.vector_load %arg9[%swap3A_2091, %swap3A_2092, %swap3A_2093] {strides = array<i32>} : memref<4x8x768xf32, #tpu.memory_space<vmem>>, vector<1x1x16xf32>,
      %swap3A_2095 = vector.shape_cast %swap3A_2094 : vector<1x1x16xf32> to vector<16xf32>
      %swap3A_2096 = vector.shape_cast %get3A_2089 : vector<16xf32> to vector<1x1x16xf32>
      tpu.vector_store %arg9[%swap3A_2091, %swap3A_2092, %swap3A_2093], %swap3A_2096 {strides = array<i32>} : memref<4x8x768xf32, #tpu.memory_space<vmem>>, vector<1x1x16xf32>,
      %get3A_2097 = arith.constant 2 : i32
      %get3A_2098 = arith.index_cast %get3A_2097 : i32 to index
      %get3A_2099 = arith.index_cast %scan3A_44 : i32 to index
      %get3A_2100 = arith.constant 624 : index
      %get3A_2101 = tpu.vector_load %arg7[%get3A_2098, %get3A_2099, %get3A_2100] {strides = array<i32>} : memref<4x8x768xf32, #tpu.memory_space<vmem>>, vector<1x1x16xf32>,
      %get3A_2102 = vector.shape_cast %get3A_2101 : vector<1x1x16xf32> to vector<16xf32>
      %swap3A_2103 = arith.constant 2 : i32
      %swap3A_2104 = arith.index_cast %swap3A_2103 : i32 to index
      %swap3A_2105 = arith.index_cast %scan3A_44 : i32 to index
      %swap3A_2106 = arith.constant 624 : index
      %swap3A_2107 = tpu.vector_load %arg9[%swap3A_2104, %swap3A_2105, %swap3A_2106] {strides = array<i32>} : memref<4x8x768xf32, #tpu.memory_space<vmem>>, vector<1x1x16xf32>,
      %swap3A_2108 = vector.shape_cast %swap3A_2107 : vector<1x1x16xf32> to vector<16xf32>
      %swap3A_2109 = vector.shape_cast %get3A_2102 : vector<16xf32> to vector<1x1x16xf32>
      tpu.vector_store %arg9[%swap3A_2104, %swap3A_2105, %swap3A_2106], %swap3A_2109 {strides = array<i32>} : memref<4x8x768xf32, #tpu.memory_space<vmem>>, vector<1x1x16xf32>,
      %get3A_2110 = arith.constant 3 : i32
      %get3A_2111 = arith.index_cast %get3A_2110 : i32 to index
      %get3A_2112 = arith.index_cast %scan3A_44 : i32 to index
      %get3A_2113 = arith.constant 624 : index
      %get3A_2114 = tpu.vector_load %arg7[%get3A_2111, %get3A_2112, %get3A_2113] {strides = array<i32>} : memref<4x8x768xf32, #tpu.memory_space<vmem>>, vector<1x1x16xf32>,
      %get3A_2115 = vector.shape_cast %get3A_2114 : vector<1x1x16xf32> to vector<16xf32>
      %swap3A_2116 = arith.constant 3 : i32
      %swap3A_2117 = arith.index_cast %swap3A_2116 : i32 to index
      %swap3A_2118 = arith.index_cast %scan3A_44 : i32 to index
      %swap3A_2119 = arith.constant 624 : index
      %swap3A_2120 = tpu.vector_load %arg9[%swap3A_2117, %swap3A_2118, %swap3A_2119] {strides = array<i32>} : memref<4x8x768xf32, #tpu.memory_space<vmem>>, vector<1x1x16xf32>,
      %swap3A_2121 = vector.shape_cast %swap3A_2120 : vector<1x1x16xf32> to vector<16xf32>
      %swap3A_2122 = vector.shape_cast %get3A_2115 : vector<16xf32> to vector<1x1x16xf32>
      tpu.vector_store %arg9[%swap3A_2117, %swap3A_2118, %swap3A_2119], %swap3A_2122 {strides = array<i32>} : memref<4x8x768xf32, #tpu.memory_space<vmem>>, vector<1x1x16xf32>,
      %get3A_2123 = arith.constant 0 : i32
      %get3A_2124 = arith.index_cast %get3A_2123 : i32 to index
      %get3A_2125 = arith.index_cast %scan3A_44 : i32 to index
      %get3A_2126 = arith.constant 640 : index
      %get3A_2127 = tpu.vector_load %arg7[%get3A_2124, %get3A_2125, %get3A_2126] {strides = array<i32>} : memref<4x8x768xf32, #tpu.memory_space<vmem>>, vector<1x1x16xf32>,
      %get3A_2128 = vector.shape_cast %get3A_2127 : vector<1x1x16xf32> to vector<16xf32>
      %swap3A_2129 = arith.constant 0 : i32
      %swap3A_2130 = arith.index_cast %swap3A_2129 : i32 to index
      %swap3A_2131 = arith.index_cast %scan3A_44 : i32 to index
      %swap3A_2132 = arith.constant 640 : index
      %swap3A_2133 = tpu.vector_load %arg9[%swap3A_2130, %swap3A_2131, %swap3A_2132] {strides = array<i32>} : memref<4x8x768xf32, #tpu.memory_space<vmem>>, vector<1x1x16xf32>,
      %swap3A_2134 = vector.shape_cast %swap3A_2133 : vector<1x1x16xf32> to vector<16xf32>
      %swap3A_2135 = vector.shape_cast %get3A_2128 : vector<16xf32> to vector<1x1x16xf32>
      tpu.vector_store %arg9[%swap3A_2130, %swap3A_2131, %swap3A_2132], %swap3A_2135 {strides = array<i32>} : memref<4x8x768xf32, #tpu.memory_space<vmem>>, vector<1x1x16xf32>,
      %get3A_2136 = arith.constant 1 : i32
      %get3A_2137 = arith.index_cast %get3A_2136 : i32 to index
      %get3A_2138 = arith.index_cast %scan3A_44 : i32 to index
      %get3A_2139 = arith.constant 640 : index
      %get3A_2140 = tpu.vector_load %arg7[%get3A_2137, %get3A_2138, %get3A_2139] {strides = array<i32>} : memref<4x8x768xf32, #tpu.memory_space<vmem>>, vector<1x1x16xf32>,
      %get3A_2141 = vector.shape_cast %get3A_2140 : vector<1x1x16xf32> to vector<16xf32>
      %swap3A_2142 = arith.constant 1 : i32
      %swap3A_2143 = arith.index_cast %swap3A_2142 : i32 to index
      %swap3A_2144 = arith.index_cast %scan3A_44 : i32 to index
      %swap3A_2145 = arith.constant 640 : index
      %swap3A_2146 = tpu.vector_load %arg9[%swap3A_2143, %swap3A_2144, %swap3A_2145] {strides = array<i32>} : memref<4x8x768xf32, #tpu.memory_space<vmem>>, vector<1x1x16xf32>,
      %swap3A_2147 = vector.shape_cast %swap3A_2146 : vector<1x1x16xf32> to vector<16xf32>
      %swap3A_2148 = vector.shape_cast %get3A_2141 : vector<16xf32> to vector<1x1x16xf32>
      tpu.vector_store %arg9[%swap3A_2143, %swap3A_2144, %swap3A_2145], %swap3A_2148 {strides = array<i32>} : memref<4x8x768xf32, #tpu.memory_space<vmem>>, vector<1x1x16xf32>,
      %get3A_2149 = arith.constant 2 : i32
      %get3A_2150 = arith.index_cast %get3A_2149 : i32 to index
      %get3A_2151 = arith.index_cast %scan3A_44 : i32 to index
      %get3A_2152 = arith.constant 640 : index
      %get3A_2153 = tpu.vector_load %arg7[%get3A_2150, %get3A_2151, %get3A_2152] {strides = array<i32>} : memref<4x8x768xf32, #tpu.memory_space<vmem>>, vector<1x1x16xf32>,
      %get3A_2154 = vector.shape_cast %get3A_2153 : vector<1x1x16xf32> to vector<16xf32>
      %swap3A_2155 = arith.constant 2 : i32
      %swap3A_2156 = arith.index_cast %swap3A_2155 : i32 to index
      %swap3A_2157 = arith.index_cast %scan3A_44 : i32 to index
      %swap3A_2158 = arith.constant 640 : index
      %swap3A_2159 = tpu.vector_load %arg9[%swap3A_2156, %swap3A_2157, %swap3A_2158] {strides = array<i32>} : memref<4x8x768xf32, #tpu.memory_space<vmem>>, vector<1x1x16xf32>,
      %swap3A_2160 = vector.shape_cast %swap3A_2159 : vector<1x1x16xf32> to vector<16xf32>
      %swap3A_2161 = vector.shape_cast %get3A_2154 : vector<16xf32> to vector<1x1x16xf32>
      tpu.vector_store %arg9[%swap3A_2156, %swap3A_2157, %swap3A_2158], %swap3A_2161 {strides = array<i32>} : memref<4x8x768xf32, #tpu.memory_space<vmem>>, vector<1x1x16xf32>,
      %get3A_2162 = arith.constant 3 : i32
      %get3A_2163 = arith.index_cast %get3A_2162 : i32 to index
      %get3A_2164 = arith.index_cast %scan3A_44 : i32 to index
      %get3A_2165 = arith.constant 640 : index
      %get3A_2166 = tpu.vector_load %arg7[%get3A_2163, %get3A_2164, %get3A_2165] {strides = array<i32>} : memref<4x8x768xf32, #tpu.memory_space<vmem>>, vector<1x1x16xf32>,
      %get3A_2167 = vector.shape_cast %get3A_2166 : vector<1x1x16xf32> to vector<16xf32>
      %swap3A_2168 = arith.constant 3 : i32
      %swap3A_2169 = arith.index_cast %swap3A_2168 : i32 to index
      %swap3A_2170 = arith.index_cast %scan3A_44 : i32 to index
      %swap3A_2171 = arith.constant 640 : index
      %swap3A_2172 = tpu.vector_load %arg9[%swap3A_2169, %swap3A_2170, %swap3A_2171] {strides = array<i32>} : memref<4x8x768xf32, #tpu.memory_space<vmem>>, vector<1x1x16xf32>,
      %swap3A_2173 = vector.shape_cast %swap3A_2172 : vector<1x1x16xf32> to vector<16xf32>
      %swap3A_2174 = vector.shape_cast %get3A_2167 : vector<16xf32> to vector<1x1x16xf32>
      tpu.vector_store %arg9[%swap3A_2169, %swap3A_2170, %swap3A_2171], %swap3A_2174 {strides = array<i32>} : memref<4x8x768xf32, #tpu.memory_space<vmem>>, vector<1x1x16xf32>,
      %get3A_2175 = arith.constant 0 : i32
      %get3A_2176 = arith.index_cast %get3A_2175 : i32 to index
      %get3A_2177 = arith.index_cast %scan3A_44 : i32 to index
      %get3A_2178 = arith.constant 656 : index
      %get3A_2179 = tpu.vector_load %arg7[%get3A_2176, %get3A_2177, %get3A_2178] {strides = array<i32>} : memref<4x8x768xf32, #tpu.memory_space<vmem>>, vector<1x1x16xf32>,
      %get3A_2180 = vector.shape_cast %get3A_2179 : vector<1x1x16xf32> to vector<16xf32>
      %swap3A_2181 = arith.constant 0 : i32
      %swap3A_2182 = arith.index_cast %swap3A_2181 : i32 to index
      %swap3A_2183 = arith.index_cast %scan3A_44 : i32 to index
      %swap3A_2184 = arith.constant 656 : index
      %swap3A_2185 = tpu.vector_load %arg9[%swap3A_2182, %swap3A_2183, %swap3A_2184] {strides = array<i32>} : memref<4x8x768xf32, #tpu.memory_space<vmem>>, vector<1x1x16xf32>,
      %swap3A_2186 = vector.shape_cast %swap3A_2185 : vector<1x1x16xf32> to vector<16xf32>
      %swap3A_2187 = vector.shape_cast %get3A_2180 : vector<16xf32> to vector<1x1x16xf32>
      tpu.vector_store %arg9[%swap3A_2182, %swap3A_2183, %swap3A_2184], %swap3A_2187 {strides = array<i32>} : memref<4x8x768xf32, #tpu.memory_space<vmem>>, vector<1x1x16xf32>,
      %get3A_2188 = arith.constant 1 : i32
      %get3A_2189 = arith.index_cast %get3A_2188 : i32 to index
      %get3A_2190 = arith.index_cast %scan3A_44 : i32 to index
      %get3A_2191 = arith.constant 656 : index
      %get3A_2192 = tpu.vector_load %arg7[%get3A_2189, %get3A_2190, %get3A_2191] {strides = array<i32>} : memref<4x8x768xf32, #tpu.memory_space<vmem>>, vector<1x1x16xf32>,
      %get3A_2193 = vector.shape_cast %get3A_2192 : vector<1x1x16xf32> to vector<16xf32>
      %swap3A_2194 = arith.constant 1 : i32
      %swap3A_2195 = arith.index_cast %swap3A_2194 : i32 to index
      %swap3A_2196 = arith.index_cast %scan3A_44 : i32 to index
      %swap3A_2197 = arith.constant 656 : index
      %swap3A_2198 = tpu.vector_load %arg9[%swap3A_2195, %swap3A_2196, %swap3A_2197] {strides = array<i32>} : memref<4x8x768xf32, #tpu.memory_space<vmem>>, vector<1x1x16xf32>,
      %swap3A_2199 = vector.shape_cast %swap3A_2198 : vector<1x1x16xf32> to vector<16xf32>
      %swap3A_2200 = vector.shape_cast %get3A_2193 : vector<16xf32> to vector<1x1x16xf32>
      tpu.vector_store %arg9[%swap3A_2195, %swap3A_2196, %swap3A_2197], %swap3A_2200 {strides = array<i32>} : memref<4x8x768xf32, #tpu.memory_space<vmem>>, vector<1x1x16xf32>,
      %get3A_2201 = arith.constant 2 : i32
      %get3A_2202 = arith.index_cast %get3A_2201 : i32 to index
      %get3A_2203 = arith.index_cast %scan3A_44 : i32 to index
      %get3A_2204 = arith.constant 656 : index
      %get3A_2205 = tpu.vector_load %arg7[%get3A_2202, %get3A_2203, %get3A_2204] {strides = array<i32>} : memref<4x8x768xf32, #tpu.memory_space<vmem>>, vector<1x1x16xf32>,
      %get3A_2206 = vector.shape_cast %get3A_2205 : vector<1x1x16xf32> to vector<16xf32>
      %swap3A_2207 = arith.constant 2 : i32
      %swap3A_2208 = arith.index_cast %swap3A_2207 : i32 to index
      %swap3A_2209 = arith.index_cast %scan3A_44 : i32 to index
      %swap3A_2210 = arith.constant 656 : index
      %swap3A_2211 = tpu.vector_load %arg9[%swap3A_2208, %swap3A_2209, %swap3A_2210] {strides = array<i32>} : memref<4x8x768xf32, #tpu.memory_space<vmem>>, vector<1x1x16xf32>,
      %swap3A_2212 = vector.shape_cast %swap3A_2211 : vector<1x1x16xf32> to vector<16xf32>
      %swap3A_2213 = vector.shape_cast %get3A_2206 : vector<16xf32> to vector<1x1x16xf32>
      tpu.vector_store %arg9[%swap3A_2208, %swap3A_2209, %swap3A_2210], %swap3A_2213 {strides = array<i32>} : memref<4x8x768xf32, #tpu.memory_space<vmem>>, vector<1x1x16xf32>,
      %get3A_2214 = arith.constant 3 : i32
      %get3A_2215 = arith.index_cast %get3A_2214 : i32 to index
      %get3A_2216 = arith.index_cast %scan3A_44 : i32 to index
      %get3A_2217 = arith.constant 656 : index
      %get3A_2218 = tpu.vector_load %arg7[%get3A_2215, %get3A_2216, %get3A_2217] {strides = array<i32>} : memref<4x8x768xf32, #tpu.memory_space<vmem>>, vector<1x1x16xf32>,
      %get3A_2219 = vector.shape_cast %get3A_2218 : vector<1x1x16xf32> to vector<16xf32>
      %swap3A_2220 = arith.constant 3 : i32
      %swap3A_2221 = arith.index_cast %swap3A_2220 : i32 to index
      %swap3A_2222 = arith.index_cast %scan3A_44 : i32 to index
      %swap3A_2223 = arith.constant 656 : index
      %swap3A_2224 = tpu.vector_load %arg9[%swap3A_2221, %swap3A_2222, %swap3A_2223] {strides = array<i32>} : memref<4x8x768xf32, #tpu.memory_space<vmem>>, vector<1x1x16xf32>,
      %swap3A_2225 = vector.shape_cast %swap3A_2224 : vector<1x1x16xf32> to vector<16xf32>
      %swap3A_2226 = vector.shape_cast %get3A_2219 : vector<16xf32> to vector<1x1x16xf32>
      tpu.vector_store %arg9[%swap3A_2221, %swap3A_2222, %swap3A_2223], %swap3A_2226 {strides = array<i32>} : memref<4x8x768xf32, #tpu.memory_space<vmem>>, vector<1x1x16xf32>,
      %get3A_2227 = arith.constant 0 : i32
      %get3A_2228 = arith.index_cast %get3A_2227 : i32 to index
      %get3A_2229 = arith.index_cast %scan3A_44 : i32 to index
      %get3A_2230 = arith.constant 672 : index
      %get3A_2231 = tpu.vector_load %arg7[%get3A_2228, %get3A_2229, %get3A_2230] {strides = array<i32>} : memref<4x8x768xf32, #tpu.memory_space<vmem>>, vector<1x1x16xf32>,
      %get3A_2232 = vector.shape_cast %get3A_2231 : vector<1x1x16xf32> to vector<16xf32>
      %swap3A_2233 = arith.constant 0 : i32
      %swap3A_2234 = arith.index_cast %swap3A_2233 : i32 to index
      %swap3A_2235 = arith.index_cast %scan3A_44 : i32 to index
      %swap3A_2236 = arith.constant 672 : index
      %swap3A_2237 = tpu.vector_load %arg9[%swap3A_2234, %swap3A_2235, %swap3A_2236] {strides = array<i32>} : memref<4x8x768xf32, #tpu.memory_space<vmem>>, vector<1x1x16xf32>,
      %swap3A_2238 = vector.shape_cast %swap3A_2237 : vector<1x1x16xf32> to vector<16xf32>
      %swap3A_2239 = vector.shape_cast %get3A_2232 : vector<16xf32> to vector<1x1x16xf32>
      tpu.vector_store %arg9[%swap3A_2234, %swap3A_2235, %swap3A_2236], %swap3A_2239 {strides = array<i32>} : memref<4x8x768xf32, #tpu.memory_space<vmem>>, vector<1x1x16xf32>,
      %get3A_2240 = arith.constant 1 : i32
      %get3A_2241 = arith.index_cast %get3A_2240 : i32 to index
      %get3A_2242 = arith.index_cast %scan3A_44 : i32 to index
      %get3A_2243 = arith.constant 672 : index
      %get3A_2244 = tpu.vector_load %arg7[%get3A_2241, %get3A_2242, %get3A_2243] {strides = array<i32>} : memref<4x8x768xf32, #tpu.memory_space<vmem>>, vector<1x1x16xf32>,
      %get3A_2245 = vector.shape_cast %get3A_2244 : vector<1x1x16xf32> to vector<16xf32>
      %swap3A_2246 = arith.constant 1 : i32
      %swap3A_2247 = arith.index_cast %swap3A_2246 : i32 to index
      %swap3A_2248 = arith.index_cast %scan3A_44 : i32 to index
      %swap3A_2249 = arith.constant 672 : index
      %swap3A_2250 = tpu.vector_load %arg9[%swap3A_2247, %swap3A_2248, %swap3A_2249] {strides = array<i32>} : memref<4x8x768xf32, #tpu.memory_space<vmem>>, vector<1x1x16xf32>,
      %swap3A_2251 = vector.shape_cast %swap3A_2250 : vector<1x1x16xf32> to vector<16xf32>
      %swap3A_2252 = vector.shape_cast %get3A_2245 : vector<16xf32> to vector<1x1x16xf32>
      tpu.vector_store %arg9[%swap3A_2247, %swap3A_2248, %swap3A_2249], %swap3A_2252 {strides = array<i32>} : memref<4x8x768xf32, #tpu.memory_space<vmem>>, vector<1x1x16xf32>,
      %get3A_2253 = arith.constant 2 : i32
      %get3A_2254 = arith.index_cast %get3A_2253 : i32 to index
      %get3A_2255 = arith.index_cast %scan3A_44 : i32 to index
      %get3A_2256 = arith.constant 672 : index
      %get3A_2257 = tpu.vector_load %arg7[%get3A_2254, %get3A_2255, %get3A_2256] {strides = array<i32>} : memref<4x8x768xf32, #tpu.memory_space<vmem>>, vector<1x1x16xf32>,
      %get3A_2258 = vector.shape_cast %get3A_2257 : vector<1x1x16xf32> to vector<16xf32>
      %swap3A_2259 = arith.constant 2 : i32
      %swap3A_2260 = arith.index_cast %swap3A_2259 : i32 to index
      %swap3A_2261 = arith.index_cast %scan3A_44 : i32 to index
      %swap3A_2262 = arith.constant 672 : index
      %swap3A_2263 = tpu.vector_load %arg9[%swap3A_2260, %swap3A_2261, %swap3A_2262] {strides = array<i32>} : memref<4x8x768xf32, #tpu.memory_space<vmem>>, vector<1x1x16xf32>,
      %swap3A_2264 = vector.shape_cast %swap3A_2263 : vector<1x1x16xf32> to vector<16xf32>
      %swap3A_2265 = vector.shape_cast %get3A_2258 : vector<16xf32> to vector<1x1x16xf32>
      tpu.vector_store %arg9[%swap3A_2260, %swap3A_2261, %swap3A_2262], %swap3A_2265 {strides = array<i32>} : memref<4x8x768xf32, #tpu.memory_space<vmem>>, vector<1x1x16xf32>,
      %get3A_2266 = arith.constant 3 : i32
      %get3A_2267 = arith.index_cast %get3A_2266 : i32 to index
      %get3A_2268 = arith.index_cast %scan3A_44 : i32 to index
      %get3A_2269 = arith.constant 672 : index
      %get3A_2270 = tpu.vector_load %arg7[%get3A_2267, %get3A_2268, %get3A_2269] {strides = array<i32>} : memref<4x8x768xf32, #tpu.memory_space<vmem>>, vector<1x1x16xf32>,
      %get3A_2271 = vector.shape_cast %get3A_2270 : vector<1x1x16xf32> to vector<16xf32>
      %swap3A_2272 = arith.constant 3 : i32
      %swap3A_2273 = arith.index_cast %swap3A_2272 : i32 to index
      %swap3A_2274 = arith.index_cast %scan3A_44 : i32 to index
      %swap3A_2275 = arith.constant 672 : index
      %swap3A_2276 = tpu.vector_load %arg9[%swap3A_2273, %swap3A_2274, %swap3A_2275] {strides = array<i32>} : memref<4x8x768xf32, #tpu.memory_space<vmem>>, vector<1x1x16xf32>,
      %swap3A_2277 = vector.shape_cast %swap3A_2276 : vector<1x1x16xf32> to vector<16xf32>
      %swap3A_2278 = vector.shape_cast %get3A_2271 : vector<16xf32> to vector<1x1x16xf32>
      tpu.vector_store %arg9[%swap3A_2273, %swap3A_2274, %swap3A_2275], %swap3A_2278 {strides = array<i32>} : memref<4x8x768xf32, #tpu.memory_space<vmem>>, vector<1x1x16xf32>,
      %get3A_2279 = arith.constant 0 : i32
      %get3A_2280 = arith.index_cast %get3A_2279 : i32 to index
      %get3A_2281 = arith.index_cast %scan3A_44 : i32 to index
      %get3A_2282 = arith.constant 688 : index
      %get3A_2283 = tpu.vector_load %arg7[%get3A_2280, %get3A_2281, %get3A_2282] {strides = array<i32>} : memref<4x8x768xf32, #tpu.memory_space<vmem>>, vector<1x1x16xf32>,
      %get3A_2284 = vector.shape_cast %get3A_2283 : vector<1x1x16xf32> to vector<16xf32>
      %swap3A_2285 = arith.constant 0 : i32
      %swap3A_2286 = arith.index_cast %swap3A_2285 : i32 to index
      %swap3A_2287 = arith.index_cast %scan3A_44 : i32 to index
      %swap3A_2288 = arith.constant 688 : index
      %swap3A_2289 = tpu.vector_load %arg9[%swap3A_2286, %swap3A_2287, %swap3A_2288] {strides = array<i32>} : memref<4x8x768xf32, #tpu.memory_space<vmem>>, vector<1x1x16xf32>,
      %swap3A_2290 = vector.shape_cast %swap3A_2289 : vector<1x1x16xf32> to vector<16xf32>
      %swap3A_2291 = vector.shape_cast %get3A_2284 : vector<16xf32> to vector<1x1x16xf32>
      tpu.vector_store %arg9[%swap3A_2286, %swap3A_2287, %swap3A_2288], %swap3A_2291 {strides = array<i32>} : memref<4x8x768xf32, #tpu.memory_space<vmem>>, vector<1x1x16xf32>,
      %get3A_2292 = arith.constant 1 : i32
      %get3A_2293 = arith.index_cast %get3A_2292 : i32 to index
      %get3A_2294 = arith.index_cast %scan3A_44 : i32 to index
      %get3A_2295 = arith.constant 688 : index
      %get3A_2296 = tpu.vector_load %arg7[%get3A_2293, %get3A_2294, %get3A_2295] {strides = array<i32>} : memref<4x8x768xf32, #tpu.memory_space<vmem>>, vector<1x1x16xf32>,
      %get3A_2297 = vector.shape_cast %get3A_2296 : vector<1x1x16xf32> to vector<16xf32>
      %swap3A_2298 = arith.constant 1 : i32
      %swap3A_2299 = arith.index_cast %swap3A_2298 : i32 to index
      %swap3A_2300 = arith.index_cast %scan3A_44 : i32 to index
      %swap3A_2301 = arith.constant 688 : index
      %swap3A_2302 = tpu.vector_load %arg9[%swap3A_2299, %swap3A_2300, %swap3A_2301] {strides = array<i32>} : memref<4x8x768xf32, #tpu.memory_space<vmem>>, vector<1x1x16xf32>,
      %swap3A_2303 = vector.shape_cast %swap3A_2302 : vector<1x1x16xf32> to vector<16xf32>
      %swap3A_2304 = vector.shape_cast %get3A_2297 : vector<16xf32> to vector<1x1x16xf32>
      tpu.vector_store %arg9[%swap3A_2299, %swap3A_2300, %swap3A_2301], %swap3A_2304 {strides = array<i32>} : memref<4x8x768xf32, #tpu.memory_space<vmem>>, vector<1x1x16xf32>,
      %get3A_2305 = arith.constant 2 : i32
      %get3A_2306 = arith.index_cast %get3A_2305 : i32 to index
      %get3A_2307 = arith.index_cast %scan3A_44 : i32 to index
      %get3A_2308 = arith.constant 688 : index
      %get3A_2309 = tpu.vector_load %arg7[%get3A_2306, %get3A_2307, %get3A_2308] {strides = array<i32>} : memref<4x8x768xf32, #tpu.memory_space<vmem>>, vector<1x1x16xf32>,
      %get3A_2310 = vector.shape_cast %get3A_2309 : vector<1x1x16xf32> to vector<16xf32>
      %swap3A_2311 = arith.constant 2 : i32
      %swap3A_2312 = arith.index_cast %swap3A_2311 : i32 to index
      %swap3A_2313 = arith.index_cast %scan3A_44 : i32 to index
      %swap3A_2314 = arith.constant 688 : index
      %swap3A_2315 = tpu.vector_load %arg9[%swap3A_2312, %swap3A_2313, %swap3A_2314] {strides = array<i32>} : memref<4x8x768xf32, #tpu.memory_space<vmem>>, vector<1x1x16xf32>,
      %swap3A_2316 = vector.shape_cast %swap3A_2315 : vector<1x1x16xf32> to vector<16xf32>
      %swap3A_2317 = vector.shape_cast %get3A_2310 : vector<16xf32> to vector<1x1x16xf32>
      tpu.vector_store %arg9[%swap3A_2312, %swap3A_2313, %swap3A_2314], %swap3A_2317 {strides = array<i32>} : memref<4x8x768xf32, #tpu.memory_space<vmem>>, vector<1x1x16xf32>,
      %get3A_2318 = arith.constant 3 : i32
      %get3A_2319 = arith.index_cast %get3A_2318 : i32 to index
      %get3A_2320 = arith.index_cast %scan3A_44 : i32 to index
      %get3A_2321 = arith.constant 688 : index
      %get3A_2322 = tpu.vector_load %arg7[%get3A_2319, %get3A_2320, %get3A_2321] {strides = array<i32>} : memref<4x8x768xf32, #tpu.memory_space<vmem>>, vector<1x1x16xf32>,
      %get3A_2323 = vector.shape_cast %get3A_2322 : vector<1x1x16xf32> to vector<16xf32>
      %swap3A_2324 = arith.constant 3 : i32
      %swap3A_2325 = arith.index_cast %swap3A_2324 : i32 to index
      %swap3A_2326 = arith.index_cast %scan3A_44 : i32 to index
      %swap3A_2327 = arith.constant 688 : index
      %swap3A_2328 = tpu.vector_load %arg9[%swap3A_2325, %swap3A_2326, %swap3A_2327] {strides = array<i32>} : memref<4x8x768xf32, #tpu.memory_space<vmem>>, vector<1x1x16xf32>,
      %swap3A_2329 = vector.shape_cast %swap3A_2328 : vector<1x1x16xf32> to vector<16xf32>
      %swap3A_2330 = vector.shape_cast %get3A_2323 : vector<16xf32> to vector<1x1x16xf32>
      tpu.vector_store %arg9[%swap3A_2325, %swap3A_2326, %swap3A_2327], %swap3A_2330 {strides = array<i32>} : memref<4x8x768xf32, #tpu.memory_space<vmem>>, vector<1x1x16xf32>,
      %get3A_2331 = arith.constant 0 : i32
      %get3A_2332 = arith.index_cast %get3A_2331 : i32 to index
      %get3A_2333 = arith.index_cast %scan3A_44 : i32 to index
      %get3A_2334 = arith.constant 704 : index
      %get3A_2335 = tpu.vector_load %arg7[%get3A_2332, %get3A_2333, %get3A_2334] {strides = array<i32>} : memref<4x8x768xf32, #tpu.memory_space<vmem>>, vector<1x1x16xf32>,
      %get3A_2336 = vector.shape_cast %get3A_2335 : vector<1x1x16xf32> to vector<16xf32>
      %swap3A_2337 = arith.constant 0 : i32
      %swap3A_2338 = arith.index_cast %swap3A_2337 : i32 to index
      %swap3A_2339 = arith.index_cast %scan3A_44 : i32 to index
      %swap3A_2340 = arith.constant 704 : index
      %swap3A_2341 = tpu.vector_load %arg9[%swap3A_2338, %swap3A_2339, %swap3A_2340] {strides = array<i32>} : memref<4x8x768xf32, #tpu.memory_space<vmem>>, vector<1x1x16xf32>,
      %swap3A_2342 = vector.shape_cast %swap3A_2341 : vector<1x1x16xf32> to vector<16xf32>
      %swap3A_2343 = vector.shape_cast %get3A_2336 : vector<16xf32> to vector<1x1x16xf32>
      tpu.vector_store %arg9[%swap3A_2338, %swap3A_2339, %swap3A_2340], %swap3A_2343 {strides = array<i32>} : memref<4x8x768xf32, #tpu.memory_space<vmem>>, vector<1x1x16xf32>,
      %get3A_2344 = arith.constant 1 : i32
      %get3A_2345 = arith.index_cast %get3A_2344 : i32 to index
      %get3A_2346 = arith.index_cast %scan3A_44 : i32 to index
      %get3A_2347 = arith.constant 704 : index
      %get3A_2348 = tpu.vector_load %arg7[%get3A_2345, %get3A_2346, %get3A_2347] {strides = array<i32>} : memref<4x8x768xf32, #tpu.memory_space<vmem>>, vector<1x1x16xf32>,
      %get3A_2349 = vector.shape_cast %get3A_2348 : vector<1x1x16xf32> to vector<16xf32>
      %swap3A_2350 = arith.constant 1 : i32
      %swap3A_2351 = arith.index_cast %swap3A_2350 : i32 to index
      %swap3A_2352 = arith.index_cast %scan3A_44 : i32 to index
      %swap3A_2353 = arith.constant 704 : index
      %swap3A_2354 = tpu.vector_load %arg9[%swap3A_2351, %swap3A_2352, %swap3A_2353] {strides = array<i32>} : memref<4x8x768xf32, #tpu.memory_space<vmem>>, vector<1x1x16xf32>,
      %swap3A_2355 = vector.shape_cast %swap3A_2354 : vector<1x1x16xf32> to vector<16xf32>
      %swap3A_2356 = vector.shape_cast %get3A_2349 : vector<16xf32> to vector<1x1x16xf32>
      tpu.vector_store %arg9[%swap3A_2351, %swap3A_2352, %swap3A_2353], %swap3A_2356 {strides = array<i32>} : memref<4x8x768xf32, #tpu.memory_space<vmem>>, vector<1x1x16xf32>,
      %get3A_2357 = arith.constant 2 : i32
      %get3A_2358 = arith.index_cast %get3A_2357 : i32 to index
      %get3A_2359 = arith.index_cast %scan3A_44 : i32 to index
      %get3A_2360 = arith.constant 704 : index
      %get3A_2361 = tpu.vector_load %arg7[%get3A_2358, %get3A_2359, %get3A_2360] {strides = array<i32>} : memref<4x8x768xf32, #tpu.memory_space<vmem>>, vector<1x1x16xf32>,
      %get3A_2362 = vector.shape_cast %get3A_2361 : vector<1x1x16xf32> to vector<16xf32>
      %swap3A_2363 = arith.constant 2 : i32
      %swap3A_2364 = arith.index_cast %swap3A_2363 : i32 to index
      %swap3A_2365 = arith.index_cast %scan3A_44 : i32 to index
      %swap3A_2366 = arith.constant 704 : index
      %swap3A_2367 = tpu.vector_load %arg9[%swap3A_2364, %swap3A_2365, %swap3A_2366] {strides = array<i32>} : memref<4x8x768xf32, #tpu.memory_space<vmem>>, vector<1x1x16xf32>,
      %swap3A_2368 = vector.shape_cast %swap3A_2367 : vector<1x1x16xf32> to vector<16xf32>
      %swap3A_2369 = vector.shape_cast %get3A_2362 : vector<16xf32> to vector<1x1x16xf32>
      tpu.vector_store %arg9[%swap3A_2364, %swap3A_2365, %swap3A_2366], %swap3A_2369 {strides = array<i32>} : memref<4x8x768xf32, #tpu.memory_space<vmem>>, vector<1x1x16xf32>,
      %get3A_2370 = arith.constant 3 : i32
      %get3A_2371 = arith.index_cast %get3A_2370 : i32 to index
      %get3A_2372 = arith.index_cast %scan3A_44 : i32 to index
      %get3A_2373 = arith.constant 704 : index
      %get3A_2374 = tpu.vector_load %arg7[%get3A_2371, %get3A_2372, %get3A_2373] {strides = array<i32>} : memref<4x8x768xf32, #tpu.memory_space<vmem>>, vector<1x1x16xf32>,
      %get3A_2375 = vector.shape_cast %get3A_2374 : vector<1x1x16xf32> to vector<16xf32>
      %swap3A_2376 = arith.constant 3 : i32
      %swap3A_2377 = arith.index_cast %swap3A_2376 : i32 to index
      %swap3A_2378 = arith.index_cast %scan3A_44 : i32 to index
      %swap3A_2379 = arith.constant 704 : index
      %swap3A_2380 = tpu.vector_load %arg9[%swap3A_2377, %swap3A_2378, %swap3A_2379] {strides = array<i32>} : memref<4x8x768xf32, #tpu.memory_space<vmem>>, vector<1x1x16xf32>,
      %swap3A_2381 = vector.shape_cast %swap3A_2380 : vector<1x1x16xf32> to vector<16xf32>
      %swap3A_2382 = vector.shape_cast %get3A_2375 : vector<16xf32> to vector<1x1x16xf32>
      tpu.vector_store %arg9[%swap3A_2377, %swap3A_2378, %swap3A_2379], %swap3A_2382 {strides = array<i32>} : memref<4x8x768xf32, #tpu.memory_space<vmem>>, vector<1x1x16xf32>,
      %get3A_2383 = arith.constant 0 : i32
      %get3A_2384 = arith.index_cast %get3A_2383 : i32 to index
      %get3A_2385 = arith.index_cast %scan3A_44 : i32 to index
      %get3A_2386 = arith.constant 720 : index
      %get3A_2387 = tpu.vector_load %arg7[%get3A_2384, %get3A_2385, %get3A_2386] {strides = array<i32>} : memref<4x8x768xf32, #tpu.memory_space<vmem>>, vector<1x1x16xf32>,
      %get3A_2388 = vector.shape_cast %get3A_2387 : vector<1x1x16xf32> to vector<16xf32>
      %swap3A_2389 = arith.constant 0 : i32
      %swap3A_2390 = arith.index_cast %swap3A_2389 : i32 to index
      %swap3A_2391 = arith.index_cast %scan3A_44 : i32 to index
      %swap3A_2392 = arith.constant 720 : index
      %swap3A_2393 = tpu.vector_load %arg9[%swap3A_2390, %swap3A_2391, %swap3A_2392] {strides = array<i32>} : memref<4x8x768xf32, #tpu.memory_space<vmem>>, vector<1x1x16xf32>,
      %swap3A_2394 = vector.shape_cast %swap3A_2393 : vector<1x1x16xf32> to vector<16xf32>
      %swap3A_2395 = vector.shape_cast %get3A_2388 : vector<16xf32> to vector<1x1x16xf32>
      tpu.vector_store %arg9[%swap3A_2390, %swap3A_2391, %swap3A_2392], %swap3A_2395 {strides = array<i32>} : memref<4x8x768xf32, #tpu.memory_space<vmem>>, vector<1x1x16xf32>,
      %get3A_2396 = arith.constant 1 : i32
      %get3A_2397 = arith.index_cast %get3A_2396 : i32 to index
      %get3A_2398 = arith.index_cast %scan3A_44 : i32 to index
      %get3A_2399 = arith.constant 720 : index
      %get3A_2400 = tpu.vector_load %arg7[%get3A_2397, %get3A_2398, %get3A_2399] {strides = array<i32>} : memref<4x8x768xf32, #tpu.memory_space<vmem>>, vector<1x1x16xf32>,
      %get3A_2401 = vector.shape_cast %get3A_2400 : vector<1x1x16xf32> to vector<16xf32>
      %swap3A_2402 = arith.constant 1 : i32
      %swap3A_2403 = arith.index_cast %swap3A_2402 : i32 to index
      %swap3A_2404 = arith.index_cast %scan3A_44 : i32 to index
      %swap3A_2405 = arith.constant 720 : index
      %swap3A_2406 = tpu.vector_load %arg9[%swap3A_2403, %swap3A_2404, %swap3A_2405] {strides = array<i32>} : memref<4x8x768xf32, #tpu.memory_space<vmem>>, vector<1x1x16xf32>,
      %swap3A_2407 = vector.shape_cast %swap3A_2406 : vector<1x1x16xf32> to vector<16xf32>
      %swap3A_2408 = vector.shape_cast %get3A_2401 : vector<16xf32> to vector<1x1x16xf32>
      tpu.vector_store %arg9[%swap3A_2403, %swap3A_2404, %swap3A_2405], %swap3A_2408 {strides = array<i32>} : memref<4x8x768xf32, #tpu.memory_space<vmem>>, vector<1x1x16xf32>,
      %get3A_2409 = arith.constant 2 : i32
      %get3A_2410 = arith.index_cast %get3A_2409 : i32 to index
      %get3A_2411 = arith.index_cast %scan3A_44 : i32 to index
      %get3A_2412 = arith.constant 720 : index
      %get3A_2413 = tpu.vector_load %arg7[%get3A_2410, %get3A_2411, %get3A_2412] {strides = array<i32>} : memref<4x8x768xf32, #tpu.memory_space<vmem>>, vector<1x1x16xf32>,
      %get3A_2414 = vector.shape_cast %get3A_2413 : vector<1x1x16xf32> to vector<16xf32>
      %swap3A_2415 = arith.constant 2 : i32
      %swap3A_2416 = arith.index_cast %swap3A_2415 : i32 to index
      %swap3A_2417 = arith.index_cast %scan3A_44 : i32 to index
      %swap3A_2418 = arith.constant 720 : index
      %swap3A_2419 = tpu.vector_load %arg9[%swap3A_2416, %swap3A_2417, %swap3A_2418] {strides = array<i32>} : memref<4x8x768xf32, #tpu.memory_space<vmem>>, vector<1x1x16xf32>,
      %swap3A_2420 = vector.shape_cast %swap3A_2419 : vector<1x1x16xf32> to vector<16xf32>
      %swap3A_2421 = vector.shape_cast %get3A_2414 : vector<16xf32> to vector<1x1x16xf32>
      tpu.vector_store %arg9[%swap3A_2416, %swap3A_2417, %swap3A_2418], %swap3A_2421 {strides = array<i32>} : memref<4x8x768xf32, #tpu.memory_space<vmem>>, vector<1x1x16xf32>,
      %get3A_2422 = arith.constant 3 : i32
      %get3A_2423 = arith.index_cast %get3A_2422 : i32 to index
      %get3A_2424 = arith.index_cast %scan3A_44 : i32 to index
      %get3A_2425 = arith.constant 720 : index
      %get3A_2426 = tpu.vector_load %arg7[%get3A_2423, %get3A_2424, %get3A_2425] {strides = array<i32>} : memref<4x8x768xf32, #tpu.memory_space<vmem>>, vector<1x1x16xf32>,
      %get3A_2427 = vector.shape_cast %get3A_2426 : vector<1x1x16xf32> to vector<16xf32>
      %swap3A_2428 = arith.constant 3 : i32
      %swap3A_2429 = arith.index_cast %swap3A_2428 : i32 to index
      %swap3A_2430 = arith.index_cast %scan3A_44 : i32 to index
      %swap3A_2431 = arith.constant 720 : index
      %swap3A_2432 = tpu.vector_load %arg9[%swap3A_2429, %swap3A_2430, %swap3A_2431] {strides = array<i32>} : memref<4x8x768xf32, #tpu.memory_space<vmem>>, vector<1x1x16xf32>,
      %swap3A_2433 = vector.shape_cast %swap3A_2432 : vector<1x1x16xf32> to vector<16xf32>
      %swap3A_2434 = vector.shape_cast %get3A_2427 : vector<16xf32> to vector<1x1x16xf32>
      tpu.vector_store %arg9[%swap3A_2429, %swap3A_2430, %swap3A_2431], %swap3A_2434 {strides = array<i32>} : memref<4x8x768xf32, #tpu.memory_space<vmem>>, vector<1x1x16xf32>,
      %get3A_2435 = arith.constant 0 : i32
      %get3A_2436 = arith.index_cast %get3A_2435 : i32 to index
      %get3A_2437 = arith.index_cast %scan3A_44 : i32 to index
      %get3A_2438 = arith.constant 736 : index
      %get3A_2439 = tpu.vector_load %arg7[%get3A_2436, %get3A_2437, %get3A_2438] {strides = array<i32>} : memref<4x8x768xf32, #tpu.memory_space<vmem>>, vector<1x1x16xf32>,
      %get3A_2440 = vector.shape_cast %get3A_2439 : vector<1x1x16xf32> to vector<16xf32>
      %swap3A_2441 = arith.constant 0 : i32
      %swap3A_2442 = arith.index_cast %swap3A_2441 : i32 to index
      %swap3A_2443 = arith.index_cast %scan3A_44 : i32 to index
      %swap3A_2444 = arith.constant 736 : index
      %swap3A_2445 = tpu.vector_load %arg9[%swap3A_2442, %swap3A_2443, %swap3A_2444] {strides = array<i32>} : memref<4x8x768xf32, #tpu.memory_space<vmem>>, vector<1x1x16xf32>,
      %swap3A_2446 = vector.shape_cast %swap3A_2445 : vector<1x1x16xf32> to vector<16xf32>
      %swap3A_2447 = vector.shape_cast %get3A_2440 : vector<16xf32> to vector<1x1x16xf32>
      tpu.vector_store %arg9[%swap3A_2442, %swap3A_2443, %swap3A_2444], %swap3A_2447 {strides = array<i32>} : memref<4x8x768xf32, #tpu.memory_space<vmem>>, vector<1x1x16xf32>,
      %get3A_2448 = arith.constant 1 : i32
      %get3A_2449 = arith.index_cast %get3A_2448 : i32 to index
      %get3A_2450 = arith.index_cast %scan3A_44 : i32 to index
      %get3A_2451 = arith.constant 736 : index
      %get3A_2452 = tpu.vector_load %arg7[%get3A_2449, %get3A_2450, %get3A_2451] {strides = array<i32>} : memref<4x8x768xf32, #tpu.memory_space<vmem>>, vector<1x1x16xf32>,
      %get3A_2453 = vector.shape_cast %get3A_2452 : vector<1x1x16xf32> to vector<16xf32>
      %swap3A_2454 = arith.constant 1 : i32
      %swap3A_2455 = arith.index_cast %swap3A_2454 : i32 to index
      %swap3A_2456 = arith.index_cast %scan3A_44 : i32 to index
      %swap3A_2457 = arith.constant 736 : index
      %swap3A_2458 = tpu.vector_load %arg9[%swap3A_2455, %swap3A_2456, %swap3A_2457] {strides = array<i32>} : memref<4x8x768xf32, #tpu.memory_space<vmem>>, vector<1x1x16xf32>,
      %swap3A_2459 = vector.shape_cast %swap3A_2458 : vector<1x1x16xf32> to vector<16xf32>
      %swap3A_2460 = vector.shape_cast %get3A_2453 : vector<16xf32> to vector<1x1x16xf32>
      tpu.vector_store %arg9[%swap3A_2455, %swap3A_2456, %swap3A_2457], %swap3A_2460 {strides = array<i32>} : memref<4x8x768xf32, #tpu.memory_space<vmem>>, vector<1x1x16xf32>,
      %get3A_2461 = arith.constant 2 : i32
      %get3A_2462 = arith.index_cast %get3A_2461 : i32 to index
      %get3A_2463 = arith.index_cast %scan3A_44 : i32 to index
      %get3A_2464 = arith.constant 736 : index
      %get3A_2465 = tpu.vector_load %arg7[%get3A_2462, %get3A_2463, %get3A_2464] {strides = array<i32>} : memref<4x8x768xf32, #tpu.memory_space<vmem>>, vector<1x1x16xf32>,
      %get3A_2466 = vector.shape_cast %get3A_2465 : vector<1x1x16xf32> to vector<16xf32>
      %swap3A_2467 = arith.constant 2 : i32
      %swap3A_2468 = arith.index_cast %swap3A_2467 : i32 to index
      %swap3A_2469 = arith.index_cast %scan3A_44 : i32 to index
      %swap3A_2470 = arith.constant 736 : index
      %swap3A_2471 = tpu.vector_load %arg9[%swap3A_2468, %swap3A_2469, %swap3A_2470] {strides = array<i32>} : memref<4x8x768xf32, #tpu.memory_space<vmem>>, vector<1x1x16xf32>,
      %swap3A_2472 = vector.shape_cast %swap3A_2471 : vector<1x1x16xf32> to vector<16xf32>
      %swap3A_2473 = vector.shape_cast %get3A_2466 : vector<16xf32> to vector<1x1x16xf32>
      tpu.vector_store %arg9[%swap3A_2468, %swap3A_2469, %swap3A_2470], %swap3A_2473 {strides = array<i32>} : memref<4x8x768xf32, #tpu.memory_space<vmem>>, vector<1x1x16xf32>,
      %get3A_2474 = arith.constant 3 : i32
      %get3A_2475 = arith.index_cast %get3A_2474 : i32 to index
      %get3A_2476 = arith.index_cast %scan3A_44 : i32 to index
      %get3A_2477 = arith.constant 736 : index
      %get3A_2478 = tpu.vector_load %arg7[%get3A_2475, %get3A_2476, %get3A_2477] {strides = array<i32>} : memref<4x8x768xf32, #tpu.memory_space<vmem>>, vector<1x1x16xf32>,
      %get3A_2479 = vector.shape_cast %get3A_2478 : vector<1x1x16xf32> to vector<16xf32>
      %swap3A_2480 = arith.constant 3 : i32
      %swap3A_2481 = arith.index_cast %swap3A_2480 : i32 to index
      %swap3A_2482 = arith.index_cast %scan3A_44 : i32 to index
      %swap3A_2483 = arith.constant 736 : index
      %swap3A_2484 = tpu.vector_load %arg9[%swap3A_2481, %swap3A_2482, %swap3A_2483] {strides = array<i32>} : memref<4x8x768xf32, #tpu.memory_space<vmem>>, vector<1x1x16xf32>,
      %swap3A_2485 = vector.shape_cast %swap3A_2484 : vector<1x1x16xf32> to vector<16xf32>
      %swap3A_2486 = vector.shape_cast %get3A_2479 : vector<16xf32> to vector<1x1x16xf32>
      tpu.vector_store %arg9[%swap3A_2481, %swap3A_2482, %swap3A_2483], %swap3A_2486 {strides = array<i32>} : memref<4x8x768xf32, #tpu.memory_space<vmem>>, vector<1x1x16xf32>,
      %get3A_2487 = arith.constant 0 : i32
      %get3A_2488 = arith.index_cast %get3A_2487 : i32 to index
      %get3A_2489 = arith.index_cast %scan3A_44 : i32 to index
      %get3A_2490 = arith.constant 752 : index
      %get3A_2491 = tpu.vector_load %arg7[%get3A_2488, %get3A_2489, %get3A_2490] {strides = array<i32>} : memref<4x8x768xf32, #tpu.memory_space<vmem>>, vector<1x1x16xf32>,
      %get3A_2492 = vector.shape_cast %get3A_2491 : vector<1x1x16xf32> to vector<16xf32>
      %swap3A_2493 = arith.constant 0 : i32
      %swap3A_2494 = arith.index_cast %swap3A_2493 : i32 to index
      %swap3A_2495 = arith.index_cast %scan3A_44 : i32 to index
      %swap3A_2496 = arith.constant 752 : index
      %swap3A_2497 = tpu.vector_load %arg9[%swap3A_2494, %swap3A_2495, %swap3A_2496] {strides = array<i32>} : memref<4x8x768xf32, #tpu.memory_space<vmem>>, vector<1x1x16xf32>,
      %swap3A_2498 = vector.shape_cast %swap3A_2497 : vector<1x1x16xf32> to vector<16xf32>
      %swap3A_2499 = vector.shape_cast %get3A_2492 : vector<16xf32> to vector<1x1x16xf32>
      tpu.vector_store %arg9[%swap3A_2494, %swap3A_2495, %swap3A_2496], %swap3A_2499 {strides = array<i32>} : memref<4x8x768xf32, #tpu.memory_space<vmem>>, vector<1x1x16xf32>,
      %get3A_2500 = arith.constant 1 : i32
      %get3A_2501 = arith.index_cast %get3A_2500 : i32 to index
      %get3A_2502 = arith.index_cast %scan3A_44 : i32 to index
      %get3A_2503 = arith.constant 752 : index
      %get3A_2504 = tpu.vector_load %arg7[%get3A_2501, %get3A_2502, %get3A_2503] {strides = array<i32>} : memref<4x8x768xf32, #tpu.memory_space<vmem>>, vector<1x1x16xf32>,
      %get3A_2505 = vector.shape_cast %get3A_2504 : vector<1x1x16xf32> to vector<16xf32>
      %swap3A_2506 = arith.constant 1 : i32
      %swap3A_2507 = arith.index_cast %swap3A_2506 : i32 to index
      %swap3A_2508 = arith.index_cast %scan3A_44 : i32 to index
      %swap3A_2509 = arith.constant 752 : index
      %swap3A_2510 = tpu.vector_load %arg9[%swap3A_2507, %swap3A_2508, %swap3A_2509] {strides = array<i32>} : memref<4x8x768xf32, #tpu.memory_space<vmem>>, vector<1x1x16xf32>,
      %swap3A_2511 = vector.shape_cast %swap3A_2510 : vector<1x1x16xf32> to vector<16xf32>
      %swap3A_2512 = vector.shape_cast %get3A_2505 : vector<16xf32> to vector<1x1x16xf32>
      tpu.vector_store %arg9[%swap3A_2507, %swap3A_2508, %swap3A_2509], %swap3A_2512 {strides = array<i32>} : memref<4x8x768xf32, #tpu.memory_space<vmem>>, vector<1x1x16xf32>,
      %get3A_2513 = arith.constant 2 : i32
      %get3A_2514 = arith.index_cast %get3A_2513 : i32 to index
      %get3A_2515 = arith.index_cast %scan3A_44 : i32 to index
      %get3A_2516 = arith.constant 752 : index
      %get3A_2517 = tpu.vector_load %arg7[%get3A_2514, %get3A_2515, %get3A_2516] {strides = array<i32>} : memref<4x8x768xf32, #tpu.memory_space<vmem>>, vector<1x1x16xf32>,
      %get3A_2518 = vector.shape_cast %get3A_2517 : vector<1x1x16xf32> to vector<16xf32>
      %swap3A_2519 = arith.constant 2 : i32
      %swap3A_2520 = arith.index_cast %swap3A_2519 : i32 to index
      %swap3A_2521 = arith.index_cast %scan3A_44 : i32 to index
      %swap3A_2522 = arith.constant 752 : index
      %swap3A_2523 = tpu.vector_load %arg9[%swap3A_2520, %swap3A_2521, %swap3A_2522] {strides = array<i32>} : memref<4x8x768xf32, #tpu.memory_space<vmem>>, vector<1x1x16xf32>,
      %swap3A_2524 = vector.shape_cast %swap3A_2523 : vector<1x1x16xf32> to vector<16xf32>
      %swap3A_2525 = vector.shape_cast %get3A_2518 : vector<16xf32> to vector<1x1x16xf32>
      tpu.vector_store %arg9[%swap3A_2520, %swap3A_2521, %swap3A_2522], %swap3A_2525 {strides = array<i32>} : memref<4x8x768xf32, #tpu.memory_space<vmem>>, vector<1x1x16xf32>,
      %get3A_2526 = arith.constant 3 : i32
      %get3A_2527 = arith.index_cast %get3A_2526 : i32 to index
      %get3A_2528 = arith.index_cast %scan3A_44 : i32 to index
      %get3A_2529 = arith.constant 752 : index
      %get3A_2530 = tpu.vector_load %arg7[%get3A_2527, %get3A_2528, %get3A_2529] {strides = array<i32>} : memref<4x8x768xf32, #tpu.memory_space<vmem>>, vector<1x1x16xf32>,
      %get3A_2531 = vector.shape_cast %get3A_2530 : vector<1x1x16xf32> to vector<16xf32>
      %swap3A_2532 = arith.constant 3 : i32
      %swap3A_2533 = arith.index_cast %swap3A_2532 : i32 to index
      %swap3A_2534 = arith.index_cast %scan3A_44 : i32 to index
      %swap3A_2535 = arith.constant 752 : index
      %swap3A_2536 = tpu.vector_load %arg9[%swap3A_2533, %swap3A_2534, %swap3A_2535] {strides = array<i32>} : memref<4x8x768xf32, #tpu.memory_space<vmem>>, vector<1x1x16xf32>,
      %swap3A_2537 = vector.shape_cast %swap3A_2536 : vector<1x1x16xf32> to vector<16xf32>
      %swap3A_2538 = vector.shape_cast %get3A_2531 : vector<16xf32> to vector<1x1x16xf32>
      tpu.vector_store %arg9[%swap3A_2533, %swap3A_2534, %swap3A_2535], %swap3A_2538 {strides = array<i32>} : memref<4x8x768xf32, #tpu.memory_space<vmem>>, vector<1x1x16xf32>,
      %scan3A_2539 = arith.constant 1 : i32
      %mul3A_2540 = arith.constant 8 : i32
      %mul3A_2541 = arith.muli %add3A_34, %mul3A_2540 : i32
      %dma_start3A_2542 = arith.constant 0 : i32
      %dma_start3A_2543 = tpu.memref_slice %arg4[%mul3A_2, %mul3A_2541, %dma_start3A_2542] : memref<128x576x768xf32, #tpu.memory_space<hbm>> -> memref<4x8x768xf32, #tpu.memory_space<hbm>>
      %dma_start3A_2544 = arith.constant 0 : i32
      %dma_start3A_2545 = tpu.memref_slice %arg4[%mul3A_2, %mul3A_2541, %dma_start3A_2544] : memref<128x576x768xf32, #tpu.memory_space<hbm>> -> memref<4x8x768xf32, #tpu.memory_space<hbm>>
      tpu.enqueue_dma source(%arg9 : memref<4x8x768xf32, #tpu.memory_space<vmem>>) target(%dma_start3A_2545 : memref<4x8x768xf32, #tpu.memory_space<hbm>>) target_semaphore(%arg15 : memref<!tpu.dma_semaphore, #tpu.memory_space<semaphore_mem>>)
      %add3A_2546 = arith.constant 2 : i32
      %add3A_2547 = arith.addi %add3A_34, %add3A_2546 : i32
      %lt3A = arith.constant 72 : i32
      %lt3A_2548 = arith.cmpi slt, %add3A_2547, %lt3A : i32
      %convert_element_type3A_2549 = arith.extui %lt3A_2548 : i1 to i32
      %cond3A_2550 = arith.constant 0 : i32
      %cond3A_2551 = arith.cmpi ne, %convert_element_type3A_2549, %cond3A_2550 : i32
      scf.if %cond3A_2551 {
        %add3A_5079 = arith.constant 2 : i32
        %add3A_5080 = arith.addi %add3A_34, %add3A_5079 : i32
        %mul3A_5081 = arith.constant 8 : i32
        %mul3A_5082 = arith.muli %add3A_5080, %mul3A_5081 : i32
        %dma_start3A_5083 = arith.constant 0 : i32
        %dma_start3A_5084 = tpu.memref_slice %arg2[%mul3A_2, %mul3A_5082, %dma_start3A_5083] : memref<128x576x768xf32, #tpu.memory_space<hbm>> -> memref<4x8x768xf32, #tpu.memory_space<hbm>>
        %dma_start3A_5085 = arith.constant 0 : i32
        %dma_start3A_5086 = tpu.memref_slice %arg2[%mul3A_2, %mul3A_5082, %dma_start3A_5085] : memref<128x576x768xf32, #tpu.memory_space<hbm>> -> memref<4x8x768xf32, #tpu.memory_space<hbm>>
        tpu.enqueue_dma source(%dma_start3A_5086 : memref<4x8x768xf32, #tpu.memory_space<hbm>>) target(%arg7 : memref<4x8x768xf32, #tpu.memory_space<vmem>>) target_semaphore(%arg13 : memref<!tpu.dma_semaphore, #tpu.memory_space<semaphore_mem>>)
      } else {
      }
      %mul3A_2552 = arith.constant 2 : i32
      %mul3A_2553 = arith.muli %scan3A_30, %mul3A_2552 : i32
      %add3A_2554 = arith.constant 1 : i32
      %add3A_2555 = arith.addi %mul3A_2553, %add3A_2554 : i32
      %mul3A_2556 = arith.constant 8 : i32
      %mul3A_2557 = arith.muli %add3A_2555, %mul3A_2556 : i32
      %dma_wait3A_2558 = arith.constant 0 : i32
      %dma_wait3A_2559 = tpu.memref_slice %arg2[%mul3A_2, %mul3A_2557, %dma_wait3A_2558] : memref<128x576x768xf32, #tpu.memory_space<hbm>> -> memref<4x8x768xf32, #tpu.memory_space<hbm>>
      %dma_wait3A_2560 = arith.constant 0 : i32
      %dma_wait3A_2561 = tpu.memref_slice %arg2[%mul3A_2, %mul3A_2557, %dma_wait3A_2560] : memref<128x576x768xf32, #tpu.memory_space<hbm>> -> memref<4x8x768xf32, #tpu.memory_space<hbm>>
      tpu.wait_dma2 semaphore(%arg14 : memref<!tpu.dma_semaphore, #tpu.memory_space<semaphore_mem>>) src(%dma_wait3A_2561 : memref<4x8x768xf32, #tpu.memory_space<hbm>>) dst(%arg8 : memref<4x8x768xf32, #tpu.memory_space<vmem>>)
      %ge3A_2562 = arith.constant 2 : i32
      %ge3A_2563 = arith.cmpi sge, %add3A_2555, %ge3A_2562 : i32
      %convert_element_type3A_2564 = arith.extui %ge3A_2563 : i1 to i32
      %cond3A_2565 = arith.constant 0 : i32
      %cond3A_2566 = arith.cmpi ne, %convert_element_type3A_2564, %cond3A_2565 : i32
      scf.if %cond3A_2566 {
        %sub3A = arith.constant 2 : i32
        %sub3A_5079 = arith.subi %add3A_2555, %sub3A : i32
        %mul3A_5080 = arith.constant 8 : i32
        %mul3A_5081 = arith.muli %sub3A_5079, %mul3A_5080 : i32
        %dma_wait3A_5082 = arith.constant 0 : i32
        %dma_wait3A_5083 = tpu.memref_slice %arg4[%mul3A_2, %mul3A_5081, %dma_wait3A_5082] : memref<128x576x768xf32, #tpu.memory_space<hbm>> -> memref<4x8x768xf32, #tpu.memory_space<hbm>>
        %dma_wait3A_5084 = arith.constant 0 : i32
        %dma_wait3A_5085 = tpu.memref_slice %arg4[%mul3A_2, %mul3A_5081, %dma_wait3A_5084] : memref<128x576x768xf32, #tpu.memory_space<hbm>> -> memref<4x8x768xf32, #tpu.memory_space<hbm>>
        tpu.wait_dma2 semaphore(%arg16 : memref<!tpu.dma_semaphore, #tpu.memory_space<semaphore_mem>>) src(%arg10 : memref<4x8x768xf32, #tpu.memory_space<vmem>>) dst(%dma_wait3A_5085 : memref<4x8x768xf32, #tpu.memory_space<hbm>>)
      } else {
      }
      %scan3A_2567 = arith.constant 0 : i32
      %scan3A_2568 = arith.constant 0 : i32
      %get3A_2569 = arith.constant 0 : i32
      %get3A_2570 = arith.index_cast %get3A_2569 : i32 to index
      %get3A_2571 = arith.index_cast %scan3A_2568 : i32 to index
      %get3A_2572 = arith.constant 0 : index
      %get3A_2573 = tpu.vector_load %arg8[%get3A_2570, %get3A_2571, %get3A_2572] {strides = array<i32>} : memref<4x8x768xf32, #tpu.memory_space<vmem>>, vector<1x1x16xf32>,
      %get3A_2574 = vector.shape_cast %get3A_2573 : vector<1x1x16xf32> to vector<16xf32>
      %swap3A_2575 = arith.constant 0 : i32
      %swap3A_2576 = arith.index_cast %swap3A_2575 : i32 to index
      %swap3A_2577 = arith.index_cast %scan3A_2568 : i32 to index
      %swap3A_2578 = arith.constant 0 : index
      %swap3A_2579 = tpu.vector_load %arg10[%swap3A_2576, %swap3A_2577, %swap3A_2578] {strides = array<i32>} : memref<4x8x768xf32, #tpu.memory_space<vmem>>, vector<1x1x16xf32>,
      %swap3A_2580 = vector.shape_cast %swap3A_2579 : vector<1x1x16xf32> to vector<16xf32>
      %swap3A_2581 = vector.shape_cast %get3A_2574 : vector<16xf32> to vector<1x1x16xf32>
      tpu.vector_store %arg10[%swap3A_2576, %swap3A_2577, %swap3A_2578], %swap3A_2581 {strides = array<i32>} : memref<4x8x768xf32, #tpu.memory_space<vmem>>, vector<1x1x16xf32>,
      %get3A_2582 = arith.constant 1 : i32
      %get3A_2583 = arith.index_cast %get3A_2582 : i32 to index
      %get3A_2584 = arith.index_cast %scan3A_2568 : i32 to index
      %get3A_2585 = arith.constant 0 : index
      %get3A_2586 = tpu.vector_load %arg8[%get3A_2583, %get3A_2584, %get3A_2585] {strides = array<i32>} : memref<4x8x768xf32, #tpu.memory_space<vmem>>, vector<1x1x16xf32>,
      %get3A_2587 = vector.shape_cast %get3A_2586 : vector<1x1x16xf32> to vector<16xf32>
      %swap3A_2588 = arith.constant 1 : i32
      %swap3A_2589 = arith.index_cast %swap3A_2588 : i32 to index
      %swap3A_2590 = arith.index_cast %scan3A_2568 : i32 to index
      %swap3A_2591 = arith.constant 0 : index
      %swap3A_2592 = tpu.vector_load %arg10[%swap3A_2589, %swap3A_2590, %swap3A_2591] {strides = array<i32>} : memref<4x8x768xf32, #tpu.memory_space<vmem>>, vector<1x1x16xf32>,
      %swap3A_2593 = vector.shape_cast %swap3A_2592 : vector<1x1x16xf32> to vector<16xf32>
      %swap3A_2594 = vector.shape_cast %get3A_2587 : vector<16xf32> to vector<1x1x16xf32>
      tpu.vector_store %arg10[%swap3A_2589, %swap3A_2590, %swap3A_2591], %swap3A_2594 {strides = array<i32>} : memref<4x8x768xf32, #tpu.memory_space<vmem>>, vector<1x1x16xf32>,
      %get3A_2595 = arith.constant 2 : i32
      %get3A_2596 = arith.index_cast %get3A_2595 : i32 to index
      %get3A_2597 = arith.index_cast %scan3A_2568 : i32 to index
      %get3A_2598 = arith.constant 0 : index
      %get3A_2599 = tpu.vector_load %arg8[%get3A_2596, %get3A_2597, %get3A_2598] {strides = array<i32>} : memref<4x8x768xf32, #tpu.memory_space<vmem>>, vector<1x1x16xf32>,
      %get3A_2600 = vector.shape_cast %get3A_2599 : vector<1x1x16xf32> to vector<16xf32>
      %swap3A_2601 = arith.constant 2 : i32
      %swap3A_2602 = arith.index_cast %swap3A_2601 : i32 to index
      %swap3A_2603 = arith.index_cast %scan3A_2568 : i32 to index
      %swap3A_2604 = arith.constant 0 : index
      %swap3A_2605 = tpu.vector_load %arg10[%swap3A_2602, %swap3A_2603, %swap3A_2604] {strides = array<i32>} : memref<4x8x768xf32, #tpu.memory_space<vmem>>, vector<1x1x16xf32>,
      %swap3A_2606 = vector.shape_cast %swap3A_2605 : vector<1x1x16xf32> to vector<16xf32>
      %swap3A_2607 = vector.shape_cast %get3A_2600 : vector<16xf32> to vector<1x1x16xf32>
      tpu.vector_store %arg10[%swap3A_2602, %swap3A_2603, %swap3A_2604], %swap3A_2607 {strides = array<i32>} : memref<4x8x768xf32, #tpu.memory_space<vmem>>, vector<1x1x16xf32>,
      %get3A_2608 = arith.constant 3 : i32
      %get3A_2609 = arith.index_cast %get3A_2608 : i32 to index
      %get3A_2610 = arith.index_cast %scan3A_2568 : i32 to index
      %get3A_2611 = arith.constant 0 : index
      %get3A_2612 = tpu.vector_load %arg8[%get3A_2609, %get3A_2610, %get3A_2611] {strides = array<i32>} : memref<4x8x768xf32, #tpu.memory_space<vmem>>, vector<1x1x16xf32>,
      %get3A_2613 = vector.shape_cast %get3A_2612 : vector<1x1x16xf32> to vector<16xf32>
      %swap3A_2614 = arith.constant 3 : i32
      %swap3A_2615 = arith.index_cast %swap3A_2614 : i32 to index
      %swap3A_2616 = arith.index_cast %scan3A_2568 : i32 to index
      %swap3A_2617 = arith.constant 0 : index
      %swap3A_2618 = tpu.vector_load %arg10[%swap3A_2615, %swap3A_2616, %swap3A_2617] {strides = array<i32>} : memref<4x8x768xf32, #tpu.memory_space<vmem>>, vector<1x1x16xf32>,
      %swap3A_2619 = vector.shape_cast %swap3A_2618 : vector<1x1x16xf32> to vector<16xf32>
      %swap3A_2620 = vector.shape_cast %get3A_2613 : vector<16xf32> to vector<1x1x16xf32>
      tpu.vector_store %arg10[%swap3A_2615, %swap3A_2616, %swap3A_2617], %swap3A_2620 {strides = array<i32>} : memref<4x8x768xf32, #tpu.memory_space<vmem>>, vector<1x1x16xf32>,
      %get3A_2621 = arith.constant 0 : i32
      %get3A_2622 = arith.index_cast %get3A_2621 : i32 to index
      %get3A_2623 = arith.index_cast %scan3A_2568 : i32 to index
      %get3A_2624 = arith.constant 16 : index
      %get3A_2625 = tpu.vector_load %arg8[%get3A_2622, %get3A_2623, %get3A_2624] {strides = array<i32>} : memref<4x8x768xf32, #tpu.memory_space<vmem>>, vector<1x1x16xf32>,
      %get3A_2626 = vector.shape_cast %get3A_2625 : vector<1x1x16xf32> to vector<16xf32>
      %swap3A_2627 = arith.constant 0 : i32
      %swap3A_2628 = arith.index_cast %swap3A_2627 : i32 to index
      %swap3A_2629 = arith.index_cast %scan3A_2568 : i32 to index
      %swap3A_2630 = arith.constant 16 : index
      %swap3A_2631 = tpu.vector_load %arg10[%swap3A_2628, %swap3A_2629, %swap3A_2630] {strides = array<i32>} : memref<4x8x768xf32, #tpu.memory_space<vmem>>, vector<1x1x16xf32>,
      %swap3A_2632 = vector.shape_cast %swap3A_2631 : vector<1x1x16xf32> to vector<16xf32>
      %swap3A_2633 = vector.shape_cast %get3A_2626 : vector<16xf32> to vector<1x1x16xf32>
      tpu.vector_store %arg10[%swap3A_2628, %swap3A_2629, %swap3A_2630], %swap3A_2633 {strides = array<i32>} : memref<4x8x768xf32, #tpu.memory_space<vmem>>, vector<1x1x16xf32>,
      %get3A_2634 = arith.constant 1 : i32
      %get3A_2635 = arith.index_cast %get3A_2634 : i32 to index
      %get3A_2636 = arith.index_cast %scan3A_2568 : i32 to index
      %get3A_2637 = arith.constant 16 : index
      %get3A_2638 = tpu.vector_load %arg8[%get3A_2635, %get3A_2636, %get3A_2637] {strides = array<i32>} : memref<4x8x768xf32, #tpu.memory_space<vmem>>, vector<1x1x16xf32>,
      %get3A_2639 = vector.shape_cast %get3A_2638 : vector<1x1x16xf32> to vector<16xf32>
      %swap3A_2640 = arith.constant 1 : i32
      %swap3A_2641 = arith.index_cast %swap3A_2640 : i32 to index
      %swap3A_2642 = arith.index_cast %scan3A_2568 : i32 to index
      %swap3A_2643 = arith.constant 16 : index
      %swap3A_2644 = tpu.vector_load %arg10[%swap3A_2641, %swap3A_2642, %swap3A_2643] {strides = array<i32>} : memref<4x8x768xf32, #tpu.memory_space<vmem>>, vector<1x1x16xf32>,
      %swap3A_2645 = vector.shape_cast %swap3A_2644 : vector<1x1x16xf32> to vector<16xf32>
      %swap3A_2646 = vector.shape_cast %get3A_2639 : vector<16xf32> to vector<1x1x16xf32>
      tpu.vector_store %arg10[%swap3A_2641, %swap3A_2642, %swap3A_2643], %swap3A_2646 {strides = array<i32>} : memref<4x8x768xf32, #tpu.memory_space<vmem>>, vector<1x1x16xf32>,
      %get3A_2647 = arith.constant 2 : i32
      %get3A_2648 = arith.index_cast %get3A_2647 : i32 to index
      %get3A_2649 = arith.index_cast %scan3A_2568 : i32 to index
      %get3A_2650 = arith.constant 16 : index
      %get3A_2651 = tpu.vector_load %arg8[%get3A_2648, %get3A_2649, %get3A_2650] {strides = array<i32>} : memref<4x8x768xf32, #tpu.memory_space<vmem>>, vector<1x1x16xf32>,
      %get3A_2652 = vector.shape_cast %get3A_2651 : vector<1x1x16xf32> to vector<16xf32>
      %swap3A_2653 = arith.constant 2 : i32
      %swap3A_2654 = arith.index_cast %swap3A_2653 : i32 to index
      %swap3A_2655 = arith.index_cast %scan3A_2568 : i32 to index
      %swap3A_2656 = arith.constant 16 : index
      %swap3A_2657 = tpu.vector_load %arg10[%swap3A_2654, %swap3A_2655, %swap3A_2656] {strides = array<i32>} : memref<4x8x768xf32, #tpu.memory_space<vmem>>, vector<1x1x16xf32>,
      %swap3A_2658 = vector.shape_cast %swap3A_2657 : vector<1x1x16xf32> to vector<16xf32>
      %swap3A_2659 = vector.shape_cast %get3A_2652 : vector<16xf32> to vector<1x1x16xf32>
      tpu.vector_store %arg10[%swap3A_2654, %swap3A_2655, %swap3A_2656], %swap3A_2659 {strides = array<i32>} : memref<4x8x768xf32, #tpu.memory_space<vmem>>, vector<1x1x16xf32>,
      %get3A_2660 = arith.constant 3 : i32
      %get3A_2661 = arith.index_cast %get3A_2660 : i32 to index
      %get3A_2662 = arith.index_cast %scan3A_2568 : i32 to index
      %get3A_2663 = arith.constant 16 : index
      %get3A_2664 = tpu.vector_load %arg8[%get3A_2661, %get3A_2662, %get3A_2663] {strides = array<i32>} : memref<4x8x768xf32, #tpu.memory_space<vmem>>, vector<1x1x16xf32>,
      %get3A_2665 = vector.shape_cast %get3A_2664 : vector<1x1x16xf32> to vector<16xf32>
      %swap3A_2666 = arith.constant 3 : i32
      %swap3A_2667 = arith.index_cast %swap3A_2666 : i32 to index
      %swap3A_2668 = arith.index_cast %scan3A_2568 : i32 to index
      %swap3A_2669 = arith.constant 16 : index
      %swap3A_2670 = tpu.vector_load %arg10[%swap3A_2667, %swap3A_2668, %swap3A_2669] {strides = array<i32>} : memref<4x8x768xf32, #tpu.memory_space<vmem>>, vector<1x1x16xf32>,
      %swap3A_2671 = vector.shape_cast %swap3A_2670 : vector<1x1x16xf32> to vector<16xf32>
      %swap3A_2672 = vector.shape_cast %get3A_2665 : vector<16xf32> to vector<1x1x16xf32>
      tpu.vector_store %arg10[%swap3A_2667, %swap3A_2668, %swap3A_2669], %swap3A_2672 {strides = array<i32>} : memref<4x8x768xf32, #tpu.memory_space<vmem>>, vector<1x1x16xf32>,
      %get3A_2673 = arith.constant 0 : i32
      %get3A_2674 = arith.index_cast %get3A_2673 : i32 to index
      %get3A_2675 = arith.index_cast %scan3A_2568 : i32 to index
      %get3A_2676 = arith.constant 32 : index
      %get3A_2677 = tpu.vector_load %arg8[%get3A_2674, %get3A_2675, %get3A_2676] {strides = array<i32>} : memref<4x8x768xf32, #tpu.memory_space<vmem>>, vector<1x1x16xf32>,
      %get3A_2678 = vector.shape_cast %get3A_2677 : vector<1x1x16xf32> to vector<16xf32>
      %swap3A_2679 = arith.constant 0 : i32
      %swap3A_2680 = arith.index_cast %swap3A_2679 : i32 to index
      %swap3A_2681 = arith.index_cast %scan3A_2568 : i32 to index
      %swap3A_2682 = arith.constant 32 : index
      %swap3A_2683 = tpu.vector_load %arg10[%swap3A_2680, %swap3A_2681, %swap3A_2682] {strides = array<i32>} : memref<4x8x768xf32, #tpu.memory_space<vmem>>, vector<1x1x16xf32>,
      %swap3A_2684 = vector.shape_cast %swap3A_2683 : vector<1x1x16xf32> to vector<16xf32>
      %swap3A_2685 = vector.shape_cast %get3A_2678 : vector<16xf32> to vector<1x1x16xf32>
      tpu.vector_store %arg10[%swap3A_2680, %swap3A_2681, %swap3A_2682], %swap3A_2685 {strides = array<i32>} : memref<4x8x768xf32, #tpu.memory_space<vmem>>, vector<1x1x16xf32>,
      %get3A_2686 = arith.constant 1 : i32
      %get3A_2687 = arith.index_cast %get3A_2686 : i32 to index
      %get3A_2688 = arith.index_cast %scan3A_2568 : i32 to index
      %get3A_2689 = arith.constant 32 : index
      %get3A_2690 = tpu.vector_load %arg8[%get3A_2687, %get3A_2688, %get3A_2689] {strides = array<i32>} : memref<4x8x768xf32, #tpu.memory_space<vmem>>, vector<1x1x16xf32>,
      %get3A_2691 = vector.shape_cast %get3A_2690 : vector<1x1x16xf32> to vector<16xf32>
      %swap3A_2692 = arith.constant 1 : i32
      %swap3A_2693 = arith.index_cast %swap3A_2692 : i32 to index
      %swap3A_2694 = arith.index_cast %scan3A_2568 : i32 to index
      %swap3A_2695 = arith.constant 32 : index
      %swap3A_2696 = tpu.vector_load %arg10[%swap3A_2693, %swap3A_2694, %swap3A_2695] {strides = array<i32>} : memref<4x8x768xf32, #tpu.memory_space<vmem>>, vector<1x1x16xf32>,
      %swap3A_2697 = vector.shape_cast %swap3A_2696 : vector<1x1x16xf32> to vector<16xf32>
      %swap3A_2698 = vector.shape_cast %get3A_2691 : vector<16xf32> to vector<1x1x16xf32>
      tpu.vector_store %arg10[%swap3A_2693, %swap3A_2694, %swap3A_2695], %swap3A_2698 {strides = array<i32>} : memref<4x8x768xf32, #tpu.memory_space<vmem>>, vector<1x1x16xf32>,
      %get3A_2699 = arith.constant 2 : i32
      %get3A_2700 = arith.index_cast %get3A_2699 : i32 to index
      %get3A_2701 = arith.index_cast %scan3A_2568 : i32 to index
      %get3A_2702 = arith.constant 32 : index
      %get3A_2703 = tpu.vector_load %arg8[%get3A_2700, %get3A_2701, %get3A_2702] {strides = array<i32>} : memref<4x8x768xf32, #tpu.memory_space<vmem>>, vector<1x1x16xf32>,
      %get3A_2704 = vector.shape_cast %get3A_2703 : vector<1x1x16xf32> to vector<16xf32>
      %swap3A_2705 = arith.constant 2 : i32
      %swap3A_2706 = arith.index_cast %swap3A_2705 : i32 to index
      %swap3A_2707 = arith.index_cast %scan3A_2568 : i32 to index
      %swap3A_2708 = arith.constant 32 : index
      %swap3A_2709 = tpu.vector_load %arg10[%swap3A_2706, %swap3A_2707, %swap3A_2708] {strides = array<i32>} : memref<4x8x768xf32, #tpu.memory_space<vmem>>, vector<1x1x16xf32>,
      %swap3A_2710 = vector.shape_cast %swap3A_2709 : vector<1x1x16xf32> to vector<16xf32>
      %swap3A_2711 = vector.shape_cast %get3A_2704 : vector<16xf32> to vector<1x1x16xf32>
      tpu.vector_store %arg10[%swap3A_2706, %swap3A_2707, %swap3A_2708], %swap3A_2711 {strides = array<i32>} : memref<4x8x768xf32, #tpu.memory_space<vmem>>, vector<1x1x16xf32>,
      %get3A_2712 = arith.constant 3 : i32
      %get3A_2713 = arith.index_cast %get3A_2712 : i32 to index
      %get3A_2714 = arith.index_cast %scan3A_2568 : i32 to index
      %get3A_2715 = arith.constant 32 : index
      %get3A_2716 = tpu.vector_load %arg8[%get3A_2713, %get3A_2714, %get3A_2715] {strides = array<i32>} : memref<4x8x768xf32, #tpu.memory_space<vmem>>, vector<1x1x16xf32>,
      %get3A_2717 = vector.shape_cast %get3A_2716 : vector<1x1x16xf32> to vector<16xf32>
      %swap3A_2718 = arith.constant 3 : i32
      %swap3A_2719 = arith.index_cast %swap3A_2718 : i32 to index
      %swap3A_2720 = arith.index_cast %scan3A_2568 : i32 to index
      %swap3A_2721 = arith.constant 32 : index
      %swap3A_2722 = tpu.vector_load %arg10[%swap3A_2719, %swap3A_2720, %swap3A_2721] {strides = array<i32>} : memref<4x8x768xf32, #tpu.memory_space<vmem>>, vector<1x1x16xf32>,
      %swap3A_2723 = vector.shape_cast %swap3A_2722 : vector<1x1x16xf32> to vector<16xf32>
      %swap3A_2724 = vector.shape_cast %get3A_2717 : vector<16xf32> to vector<1x1x16xf32>
      tpu.vector_store %arg10[%swap3A_2719, %swap3A_2720, %swap3A_2721], %swap3A_2724 {strides = array<i32>} : memref<4x8x768xf32, #tpu.memory_space<vmem>>, vector<1x1x16xf32>,
      %get3A_2725 = arith.constant 0 : i32
      %get3A_2726 = arith.index_cast %get3A_2725 : i32 to index
      %get3A_2727 = arith.index_cast %scan3A_2568 : i32 to index
      %get3A_2728 = arith.constant 48 : index
      %get3A_2729 = tpu.vector_load %arg8[%get3A_2726, %get3A_2727, %get3A_2728] {strides = array<i32>} : memref<4x8x768xf32, #tpu.memory_space<vmem>>, vector<1x1x16xf32>,
      %get3A_2730 = vector.shape_cast %get3A_2729 : vector<1x1x16xf32> to vector<16xf32>
      %swap3A_2731 = arith.constant 0 : i32
      %swap3A_2732 = arith.index_cast %swap3A_2731 : i32 to index
      %swap3A_2733 = arith.index_cast %scan3A_2568 : i32 to index
      %swap3A_2734 = arith.constant 48 : index
      %swap3A_2735 = tpu.vector_load %arg10[%swap3A_2732, %swap3A_2733, %swap3A_2734] {strides = array<i32>} : memref<4x8x768xf32, #tpu.memory_space<vmem>>, vector<1x1x16xf32>,
      %swap3A_2736 = vector.shape_cast %swap3A_2735 : vector<1x1x16xf32> to vector<16xf32>
      %swap3A_2737 = vector.shape_cast %get3A_2730 : vector<16xf32> to vector<1x1x16xf32>
      tpu.vector_store %arg10[%swap3A_2732, %swap3A_2733, %swap3A_2734], %swap3A_2737 {strides = array<i32>} : memref<4x8x768xf32, #tpu.memory_space<vmem>>, vector<1x1x16xf32>,
      %get3A_2738 = arith.constant 1 : i32
      %get3A_2739 = arith.index_cast %get3A_2738 : i32 to index
      %get3A_2740 = arith.index_cast %scan3A_2568 : i32 to index
      %get3A_2741 = arith.constant 48 : index
      %get3A_2742 = tpu.vector_load %arg8[%get3A_2739, %get3A_2740, %get3A_2741] {strides = array<i32>} : memref<4x8x768xf32, #tpu.memory_space<vmem>>, vector<1x1x16xf32>,
      %get3A_2743 = vector.shape_cast %get3A_2742 : vector<1x1x16xf32> to vector<16xf32>
      %swap3A_2744 = arith.constant 1 : i32
      %swap3A_2745 = arith.index_cast %swap3A_2744 : i32 to index
      %swap3A_2746 = arith.index_cast %scan3A_2568 : i32 to index
      %swap3A_2747 = arith.constant 48 : index
      %swap3A_2748 = tpu.vector_load %arg10[%swap3A_2745, %swap3A_2746, %swap3A_2747] {strides = array<i32>} : memref<4x8x768xf32, #tpu.memory_space<vmem>>, vector<1x1x16xf32>,
      %swap3A_2749 = vector.shape_cast %swap3A_2748 : vector<1x1x16xf32> to vector<16xf32>
      %swap3A_2750 = vector.shape_cast %get3A_2743 : vector<16xf32> to vector<1x1x16xf32>
      tpu.vector_store %arg10[%swap3A_2745, %swap3A_2746, %swap3A_2747], %swap3A_2750 {strides = array<i32>} : memref<4x8x768xf32, #tpu.memory_space<vmem>>, vector<1x1x16xf32>,
      %get3A_2751 = arith.constant 2 : i32
      %get3A_2752 = arith.index_cast %get3A_2751 : i32 to index
      %get3A_2753 = arith.index_cast %scan3A_2568 : i32 to index
      %get3A_2754 = arith.constant 48 : index
      %get3A_2755 = tpu.vector_load %arg8[%get3A_2752, %get3A_2753, %get3A_2754] {strides = array<i32>} : memref<4x8x768xf32, #tpu.memory_space<vmem>>, vector<1x1x16xf32>,
      %get3A_2756 = vector.shape_cast %get3A_2755 : vector<1x1x16xf32> to vector<16xf32>
      %swap3A_2757 = arith.constant 2 : i32
      %swap3A_2758 = arith.index_cast %swap3A_2757 : i32 to index
      %swap3A_2759 = arith.index_cast %scan3A_2568 : i32 to index
      %swap3A_2760 = arith.constant 48 : index
      %swap3A_2761 = tpu.vector_load %arg10[%swap3A_2758, %swap3A_2759, %swap3A_2760] {strides = array<i32>} : memref<4x8x768xf32, #tpu.memory_space<vmem>>, vector<1x1x16xf32>,
      %swap3A_2762 = vector.shape_cast %swap3A_2761 : vector<1x1x16xf32> to vector<16xf32>
      %swap3A_2763 = vector.shape_cast %get3A_2756 : vector<16xf32> to vector<1x1x16xf32>
      tpu.vector_store %arg10[%swap3A_2758, %swap3A_2759, %swap3A_2760], %swap3A_2763 {strides = array<i32>} : memref<4x8x768xf32, #tpu.memory_space<vmem>>, vector<1x1x16xf32>,
      %get3A_2764 = arith.constant 3 : i32
      %get3A_2765 = arith.index_cast %get3A_2764 : i32 to index
      %get3A_2766 = arith.index_cast %scan3A_2568 : i32 to index
      %get3A_2767 = arith.constant 48 : index
      %get3A_2768 = tpu.vector_load %arg8[%get3A_2765, %get3A_2766, %get3A_2767] {strides = array<i32>} : memref<4x8x768xf32, #tpu.memory_space<vmem>>, vector<1x1x16xf32>,
      %get3A_2769 = vector.shape_cast %get3A_2768 : vector<1x1x16xf32> to vector<16xf32>
      %swap3A_2770 = arith.constant 3 : i32
      %swap3A_2771 = arith.index_cast %swap3A_2770 : i32 to index
      %swap3A_2772 = arith.index_cast %scan3A_2568 : i32 to index
      %swap3A_2773 = arith.constant 48 : index
      %swap3A_2774 = tpu.vector_load %arg10[%swap3A_2771, %swap3A_2772, %swap3A_2773] {strides = array<i32>} : memref<4x8x768xf32, #tpu.memory_space<vmem>>, vector<1x1x16xf32>,
      %swap3A_2775 = vector.shape_cast %swap3A_2774 : vector<1x1x16xf32> to vector<16xf32>
      %swap3A_2776 = vector.shape_cast %get3A_2769 : vector<16xf32> to vector<1x1x16xf32>
      tpu.vector_store %arg10[%swap3A_2771, %swap3A_2772, %swap3A_2773], %swap3A_2776 {strides = array<i32>} : memref<4x8x768xf32, #tpu.memory_space<vmem>>, vector<1x1x16xf32>,
      %get3A_2777 = arith.constant 0 : i32
      %get3A_2778 = arith.index_cast %get3A_2777 : i32 to index
      %get3A_2779 = arith.index_cast %scan3A_2568 : i32 to index
      %get3A_2780 = arith.constant 64 : index
      %get3A_2781 = tpu.vector_load %arg8[%get3A_2778, %get3A_2779, %get3A_2780] {strides = array<i32>} : memref<4x8x768xf32, #tpu.memory_space<vmem>>, vector<1x1x16xf32>,
      %get3A_2782 = vector.shape_cast %get3A_2781 : vector<1x1x16xf32> to vector<16xf32>
      %swap3A_2783 = arith.constant 0 : i32
      %swap3A_2784 = arith.index_cast %swap3A_2783 : i32 to index
      %swap3A_2785 = arith.index_cast %scan3A_2568 : i32 to index
      %swap3A_2786 = arith.constant 64 : index
      %swap3A_2787 = tpu.vector_load %arg10[%swap3A_2784, %swap3A_2785, %swap3A_2786] {strides = array<i32>} : memref<4x8x768xf32, #tpu.memory_space<vmem>>, vector<1x1x16xf32>,
      %swap3A_2788 = vector.shape_cast %swap3A_2787 : vector<1x1x16xf32> to vector<16xf32>
      %swap3A_2789 = vector.shape_cast %get3A_2782 : vector<16xf32> to vector<1x1x16xf32>
      tpu.vector_store %arg10[%swap3A_2784, %swap3A_2785, %swap3A_2786], %swap3A_2789 {strides = array<i32>} : memref<4x8x768xf32, #tpu.memory_space<vmem>>, vector<1x1x16xf32>,
      %get3A_2790 = arith.constant 1 : i32
      %get3A_2791 = arith.index_cast %get3A_2790 : i32 to index
      %get3A_2792 = arith.index_cast %scan3A_2568 : i32 to index
      %get3A_2793 = arith.constant 64 : index
      %get3A_2794 = tpu.vector_load %arg8[%get3A_2791, %get3A_2792, %get3A_2793] {strides = array<i32>} : memref<4x8x768xf32, #tpu.memory_space<vmem>>, vector<1x1x16xf32>,
      %get3A_2795 = vector.shape_cast %get3A_2794 : vector<1x1x16xf32> to vector<16xf32>
      %swap3A_2796 = arith.constant 1 : i32
      %swap3A_2797 = arith.index_cast %swap3A_2796 : i32 to index
      %swap3A_2798 = arith.index_cast %scan3A_2568 : i32 to index
      %swap3A_2799 = arith.constant 64 : index
      %swap3A_2800 = tpu.vector_load %arg10[%swap3A_2797, %swap3A_2798, %swap3A_2799] {strides = array<i32>} : memref<4x8x768xf32, #tpu.memory_space<vmem>>, vector<1x1x16xf32>,
      %swap3A_2801 = vector.shape_cast %swap3A_2800 : vector<1x1x16xf32> to vector<16xf32>
      %swap3A_2802 = vector.shape_cast %get3A_2795 : vector<16xf32> to vector<1x1x16xf32>
      tpu.vector_store %arg10[%swap3A_2797, %swap3A_2798, %swap3A_2799], %swap3A_2802 {strides = array<i32>} : memref<4x8x768xf32, #tpu.memory_space<vmem>>, vector<1x1x16xf32>,
      %get3A_2803 = arith.constant 2 : i32
      %get3A_2804 = arith.index_cast %get3A_2803 : i32 to index
      %get3A_2805 = arith.index_cast %scan3A_2568 : i32 to index
      %get3A_2806 = arith.constant 64 : index
      %get3A_2807 = tpu.vector_load %arg8[%get3A_2804, %get3A_2805, %get3A_2806] {strides = array<i32>} : memref<4x8x768xf32, #tpu.memory_space<vmem>>, vector<1x1x16xf32>,
      %get3A_2808 = vector.shape_cast %get3A_2807 : vector<1x1x16xf32> to vector<16xf32>
      %swap3A_2809 = arith.constant 2 : i32
      %swap3A_2810 = arith.index_cast %swap3A_2809 : i32 to index
      %swap3A_2811 = arith.index_cast %scan3A_2568 : i32 to index
      %swap3A_2812 = arith.constant 64 : index
      %swap3A_2813 = tpu.vector_load %arg10[%swap3A_2810, %swap3A_2811, %swap3A_2812] {strides = array<i32>} : memref<4x8x768xf32, #tpu.memory_space<vmem>>, vector<1x1x16xf32>,
      %swap3A_2814 = vector.shape_cast %swap3A_2813 : vector<1x1x16xf32> to vector<16xf32>
      %swap3A_2815 = vector.shape_cast %get3A_2808 : vector<16xf32> to vector<1x1x16xf32>
      tpu.vector_store %arg10[%swap3A_2810, %swap3A_2811, %swap3A_2812], %swap3A_2815 {strides = array<i32>} : memref<4x8x768xf32, #tpu.memory_space<vmem>>, vector<1x1x16xf32>,
      %get3A_2816 = arith.constant 3 : i32
      %get3A_2817 = arith.index_cast %get3A_2816 : i32 to index
      %get3A_2818 = arith.index_cast %scan3A_2568 : i32 to index
      %get3A_2819 = arith.constant 64 : index
      %get3A_2820 = tpu.vector_load %arg8[%get3A_2817, %get3A_2818, %get3A_2819] {strides = array<i32>} : memref<4x8x768xf32, #tpu.memory_space<vmem>>, vector<1x1x16xf32>,
      %get3A_2821 = vector.shape_cast %get3A_2820 : vector<1x1x16xf32> to vector<16xf32>
      %swap3A_2822 = arith.constant 3 : i32
      %swap3A_2823 = arith.index_cast %swap3A_2822 : i32 to index
      %swap3A_2824 = arith.index_cast %scan3A_2568 : i32 to index
      %swap3A_2825 = arith.constant 64 : index
      %swap3A_2826 = tpu.vector_load %arg10[%swap3A_2823, %swap3A_2824, %swap3A_2825] {strides = array<i32>} : memref<4x8x768xf32, #tpu.memory_space<vmem>>, vector<1x1x16xf32>,
      %swap3A_2827 = vector.shape_cast %swap3A_2826 : vector<1x1x16xf32> to vector<16xf32>
      %swap3A_2828 = vector.shape_cast %get3A_2821 : vector<16xf32> to vector<1x1x16xf32>
      tpu.vector_store %arg10[%swap3A_2823, %swap3A_2824, %swap3A_2825], %swap3A_2828 {strides = array<i32>} : memref<4x8x768xf32, #tpu.memory_space<vmem>>, vector<1x1x16xf32>,
      %get3A_2829 = arith.constant 0 : i32
      %get3A_2830 = arith.index_cast %get3A_2829 : i32 to index
      %get3A_2831 = arith.index_cast %scan3A_2568 : i32 to index
      %get3A_2832 = arith.constant 80 : index
      %get3A_2833 = tpu.vector_load %arg8[%get3A_2830, %get3A_2831, %get3A_2832] {strides = array<i32>} : memref<4x8x768xf32, #tpu.memory_space<vmem>>, vector<1x1x16xf32>,
      %get3A_2834 = vector.shape_cast %get3A_2833 : vector<1x1x16xf32> to vector<16xf32>
      %swap3A_2835 = arith.constant 0 : i32
      %swap3A_2836 = arith.index_cast %swap3A_2835 : i32 to index
      %swap3A_2837 = arith.index_cast %scan3A_2568 : i32 to index
      %swap3A_2838 = arith.constant 80 : index
      %swap3A_2839 = tpu.vector_load %arg10[%swap3A_2836, %swap3A_2837, %swap3A_2838] {strides = array<i32>} : memref<4x8x768xf32, #tpu.memory_space<vmem>>, vector<1x1x16xf32>,
      %swap3A_2840 = vector.shape_cast %swap3A_2839 : vector<1x1x16xf32> to vector<16xf32>
      %swap3A_2841 = vector.shape_cast %get3A_2834 : vector<16xf32> to vector<1x1x16xf32>
      tpu.vector_store %arg10[%swap3A_2836, %swap3A_2837, %swap3A_2838], %swap3A_2841 {strides = array<i32>} : memref<4x8x768xf32, #tpu.memory_space<vmem>>, vector<1x1x16xf32>,
      %get3A_2842 = arith.constant 1 : i32
      %get3A_2843 = arith.index_cast %get3A_2842 : i32 to index
      %get3A_2844 = arith.index_cast %scan3A_2568 : i32 to index
      %get3A_2845 = arith.constant 80 : index
      %get3A_2846 = tpu.vector_load %arg8[%get3A_2843, %get3A_2844, %get3A_2845] {strides = array<i32>} : memref<4x8x768xf32, #tpu.memory_space<vmem>>, vector<1x1x16xf32>,
      %get3A_2847 = vector.shape_cast %get3A_2846 : vector<1x1x16xf32> to vector<16xf32>
      %swap3A_2848 = arith.constant 1 : i32
      %swap3A_2849 = arith.index_cast %swap3A_2848 : i32 to index
      %swap3A_2850 = arith.index_cast %scan3A_2568 : i32 to index
      %swap3A_2851 = arith.constant 80 : index
      %swap3A_2852 = tpu.vector_load %arg10[%swap3A_2849, %swap3A_2850, %swap3A_2851] {strides = array<i32>} : memref<4x8x768xf32, #tpu.memory_space<vmem>>, vector<1x1x16xf32>,
      %swap3A_2853 = vector.shape_cast %swap3A_2852 : vector<1x1x16xf32> to vector<16xf32>
      %swap3A_2854 = vector.shape_cast %get3A_2847 : vector<16xf32> to vector<1x1x16xf32>
      tpu.vector_store %arg10[%swap3A_2849, %swap3A_2850, %swap3A_2851], %swap3A_2854 {strides = array<i32>} : memref<4x8x768xf32, #tpu.memory_space<vmem>>, vector<1x1x16xf32>,
      %get3A_2855 = arith.constant 2 : i32
      %get3A_2856 = arith.index_cast %get3A_2855 : i32 to index
      %get3A_2857 = arith.index_cast %scan3A_2568 : i32 to index
      %get3A_2858 = arith.constant 80 : index
      %get3A_2859 = tpu.vector_load %arg8[%get3A_2856, %get3A_2857, %get3A_2858] {strides = array<i32>} : memref<4x8x768xf32, #tpu.memory_space<vmem>>, vector<1x1x16xf32>,
      %get3A_2860 = vector.shape_cast %get3A_2859 : vector<1x1x16xf32> to vector<16xf32>
      %swap3A_2861 = arith.constant 2 : i32
      %swap3A_2862 = arith.index_cast %swap3A_2861 : i32 to index
      %swap3A_2863 = arith.index_cast %scan3A_2568 : i32 to index
      %swap3A_2864 = arith.constant 80 : index
      %swap3A_2865 = tpu.vector_load %arg10[%swap3A_2862, %swap3A_2863, %swap3A_2864] {strides = array<i32>} : memref<4x8x768xf32, #tpu.memory_space<vmem>>, vector<1x1x16xf32>,
      %swap3A_2866 = vector.shape_cast %swap3A_2865 : vector<1x1x16xf32> to vector<16xf32>
      %swap3A_2867 = vector.shape_cast %get3A_2860 : vector<16xf32> to vector<1x1x16xf32>
      tpu.vector_store %arg10[%swap3A_2862, %swap3A_2863, %swap3A_2864], %swap3A_2867 {strides = array<i32>} : memref<4x8x768xf32, #tpu.memory_space<vmem>>, vector<1x1x16xf32>,
      %get3A_2868 = arith.constant 3 : i32
      %get3A_2869 = arith.index_cast %get3A_2868 : i32 to index
      %get3A_2870 = arith.index_cast %scan3A_2568 : i32 to index
      %get3A_2871 = arith.constant 80 : index
      %get3A_2872 = tpu.vector_load %arg8[%get3A_2869, %get3A_2870, %get3A_2871] {strides = array<i32>} : memref<4x8x768xf32, #tpu.memory_space<vmem>>, vector<1x1x16xf32>,
      %get3A_2873 = vector.shape_cast %get3A_2872 : vector<1x1x16xf32> to vector<16xf32>
      %swap3A_2874 = arith.constant 3 : i32
      %swap3A_2875 = arith.index_cast %swap3A_2874 : i32 to index
      %swap3A_2876 = arith.index_cast %scan3A_2568 : i32 to index
      %swap3A_2877 = arith.constant 80 : index
      %swap3A_2878 = tpu.vector_load %arg10[%swap3A_2875, %swap3A_2876, %swap3A_2877] {strides = array<i32>} : memref<4x8x768xf32, #tpu.memory_space<vmem>>, vector<1x1x16xf32>,
      %swap3A_2879 = vector.shape_cast %swap3A_2878 : vector<1x1x16xf32> to vector<16xf32>
      %swap3A_2880 = vector.shape_cast %get3A_2873 : vector<16xf32> to vector<1x1x16xf32>
      tpu.vector_store %arg10[%swap3A_2875, %swap3A_2876, %swap3A_2877], %swap3A_2880 {strides = array<i32>} : memref<4x8x768xf32, #tpu.memory_space<vmem>>, vector<1x1x16xf32>,
      %get3A_2881 = arith.constant 0 : i32
      %get3A_2882 = arith.index_cast %get3A_2881 : i32 to index
      %get3A_2883 = arith.index_cast %scan3A_2568 : i32 to index
      %get3A_2884 = arith.constant 96 : index
      %get3A_2885 = tpu.vector_load %arg8[%get3A_2882, %get3A_2883, %get3A_2884] {strides = array<i32>} : memref<4x8x768xf32, #tpu.memory_space<vmem>>, vector<1x1x16xf32>,
      %get3A_2886 = vector.shape_cast %get3A_2885 : vector<1x1x16xf32> to vector<16xf32>
      %swap3A_2887 = arith.constant 0 : i32
      %swap3A_2888 = arith.index_cast %swap3A_2887 : i32 to index
      %swap3A_2889 = arith.index_cast %scan3A_2568 : i32 to index
      %swap3A_2890 = arith.constant 96 : index
      %swap3A_2891 = tpu.vector_load %arg10[%swap3A_2888, %swap3A_2889, %swap3A_2890] {strides = array<i32>} : memref<4x8x768xf32, #tpu.memory_space<vmem>>, vector<1x1x16xf32>,
      %swap3A_2892 = vector.shape_cast %swap3A_2891 : vector<1x1x16xf32> to vector<16xf32>
      %swap3A_2893 = vector.shape_cast %get3A_2886 : vector<16xf32> to vector<1x1x16xf32>
      tpu.vector_store %arg10[%swap3A_2888, %swap3A_2889, %swap3A_2890], %swap3A_2893 {strides = array<i32>} : memref<4x8x768xf32, #tpu.memory_space<vmem>>, vector<1x1x16xf32>,
      %get3A_2894 = arith.constant 1 : i32
      %get3A_2895 = arith.index_cast %get3A_2894 : i32 to index
      %get3A_2896 = arith.index_cast %scan3A_2568 : i32 to index
      %get3A_2897 = arith.constant 96 : index
      %get3A_2898 = tpu.vector_load %arg8[%get3A_2895, %get3A_2896, %get3A_2897] {strides = array<i32>} : memref<4x8x768xf32, #tpu.memory_space<vmem>>, vector<1x1x16xf32>,
      %get3A_2899 = vector.shape_cast %get3A_2898 : vector<1x1x16xf32> to vector<16xf32>
      %swap3A_2900 = arith.constant 1 : i32
      %swap3A_2901 = arith.index_cast %swap3A_2900 : i32 to index
      %swap3A_2902 = arith.index_cast %scan3A_2568 : i32 to index
      %swap3A_2903 = arith.constant 96 : index
      %swap3A_2904 = tpu.vector_load %arg10[%swap3A_2901, %swap3A_2902, %swap3A_2903] {strides = array<i32>} : memref<4x8x768xf32, #tpu.memory_space<vmem>>, vector<1x1x16xf32>,
      %swap3A_2905 = vector.shape_cast %swap3A_2904 : vector<1x1x16xf32> to vector<16xf32>
      %swap3A_2906 = vector.shape_cast %get3A_2899 : vector<16xf32> to vector<1x1x16xf32>
      tpu.vector_store %arg10[%swap3A_2901, %swap3A_2902, %swap3A_2903], %swap3A_2906 {strides = array<i32>} : memref<4x8x768xf32, #tpu.memory_space<vmem>>, vector<1x1x16xf32>,
      %get3A_2907 = arith.constant 2 : i32
      %get3A_2908 = arith.index_cast %get3A_2907 : i32 to index
      %get3A_2909 = arith.index_cast %scan3A_2568 : i32 to index
      %get3A_2910 = arith.constant 96 : index
      %get3A_2911 = tpu.vector_load %arg8[%get3A_2908, %get3A_2909, %get3A_2910] {strides = array<i32>} : memref<4x8x768xf32, #tpu.memory_space<vmem>>, vector<1x1x16xf32>,
      %get3A_2912 = vector.shape_cast %get3A_2911 : vector<1x1x16xf32> to vector<16xf32>
      %swap3A_2913 = arith.constant 2 : i32
      %swap3A_2914 = arith.index_cast %swap3A_2913 : i32 to index
      %swap3A_2915 = arith.index_cast %scan3A_2568 : i32 to index
      %swap3A_2916 = arith.constant 96 : index
      %swap3A_2917 = tpu.vector_load %arg10[%swap3A_2914, %swap3A_2915, %swap3A_2916] {strides = array<i32>} : memref<4x8x768xf32, #tpu.memory_space<vmem>>, vector<1x1x16xf32>,
      %swap3A_2918 = vector.shape_cast %swap3A_2917 : vector<1x1x16xf32> to vector<16xf32>
      %swap3A_2919 = vector.shape_cast %get3A_2912 : vector<16xf32> to vector<1x1x16xf32>
      tpu.vector_store %arg10[%swap3A_2914, %swap3A_2915, %swap3A_2916], %swap3A_2919 {strides = array<i32>} : memref<4x8x768xf32, #tpu.memory_space<vmem>>, vector<1x1x16xf32>,
      %get3A_2920 = arith.constant 3 : i32
      %get3A_2921 = arith.index_cast %get3A_2920 : i32 to index
      %get3A_2922 = arith.index_cast %scan3A_2568 : i32 to index
      %get3A_2923 = arith.constant 96 : index
      %get3A_2924 = tpu.vector_load %arg8[%get3A_2921, %get3A_2922, %get3A_2923] {strides = array<i32>} : memref<4x8x768xf32, #tpu.memory_space<vmem>>, vector<1x1x16xf32>,
      %get3A_2925 = vector.shape_cast %get3A_2924 : vector<1x1x16xf32> to vector<16xf32>
      %swap3A_2926 = arith.constant 3 : i32
      %swap3A_2927 = arith.index_cast %swap3A_2926 : i32 to index
      %swap3A_2928 = arith.index_cast %scan3A_2568 : i32 to index
      %swap3A_2929 = arith.constant 96 : index
      %swap3A_2930 = tpu.vector_load %arg10[%swap3A_2927, %swap3A_2928, %swap3A_2929] {strides = array<i32>} : memref<4x8x768xf32, #tpu.memory_space<vmem>>, vector<1x1x16xf32>,
      %swap3A_2931 = vector.shape_cast %swap3A_2930 : vector<1x1x16xf32> to vector<16xf32>
      %swap3A_2932 = vector.shape_cast %get3A_2925 : vector<16xf32> to vector<1x1x16xf32>
      tpu.vector_store %arg10[%swap3A_2927, %swap3A_2928, %swap3A_2929], %swap3A_2932 {strides = array<i32>} : memref<4x8x768xf32, #tpu.memory_space<vmem>>, vector<1x1x16xf32>,
      %get3A_2933 = arith.constant 0 : i32
      %get3A_2934 = arith.index_cast %get3A_2933 : i32 to index
      %get3A_2935 = arith.index_cast %scan3A_2568 : i32 to index
      %get3A_2936 = arith.constant 112 : index
      %get3A_2937 = tpu.vector_load %arg8[%get3A_2934, %get3A_2935, %get3A_2936] {strides = array<i32>} : memref<4x8x768xf32, #tpu.memory_space<vmem>>, vector<1x1x16xf32>,
      %get3A_2938 = vector.shape_cast %get3A_2937 : vector<1x1x16xf32> to vector<16xf32>
      %swap3A_2939 = arith.constant 0 : i32
      %swap3A_2940 = arith.index_cast %swap3A_2939 : i32 to index
      %swap3A_2941 = arith.index_cast %scan3A_2568 : i32 to index
      %swap3A_2942 = arith.constant 112 : index
      %swap3A_2943 = tpu.vector_load %arg10[%swap3A_2940, %swap3A_2941, %swap3A_2942] {strides = array<i32>} : memref<4x8x768xf32, #tpu.memory_space<vmem>>, vector<1x1x16xf32>,
      %swap3A_2944 = vector.shape_cast %swap3A_2943 : vector<1x1x16xf32> to vector<16xf32>
      %swap3A_2945 = vector.shape_cast %get3A_2938 : vector<16xf32> to vector<1x1x16xf32>
      tpu.vector_store %arg10[%swap3A_2940, %swap3A_2941, %swap3A_2942], %swap3A_2945 {strides = array<i32>} : memref<4x8x768xf32, #tpu.memory_space<vmem>>, vector<1x1x16xf32>,
      %get3A_2946 = arith.constant 1 : i32
      %get3A_2947 = arith.index_cast %get3A_2946 : i32 to index
      %get3A_2948 = arith.index_cast %scan3A_2568 : i32 to index
      %get3A_2949 = arith.constant 112 : index
      %get3A_2950 = tpu.vector_load %arg8[%get3A_2947, %get3A_2948, %get3A_2949] {strides = array<i32>} : memref<4x8x768xf32, #tpu.memory_space<vmem>>, vector<1x1x16xf32>,
      %get3A_2951 = vector.shape_cast %get3A_2950 : vector<1x1x16xf32> to vector<16xf32>
      %swap3A_2952 = arith.constant 1 : i32
      %swap3A_2953 = arith.index_cast %swap3A_2952 : i32 to index
      %swap3A_2954 = arith.index_cast %scan3A_2568 : i32 to index
      %swap3A_2955 = arith.constant 112 : index
      %swap3A_2956 = tpu.vector_load %arg10[%swap3A_2953, %swap3A_2954, %swap3A_2955] {strides = array<i32>} : memref<4x8x768xf32, #tpu.memory_space<vmem>>, vector<1x1x16xf32>,
      %swap3A_2957 = vector.shape_cast %swap3A_2956 : vector<1x1x16xf32> to vector<16xf32>
      %swap3A_2958 = vector.shape_cast %get3A_2951 : vector<16xf32> to vector<1x1x16xf32>
      tpu.vector_store %arg10[%swap3A_2953, %swap3A_2954, %swap3A_2955], %swap3A_2958 {strides = array<i32>} : memref<4x8x768xf32, #tpu.memory_space<vmem>>, vector<1x1x16xf32>,
      %get3A_2959 = arith.constant 2 : i32
      %get3A_2960 = arith.index_cast %get3A_2959 : i32 to index
      %get3A_2961 = arith.index_cast %scan3A_2568 : i32 to index
      %get3A_2962 = arith.constant 112 : index
      %get3A_2963 = tpu.vector_load %arg8[%get3A_2960, %get3A_2961, %get3A_2962] {strides = array<i32>} : memref<4x8x768xf32, #tpu.memory_space<vmem>>, vector<1x1x16xf32>,
      %get3A_2964 = vector.shape_cast %get3A_2963 : vector<1x1x16xf32> to vector<16xf32>
      %swap3A_2965 = arith.constant 2 : i32
      %swap3A_2966 = arith.index_cast %swap3A_2965 : i32 to index
      %swap3A_2967 = arith.index_cast %scan3A_2568 : i32 to index
      %swap3A_2968 = arith.constant 112 : index
      %swap3A_2969 = tpu.vector_load %arg10[%swap3A_2966, %swap3A_2967, %swap3A_2968] {strides = array<i32>} : memref<4x8x768xf32, #tpu.memory_space<vmem>>, vector<1x1x16xf32>,
      %swap3A_2970 = vector.shape_cast %swap3A_2969 : vector<1x1x16xf32> to vector<16xf32>
      %swap3A_2971 = vector.shape_cast %get3A_2964 : vector<16xf32> to vector<1x1x16xf32>
      tpu.vector_store %arg10[%swap3A_2966, %swap3A_2967, %swap3A_2968], %swap3A_2971 {strides = array<i32>} : memref<4x8x768xf32, #tpu.memory_space<vmem>>, vector<1x1x16xf32>,
      %get3A_2972 = arith.constant 3 : i32
      %get3A_2973 = arith.index_cast %get3A_2972 : i32 to index
      %get3A_2974 = arith.index_cast %scan3A_2568 : i32 to index
      %get3A_2975 = arith.constant 112 : index
      %get3A_2976 = tpu.vector_load %arg8[%get3A_2973, %get3A_2974, %get3A_2975] {strides = array<i32>} : memref<4x8x768xf32, #tpu.memory_space<vmem>>, vector<1x1x16xf32>,
      %get3A_2977 = vector.shape_cast %get3A_2976 : vector<1x1x16xf32> to vector<16xf32>
      %swap3A_2978 = arith.constant 3 : i32
      %swap3A_2979 = arith.index_cast %swap3A_2978 : i32 to index
      %swap3A_2980 = arith.index_cast %scan3A_2568 : i32 to index
      %swap3A_2981 = arith.constant 112 : index
      %swap3A_2982 = tpu.vector_load %arg10[%swap3A_2979, %swap3A_2980, %swap3A_2981] {strides = array<i32>} : memref<4x8x768xf32, #tpu.memory_space<vmem>>, vector<1x1x16xf32>,
      %swap3A_2983 = vector.shape_cast %swap3A_2982 : vector<1x1x16xf32> to vector<16xf32>
      %swap3A_2984 = vector.shape_cast %get3A_2977 : vector<16xf32> to vector<1x1x16xf32>
      tpu.vector_store %arg10[%swap3A_2979, %swap3A_2980, %swap3A_2981], %swap3A_2984 {strides = array<i32>} : memref<4x8x768xf32, #tpu.memory_space<vmem>>, vector<1x1x16xf32>,
      %get3A_2985 = arith.constant 0 : i32
      %get3A_2986 = arith.index_cast %get3A_2985 : i32 to index
      %get3A_2987 = arith.index_cast %scan3A_2568 : i32 to index
      %get3A_2988 = arith.constant 128 : index
      %get3A_2989 = tpu.vector_load %arg8[%get3A_2986, %get3A_2987, %get3A_2988] {strides = array<i32>} : memref<4x8x768xf32, #tpu.memory_space<vmem>>, vector<1x1x16xf32>,
      %get3A_2990 = vector.shape_cast %get3A_2989 : vector<1x1x16xf32> to vector<16xf32>
      %swap3A_2991 = arith.constant 0 : i32
      %swap3A_2992 = arith.index_cast %swap3A_2991 : i32 to index
      %swap3A_2993 = arith.index_cast %scan3A_2568 : i32 to index
      %swap3A_2994 = arith.constant 128 : index
      %swap3A_2995 = tpu.vector_load %arg10[%swap3A_2992, %swap3A_2993, %swap3A_2994] {strides = array<i32>} : memref<4x8x768xf32, #tpu.memory_space<vmem>>, vector<1x1x16xf32>,
      %swap3A_2996 = vector.shape_cast %swap3A_2995 : vector<1x1x16xf32> to vector<16xf32>
      %swap3A_2997 = vector.shape_cast %get3A_2990 : vector<16xf32> to vector<1x1x16xf32>
      tpu.vector_store %arg10[%swap3A_2992, %swap3A_2993, %swap3A_2994], %swap3A_2997 {strides = array<i32>} : memref<4x8x768xf32, #tpu.memory_space<vmem>>, vector<1x1x16xf32>,
      %get3A_2998 = arith.constant 1 : i32
      %get3A_2999 = arith.index_cast %get3A_2998 : i32 to index
      %get3A_3000 = arith.index_cast %scan3A_2568 : i32 to index
      %get3A_3001 = arith.constant 128 : index
      %get3A_3002 = tpu.vector_load %arg8[%get3A_2999, %get3A_3000, %get3A_3001] {strides = array<i32>} : memref<4x8x768xf32, #tpu.memory_space<vmem>>, vector<1x1x16xf32>,
      %get3A_3003 = vector.shape_cast %get3A_3002 : vector<1x1x16xf32> to vector<16xf32>
      %swap3A_3004 = arith.constant 1 : i32
      %swap3A_3005 = arith.index_cast %swap3A_3004 : i32 to index
      %swap3A_3006 = arith.index_cast %scan3A_2568 : i32 to index
      %swap3A_3007 = arith.constant 128 : index
      %swap3A_3008 = tpu.vector_load %arg10[%swap3A_3005, %swap3A_3006, %swap3A_3007] {strides = array<i32>} : memref<4x8x768xf32, #tpu.memory_space<vmem>>, vector<1x1x16xf32>,
      %swap3A_3009 = vector.shape_cast %swap3A_3008 : vector<1x1x16xf32> to vector<16xf32>
      %swap3A_3010 = vector.shape_cast %get3A_3003 : vector<16xf32> to vector<1x1x16xf32>
      tpu.vector_store %arg10[%swap3A_3005, %swap3A_3006, %swap3A_3007], %swap3A_3010 {strides = array<i32>} : memref<4x8x768xf32, #tpu.memory_space<vmem>>, vector<1x1x16xf32>,
      %get3A_3011 = arith.constant 2 : i32
      %get3A_3012 = arith.index_cast %get3A_3011 : i32 to index
      %get3A_3013 = arith.index_cast %scan3A_2568 : i32 to index
      %get3A_3014 = arith.constant 128 : index
      %get3A_3015 = tpu.vector_load %arg8[%get3A_3012, %get3A_3013, %get3A_3014] {strides = array<i32>} : memref<4x8x768xf32, #tpu.memory_space<vmem>>, vector<1x1x16xf32>,
      %get3A_3016 = vector.shape_cast %get3A_3015 : vector<1x1x16xf32> to vector<16xf32>
      %swap3A_3017 = arith.constant 2 : i32
      %swap3A_3018 = arith.index_cast %swap3A_3017 : i32 to index
      %swap3A_3019 = arith.index_cast %scan3A_2568 : i32 to index
      %swap3A_3020 = arith.constant 128 : index
      %swap3A_3021 = tpu.vector_load %arg10[%swap3A_3018, %swap3A_3019, %swap3A_3020] {strides = array<i32>} : memref<4x8x768xf32, #tpu.memory_space<vmem>>, vector<1x1x16xf32>,
      %swap3A_3022 = vector.shape_cast %swap3A_3021 : vector<1x1x16xf32> to vector<16xf32>
      %swap3A_3023 = vector.shape_cast %get3A_3016 : vector<16xf32> to vector<1x1x16xf32>
      tpu.vector_store %arg10[%swap3A_3018, %swap3A_3019, %swap3A_3020], %swap3A_3023 {strides = array<i32>} : memref<4x8x768xf32, #tpu.memory_space<vmem>>, vector<1x1x16xf32>,
      %get3A_3024 = arith.constant 3 : i32
      %get3A_3025 = arith.index_cast %get3A_3024 : i32 to index
      %get3A_3026 = arith.index_cast %scan3A_2568 : i32 to index
      %get3A_3027 = arith.constant 128 : index
      %get3A_3028 = tpu.vector_load %arg8[%get3A_3025, %get3A_3026, %get3A_3027] {strides = array<i32>} : memref<4x8x768xf32, #tpu.memory_space<vmem>>, vector<1x1x16xf32>,
      %get3A_3029 = vector.shape_cast %get3A_3028 : vector<1x1x16xf32> to vector<16xf32>
      %swap3A_3030 = arith.constant 3 : i32
      %swap3A_3031 = arith.index_cast %swap3A_3030 : i32 to index
      %swap3A_3032 = arith.index_cast %scan3A_2568 : i32 to index
      %swap3A_3033 = arith.constant 128 : index
      %swap3A_3034 = tpu.vector_load %arg10[%swap3A_3031, %swap3A_3032, %swap3A_3033] {strides = array<i32>} : memref<4x8x768xf32, #tpu.memory_space<vmem>>, vector<1x1x16xf32>,
      %swap3A_3035 = vector.shape_cast %swap3A_3034 : vector<1x1x16xf32> to vector<16xf32>
      %swap3A_3036 = vector.shape_cast %get3A_3029 : vector<16xf32> to vector<1x1x16xf32>
      tpu.vector_store %arg10[%swap3A_3031, %swap3A_3032, %swap3A_3033], %swap3A_3036 {strides = array<i32>} : memref<4x8x768xf32, #tpu.memory_space<vmem>>, vector<1x1x16xf32>,
      %get3A_3037 = arith.constant 0 : i32
      %get3A_3038 = arith.index_cast %get3A_3037 : i32 to index
      %get3A_3039 = arith.index_cast %scan3A_2568 : i32 to index
      %get3A_3040 = arith.constant 144 : index
      %get3A_3041 = tpu.vector_load %arg8[%get3A_3038, %get3A_3039, %get3A_3040] {strides = array<i32>} : memref<4x8x768xf32, #tpu.memory_space<vmem>>, vector<1x1x16xf32>,
      %get3A_3042 = vector.shape_cast %get3A_3041 : vector<1x1x16xf32> to vector<16xf32>
      %swap3A_3043 = arith.constant 0 : i32
      %swap3A_3044 = arith.index_cast %swap3A_3043 : i32 to index
      %swap3A_3045 = arith.index_cast %scan3A_2568 : i32 to index
      %swap3A_3046 = arith.constant 144 : index
      %swap3A_3047 = tpu.vector_load %arg10[%swap3A_3044, %swap3A_3045, %swap3A_3046] {strides = array<i32>} : memref<4x8x768xf32, #tpu.memory_space<vmem>>, vector<1x1x16xf32>,
      %swap3A_3048 = vector.shape_cast %swap3A_3047 : vector<1x1x16xf32> to vector<16xf32>
      %swap3A_3049 = vector.shape_cast %get3A_3042 : vector<16xf32> to vector<1x1x16xf32>
      tpu.vector_store %arg10[%swap3A_3044, %swap3A_3045, %swap3A_3046], %swap3A_3049 {strides = array<i32>} : memref<4x8x768xf32, #tpu.memory_space<vmem>>, vector<1x1x16xf32>,
      %get3A_3050 = arith.constant 1 : i32
      %get3A_3051 = arith.index_cast %get3A_3050 : i32 to index
      %get3A_3052 = arith.index_cast %scan3A_2568 : i32 to index
      %get3A_3053 = arith.constant 144 : index
      %get3A_3054 = tpu.vector_load %arg8[%get3A_3051, %get3A_3052, %get3A_3053] {strides = array<i32>} : memref<4x8x768xf32, #tpu.memory_space<vmem>>, vector<1x1x16xf32>,
      %get3A_3055 = vector.shape_cast %get3A_3054 : vector<1x1x16xf32> to vector<16xf32>
      %swap3A_3056 = arith.constant 1 : i32
      %swap3A_3057 = arith.index_cast %swap3A_3056 : i32 to index
      %swap3A_3058 = arith.index_cast %scan3A_2568 : i32 to index
      %swap3A_3059 = arith.constant 144 : index
      %swap3A_3060 = tpu.vector_load %arg10[%swap3A_3057, %swap3A_3058, %swap3A_3059] {strides = array<i32>} : memref<4x8x768xf32, #tpu.memory_space<vmem>>, vector<1x1x16xf32>,
      %swap3A_3061 = vector.shape_cast %swap3A_3060 : vector<1x1x16xf32> to vector<16xf32>
      %swap3A_3062 = vector.shape_cast %get3A_3055 : vector<16xf32> to vector<1x1x16xf32>
      tpu.vector_store %arg10[%swap3A_3057, %swap3A_3058, %swap3A_3059], %swap3A_3062 {strides = array<i32>} : memref<4x8x768xf32, #tpu.memory_space<vmem>>, vector<1x1x16xf32>,
      %get3A_3063 = arith.constant 2 : i32
      %get3A_3064 = arith.index_cast %get3A_3063 : i32 to index
      %get3A_3065 = arith.index_cast %scan3A_2568 : i32 to index
      %get3A_3066 = arith.constant 144 : index
      %get3A_3067 = tpu.vector_load %arg8[%get3A_3064, %get3A_3065, %get3A_3066] {strides = array<i32>} : memref<4x8x768xf32, #tpu.memory_space<vmem>>, vector<1x1x16xf32>,
      %get3A_3068 = vector.shape_cast %get3A_3067 : vector<1x1x16xf32> to vector<16xf32>
      %swap3A_3069 = arith.constant 2 : i32
      %swap3A_3070 = arith.index_cast %swap3A_3069 : i32 to index
      %swap3A_3071 = arith.index_cast %scan3A_2568 : i32 to index
      %swap3A_3072 = arith.constant 144 : index
      %swap3A_3073 = tpu.vector_load %arg10[%swap3A_3070, %swap3A_3071, %swap3A_3072] {strides = array<i32>} : memref<4x8x768xf32, #tpu.memory_space<vmem>>, vector<1x1x16xf32>,
      %swap3A_3074 = vector.shape_cast %swap3A_3073 : vector<1x1x16xf32> to vector<16xf32>
      %swap3A_3075 = vector.shape_cast %get3A_3068 : vector<16xf32> to vector<1x1x16xf32>
      tpu.vector_store %arg10[%swap3A_3070, %swap3A_3071, %swap3A_3072], %swap3A_3075 {strides = array<i32>} : memref<4x8x768xf32, #tpu.memory_space<vmem>>, vector<1x1x16xf32>,
      %get3A_3076 = arith.constant 3 : i32
      %get3A_3077 = arith.index_cast %get3A_3076 : i32 to index
      %get3A_3078 = arith.index_cast %scan3A_2568 : i32 to index
      %get3A_3079 = arith.constant 144 : index
      %get3A_3080 = tpu.vector_load %arg8[%get3A_3077, %get3A_3078, %get3A_3079] {strides = array<i32>} : memref<4x8x768xf32, #tpu.memory_space<vmem>>, vector<1x1x16xf32>,
      %get3A_3081 = vector.shape_cast %get3A_3080 : vector<1x1x16xf32> to vector<16xf32>
      %swap3A_3082 = arith.constant 3 : i32
      %swap3A_3083 = arith.index_cast %swap3A_3082 : i32 to index
      %swap3A_3084 = arith.index_cast %scan3A_2568 : i32 to index
      %swap3A_3085 = arith.constant 144 : index
      %swap3A_3086 = tpu.vector_load %arg10[%swap3A_3083, %swap3A_3084, %swap3A_3085] {strides = array<i32>} : memref<4x8x768xf32, #tpu.memory_space<vmem>>, vector<1x1x16xf32>,
      %swap3A_3087 = vector.shape_cast %swap3A_3086 : vector<1x1x16xf32> to vector<16xf32>
      %swap3A_3088 = vector.shape_cast %get3A_3081 : vector<16xf32> to vector<1x1x16xf32>
      tpu.vector_store %arg10[%swap3A_3083, %swap3A_3084, %swap3A_3085], %swap3A_3088 {strides = array<i32>} : memref<4x8x768xf32, #tpu.memory_space<vmem>>, vector<1x1x16xf32>,
      %get3A_3089 = arith.constant 0 : i32
      %get3A_3090 = arith.index_cast %get3A_3089 : i32 to index
      %get3A_3091 = arith.index_cast %scan3A_2568 : i32 to index
      %get3A_3092 = arith.constant 160 : index
      %get3A_3093 = tpu.vector_load %arg8[%get3A_3090, %get3A_3091, %get3A_3092] {strides = array<i32>} : memref<4x8x768xf32, #tpu.memory_space<vmem>>, vector<1x1x16xf32>,
      %get3A_3094 = vector.shape_cast %get3A_3093 : vector<1x1x16xf32> to vector<16xf32>
      %swap3A_3095 = arith.constant 0 : i32
      %swap3A_3096 = arith.index_cast %swap3A_3095 : i32 to index
      %swap3A_3097 = arith.index_cast %scan3A_2568 : i32 to index
      %swap3A_3098 = arith.constant 160 : index
      %swap3A_3099 = tpu.vector_load %arg10[%swap3A_3096, %swap3A_3097, %swap3A_3098] {strides = array<i32>} : memref<4x8x768xf32, #tpu.memory_space<vmem>>, vector<1x1x16xf32>,
      %swap3A_3100 = vector.shape_cast %swap3A_3099 : vector<1x1x16xf32> to vector<16xf32>
      %swap3A_3101 = vector.shape_cast %get3A_3094 : vector<16xf32> to vector<1x1x16xf32>
      tpu.vector_store %arg10[%swap3A_3096, %swap3A_3097, %swap3A_3098], %swap3A_3101 {strides = array<i32>} : memref<4x8x768xf32, #tpu.memory_space<vmem>>, vector<1x1x16xf32>,
      %get3A_3102 = arith.constant 1 : i32
      %get3A_3103 = arith.index_cast %get3A_3102 : i32 to index
      %get3A_3104 = arith.index_cast %scan3A_2568 : i32 to index
      %get3A_3105 = arith.constant 160 : index
      %get3A_3106 = tpu.vector_load %arg8[%get3A_3103, %get3A_3104, %get3A_3105] {strides = array<i32>} : memref<4x8x768xf32, #tpu.memory_space<vmem>>, vector<1x1x16xf32>,
      %get3A_3107 = vector.shape_cast %get3A_3106 : vector<1x1x16xf32> to vector<16xf32>
      %swap3A_3108 = arith.constant 1 : i32
      %swap3A_3109 = arith.index_cast %swap3A_3108 : i32 to index
      %swap3A_3110 = arith.index_cast %scan3A_2568 : i32 to index
      %swap3A_3111 = arith.constant 160 : index
      %swap3A_3112 = tpu.vector_load %arg10[%swap3A_3109, %swap3A_3110, %swap3A_3111] {strides = array<i32>} : memref<4x8x768xf32, #tpu.memory_space<vmem>>, vector<1x1x16xf32>,
      %swap3A_3113 = vector.shape_cast %swap3A_3112 : vector<1x1x16xf32> to vector<16xf32>
      %swap3A_3114 = vector.shape_cast %get3A_3107 : vector<16xf32> to vector<1x1x16xf32>
      tpu.vector_store %arg10[%swap3A_3109, %swap3A_3110, %swap3A_3111], %swap3A_3114 {strides = array<i32>} : memref<4x8x768xf32, #tpu.memory_space<vmem>>, vector<1x1x16xf32>,
      %get3A_3115 = arith.constant 2 : i32
      %get3A_3116 = arith.index_cast %get3A_3115 : i32 to index
      %get3A_3117 = arith.index_cast %scan3A_2568 : i32 to index
      %get3A_3118 = arith.constant 160 : index
      %get3A_3119 = tpu.vector_load %arg8[%get3A_3116, %get3A_3117, %get3A_3118] {strides = array<i32>} : memref<4x8x768xf32, #tpu.memory_space<vmem>>, vector<1x1x16xf32>,
      %get3A_3120 = vector.shape_cast %get3A_3119 : vector<1x1x16xf32> to vector<16xf32>
      %swap3A_3121 = arith.constant 2 : i32
      %swap3A_3122 = arith.index_cast %swap3A_3121 : i32 to index
      %swap3A_3123 = arith.index_cast %scan3A_2568 : i32 to index
      %swap3A_3124 = arith.constant 160 : index
      %swap3A_3125 = tpu.vector_load %arg10[%swap3A_3122, %swap3A_3123, %swap3A_3124] {strides = array<i32>} : memref<4x8x768xf32, #tpu.memory_space<vmem>>, vector<1x1x16xf32>,
      %swap3A_3126 = vector.shape_cast %swap3A_3125 : vector<1x1x16xf32> to vector<16xf32>
      %swap3A_3127 = vector.shape_cast %get3A_3120 : vector<16xf32> to vector<1x1x16xf32>
      tpu.vector_store %arg10[%swap3A_3122, %swap3A_3123, %swap3A_3124], %swap3A_3127 {strides = array<i32>} : memref<4x8x768xf32, #tpu.memory_space<vmem>>, vector<1x1x16xf32>,
      %get3A_3128 = arith.constant 3 : i32
      %get3A_3129 = arith.index_cast %get3A_3128 : i32 to index
      %get3A_3130 = arith.index_cast %scan3A_2568 : i32 to index
      %get3A_3131 = arith.constant 160 : index
      %get3A_3132 = tpu.vector_load %arg8[%get3A_3129, %get3A_3130, %get3A_3131] {strides = array<i32>} : memref<4x8x768xf32, #tpu.memory_space<vmem>>, vector<1x1x16xf32>,
      %get3A_3133 = vector.shape_cast %get3A_3132 : vector<1x1x16xf32> to vector<16xf32>
      %swap3A_3134 = arith.constant 3 : i32
      %swap3A_3135 = arith.index_cast %swap3A_3134 : i32 to index
      %swap3A_3136 = arith.index_cast %scan3A_2568 : i32 to index
      %swap3A_3137 = arith.constant 160 : index
      %swap3A_3138 = tpu.vector_load %arg10[%swap3A_3135, %swap3A_3136, %swap3A_3137] {strides = array<i32>} : memref<4x8x768xf32, #tpu.memory_space<vmem>>, vector<1x1x16xf32>,
      %swap3A_3139 = vector.shape_cast %swap3A_3138 : vector<1x1x16xf32> to vector<16xf32>
      %swap3A_3140 = vector.shape_cast %get3A_3133 : vector<16xf32> to vector<1x1x16xf32>
      tpu.vector_store %arg10[%swap3A_3135, %swap3A_3136, %swap3A_3137], %swap3A_3140 {strides = array<i32>} : memref<4x8x768xf32, #tpu.memory_space<vmem>>, vector<1x1x16xf32>,
      %get3A_3141 = arith.constant 0 : i32
      %get3A_3142 = arith.index_cast %get3A_3141 : i32 to index
      %get3A_3143 = arith.index_cast %scan3A_2568 : i32 to index
      %get3A_3144 = arith.constant 176 : index
      %get3A_3145 = tpu.vector_load %arg8[%get3A_3142, %get3A_3143, %get3A_3144] {strides = array<i32>} : memref<4x8x768xf32, #tpu.memory_space<vmem>>, vector<1x1x16xf32>,
      %get3A_3146 = vector.shape_cast %get3A_3145 : vector<1x1x16xf32> to vector<16xf32>
      %swap3A_3147 = arith.constant 0 : i32
      %swap3A_3148 = arith.index_cast %swap3A_3147 : i32 to index
      %swap3A_3149 = arith.index_cast %scan3A_2568 : i32 to index
      %swap3A_3150 = arith.constant 176 : index
      %swap3A_3151 = tpu.vector_load %arg10[%swap3A_3148, %swap3A_3149, %swap3A_3150] {strides = array<i32>} : memref<4x8x768xf32, #tpu.memory_space<vmem>>, vector<1x1x16xf32>,
      %swap3A_3152 = vector.shape_cast %swap3A_3151 : vector<1x1x16xf32> to vector<16xf32>
      %swap3A_3153 = vector.shape_cast %get3A_3146 : vector<16xf32> to vector<1x1x16xf32>
      tpu.vector_store %arg10[%swap3A_3148, %swap3A_3149, %swap3A_3150], %swap3A_3153 {strides = array<i32>} : memref<4x8x768xf32, #tpu.memory_space<vmem>>, vector<1x1x16xf32>,
      %get3A_3154 = arith.constant 1 : i32
      %get3A_3155 = arith.index_cast %get3A_3154 : i32 to index
      %get3A_3156 = arith.index_cast %scan3A_2568 : i32 to index
      %get3A_3157 = arith.constant 176 : index
      %get3A_3158 = tpu.vector_load %arg8[%get3A_3155, %get3A_3156, %get3A_3157] {strides = array<i32>} : memref<4x8x768xf32, #tpu.memory_space<vmem>>, vector<1x1x16xf32>,
      %get3A_3159 = vector.shape_cast %get3A_3158 : vector<1x1x16xf32> to vector<16xf32>
      %swap3A_3160 = arith.constant 1 : i32
      %swap3A_3161 = arith.index_cast %swap3A_3160 : i32 to index
      %swap3A_3162 = arith.index_cast %scan3A_2568 : i32 to index
      %swap3A_3163 = arith.constant 176 : index
      %swap3A_3164 = tpu.vector_load %arg10[%swap3A_3161, %swap3A_3162, %swap3A_3163] {strides = array<i32>} : memref<4x8x768xf32, #tpu.memory_space<vmem>>, vector<1x1x16xf32>,
      %swap3A_3165 = vector.shape_cast %swap3A_3164 : vector<1x1x16xf32> to vector<16xf32>
      %swap3A_3166 = vector.shape_cast %get3A_3159 : vector<16xf32> to vector<1x1x16xf32>
      tpu.vector_store %arg10[%swap3A_3161, %swap3A_3162, %swap3A_3163], %swap3A_3166 {strides = array<i32>} : memref<4x8x768xf32, #tpu.memory_space<vmem>>, vector<1x1x16xf32>,
      %get3A_3167 = arith.constant 2 : i32
      %get3A_3168 = arith.index_cast %get3A_3167 : i32 to index
      %get3A_3169 = arith.index_cast %scan3A_2568 : i32 to index
      %get3A_3170 = arith.constant 176 : index
      %get3A_3171 = tpu.vector_load %arg8[%get3A_3168, %get3A_3169, %get3A_3170] {strides = array<i32>} : memref<4x8x768xf32, #tpu.memory_space<vmem>>, vector<1x1x16xf32>,
      %get3A_3172 = vector.shape_cast %get3A_3171 : vector<1x1x16xf32> to vector<16xf32>
      %swap3A_3173 = arith.constant 2 : i32
      %swap3A_3174 = arith.index_cast %swap3A_3173 : i32 to index
      %swap3A_3175 = arith.index_cast %scan3A_2568 : i32 to index
      %swap3A_3176 = arith.constant 176 : index
      %swap3A_3177 = tpu.vector_load %arg10[%swap3A_3174, %swap3A_3175, %swap3A_3176] {strides = array<i32>} : memref<4x8x768xf32, #tpu.memory_space<vmem>>, vector<1x1x16xf32>,
      %swap3A_3178 = vector.shape_cast %swap3A_3177 : vector<1x1x16xf32> to vector<16xf32>
      %swap3A_3179 = vector.shape_cast %get3A_3172 : vector<16xf32> to vector<1x1x16xf32>
      tpu.vector_store %arg10[%swap3A_3174, %swap3A_3175, %swap3A_3176], %swap3A_3179 {strides = array<i32>} : memref<4x8x768xf32, #tpu.memory_space<vmem>>, vector<1x1x16xf32>,
      %get3A_3180 = arith.constant 3 : i32
      %get3A_3181 = arith.index_cast %get3A_3180 : i32 to index
      %get3A_3182 = arith.index_cast %scan3A_2568 : i32 to index
      %get3A_3183 = arith.constant 176 : index
      %get3A_3184 = tpu.vector_load %arg8[%get3A_3181, %get3A_3182, %get3A_3183] {strides = array<i32>} : memref<4x8x768xf32, #tpu.memory_space<vmem>>, vector<1x1x16xf32>,
      %get3A_3185 = vector.shape_cast %get3A_3184 : vector<1x1x16xf32> to vector<16xf32>
      %swap3A_3186 = arith.constant 3 : i32
      %swap3A_3187 = arith.index_cast %swap3A_3186 : i32 to index
      %swap3A_3188 = arith.index_cast %scan3A_2568 : i32 to index
      %swap3A_3189 = arith.constant 176 : index
      %swap3A_3190 = tpu.vector_load %arg10[%swap3A_3187, %swap3A_3188, %swap3A_3189] {strides = array<i32>} : memref<4x8x768xf32, #tpu.memory_space<vmem>>, vector<1x1x16xf32>,
      %swap3A_3191 = vector.shape_cast %swap3A_3190 : vector<1x1x16xf32> to vector<16xf32>
      %swap3A_3192 = vector.shape_cast %get3A_3185 : vector<16xf32> to vector<1x1x16xf32>
      tpu.vector_store %arg10[%swap3A_3187, %swap3A_3188, %swap3A_3189], %swap3A_3192 {strides = array<i32>} : memref<4x8x768xf32, #tpu.memory_space<vmem>>, vector<1x1x16xf32>,
      %get3A_3193 = arith.constant 0 : i32
      %get3A_3194 = arith.index_cast %get3A_3193 : i32 to index
      %get3A_3195 = arith.index_cast %scan3A_2568 : i32 to index
      %get3A_3196 = arith.constant 192 : index
      %get3A_3197 = tpu.vector_load %arg8[%get3A_3194, %get3A_3195, %get3A_3196] {strides = array<i32>} : memref<4x8x768xf32, #tpu.memory_space<vmem>>, vector<1x1x16xf32>,
      %get3A_3198 = vector.shape_cast %get3A_3197 : vector<1x1x16xf32> to vector<16xf32>
      %swap3A_3199 = arith.constant 0 : i32
      %swap3A_3200 = arith.index_cast %swap3A_3199 : i32 to index
      %swap3A_3201 = arith.index_cast %scan3A_2568 : i32 to index
      %swap3A_3202 = arith.constant 192 : index
      %swap3A_3203 = tpu.vector_load %arg10[%swap3A_3200, %swap3A_3201, %swap3A_3202] {strides = array<i32>} : memref<4x8x768xf32, #tpu.memory_space<vmem>>, vector<1x1x16xf32>,
      %swap3A_3204 = vector.shape_cast %swap3A_3203 : vector<1x1x16xf32> to vector<16xf32>
      %swap3A_3205 = vector.shape_cast %get3A_3198 : vector<16xf32> to vector<1x1x16xf32>
      tpu.vector_store %arg10[%swap3A_3200, %swap3A_3201, %swap3A_3202], %swap3A_3205 {strides = array<i32>} : memref<4x8x768xf32, #tpu.memory_space<vmem>>, vector<1x1x16xf32>,
      %get3A_3206 = arith.constant 1 : i32
      %get3A_3207 = arith.index_cast %get3A_3206 : i32 to index
      %get3A_3208 = arith.index_cast %scan3A_2568 : i32 to index
      %get3A_3209 = arith.constant 192 : index
      %get3A_3210 = tpu.vector_load %arg8[%get3A_3207, %get3A_3208, %get3A_3209] {strides = array<i32>} : memref<4x8x768xf32, #tpu.memory_space<vmem>>, vector<1x1x16xf32>,
      %get3A_3211 = vector.shape_cast %get3A_3210 : vector<1x1x16xf32> to vector<16xf32>
      %swap3A_3212 = arith.constant 1 : i32
      %swap3A_3213 = arith.index_cast %swap3A_3212 : i32 to index
      %swap3A_3214 = arith.index_cast %scan3A_2568 : i32 to index
      %swap3A_3215 = arith.constant 192 : index
      %swap3A_3216 = tpu.vector_load %arg10[%swap3A_3213, %swap3A_3214, %swap3A_3215] {strides = array<i32>} : memref<4x8x768xf32, #tpu.memory_space<vmem>>, vector<1x1x16xf32>,
      %swap3A_3217 = vector.shape_cast %swap3A_3216 : vector<1x1x16xf32> to vector<16xf32>
      %swap3A_3218 = vector.shape_cast %get3A_3211 : vector<16xf32> to vector<1x1x16xf32>
      tpu.vector_store %arg10[%swap3A_3213, %swap3A_3214, %swap3A_3215], %swap3A_3218 {strides = array<i32>} : memref<4x8x768xf32, #tpu.memory_space<vmem>>, vector<1x1x16xf32>,
      %get3A_3219 = arith.constant 2 : i32
      %get3A_3220 = arith.index_cast %get3A_3219 : i32 to index
      %get3A_3221 = arith.index_cast %scan3A_2568 : i32 to index
      %get3A_3222 = arith.constant 192 : index
      %get3A_3223 = tpu.vector_load %arg8[%get3A_3220, %get3A_3221, %get3A_3222] {strides = array<i32>} : memref<4x8x768xf32, #tpu.memory_space<vmem>>, vector<1x1x16xf32>,
      %get3A_3224 = vector.shape_cast %get3A_3223 : vector<1x1x16xf32> to vector<16xf32>
      %swap3A_3225 = arith.constant 2 : i32
      %swap3A_3226 = arith.index_cast %swap3A_3225 : i32 to index
      %swap3A_3227 = arith.index_cast %scan3A_2568 : i32 to index
      %swap3A_3228 = arith.constant 192 : index
      %swap3A_3229 = tpu.vector_load %arg10[%swap3A_3226, %swap3A_3227, %swap3A_3228] {strides = array<i32>} : memref<4x8x768xf32, #tpu.memory_space<vmem>>, vector<1x1x16xf32>,
      %swap3A_3230 = vector.shape_cast %swap3A_3229 : vector<1x1x16xf32> to vector<16xf32>
      %swap3A_3231 = vector.shape_cast %get3A_3224 : vector<16xf32> to vector<1x1x16xf32>
      tpu.vector_store %arg10[%swap3A_3226, %swap3A_3227, %swap3A_3228], %swap3A_3231 {strides = array<i32>} : memref<4x8x768xf32, #tpu.memory_space<vmem>>, vector<1x1x16xf32>,
      %get3A_3232 = arith.constant 3 : i32
      %get3A_3233 = arith.index_cast %get3A_3232 : i32 to index
      %get3A_3234 = arith.index_cast %scan3A_2568 : i32 to index
      %get3A_3235 = arith.constant 192 : index
      %get3A_3236 = tpu.vector_load %arg8[%get3A_3233, %get3A_3234, %get3A_3235] {strides = array<i32>} : memref<4x8x768xf32, #tpu.memory_space<vmem>>, vector<1x1x16xf32>,
      %get3A_3237 = vector.shape_cast %get3A_3236 : vector<1x1x16xf32> to vector<16xf32>
      %swap3A_3238 = arith.constant 3 : i32
      %swap3A_3239 = arith.index_cast %swap3A_3238 : i32 to index
      %swap3A_3240 = arith.index_cast %scan3A_2568 : i32 to index
      %swap3A_3241 = arith.constant 192 : index
      %swap3A_3242 = tpu.vector_load %arg10[%swap3A_3239, %swap3A_3240, %swap3A_3241] {strides = array<i32>} : memref<4x8x768xf32, #tpu.memory_space<vmem>>, vector<1x1x16xf32>,
      %swap3A_3243 = vector.shape_cast %swap3A_3242 : vector<1x1x16xf32> to vector<16xf32>
      %swap3A_3244 = vector.shape_cast %get3A_3237 : vector<16xf32> to vector<1x1x16xf32>
      tpu.vector_store %arg10[%swap3A_3239, %swap3A_3240, %swap3A_3241], %swap3A_3244 {strides = array<i32>} : memref<4x8x768xf32, #tpu.memory_space<vmem>>, vector<1x1x16xf32>,
      %get3A_3245 = arith.constant 0 : i32
      %get3A_3246 = arith.index_cast %get3A_3245 : i32 to index
      %get3A_3247 = arith.index_cast %scan3A_2568 : i32 to index
      %get3A_3248 = arith.constant 208 : index
      %get3A_3249 = tpu.vector_load %arg8[%get3A_3246, %get3A_3247, %get3A_3248] {strides = array<i32>} : memref<4x8x768xf32, #tpu.memory_space<vmem>>, vector<1x1x16xf32>,
      %get3A_3250 = vector.shape_cast %get3A_3249 : vector<1x1x16xf32> to vector<16xf32>
      %swap3A_3251 = arith.constant 0 : i32
      %swap3A_3252 = arith.index_cast %swap3A_3251 : i32 to index
      %swap3A_3253 = arith.index_cast %scan3A_2568 : i32 to index
      %swap3A_3254 = arith.constant 208 : index
      %swap3A_3255 = tpu.vector_load %arg10[%swap3A_3252, %swap3A_3253, %swap3A_3254] {strides = array<i32>} : memref<4x8x768xf32, #tpu.memory_space<vmem>>, vector<1x1x16xf32>,
      %swap3A_3256 = vector.shape_cast %swap3A_3255 : vector<1x1x16xf32> to vector<16xf32>
      %swap3A_3257 = vector.shape_cast %get3A_3250 : vector<16xf32> to vector<1x1x16xf32>
      tpu.vector_store %arg10[%swap3A_3252, %swap3A_3253, %swap3A_3254], %swap3A_3257 {strides = array<i32>} : memref<4x8x768xf32, #tpu.memory_space<vmem>>, vector<1x1x16xf32>,
      %get3A_3258 = arith.constant 1 : i32
      %get3A_3259 = arith.index_cast %get3A_3258 : i32 to index
      %get3A_3260 = arith.index_cast %scan3A_2568 : i32 to index
      %get3A_3261 = arith.constant 208 : index
      %get3A_3262 = tpu.vector_load %arg8[%get3A_3259, %get3A_3260, %get3A_3261] {strides = array<i32>} : memref<4x8x768xf32, #tpu.memory_space<vmem>>, vector<1x1x16xf32>,
      %get3A_3263 = vector.shape_cast %get3A_3262 : vector<1x1x16xf32> to vector<16xf32>
      %swap3A_3264 = arith.constant 1 : i32
      %swap3A_3265 = arith.index_cast %swap3A_3264 : i32 to index
      %swap3A_3266 = arith.index_cast %scan3A_2568 : i32 to index
      %swap3A_3267 = arith.constant 208 : index
      %swap3A_3268 = tpu.vector_load %arg10[%swap3A_3265, %swap3A_3266, %swap3A_3267] {strides = array<i32>} : memref<4x8x768xf32, #tpu.memory_space<vmem>>, vector<1x1x16xf32>,
      %swap3A_3269 = vector.shape_cast %swap3A_3268 : vector<1x1x16xf32> to vector<16xf32>
      %swap3A_3270 = vector.shape_cast %get3A_3263 : vector<16xf32> to vector<1x1x16xf32>
      tpu.vector_store %arg10[%swap3A_3265, %swap3A_3266, %swap3A_3267], %swap3A_3270 {strides = array<i32>} : memref<4x8x768xf32, #tpu.memory_space<vmem>>, vector<1x1x16xf32>,
      %get3A_3271 = arith.constant 2 : i32
      %get3A_3272 = arith.index_cast %get3A_3271 : i32 to index
      %get3A_3273 = arith.index_cast %scan3A_2568 : i32 to index
      %get3A_3274 = arith.constant 208 : index
      %get3A_3275 = tpu.vector_load %arg8[%get3A_3272, %get3A_3273, %get3A_3274] {strides = array<i32>} : memref<4x8x768xf32, #tpu.memory_space<vmem>>, vector<1x1x16xf32>,
      %get3A_3276 = vector.shape_cast %get3A_3275 : vector<1x1x16xf32> to vector<16xf32>
      %swap3A_3277 = arith.constant 2 : i32
      %swap3A_3278 = arith.index_cast %swap3A_3277 : i32 to index
      %swap3A_3279 = arith.index_cast %scan3A_2568 : i32 to index
      %swap3A_3280 = arith.constant 208 : index
      %swap3A_3281 = tpu.vector_load %arg10[%swap3A_3278, %swap3A_3279, %swap3A_3280] {strides = array<i32>} : memref<4x8x768xf32, #tpu.memory_space<vmem>>, vector<1x1x16xf32>,
      %swap3A_3282 = vector.shape_cast %swap3A_3281 : vector<1x1x16xf32> to vector<16xf32>
      %swap3A_3283 = vector.shape_cast %get3A_3276 : vector<16xf32> to vector<1x1x16xf32>
      tpu.vector_store %arg10[%swap3A_3278, %swap3A_3279, %swap3A_3280], %swap3A_3283 {strides = array<i32>} : memref<4x8x768xf32, #tpu.memory_space<vmem>>, vector<1x1x16xf32>,
      %get3A_3284 = arith.constant 3 : i32
      %get3A_3285 = arith.index_cast %get3A_3284 : i32 to index
      %get3A_3286 = arith.index_cast %scan3A_2568 : i32 to index
      %get3A_3287 = arith.constant 208 : index
      %get3A_3288 = tpu.vector_load %arg8[%get3A_3285, %get3A_3286, %get3A_3287] {strides = array<i32>} : memref<4x8x768xf32, #tpu.memory_space<vmem>>, vector<1x1x16xf32>,
      %get3A_3289 = vector.shape_cast %get3A_3288 : vector<1x1x16xf32> to vector<16xf32>
      %swap3A_3290 = arith.constant 3 : i32
      %swap3A_3291 = arith.index_cast %swap3A_3290 : i32 to index
      %swap3A_3292 = arith.index_cast %scan3A_2568 : i32 to index
      %swap3A_3293 = arith.constant 208 : index
      %swap3A_3294 = tpu.vector_load %arg10[%swap3A_3291, %swap3A_3292, %swap3A_3293] {strides = array<i32>} : memref<4x8x768xf32, #tpu.memory_space<vmem>>, vector<1x1x16xf32>,
      %swap3A_3295 = vector.shape_cast %swap3A_3294 : vector<1x1x16xf32> to vector<16xf32>
      %swap3A_3296 = vector.shape_cast %get3A_3289 : vector<16xf32> to vector<1x1x16xf32>
      tpu.vector_store %arg10[%swap3A_3291, %swap3A_3292, %swap3A_3293], %swap3A_3296 {strides = array<i32>} : memref<4x8x768xf32, #tpu.memory_space<vmem>>, vector<1x1x16xf32>,
      %get3A_3297 = arith.constant 0 : i32
      %get3A_3298 = arith.index_cast %get3A_3297 : i32 to index
      %get3A_3299 = arith.index_cast %scan3A_2568 : i32 to index
      %get3A_3300 = arith.constant 224 : index
      %get3A_3301 = tpu.vector_load %arg8[%get3A_3298, %get3A_3299, %get3A_3300] {strides = array<i32>} : memref<4x8x768xf32, #tpu.memory_space<vmem>>, vector<1x1x16xf32>,
      %get3A_3302 = vector.shape_cast %get3A_3301 : vector<1x1x16xf32> to vector<16xf32>
      %swap3A_3303 = arith.constant 0 : i32
      %swap3A_3304 = arith.index_cast %swap3A_3303 : i32 to index
      %swap3A_3305 = arith.index_cast %scan3A_2568 : i32 to index
      %swap3A_3306 = arith.constant 224 : index
      %swap3A_3307 = tpu.vector_load %arg10[%swap3A_3304, %swap3A_3305, %swap3A_3306] {strides = array<i32>} : memref<4x8x768xf32, #tpu.memory_space<vmem>>, vector<1x1x16xf32>,
      %swap3A_3308 = vector.shape_cast %swap3A_3307 : vector<1x1x16xf32> to vector<16xf32>
      %swap3A_3309 = vector.shape_cast %get3A_3302 : vector<16xf32> to vector<1x1x16xf32>
      tpu.vector_store %arg10[%swap3A_3304, %swap3A_3305, %swap3A_3306], %swap3A_3309 {strides = array<i32>} : memref<4x8x768xf32, #tpu.memory_space<vmem>>, vector<1x1x16xf32>,
      %get3A_3310 = arith.constant 1 : i32
      %get3A_3311 = arith.index_cast %get3A_3310 : i32 to index
      %get3A_3312 = arith.index_cast %scan3A_2568 : i32 to index
      %get3A_3313 = arith.constant 224 : index
      %get3A_3314 = tpu.vector_load %arg8[%get3A_3311, %get3A_3312, %get3A_3313] {strides = array<i32>} : memref<4x8x768xf32, #tpu.memory_space<vmem>>, vector<1x1x16xf32>,
      %get3A_3315 = vector.shape_cast %get3A_3314 : vector<1x1x16xf32> to vector<16xf32>
      %swap3A_3316 = arith.constant 1 : i32
      %swap3A_3317 = arith.index_cast %swap3A_3316 : i32 to index
      %swap3A_3318 = arith.index_cast %scan3A_2568 : i32 to index
      %swap3A_3319 = arith.constant 224 : index
      %swap3A_3320 = tpu.vector_load %arg10[%swap3A_3317, %swap3A_3318, %swap3A_3319] {strides = array<i32>} : memref<4x8x768xf32, #tpu.memory_space<vmem>>, vector<1x1x16xf32>,
      %swap3A_3321 = vector.shape_cast %swap3A_3320 : vector<1x1x16xf32> to vector<16xf32>
      %swap3A_3322 = vector.shape_cast %get3A_3315 : vector<16xf32> to vector<1x1x16xf32>
      tpu.vector_store %arg10[%swap3A_3317, %swap3A_3318, %swap3A_3319], %swap3A_3322 {strides = array<i32>} : memref<4x8x768xf32, #tpu.memory_space<vmem>>, vector<1x1x16xf32>,
      %get3A_3323 = arith.constant 2 : i32
      %get3A_3324 = arith.index_cast %get3A_3323 : i32 to index
      %get3A_3325 = arith.index_cast %scan3A_2568 : i32 to index
      %get3A_3326 = arith.constant 224 : index
      %get3A_3327 = tpu.vector_load %arg8[%get3A_3324, %get3A_3325, %get3A_3326] {strides = array<i32>} : memref<4x8x768xf32, #tpu.memory_space<vmem>>, vector<1x1x16xf32>,
      %get3A_3328 = vector.shape_cast %get3A_3327 : vector<1x1x16xf32> to vector<16xf32>
      %swap3A_3329 = arith.constant 2 : i32
      %swap3A_3330 = arith.index_cast %swap3A_3329 : i32 to index
      %swap3A_3331 = arith.index_cast %scan3A_2568 : i32 to index
      %swap3A_3332 = arith.constant 224 : index
      %swap3A_3333 = tpu.vector_load %arg10[%swap3A_3330, %swap3A_3331, %swap3A_3332] {strides = array<i32>} : memref<4x8x768xf32, #tpu.memory_space<vmem>>, vector<1x1x16xf32>,
      %swap3A_3334 = vector.shape_cast %swap3A_3333 : vector<1x1x16xf32> to vector<16xf32>
      %swap3A_3335 = vector.shape_cast %get3A_3328 : vector<16xf32> to vector<1x1x16xf32>
      tpu.vector_store %arg10[%swap3A_3330, %swap3A_3331, %swap3A_3332], %swap3A_3335 {strides = array<i32>} : memref<4x8x768xf32, #tpu.memory_space<vmem>>, vector<1x1x16xf32>,
      %get3A_3336 = arith.constant 3 : i32
      %get3A_3337 = arith.index_cast %get3A_3336 : i32 to index
      %get3A_3338 = arith.index_cast %scan3A_2568 : i32 to index
      %get3A_3339 = arith.constant 224 : index
      %get3A_3340 = tpu.vector_load %arg8[%get3A_3337, %get3A_3338, %get3A_3339] {strides = array<i32>} : memref<4x8x768xf32, #tpu.memory_space<vmem>>, vector<1x1x16xf32>,
      %get3A_3341 = vector.shape_cast %get3A_3340 : vector<1x1x16xf32> to vector<16xf32>
      %swap3A_3342 = arith.constant 3 : i32
      %swap3A_3343 = arith.index_cast %swap3A_3342 : i32 to index
      %swap3A_3344 = arith.index_cast %scan3A_2568 : i32 to index
      %swap3A_3345 = arith.constant 224 : index
      %swap3A_3346 = tpu.vector_load %arg10[%swap3A_3343, %swap3A_3344, %swap3A_3345] {strides = array<i32>} : memref<4x8x768xf32, #tpu.memory_space<vmem>>, vector<1x1x16xf32>,
      %swap3A_3347 = vector.shape_cast %swap3A_3346 : vector<1x1x16xf32> to vector<16xf32>
      %swap3A_3348 = vector.shape_cast %get3A_3341 : vector<16xf32> to vector<1x1x16xf32>
      tpu.vector_store %arg10[%swap3A_3343, %swap3A_3344, %swap3A_3345], %swap3A_3348 {strides = array<i32>} : memref<4x8x768xf32, #tpu.memory_space<vmem>>, vector<1x1x16xf32>,
      %get3A_3349 = arith.constant 0 : i32
      %get3A_3350 = arith.index_cast %get3A_3349 : i32 to index
      %get3A_3351 = arith.index_cast %scan3A_2568 : i32 to index
      %get3A_3352 = arith.constant 240 : index
      %get3A_3353 = tpu.vector_load %arg8[%get3A_3350, %get3A_3351, %get3A_3352] {strides = array<i32>} : memref<4x8x768xf32, #tpu.memory_space<vmem>>, vector<1x1x16xf32>,
      %get3A_3354 = vector.shape_cast %get3A_3353 : vector<1x1x16xf32> to vector<16xf32>
      %swap3A_3355 = arith.constant 0 : i32
      %swap3A_3356 = arith.index_cast %swap3A_3355 : i32 to index
      %swap3A_3357 = arith.index_cast %scan3A_2568 : i32 to index
      %swap3A_3358 = arith.constant 240 : index
      %swap3A_3359 = tpu.vector_load %arg10[%swap3A_3356, %swap3A_3357, %swap3A_3358] {strides = array<i32>} : memref<4x8x768xf32, #tpu.memory_space<vmem>>, vector<1x1x16xf32>,
      %swap3A_3360 = vector.shape_cast %swap3A_3359 : vector<1x1x16xf32> to vector<16xf32>
      %swap3A_3361 = vector.shape_cast %get3A_3354 : vector<16xf32> to vector<1x1x16xf32>
      tpu.vector_store %arg10[%swap3A_3356, %swap3A_3357, %swap3A_3358], %swap3A_3361 {strides = array<i32>} : memref<4x8x768xf32, #tpu.memory_space<vmem>>, vector<1x1x16xf32>,
      %get3A_3362 = arith.constant 1 : i32
      %get3A_3363 = arith.index_cast %get3A_3362 : i32 to index
      %get3A_3364 = arith.index_cast %scan3A_2568 : i32 to index
      %get3A_3365 = arith.constant 240 : index
      %get3A_3366 = tpu.vector_load %arg8[%get3A_3363, %get3A_3364, %get3A_3365] {strides = array<i32>} : memref<4x8x768xf32, #tpu.memory_space<vmem>>, vector<1x1x16xf32>,
      %get3A_3367 = vector.shape_cast %get3A_3366 : vector<1x1x16xf32> to vector<16xf32>
      %swap3A_3368 = arith.constant 1 : i32
      %swap3A_3369 = arith.index_cast %swap3A_3368 : i32 to index
      %swap3A_3370 = arith.index_cast %scan3A_2568 : i32 to index
      %swap3A_3371 = arith.constant 240 : index
      %swap3A_3372 = tpu.vector_load %arg10[%swap3A_3369, %swap3A_3370, %swap3A_3371] {strides = array<i32>} : memref<4x8x768xf32, #tpu.memory_space<vmem>>, vector<1x1x16xf32>,
      %swap3A_3373 = vector.shape_cast %swap3A_3372 : vector<1x1x16xf32> to vector<16xf32>
      %swap3A_3374 = vector.shape_cast %get3A_3367 : vector<16xf32> to vector<1x1x16xf32>
      tpu.vector_store %arg10[%swap3A_3369, %swap3A_3370, %swap3A_3371], %swap3A_3374 {strides = array<i32>} : memref<4x8x768xf32, #tpu.memory_space<vmem>>, vector<1x1x16xf32>,
      %get3A_3375 = arith.constant 2 : i32
      %get3A_3376 = arith.index_cast %get3A_3375 : i32 to index
      %get3A_3377 = arith.index_cast %scan3A_2568 : i32 to index
      %get3A_3378 = arith.constant 240 : index
      %get3A_3379 = tpu.vector_load %arg8[%get3A_3376, %get3A_3377, %get3A_3378] {strides = array<i32>} : memref<4x8x768xf32, #tpu.memory_space<vmem>>, vector<1x1x16xf32>,
      %get3A_3380 = vector.shape_cast %get3A_3379 : vector<1x1x16xf32> to vector<16xf32>
      %swap3A_3381 = arith.constant 2 : i32
      %swap3A_3382 = arith.index_cast %swap3A_3381 : i32 to index
      %swap3A_3383 = arith.index_cast %scan3A_2568 : i32 to index
      %swap3A_3384 = arith.constant 240 : index
      %swap3A_3385 = tpu.vector_load %arg10[%swap3A_3382, %swap3A_3383, %swap3A_3384] {strides = array<i32>} : memref<4x8x768xf32, #tpu.memory_space<vmem>>, vector<1x1x16xf32>,
      %swap3A_3386 = vector.shape_cast %swap3A_3385 : vector<1x1x16xf32> to vector<16xf32>
      %swap3A_3387 = vector.shape_cast %get3A_3380 : vector<16xf32> to vector<1x1x16xf32>
      tpu.vector_store %arg10[%swap3A_3382, %swap3A_3383, %swap3A_3384], %swap3A_3387 {strides = array<i32>} : memref<4x8x768xf32, #tpu.memory_space<vmem>>, vector<1x1x16xf32>,
      %get3A_3388 = arith.constant 3 : i32
      %get3A_3389 = arith.index_cast %get3A_3388 : i32 to index
      %get3A_3390 = arith.index_cast %scan3A_2568 : i32 to index
      %get3A_3391 = arith.constant 240 : index
      %get3A_3392 = tpu.vector_load %arg8[%get3A_3389, %get3A_3390, %get3A_3391] {strides = array<i32>} : memref<4x8x768xf32, #tpu.memory_space<vmem>>, vector<1x1x16xf32>,
      %get3A_3393 = vector.shape_cast %get3A_3392 : vector<1x1x16xf32> to vector<16xf32>
      %swap3A_3394 = arith.constant 3 : i32
      %swap3A_3395 = arith.index_cast %swap3A_3394 : i32 to index
      %swap3A_3396 = arith.index_cast %scan3A_2568 : i32 to index
      %swap3A_3397 = arith.constant 240 : index
      %swap3A_3398 = tpu.vector_load %arg10[%swap3A_3395, %swap3A_3396, %swap3A_3397] {strides = array<i32>} : memref<4x8x768xf32, #tpu.memory_space<vmem>>, vector<1x1x16xf32>,
      %swap3A_3399 = vector.shape_cast %swap3A_3398 : vector<1x1x16xf32> to vector<16xf32>
      %swap3A_3400 = vector.shape_cast %get3A_3393 : vector<16xf32> to vector<1x1x16xf32>
      tpu.vector_store %arg10[%swap3A_3395, %swap3A_3396, %swap3A_3397], %swap3A_3400 {strides = array<i32>} : memref<4x8x768xf32, #tpu.memory_space<vmem>>, vector<1x1x16xf32>,
      %get3A_3401 = arith.constant 0 : i32
      %get3A_3402 = arith.index_cast %get3A_3401 : i32 to index
      %get3A_3403 = arith.index_cast %scan3A_2568 : i32 to index
      %get3A_3404 = arith.constant 256 : index
      %get3A_3405 = tpu.vector_load %arg8[%get3A_3402, %get3A_3403, %get3A_3404] {strides = array<i32>} : memref<4x8x768xf32, #tpu.memory_space<vmem>>, vector<1x1x16xf32>,
      %get3A_3406 = vector.shape_cast %get3A_3405 : vector<1x1x16xf32> to vector<16xf32>
      %swap3A_3407 = arith.constant 0 : i32
      %swap3A_3408 = arith.index_cast %swap3A_3407 : i32 to index
      %swap3A_3409 = arith.index_cast %scan3A_2568 : i32 to index
      %swap3A_3410 = arith.constant 256 : index
      %swap3A_3411 = tpu.vector_load %arg10[%swap3A_3408, %swap3A_3409, %swap3A_3410] {strides = array<i32>} : memref<4x8x768xf32, #tpu.memory_space<vmem>>, vector<1x1x16xf32>,
      %swap3A_3412 = vector.shape_cast %swap3A_3411 : vector<1x1x16xf32> to vector<16xf32>
      %swap3A_3413 = vector.shape_cast %get3A_3406 : vector<16xf32> to vector<1x1x16xf32>
      tpu.vector_store %arg10[%swap3A_3408, %swap3A_3409, %swap3A_3410], %swap3A_3413 {strides = array<i32>} : memref<4x8x768xf32, #tpu.memory_space<vmem>>, vector<1x1x16xf32>,
      %get3A_3414 = arith.constant 1 : i32
      %get3A_3415 = arith.index_cast %get3A_3414 : i32 to index
      %get3A_3416 = arith.index_cast %scan3A_2568 : i32 to index
      %get3A_3417 = arith.constant 256 : index
      %get3A_3418 = tpu.vector_load %arg8[%get3A_3415, %get3A_3416, %get3A_3417] {strides = array<i32>} : memref<4x8x768xf32, #tpu.memory_space<vmem>>, vector<1x1x16xf32>,
      %get3A_3419 = vector.shape_cast %get3A_3418 : vector<1x1x16xf32> to vector<16xf32>
      %swap3A_3420 = arith.constant 1 : i32
      %swap3A_3421 = arith.index_cast %swap3A_3420 : i32 to index
      %swap3A_3422 = arith.index_cast %scan3A_2568 : i32 to index
      %swap3A_3423 = arith.constant 256 : index
      %swap3A_3424 = tpu.vector_load %arg10[%swap3A_3421, %swap3A_3422, %swap3A_3423] {strides = array<i32>} : memref<4x8x768xf32, #tpu.memory_space<vmem>>, vector<1x1x16xf32>,
      %swap3A_3425 = vector.shape_cast %swap3A_3424 : vector<1x1x16xf32> to vector<16xf32>
      %swap3A_3426 = vector.shape_cast %get3A_3419 : vector<16xf32> to vector<1x1x16xf32>
      tpu.vector_store %arg10[%swap3A_3421, %swap3A_3422, %swap3A_3423], %swap3A_3426 {strides = array<i32>} : memref<4x8x768xf32, #tpu.memory_space<vmem>>, vector<1x1x16xf32>,
      %get3A_3427 = arith.constant 2 : i32
      %get3A_3428 = arith.index_cast %get3A_3427 : i32 to index
      %get3A_3429 = arith.index_cast %scan3A_2568 : i32 to index
      %get3A_3430 = arith.constant 256 : index
      %get3A_3431 = tpu.vector_load %arg8[%get3A_3428, %get3A_3429, %get3A_3430] {strides = array<i32>} : memref<4x8x768xf32, #tpu.memory_space<vmem>>, vector<1x1x16xf32>,
      %get3A_3432 = vector.shape_cast %get3A_3431 : vector<1x1x16xf32> to vector<16xf32>
      %swap3A_3433 = arith.constant 2 : i32
      %swap3A_3434 = arith.index_cast %swap3A_3433 : i32 to index
      %swap3A_3435 = arith.index_cast %scan3A_2568 : i32 to index
      %swap3A_3436 = arith.constant 256 : index
      %swap3A_3437 = tpu.vector_load %arg10[%swap3A_3434, %swap3A_3435, %swap3A_3436] {strides = array<i32>} : memref<4x8x768xf32, #tpu.memory_space<vmem>>, vector<1x1x16xf32>,
      %swap3A_3438 = vector.shape_cast %swap3A_3437 : vector<1x1x16xf32> to vector<16xf32>
      %swap3A_3439 = vector.shape_cast %get3A_3432 : vector<16xf32> to vector<1x1x16xf32>
      tpu.vector_store %arg10[%swap3A_3434, %swap3A_3435, %swap3A_3436], %swap3A_3439 {strides = array<i32>} : memref<4x8x768xf32, #tpu.memory_space<vmem>>, vector<1x1x16xf32>,
      %get3A_3440 = arith.constant 3 : i32
      %get3A_3441 = arith.index_cast %get3A_3440 : i32 to index
      %get3A_3442 = arith.index_cast %scan3A_2568 : i32 to index
      %get3A_3443 = arith.constant 256 : index
      %get3A_3444 = tpu.vector_load %arg8[%get3A_3441, %get3A_3442, %get3A_3443] {strides = array<i32>} : memref<4x8x768xf32, #tpu.memory_space<vmem>>, vector<1x1x16xf32>,
      %get3A_3445 = vector.shape_cast %get3A_3444 : vector<1x1x16xf32> to vector<16xf32>
      %swap3A_3446 = arith.constant 3 : i32
      %swap3A_3447 = arith.index_cast %swap3A_3446 : i32 to index
      %swap3A_3448 = arith.index_cast %scan3A_2568 : i32 to index
      %swap3A_3449 = arith.constant 256 : index
      %swap3A_3450 = tpu.vector_load %arg10[%swap3A_3447, %swap3A_3448, %swap3A_3449] {strides = array<i32>} : memref<4x8x768xf32, #tpu.memory_space<vmem>>, vector<1x1x16xf32>,
      %swap3A_3451 = vector.shape_cast %swap3A_3450 : vector<1x1x16xf32> to vector<16xf32>
      %swap3A_3452 = vector.shape_cast %get3A_3445 : vector<16xf32> to vector<1x1x16xf32>
      tpu.vector_store %arg10[%swap3A_3447, %swap3A_3448, %swap3A_3449], %swap3A_3452 {strides = array<i32>} : memref<4x8x768xf32, #tpu.memory_space<vmem>>, vector<1x1x16xf32>,
      %get3A_3453 = arith.constant 0 : i32
      %get3A_3454 = arith.index_cast %get3A_3453 : i32 to index
      %get3A_3455 = arith.index_cast %scan3A_2568 : i32 to index
      %get3A_3456 = arith.constant 272 : index
      %get3A_3457 = tpu.vector_load %arg8[%get3A_3454, %get3A_3455, %get3A_3456] {strides = array<i32>} : memref<4x8x768xf32, #tpu.memory_space<vmem>>, vector<1x1x16xf32>,
      %get3A_3458 = vector.shape_cast %get3A_3457 : vector<1x1x16xf32> to vector<16xf32>
      %swap3A_3459 = arith.constant 0 : i32
      %swap3A_3460 = arith.index_cast %swap3A_3459 : i32 to index
      %swap3A_3461 = arith.index_cast %scan3A_2568 : i32 to index
      %swap3A_3462 = arith.constant 272 : index
      %swap3A_3463 = tpu.vector_load %arg10[%swap3A_3460, %swap3A_3461, %swap3A_3462] {strides = array<i32>} : memref<4x8x768xf32, #tpu.memory_space<vmem>>, vector<1x1x16xf32>,
      %swap3A_3464 = vector.shape_cast %swap3A_3463 : vector<1x1x16xf32> to vector<16xf32>
      %swap3A_3465 = vector.shape_cast %get3A_3458 : vector<16xf32> to vector<1x1x16xf32>
      tpu.vector_store %arg10[%swap3A_3460, %swap3A_3461, %swap3A_3462], %swap3A_3465 {strides = array<i32>} : memref<4x8x768xf32, #tpu.memory_space<vmem>>, vector<1x1x16xf32>,
      %get3A_3466 = arith.constant 1 : i32
      %get3A_3467 = arith.index_cast %get3A_3466 : i32 to index
      %get3A_3468 = arith.index_cast %scan3A_2568 : i32 to index
      %get3A_3469 = arith.constant 272 : index
      %get3A_3470 = tpu.vector_load %arg8[%get3A_3467, %get3A_3468, %get3A_3469] {strides = array<i32>} : memref<4x8x768xf32, #tpu.memory_space<vmem>>, vector<1x1x16xf32>,
      %get3A_3471 = vector.shape_cast %get3A_3470 : vector<1x1x16xf32> to vector<16xf32>
      %swap3A_3472 = arith.constant 1 : i32
      %swap3A_3473 = arith.index_cast %swap3A_3472 : i32 to index
      %swap3A_3474 = arith.index_cast %scan3A_2568 : i32 to index
      %swap3A_3475 = arith.constant 272 : index
      %swap3A_3476 = tpu.vector_load %arg10[%swap3A_3473, %swap3A_3474, %swap3A_3475] {strides = array<i32>} : memref<4x8x768xf32, #tpu.memory_space<vmem>>, vector<1x1x16xf32>,
      %swap3A_3477 = vector.shape_cast %swap3A_3476 : vector<1x1x16xf32> to vector<16xf32>
      %swap3A_3478 = vector.shape_cast %get3A_3471 : vector<16xf32> to vector<1x1x16xf32>
      tpu.vector_store %arg10[%swap3A_3473, %swap3A_3474, %swap3A_3475], %swap3A_3478 {strides = array<i32>} : memref<4x8x768xf32, #tpu.memory_space<vmem>>, vector<1x1x16xf32>,
      %get3A_3479 = arith.constant 2 : i32
      %get3A_3480 = arith.index_cast %get3A_3479 : i32 to index
      %get3A_3481 = arith.index_cast %scan3A_2568 : i32 to index
      %get3A_3482 = arith.constant 272 : index
      %get3A_3483 = tpu.vector_load %arg8[%get3A_3480, %get3A_3481, %get3A_3482] {strides = array<i32>} : memref<4x8x768xf32, #tpu.memory_space<vmem>>, vector<1x1x16xf32>,
      %get3A_3484 = vector.shape_cast %get3A_3483 : vector<1x1x16xf32> to vector<16xf32>
      %swap3A_3485 = arith.constant 2 : i32
      %swap3A_3486 = arith.index_cast %swap3A_3485 : i32 to index
      %swap3A_3487 = arith.index_cast %scan3A_2568 : i32 to index
      %swap3A_3488 = arith.constant 272 : index
      %swap3A_3489 = tpu.vector_load %arg10[%swap3A_3486, %swap3A_3487, %swap3A_3488] {strides = array<i32>} : memref<4x8x768xf32, #tpu.memory_space<vmem>>, vector<1x1x16xf32>,
      %swap3A_3490 = vector.shape_cast %swap3A_3489 : vector<1x1x16xf32> to vector<16xf32>
      %swap3A_3491 = vector.shape_cast %get3A_3484 : vector<16xf32> to vector<1x1x16xf32>
      tpu.vector_store %arg10[%swap3A_3486, %swap3A_3487, %swap3A_3488], %swap3A_3491 {strides = array<i32>} : memref<4x8x768xf32, #tpu.memory_space<vmem>>, vector<1x1x16xf32>,
      %get3A_3492 = arith.constant 3 : i32
      %get3A_3493 = arith.index_cast %get3A_3492 : i32 to index
      %get3A_3494 = arith.index_cast %scan3A_2568 : i32 to index
      %get3A_3495 = arith.constant 272 : index
      %get3A_3496 = tpu.vector_load %arg8[%get3A_3493, %get3A_3494, %get3A_3495] {strides = array<i32>} : memref<4x8x768xf32, #tpu.memory_space<vmem>>, vector<1x1x16xf32>,
      %get3A_3497 = vector.shape_cast %get3A_3496 : vector<1x1x16xf32> to vector<16xf32>
      %swap3A_3498 = arith.constant 3 : i32
      %swap3A_3499 = arith.index_cast %swap3A_3498 : i32 to index
      %swap3A_3500 = arith.index_cast %scan3A_2568 : i32 to index
      %swap3A_3501 = arith.constant 272 : index
      %swap3A_3502 = tpu.vector_load %arg10[%swap3A_3499, %swap3A_3500, %swap3A_3501] {strides = array<i32>} : memref<4x8x768xf32, #tpu.memory_space<vmem>>, vector<1x1x16xf32>,
      %swap3A_3503 = vector.shape_cast %swap3A_3502 : vector<1x1x16xf32> to vector<16xf32>
      %swap3A_3504 = vector.shape_cast %get3A_3497 : vector<16xf32> to vector<1x1x16xf32>
      tpu.vector_store %arg10[%swap3A_3499, %swap3A_3500, %swap3A_3501], %swap3A_3504 {strides = array<i32>} : memref<4x8x768xf32, #tpu.memory_space<vmem>>, vector<1x1x16xf32>,
      %get3A_3505 = arith.constant 0 : i32
      %get3A_3506 = arith.index_cast %get3A_3505 : i32 to index
      %get3A_3507 = arith.index_cast %scan3A_2568 : i32 to index
      %get3A_3508 = arith.constant 288 : index
      %get3A_3509 = tpu.vector_load %arg8[%get3A_3506, %get3A_3507, %get3A_3508] {strides = array<i32>} : memref<4x8x768xf32, #tpu.memory_space<vmem>>, vector<1x1x16xf32>,
      %get3A_3510 = vector.shape_cast %get3A_3509 : vector<1x1x16xf32> to vector<16xf32>
      %swap3A_3511 = arith.constant 0 : i32
      %swap3A_3512 = arith.index_cast %swap3A_3511 : i32 to index
      %swap3A_3513 = arith.index_cast %scan3A_2568 : i32 to index
      %swap3A_3514 = arith.constant 288 : index
      %swap3A_3515 = tpu.vector_load %arg10[%swap3A_3512, %swap3A_3513, %swap3A_3514] {strides = array<i32>} : memref<4x8x768xf32, #tpu.memory_space<vmem>>, vector<1x1x16xf32>,
      %swap3A_3516 = vector.shape_cast %swap3A_3515 : vector<1x1x16xf32> to vector<16xf32>
      %swap3A_3517 = vector.shape_cast %get3A_3510 : vector<16xf32> to vector<1x1x16xf32>
      tpu.vector_store %arg10[%swap3A_3512, %swap3A_3513, %swap3A_3514], %swap3A_3517 {strides = array<i32>} : memref<4x8x768xf32, #tpu.memory_space<vmem>>, vector<1x1x16xf32>,
      %get3A_3518 = arith.constant 1 : i32
      %get3A_3519 = arith.index_cast %get3A_3518 : i32 to index
      %get3A_3520 = arith.index_cast %scan3A_2568 : i32 to index
      %get3A_3521 = arith.constant 288 : index
      %get3A_3522 = tpu.vector_load %arg8[%get3A_3519, %get3A_3520, %get3A_3521] {strides = array<i32>} : memref<4x8x768xf32, #tpu.memory_space<vmem>>, vector<1x1x16xf32>,
      %get3A_3523 = vector.shape_cast %get3A_3522 : vector<1x1x16xf32> to vector<16xf32>
      %swap3A_3524 = arith.constant 1 : i32
      %swap3A_3525 = arith.index_cast %swap3A_3524 : i32 to index
      %swap3A_3526 = arith.index_cast %scan3A_2568 : i32 to index
      %swap3A_3527 = arith.constant 288 : index
      %swap3A_3528 = tpu.vector_load %arg10[%swap3A_3525, %swap3A_3526, %swap3A_3527] {strides = array<i32>} : memref<4x8x768xf32, #tpu.memory_space<vmem>>, vector<1x1x16xf32>,
      %swap3A_3529 = vector.shape_cast %swap3A_3528 : vector<1x1x16xf32> to vector<16xf32>
      %swap3A_3530 = vector.shape_cast %get3A_3523 : vector<16xf32> to vector<1x1x16xf32>
      tpu.vector_store %arg10[%swap3A_3525, %swap3A_3526, %swap3A_3527], %swap3A_3530 {strides = array<i32>} : memref<4x8x768xf32, #tpu.memory_space<vmem>>, vector<1x1x16xf32>,
      %get3A_3531 = arith.constant 2 : i32
      %get3A_3532 = arith.index_cast %get3A_3531 : i32 to index
      %get3A_3533 = arith.index_cast %scan3A_2568 : i32 to index
      %get3A_3534 = arith.constant 288 : index
      %get3A_3535 = tpu.vector_load %arg8[%get3A_3532, %get3A_3533, %get3A_3534] {strides = array<i32>} : memref<4x8x768xf32, #tpu.memory_space<vmem>>, vector<1x1x16xf32>,
      %get3A_3536 = vector.shape_cast %get3A_3535 : vector<1x1x16xf32> to vector<16xf32>
      %swap3A_3537 = arith.constant 2 : i32
      %swap3A_3538 = arith.index_cast %swap3A_3537 : i32 to index
      %swap3A_3539 = arith.index_cast %scan3A_2568 : i32 to index
      %swap3A_3540 = arith.constant 288 : index
      %swap3A_3541 = tpu.vector_load %arg10[%swap3A_3538, %swap3A_3539, %swap3A_3540] {strides = array<i32>} : memref<4x8x768xf32, #tpu.memory_space<vmem>>, vector<1x1x16xf32>,
      %swap3A_3542 = vector.shape_cast %swap3A_3541 : vector<1x1x16xf32> to vector<16xf32>
      %swap3A_3543 = vector.shape_cast %get3A_3536 : vector<16xf32> to vector<1x1x16xf32>
      tpu.vector_store %arg10[%swap3A_3538, %swap3A_3539, %swap3A_3540], %swap3A_3543 {strides = array<i32>} : memref<4x8x768xf32, #tpu.memory_space<vmem>>, vector<1x1x16xf32>,
      %get3A_3544 = arith.constant 3 : i32
      %get3A_3545 = arith.index_cast %get3A_3544 : i32 to index
      %get3A_3546 = arith.index_cast %scan3A_2568 : i32 to index
      %get3A_3547 = arith.constant 288 : index
      %get3A_3548 = tpu.vector_load %arg8[%get3A_3545, %get3A_3546, %get3A_3547] {strides = array<i32>} : memref<4x8x768xf32, #tpu.memory_space<vmem>>, vector<1x1x16xf32>,
      %get3A_3549 = vector.shape_cast %get3A_3548 : vector<1x1x16xf32> to vector<16xf32>
      %swap3A_3550 = arith.constant 3 : i32
      %swap3A_3551 = arith.index_cast %swap3A_3550 : i32 to index
      %swap3A_3552 = arith.index_cast %scan3A_2568 : i32 to index
      %swap3A_3553 = arith.constant 288 : index
      %swap3A_3554 = tpu.vector_load %arg10[%swap3A_3551, %swap3A_3552, %swap3A_3553] {strides = array<i32>} : memref<4x8x768xf32, #tpu.memory_space<vmem>>, vector<1x1x16xf32>,
      %swap3A_3555 = vector.shape_cast %swap3A_3554 : vector<1x1x16xf32> to vector<16xf32>
      %swap3A_3556 = vector.shape_cast %get3A_3549 : vector<16xf32> to vector<1x1x16xf32>
      tpu.vector_store %arg10[%swap3A_3551, %swap3A_3552, %swap3A_3553], %swap3A_3556 {strides = array<i32>} : memref<4x8x768xf32, #tpu.memory_space<vmem>>, vector<1x1x16xf32>,
      %get3A_3557 = arith.constant 0 : i32
      %get3A_3558 = arith.index_cast %get3A_3557 : i32 to index
      %get3A_3559 = arith.index_cast %scan3A_2568 : i32 to index
      %get3A_3560 = arith.constant 304 : index
      %get3A_3561 = tpu.vector_load %arg8[%get3A_3558, %get3A_3559, %get3A_3560] {strides = array<i32>} : memref<4x8x768xf32, #tpu.memory_space<vmem>>, vector<1x1x16xf32>,
      %get3A_3562 = vector.shape_cast %get3A_3561 : vector<1x1x16xf32> to vector<16xf32>
      %swap3A_3563 = arith.constant 0 : i32
      %swap3A_3564 = arith.index_cast %swap3A_3563 : i32 to index
      %swap3A_3565 = arith.index_cast %scan3A_2568 : i32 to index
      %swap3A_3566 = arith.constant 304 : index
      %swap3A_3567 = tpu.vector_load %arg10[%swap3A_3564, %swap3A_3565, %swap3A_3566] {strides = array<i32>} : memref<4x8x768xf32, #tpu.memory_space<vmem>>, vector<1x1x16xf32>,
      %swap3A_3568 = vector.shape_cast %swap3A_3567 : vector<1x1x16xf32> to vector<16xf32>
      %swap3A_3569 = vector.shape_cast %get3A_3562 : vector<16xf32> to vector<1x1x16xf32>
      tpu.vector_store %arg10[%swap3A_3564, %swap3A_3565, %swap3A_3566], %swap3A_3569 {strides = array<i32>} : memref<4x8x768xf32, #tpu.memory_space<vmem>>, vector<1x1x16xf32>,
      %get3A_3570 = arith.constant 1 : i32
      %get3A_3571 = arith.index_cast %get3A_3570 : i32 to index
      %get3A_3572 = arith.index_cast %scan3A_2568 : i32 to index
      %get3A_3573 = arith.constant 304 : index
      %get3A_3574 = tpu.vector_load %arg8[%get3A_3571, %get3A_3572, %get3A_3573] {strides = array<i32>} : memref<4x8x768xf32, #tpu.memory_space<vmem>>, vector<1x1x16xf32>,
      %get3A_3575 = vector.shape_cast %get3A_3574 : vector<1x1x16xf32> to vector<16xf32>
      %swap3A_3576 = arith.constant 1 : i32
      %swap3A_3577 = arith.index_cast %swap3A_3576 : i32 to index
      %swap3A_3578 = arith.index_cast %scan3A_2568 : i32 to index
      %swap3A_3579 = arith.constant 304 : index
      %swap3A_3580 = tpu.vector_load %arg10[%swap3A_3577, %swap3A_3578, %swap3A_3579] {strides = array<i32>} : memref<4x8x768xf32, #tpu.memory_space<vmem>>, vector<1x1x16xf32>,
      %swap3A_3581 = vector.shape_cast %swap3A_3580 : vector<1x1x16xf32> to vector<16xf32>
      %swap3A_3582 = vector.shape_cast %get3A_3575 : vector<16xf32> to vector<1x1x16xf32>
      tpu.vector_store %arg10[%swap3A_3577, %swap3A_3578, %swap3A_3579], %swap3A_3582 {strides = array<i32>} : memref<4x8x768xf32, #tpu.memory_space<vmem>>, vector<1x1x16xf32>,
      %get3A_3583 = arith.constant 2 : i32
      %get3A_3584 = arith.index_cast %get3A_3583 : i32 to index
      %get3A_3585 = arith.index_cast %scan3A_2568 : i32 to index
      %get3A_3586 = arith.constant 304 : index
      %get3A_3587 = tpu.vector_load %arg8[%get3A_3584, %get3A_3585, %get3A_3586] {strides = array<i32>} : memref<4x8x768xf32, #tpu.memory_space<vmem>>, vector<1x1x16xf32>,
      %get3A_3588 = vector.shape_cast %get3A_3587 : vector<1x1x16xf32> to vector<16xf32>
      %swap3A_3589 = arith.constant 2 : i32
      %swap3A_3590 = arith.index_cast %swap3A_3589 : i32 to index
      %swap3A_3591 = arith.index_cast %scan3A_2568 : i32 to index
      %swap3A_3592 = arith.constant 304 : index
      %swap3A_3593 = tpu.vector_load %arg10[%swap3A_3590, %swap3A_3591, %swap3A_3592] {strides = array<i32>} : memref<4x8x768xf32, #tpu.memory_space<vmem>>, vector<1x1x16xf32>,
      %swap3A_3594 = vector.shape_cast %swap3A_3593 : vector<1x1x16xf32> to vector<16xf32>
      %swap3A_3595 = vector.shape_cast %get3A_3588 : vector<16xf32> to vector<1x1x16xf32>
      tpu.vector_store %arg10[%swap3A_3590, %swap3A_3591, %swap3A_3592], %swap3A_3595 {strides = array<i32>} : memref<4x8x768xf32, #tpu.memory_space<vmem>>, vector<1x1x16xf32>,
      %get3A_3596 = arith.constant 3 : i32
      %get3A_3597 = arith.index_cast %get3A_3596 : i32 to index
      %get3A_3598 = arith.index_cast %scan3A_2568 : i32 to index
      %get3A_3599 = arith.constant 304 : index
      %get3A_3600 = tpu.vector_load %arg8[%get3A_3597, %get3A_3598, %get3A_3599] {strides = array<i32>} : memref<4x8x768xf32, #tpu.memory_space<vmem>>, vector<1x1x16xf32>,
      %get3A_3601 = vector.shape_cast %get3A_3600 : vector<1x1x16xf32> to vector<16xf32>
      %swap3A_3602 = arith.constant 3 : i32
      %swap3A_3603 = arith.index_cast %swap3A_3602 : i32 to index
      %swap3A_3604 = arith.index_cast %scan3A_2568 : i32 to index
      %swap3A_3605 = arith.constant 304 : index
      %swap3A_3606 = tpu.vector_load %arg10[%swap3A_3603, %swap3A_3604, %swap3A_3605] {strides = array<i32>} : memref<4x8x768xf32, #tpu.memory_space<vmem>>, vector<1x1x16xf32>,
      %swap3A_3607 = vector.shape_cast %swap3A_3606 : vector<1x1x16xf32> to vector<16xf32>
      %swap3A_3608 = vector.shape_cast %get3A_3601 : vector<16xf32> to vector<1x1x16xf32>
      tpu.vector_store %arg10[%swap3A_3603, %swap3A_3604, %swap3A_3605], %swap3A_3608 {strides = array<i32>} : memref<4x8x768xf32, #tpu.memory_space<vmem>>, vector<1x1x16xf32>,
      %get3A_3609 = arith.constant 0 : i32
      %get3A_3610 = arith.index_cast %get3A_3609 : i32 to index
      %get3A_3611 = arith.index_cast %scan3A_2568 : i32 to index
      %get3A_3612 = arith.constant 320 : index
      %get3A_3613 = tpu.vector_load %arg8[%get3A_3610, %get3A_3611, %get3A_3612] {strides = array<i32>} : memref<4x8x768xf32, #tpu.memory_space<vmem>>, vector<1x1x16xf32>,
      %get3A_3614 = vector.shape_cast %get3A_3613 : vector<1x1x16xf32> to vector<16xf32>
      %swap3A_3615 = arith.constant 0 : i32
      %swap3A_3616 = arith.index_cast %swap3A_3615 : i32 to index
      %swap3A_3617 = arith.index_cast %scan3A_2568 : i32 to index
      %swap3A_3618 = arith.constant 320 : index
      %swap3A_3619 = tpu.vector_load %arg10[%swap3A_3616, %swap3A_3617, %swap3A_3618] {strides = array<i32>} : memref<4x8x768xf32, #tpu.memory_space<vmem>>, vector<1x1x16xf32>,
      %swap3A_3620 = vector.shape_cast %swap3A_3619 : vector<1x1x16xf32> to vector<16xf32>
      %swap3A_3621 = vector.shape_cast %get3A_3614 : vector<16xf32> to vector<1x1x16xf32>
      tpu.vector_store %arg10[%swap3A_3616, %swap3A_3617, %swap3A_3618], %swap3A_3621 {strides = array<i32>} : memref<4x8x768xf32, #tpu.memory_space<vmem>>, vector<1x1x16xf32>,
      %get3A_3622 = arith.constant 1 : i32
      %get3A_3623 = arith.index_cast %get3A_3622 : i32 to index
      %get3A_3624 = arith.index_cast %scan3A_2568 : i32 to index
      %get3A_3625 = arith.constant 320 : index
      %get3A_3626 = tpu.vector_load %arg8[%get3A_3623, %get3A_3624, %get3A_3625] {strides = array<i32>} : memref<4x8x768xf32, #tpu.memory_space<vmem>>, vector<1x1x16xf32>,
      %get3A_3627 = vector.shape_cast %get3A_3626 : vector<1x1x16xf32> to vector<16xf32>
      %swap3A_3628 = arith.constant 1 : i32
      %swap3A_3629 = arith.index_cast %swap3A_3628 : i32 to index
      %swap3A_3630 = arith.index_cast %scan3A_2568 : i32 to index
      %swap3A_3631 = arith.constant 320 : index
      %swap3A_3632 = tpu.vector_load %arg10[%swap3A_3629, %swap3A_3630, %swap3A_3631] {strides = array<i32>} : memref<4x8x768xf32, #tpu.memory_space<vmem>>, vector<1x1x16xf32>,
      %swap3A_3633 = vector.shape_cast %swap3A_3632 : vector<1x1x16xf32> to vector<16xf32>
      %swap3A_3634 = vector.shape_cast %get3A_3627 : vector<16xf32> to vector<1x1x16xf32>
      tpu.vector_store %arg10[%swap3A_3629, %swap3A_3630, %swap3A_3631], %swap3A_3634 {strides = array<i32>} : memref<4x8x768xf32, #tpu.memory_space<vmem>>, vector<1x1x16xf32>,
      %get3A_3635 = arith.constant 2 : i32
      %get3A_3636 = arith.index_cast %get3A_3635 : i32 to index
      %get3A_3637 = arith.index_cast %scan3A_2568 : i32 to index
      %get3A_3638 = arith.constant 320 : index
      %get3A_3639 = tpu.vector_load %arg8[%get3A_3636, %get3A_3637, %get3A_3638] {strides = array<i32>} : memref<4x8x768xf32, #tpu.memory_space<vmem>>, vector<1x1x16xf32>,
      %get3A_3640 = vector.shape_cast %get3A_3639 : vector<1x1x16xf32> to vector<16xf32>
      %swap3A_3641 = arith.constant 2 : i32
      %swap3A_3642 = arith.index_cast %swap3A_3641 : i32 to index
      %swap3A_3643 = arith.index_cast %scan3A_2568 : i32 to index
      %swap3A_3644 = arith.constant 320 : index
      %swap3A_3645 = tpu.vector_load %arg10[%swap3A_3642, %swap3A_3643, %swap3A_3644] {strides = array<i32>} : memref<4x8x768xf32, #tpu.memory_space<vmem>>, vector<1x1x16xf32>,
      %swap3A_3646 = vector.shape_cast %swap3A_3645 : vector<1x1x16xf32> to vector<16xf32>
      %swap3A_3647 = vector.shape_cast %get3A_3640 : vector<16xf32> to vector<1x1x16xf32>
      tpu.vector_store %arg10[%swap3A_3642, %swap3A_3643, %swap3A_3644], %swap3A_3647 {strides = array<i32>} : memref<4x8x768xf32, #tpu.memory_space<vmem>>, vector<1x1x16xf32>,
      %get3A_3648 = arith.constant 3 : i32
      %get3A_3649 = arith.index_cast %get3A_3648 : i32 to index
      %get3A_3650 = arith.index_cast %scan3A_2568 : i32 to index
      %get3A_3651 = arith.constant 320 : index
      %get3A_3652 = tpu.vector_load %arg8[%get3A_3649, %get3A_3650, %get3A_3651] {strides = array<i32>} : memref<4x8x768xf32, #tpu.memory_space<vmem>>, vector<1x1x16xf32>,
      %get3A_3653 = vector.shape_cast %get3A_3652 : vector<1x1x16xf32> to vector<16xf32>
      %swap3A_3654 = arith.constant 3 : i32
      %swap3A_3655 = arith.index_cast %swap3A_3654 : i32 to index
      %swap3A_3656 = arith.index_cast %scan3A_2568 : i32 to index
      %swap3A_3657 = arith.constant 320 : index
      %swap3A_3658 = tpu.vector_load %arg10[%swap3A_3655, %swap3A_3656, %swap3A_3657] {strides = array<i32>} : memref<4x8x768xf32, #tpu.memory_space<vmem>>, vector<1x1x16xf32>,
      %swap3A_3659 = vector.shape_cast %swap3A_3658 : vector<1x1x16xf32> to vector<16xf32>
      %swap3A_3660 = vector.shape_cast %get3A_3653 : vector<16xf32> to vector<1x1x16xf32>
      tpu.vector_store %arg10[%swap3A_3655, %swap3A_3656, %swap3A_3657], %swap3A_3660 {strides = array<i32>} : memref<4x8x768xf32, #tpu.memory_space<vmem>>, vector<1x1x16xf32>,
      %get3A_3661 = arith.constant 0 : i32
      %get3A_3662 = arith.index_cast %get3A_3661 : i32 to index
      %get3A_3663 = arith.index_cast %scan3A_2568 : i32 to index
      %get3A_3664 = arith.constant 336 : index
      %get3A_3665 = tpu.vector_load %arg8[%get3A_3662, %get3A_3663, %get3A_3664] {strides = array<i32>} : memref<4x8x768xf32, #tpu.memory_space<vmem>>, vector<1x1x16xf32>,
      %get3A_3666 = vector.shape_cast %get3A_3665 : vector<1x1x16xf32> to vector<16xf32>
      %swap3A_3667 = arith.constant 0 : i32
      %swap3A_3668 = arith.index_cast %swap3A_3667 : i32 to index
      %swap3A_3669 = arith.index_cast %scan3A_2568 : i32 to index
      %swap3A_3670 = arith.constant 336 : index
      %swap3A_3671 = tpu.vector_load %arg10[%swap3A_3668, %swap3A_3669, %swap3A_3670] {strides = array<i32>} : memref<4x8x768xf32, #tpu.memory_space<vmem>>, vector<1x1x16xf32>,
      %swap3A_3672 = vector.shape_cast %swap3A_3671 : vector<1x1x16xf32> to vector<16xf32>
      %swap3A_3673 = vector.shape_cast %get3A_3666 : vector<16xf32> to vector<1x1x16xf32>
      tpu.vector_store %arg10[%swap3A_3668, %swap3A_3669, %swap3A_3670], %swap3A_3673 {strides = array<i32>} : memref<4x8x768xf32, #tpu.memory_space<vmem>>, vector<1x1x16xf32>,
      %get3A_3674 = arith.constant 1 : i32
      %get3A_3675 = arith.index_cast %get3A_3674 : i32 to index
      %get3A_3676 = arith.index_cast %scan3A_2568 : i32 to index
      %get3A_3677 = arith.constant 336 : index
      %get3A_3678 = tpu.vector_load %arg8[%get3A_3675, %get3A_3676, %get3A_3677] {strides = array<i32>} : memref<4x8x768xf32, #tpu.memory_space<vmem>>, vector<1x1x16xf32>,
      %get3A_3679 = vector.shape_cast %get3A_3678 : vector<1x1x16xf32> to vector<16xf32>
      %swap3A_3680 = arith.constant 1 : i32
      %swap3A_3681 = arith.index_cast %swap3A_3680 : i32 to index
      %swap3A_3682 = arith.index_cast %scan3A_2568 : i32 to index
      %swap3A_3683 = arith.constant 336 : index
      %swap3A_3684 = tpu.vector_load %arg10[%swap3A_3681, %swap3A_3682, %swap3A_3683] {strides = array<i32>} : memref<4x8x768xf32, #tpu.memory_space<vmem>>, vector<1x1x16xf32>,
      %swap3A_3685 = vector.shape_cast %swap3A_3684 : vector<1x1x16xf32> to vector<16xf32>
      %swap3A_3686 = vector.shape_cast %get3A_3679 : vector<16xf32> to vector<1x1x16xf32>
      tpu.vector_store %arg10[%swap3A_3681, %swap3A_3682, %swap3A_3683], %swap3A_3686 {strides = array<i32>} : memref<4x8x768xf32, #tpu.memory_space<vmem>>, vector<1x1x16xf32>,
      %get3A_3687 = arith.constant 2 : i32
      %get3A_3688 = arith.index_cast %get3A_3687 : i32 to index
      %get3A_3689 = arith.index_cast %scan3A_2568 : i32 to index
      %get3A_3690 = arith.constant 336 : index
      %get3A_3691 = tpu.vector_load %arg8[%get3A_3688, %get3A_3689, %get3A_3690] {strides = array<i32>} : memref<4x8x768xf32, #tpu.memory_space<vmem>>, vector<1x1x16xf32>,
      %get3A_3692 = vector.shape_cast %get3A_3691 : vector<1x1x16xf32> to vector<16xf32>
      %swap3A_3693 = arith.constant 2 : i32
      %swap3A_3694 = arith.index_cast %swap3A_3693 : i32 to index
      %swap3A_3695 = arith.index_cast %scan3A_2568 : i32 to index
      %swap3A_3696 = arith.constant 336 : index
      %swap3A_3697 = tpu.vector_load %arg10[%swap3A_3694, %swap3A_3695, %swap3A_3696] {strides = array<i32>} : memref<4x8x768xf32, #tpu.memory_space<vmem>>, vector<1x1x16xf32>,
      %swap3A_3698 = vector.shape_cast %swap3A_3697 : vector<1x1x16xf32> to vector<16xf32>
      %swap3A_3699 = vector.shape_cast %get3A_3692 : vector<16xf32> to vector<1x1x16xf32>
      tpu.vector_store %arg10[%swap3A_3694, %swap3A_3695, %swap3A_3696], %swap3A_3699 {strides = array<i32>} : memref<4x8x768xf32, #tpu.memory_space<vmem>>, vector<1x1x16xf32>,
      %get3A_3700 = arith.constant 3 : i32
      %get3A_3701 = arith.index_cast %get3A_3700 : i32 to index
      %get3A_3702 = arith.index_cast %scan3A_2568 : i32 to index
      %get3A_3703 = arith.constant 336 : index
      %get3A_3704 = tpu.vector_load %arg8[%get3A_3701, %get3A_3702, %get3A_3703] {strides = array<i32>} : memref<4x8x768xf32, #tpu.memory_space<vmem>>, vector<1x1x16xf32>,
      %get3A_3705 = vector.shape_cast %get3A_3704 : vector<1x1x16xf32> to vector<16xf32>
      %swap3A_3706 = arith.constant 3 : i32
      %swap3A_3707 = arith.index_cast %swap3A_3706 : i32 to index
      %swap3A_3708 = arith.index_cast %scan3A_2568 : i32 to index
      %swap3A_3709 = arith.constant 336 : index
      %swap3A_3710 = tpu.vector_load %arg10[%swap3A_3707, %swap3A_3708, %swap3A_3709] {strides = array<i32>} : memref<4x8x768xf32, #tpu.memory_space<vmem>>, vector<1x1x16xf32>,
      %swap3A_3711 = vector.shape_cast %swap3A_3710 : vector<1x1x16xf32> to vector<16xf32>
      %swap3A_3712 = vector.shape_cast %get3A_3705 : vector<16xf32> to vector<1x1x16xf32>
      tpu.vector_store %arg10[%swap3A_3707, %swap3A_3708, %swap3A_3709], %swap3A_3712 {strides = array<i32>} : memref<4x8x768xf32, #tpu.memory_space<vmem>>, vector<1x1x16xf32>,
      %get3A_3713 = arith.constant 0 : i32
      %get3A_3714 = arith.index_cast %get3A_3713 : i32 to index
      %get3A_3715 = arith.index_cast %scan3A_2568 : i32 to index
      %get3A_3716 = arith.constant 352 : index
      %get3A_3717 = tpu.vector_load %arg8[%get3A_3714, %get3A_3715, %get3A_3716] {strides = array<i32>} : memref<4x8x768xf32, #tpu.memory_space<vmem>>, vector<1x1x16xf32>,
      %get3A_3718 = vector.shape_cast %get3A_3717 : vector<1x1x16xf32> to vector<16xf32>
      %swap3A_3719 = arith.constant 0 : i32
      %swap3A_3720 = arith.index_cast %swap3A_3719 : i32 to index
      %swap3A_3721 = arith.index_cast %scan3A_2568 : i32 to index
      %swap3A_3722 = arith.constant 352 : index
      %swap3A_3723 = tpu.vector_load %arg10[%swap3A_3720, %swap3A_3721, %swap3A_3722] {strides = array<i32>} : memref<4x8x768xf32, #tpu.memory_space<vmem>>, vector<1x1x16xf32>,
      %swap3A_3724 = vector.shape_cast %swap3A_3723 : vector<1x1x16xf32> to vector<16xf32>
      %swap3A_3725 = vector.shape_cast %get3A_3718 : vector<16xf32> to vector<1x1x16xf32>
      tpu.vector_store %arg10[%swap3A_3720, %swap3A_3721, %swap3A_3722], %swap3A_3725 {strides = array<i32>} : memref<4x8x768xf32, #tpu.memory_space<vmem>>, vector<1x1x16xf32>,
      %get3A_3726 = arith.constant 1 : i32
      %get3A_3727 = arith.index_cast %get3A_3726 : i32 to index
      %get3A_3728 = arith.index_cast %scan3A_2568 : i32 to index
      %get3A_3729 = arith.constant 352 : index
      %get3A_3730 = tpu.vector_load %arg8[%get3A_3727, %get3A_3728, %get3A_3729] {strides = array<i32>} : memref<4x8x768xf32, #tpu.memory_space<vmem>>, vector<1x1x16xf32>,
      %get3A_3731 = vector.shape_cast %get3A_3730 : vector<1x1x16xf32> to vector<16xf32>
      %swap3A_3732 = arith.constant 1 : i32
      %swap3A_3733 = arith.index_cast %swap3A_3732 : i32 to index
      %swap3A_3734 = arith.index_cast %scan3A_2568 : i32 to index
      %swap3A_3735 = arith.constant 352 : index
      %swap3A_3736 = tpu.vector_load %arg10[%swap3A_3733, %swap3A_3734, %swap3A_3735] {strides = array<i32>} : memref<4x8x768xf32, #tpu.memory_space<vmem>>, vector<1x1x16xf32>,
      %swap3A_3737 = vector.shape_cast %swap3A_3736 : vector<1x1x16xf32> to vector<16xf32>
      %swap3A_3738 = vector.shape_cast %get3A_3731 : vector<16xf32> to vector<1x1x16xf32>
      tpu.vector_store %arg10[%swap3A_3733, %swap3A_3734, %swap3A_3735], %swap3A_3738 {strides = array<i32>} : memref<4x8x768xf32, #tpu.memory_space<vmem>>, vector<1x1x16xf32>,
      %get3A_3739 = arith.constant 2 : i32
      %get3A_3740 = arith.index_cast %get3A_3739 : i32 to index
      %get3A_3741 = arith.index_cast %scan3A_2568 : i32 to index
      %get3A_3742 = arith.constant 352 : index
      %get3A_3743 = tpu.vector_load %arg8[%get3A_3740, %get3A_3741, %get3A_3742] {strides = array<i32>} : memref<4x8x768xf32, #tpu.memory_space<vmem>>, vector<1x1x16xf32>,
      %get3A_3744 = vector.shape_cast %get3A_3743 : vector<1x1x16xf32> to vector<16xf32>
      %swap3A_3745 = arith.constant 2 : i32
      %swap3A_3746 = arith.index_cast %swap3A_3745 : i32 to index
      %swap3A_3747 = arith.index_cast %scan3A_2568 : i32 to index
      %swap3A_3748 = arith.constant 352 : index
      %swap3A_3749 = tpu.vector_load %arg10[%swap3A_3746, %swap3A_3747, %swap3A_3748] {strides = array<i32>} : memref<4x8x768xf32, #tpu.memory_space<vmem>>, vector<1x1x16xf32>,
      %swap3A_3750 = vector.shape_cast %swap3A_3749 : vector<1x1x16xf32> to vector<16xf32>
      %swap3A_3751 = vector.shape_cast %get3A_3744 : vector<16xf32> to vector<1x1x16xf32>
      tpu.vector_store %arg10[%swap3A_3746, %swap3A_3747, %swap3A_3748], %swap3A_3751 {strides = array<i32>} : memref<4x8x768xf32, #tpu.memory_space<vmem>>, vector<1x1x16xf32>,
      %get3A_3752 = arith.constant 3 : i32
      %get3A_3753 = arith.index_cast %get3A_3752 : i32 to index
      %get3A_3754 = arith.index_cast %scan3A_2568 : i32 to index
      %get3A_3755 = arith.constant 352 : index
      %get3A_3756 = tpu.vector_load %arg8[%get3A_3753, %get3A_3754, %get3A_3755] {strides = array<i32>} : memref<4x8x768xf32, #tpu.memory_space<vmem>>, vector<1x1x16xf32>,
      %get3A_3757 = vector.shape_cast %get3A_3756 : vector<1x1x16xf32> to vector<16xf32>
      %swap3A_3758 = arith.constant 3 : i32
      %swap3A_3759 = arith.index_cast %swap3A_3758 : i32 to index
      %swap3A_3760 = arith.index_cast %scan3A_2568 : i32 to index
      %swap3A_3761 = arith.constant 352 : index
      %swap3A_3762 = tpu.vector_load %arg10[%swap3A_3759, %swap3A_3760, %swap3A_3761] {strides = array<i32>} : memref<4x8x768xf32, #tpu.memory_space<vmem>>, vector<1x1x16xf32>,
      %swap3A_3763 = vector.shape_cast %swap3A_3762 : vector<1x1x16xf32> to vector<16xf32>
      %swap3A_3764 = vector.shape_cast %get3A_3757 : vector<16xf32> to vector<1x1x16xf32>
      tpu.vector_store %arg10[%swap3A_3759, %swap3A_3760, %swap3A_3761], %swap3A_3764 {strides = array<i32>} : memref<4x8x768xf32, #tpu.memory_space<vmem>>, vector<1x1x16xf32>,
      %get3A_3765 = arith.constant 0 : i32
      %get3A_3766 = arith.index_cast %get3A_3765 : i32 to index
      %get3A_3767 = arith.index_cast %scan3A_2568 : i32 to index
      %get3A_3768 = arith.constant 368 : index
      %get3A_3769 = tpu.vector_load %arg8[%get3A_3766, %get3A_3767, %get3A_3768] {strides = array<i32>} : memref<4x8x768xf32, #tpu.memory_space<vmem>>, vector<1x1x16xf32>,
      %get3A_3770 = vector.shape_cast %get3A_3769 : vector<1x1x16xf32> to vector<16xf32>
      %swap3A_3771 = arith.constant 0 : i32
      %swap3A_3772 = arith.index_cast %swap3A_3771 : i32 to index
      %swap3A_3773 = arith.index_cast %scan3A_2568 : i32 to index
      %swap3A_3774 = arith.constant 368 : index
      %swap3A_3775 = tpu.vector_load %arg10[%swap3A_3772, %swap3A_3773, %swap3A_3774] {strides = array<i32>} : memref<4x8x768xf32, #tpu.memory_space<vmem>>, vector<1x1x16xf32>,
      %swap3A_3776 = vector.shape_cast %swap3A_3775 : vector<1x1x16xf32> to vector<16xf32>
      %swap3A_3777 = vector.shape_cast %get3A_3770 : vector<16xf32> to vector<1x1x16xf32>
      tpu.vector_store %arg10[%swap3A_3772, %swap3A_3773, %swap3A_3774], %swap3A_3777 {strides = array<i32>} : memref<4x8x768xf32, #tpu.memory_space<vmem>>, vector<1x1x16xf32>,
      %get3A_3778 = arith.constant 1 : i32
      %get3A_3779 = arith.index_cast %get3A_3778 : i32 to index
      %get3A_3780 = arith.index_cast %scan3A_2568 : i32 to index
      %get3A_3781 = arith.constant 368 : index
      %get3A_3782 = tpu.vector_load %arg8[%get3A_3779, %get3A_3780, %get3A_3781] {strides = array<i32>} : memref<4x8x768xf32, #tpu.memory_space<vmem>>, vector<1x1x16xf32>,
      %get3A_3783 = vector.shape_cast %get3A_3782 : vector<1x1x16xf32> to vector<16xf32>
      %swap3A_3784 = arith.constant 1 : i32
      %swap3A_3785 = arith.index_cast %swap3A_3784 : i32 to index
      %swap3A_3786 = arith.index_cast %scan3A_2568 : i32 to index
      %swap3A_3787 = arith.constant 368 : index
      %swap3A_3788 = tpu.vector_load %arg10[%swap3A_3785, %swap3A_3786, %swap3A_3787] {strides = array<i32>} : memref<4x8x768xf32, #tpu.memory_space<vmem>>, vector<1x1x16xf32>,
      %swap3A_3789 = vector.shape_cast %swap3A_3788 : vector<1x1x16xf32> to vector<16xf32>
      %swap3A_3790 = vector.shape_cast %get3A_3783 : vector<16xf32> to vector<1x1x16xf32>
      tpu.vector_store %arg10[%swap3A_3785, %swap3A_3786, %swap3A_3787], %swap3A_3790 {strides = array<i32>} : memref<4x8x768xf32, #tpu.memory_space<vmem>>, vector<1x1x16xf32>,
      %get3A_3791 = arith.constant 2 : i32
      %get3A_3792 = arith.index_cast %get3A_3791 : i32 to index
      %get3A_3793 = arith.index_cast %scan3A_2568 : i32 to index
      %get3A_3794 = arith.constant 368 : index
      %get3A_3795 = tpu.vector_load %arg8[%get3A_3792, %get3A_3793, %get3A_3794] {strides = array<i32>} : memref<4x8x768xf32, #tpu.memory_space<vmem>>, vector<1x1x16xf32>,
      %get3A_3796 = vector.shape_cast %get3A_3795 : vector<1x1x16xf32> to vector<16xf32>
      %swap3A_3797 = arith.constant 2 : i32
      %swap3A_3798 = arith.index_cast %swap3A_3797 : i32 to index
      %swap3A_3799 = arith.index_cast %scan3A_2568 : i32 to index
      %swap3A_3800 = arith.constant 368 : index
      %swap3A_3801 = tpu.vector_load %arg10[%swap3A_3798, %swap3A_3799, %swap3A_3800] {strides = array<i32>} : memref<4x8x768xf32, #tpu.memory_space<vmem>>, vector<1x1x16xf32>,
      %swap3A_3802 = vector.shape_cast %swap3A_3801 : vector<1x1x16xf32> to vector<16xf32>
      %swap3A_3803 = vector.shape_cast %get3A_3796 : vector<16xf32> to vector<1x1x16xf32>
      tpu.vector_store %arg10[%swap3A_3798, %swap3A_3799, %swap3A_3800], %swap3A_3803 {strides = array<i32>} : memref<4x8x768xf32, #tpu.memory_space<vmem>>, vector<1x1x16xf32>,
      %get3A_3804 = arith.constant 3 : i32
      %get3A_3805 = arith.index_cast %get3A_3804 : i32 to index
      %get3A_3806 = arith.index_cast %scan3A_2568 : i32 to index
      %get3A_3807 = arith.constant 368 : index
      %get3A_3808 = tpu.vector_load %arg8[%get3A_3805, %get3A_3806, %get3A_3807] {strides = array<i32>} : memref<4x8x768xf32, #tpu.memory_space<vmem>>, vector<1x1x16xf32>,
      %get3A_3809 = vector.shape_cast %get3A_3808 : vector<1x1x16xf32> to vector<16xf32>
      %swap3A_3810 = arith.constant 3 : i32
      %swap3A_3811 = arith.index_cast %swap3A_3810 : i32 to index
      %swap3A_3812 = arith.index_cast %scan3A_2568 : i32 to index
      %swap3A_3813 = arith.constant 368 : index
      %swap3A_3814 = tpu.vector_load %arg10[%swap3A_3811, %swap3A_3812, %swap3A_3813] {strides = array<i32>} : memref<4x8x768xf32, #tpu.memory_space<vmem>>, vector<1x1x16xf32>,
      %swap3A_3815 = vector.shape_cast %swap3A_3814 : vector<1x1x16xf32> to vector<16xf32>
      %swap3A_3816 = vector.shape_cast %get3A_3809 : vector<16xf32> to vector<1x1x16xf32>
      tpu.vector_store %arg10[%swap3A_3811, %swap3A_3812, %swap3A_3813], %swap3A_3816 {strides = array<i32>} : memref<4x8x768xf32, #tpu.memory_space<vmem>>, vector<1x1x16xf32>,
      %get3A_3817 = arith.constant 0 : i32
      %get3A_3818 = arith.index_cast %get3A_3817 : i32 to index
      %get3A_3819 = arith.index_cast %scan3A_2568 : i32 to index
      %get3A_3820 = arith.constant 384 : index
      %get3A_3821 = tpu.vector_load %arg8[%get3A_3818, %get3A_3819, %get3A_3820] {strides = array<i32>} : memref<4x8x768xf32, #tpu.memory_space<vmem>>, vector<1x1x16xf32>,
      %get3A_3822 = vector.shape_cast %get3A_3821 : vector<1x1x16xf32> to vector<16xf32>
      %swap3A_3823 = arith.constant 0 : i32
      %swap3A_3824 = arith.index_cast %swap3A_3823 : i32 to index
      %swap3A_3825 = arith.index_cast %scan3A_2568 : i32 to index
      %swap3A_3826 = arith.constant 384 : index
      %swap3A_3827 = tpu.vector_load %arg10[%swap3A_3824, %swap3A_3825, %swap3A_3826] {strides = array<i32>} : memref<4x8x768xf32, #tpu.memory_space<vmem>>, vector<1x1x16xf32>,
      %swap3A_3828 = vector.shape_cast %swap3A_3827 : vector<1x1x16xf32> to vector<16xf32>
      %swap3A_3829 = vector.shape_cast %get3A_3822 : vector<16xf32> to vector<1x1x16xf32>
      tpu.vector_store %arg10[%swap3A_3824, %swap3A_3825, %swap3A_3826], %swap3A_3829 {strides = array<i32>} : memref<4x8x768xf32, #tpu.memory_space<vmem>>, vector<1x1x16xf32>,
      %get3A_3830 = arith.constant 1 : i32
      %get3A_3831 = arith.index_cast %get3A_3830 : i32 to index
      %get3A_3832 = arith.index_cast %scan3A_2568 : i32 to index
      %get3A_3833 = arith.constant 384 : index
      %get3A_3834 = tpu.vector_load %arg8[%get3A_3831, %get3A_3832, %get3A_3833] {strides = array<i32>} : memref<4x8x768xf32, #tpu.memory_space<vmem>>, vector<1x1x16xf32>,
      %get3A_3835 = vector.shape_cast %get3A_3834 : vector<1x1x16xf32> to vector<16xf32>
      %swap3A_3836 = arith.constant 1 : i32
      %swap3A_3837 = arith.index_cast %swap3A_3836 : i32 to index
      %swap3A_3838 = arith.index_cast %scan3A_2568 : i32 to index
      %swap3A_3839 = arith.constant 384 : index
      %swap3A_3840 = tpu.vector_load %arg10[%swap3A_3837, %swap3A_3838, %swap3A_3839] {strides = array<i32>} : memref<4x8x768xf32, #tpu.memory_space<vmem>>, vector<1x1x16xf32>,
      %swap3A_3841 = vector.shape_cast %swap3A_3840 : vector<1x1x16xf32> to vector<16xf32>
      %swap3A_3842 = vector.shape_cast %get3A_3835 : vector<16xf32> to vector<1x1x16xf32>
      tpu.vector_store %arg10[%swap3A_3837, %swap3A_3838, %swap3A_3839], %swap3A_3842 {strides = array<i32>} : memref<4x8x768xf32, #tpu.memory_space<vmem>>, vector<1x1x16xf32>,
      %get3A_3843 = arith.constant 2 : i32
      %get3A_3844 = arith.index_cast %get3A_3843 : i32 to index
      %get3A_3845 = arith.index_cast %scan3A_2568 : i32 to index
      %get3A_3846 = arith.constant 384 : index
      %get3A_3847 = tpu.vector_load %arg8[%get3A_3844, %get3A_3845, %get3A_3846] {strides = array<i32>} : memref<4x8x768xf32, #tpu.memory_space<vmem>>, vector<1x1x16xf32>,
      %get3A_3848 = vector.shape_cast %get3A_3847 : vector<1x1x16xf32> to vector<16xf32>
      %swap3A_3849 = arith.constant 2 : i32
      %swap3A_3850 = arith.index_cast %swap3A_3849 : i32 to index
      %swap3A_3851 = arith.index_cast %scan3A_2568 : i32 to index
      %swap3A_3852 = arith.constant 384 : index
      %swap3A_3853 = tpu.vector_load %arg10[%swap3A_3850, %swap3A_3851, %swap3A_3852] {strides = array<i32>} : memref<4x8x768xf32, #tpu.memory_space<vmem>>, vector<1x1x16xf32>,
      %swap3A_3854 = vector.shape_cast %swap3A_3853 : vector<1x1x16xf32> to vector<16xf32>
      %swap3A_3855 = vector.shape_cast %get3A_3848 : vector<16xf32> to vector<1x1x16xf32>
      tpu.vector_store %arg10[%swap3A_3850, %swap3A_3851, %swap3A_3852], %swap3A_3855 {strides = array<i32>} : memref<4x8x768xf32, #tpu.memory_space<vmem>>, vector<1x1x16xf32>,
      %get3A_3856 = arith.constant 3 : i32
      %get3A_3857 = arith.index_cast %get3A_3856 : i32 to index
      %get3A_3858 = arith.index_cast %scan3A_2568 : i32 to index
      %get3A_3859 = arith.constant 384 : index
      %get3A_3860 = tpu.vector_load %arg8[%get3A_3857, %get3A_3858, %get3A_3859] {strides = array<i32>} : memref<4x8x768xf32, #tpu.memory_space<vmem>>, vector<1x1x16xf32>,
      %get3A_3861 = vector.shape_cast %get3A_3860 : vector<1x1x16xf32> to vector<16xf32>
      %swap3A_3862 = arith.constant 3 : i32
      %swap3A_3863 = arith.index_cast %swap3A_3862 : i32 to index
      %swap3A_3864 = arith.index_cast %scan3A_2568 : i32 to index
      %swap3A_3865 = arith.constant 384 : index
      %swap3A_3866 = tpu.vector_load %arg10[%swap3A_3863, %swap3A_3864, %swap3A_3865] {strides = array<i32>} : memref<4x8x768xf32, #tpu.memory_space<vmem>>, vector<1x1x16xf32>,
      %swap3A_3867 = vector.shape_cast %swap3A_3866 : vector<1x1x16xf32> to vector<16xf32>
      %swap3A_3868 = vector.shape_cast %get3A_3861 : vector<16xf32> to vector<1x1x16xf32>
      tpu.vector_store %arg10[%swap3A_3863, %swap3A_3864, %swap3A_3865], %swap3A_3868 {strides = array<i32>} : memref<4x8x768xf32, #tpu.memory_space<vmem>>, vector<1x1x16xf32>,
      %get3A_3869 = arith.constant 0 : i32
      %get3A_3870 = arith.index_cast %get3A_3869 : i32 to index
      %get3A_3871 = arith.index_cast %scan3A_2568 : i32 to index
      %get3A_3872 = arith.constant 400 : index
      %get3A_3873 = tpu.vector_load %arg8[%get3A_3870, %get3A_3871, %get3A_3872] {strides = array<i32>} : memref<4x8x768xf32, #tpu.memory_space<vmem>>, vector<1x1x16xf32>,
      %get3A_3874 = vector.shape_cast %get3A_3873 : vector<1x1x16xf32> to vector<16xf32>
      %swap3A_3875 = arith.constant 0 : i32
      %swap3A_3876 = arith.index_cast %swap3A_3875 : i32 to index
      %swap3A_3877 = arith.index_cast %scan3A_2568 : i32 to index
      %swap3A_3878 = arith.constant 400 : index
      %swap3A_3879 = tpu.vector_load %arg10[%swap3A_3876, %swap3A_3877, %swap3A_3878] {strides = array<i32>} : memref<4x8x768xf32, #tpu.memory_space<vmem>>, vector<1x1x16xf32>,
      %swap3A_3880 = vector.shape_cast %swap3A_3879 : vector<1x1x16xf32> to vector<16xf32>
      %swap3A_3881 = vector.shape_cast %get3A_3874 : vector<16xf32> to vector<1x1x16xf32>
      tpu.vector_store %arg10[%swap3A_3876, %swap3A_3877, %swap3A_3878], %swap3A_3881 {strides = array<i32>} : memref<4x8x768xf32, #tpu.memory_space<vmem>>, vector<1x1x16xf32>,
      %get3A_3882 = arith.constant 1 : i32
      %get3A_3883 = arith.index_cast %get3A_3882 : i32 to index
      %get3A_3884 = arith.index_cast %scan3A_2568 : i32 to index
      %get3A_3885 = arith.constant 400 : index
      %get3A_3886 = tpu.vector_load %arg8[%get3A_3883, %get3A_3884, %get3A_3885] {strides = array<i32>} : memref<4x8x768xf32, #tpu.memory_space<vmem>>, vector<1x1x16xf32>,
      %get3A_3887 = vector.shape_cast %get3A_3886 : vector<1x1x16xf32> to vector<16xf32>
      %swap3A_3888 = arith.constant 1 : i32
      %swap3A_3889 = arith.index_cast %swap3A_3888 : i32 to index
      %swap3A_3890 = arith.index_cast %scan3A_2568 : i32 to index
      %swap3A_3891 = arith.constant 400 : index
      %swap3A_3892 = tpu.vector_load %arg10[%swap3A_3889, %swap3A_3890, %swap3A_3891] {strides = array<i32>} : memref<4x8x768xf32, #tpu.memory_space<vmem>>, vector<1x1x16xf32>,
      %swap3A_3893 = vector.shape_cast %swap3A_3892 : vector<1x1x16xf32> to vector<16xf32>
      %swap3A_3894 = vector.shape_cast %get3A_3887 : vector<16xf32> to vector<1x1x16xf32>
      tpu.vector_store %arg10[%swap3A_3889, %swap3A_3890, %swap3A_3891], %swap3A_3894 {strides = array<i32>} : memref<4x8x768xf32, #tpu.memory_space<vmem>>, vector<1x1x16xf32>,
      %get3A_3895 = arith.constant 2 : i32
      %get3A_3896 = arith.index_cast %get3A_3895 : i32 to index
      %get3A_3897 = arith.index_cast %scan3A_2568 : i32 to index
      %get3A_3898 = arith.constant 400 : index
      %get3A_3899 = tpu.vector_load %arg8[%get3A_3896, %get3A_3897, %get3A_3898] {strides = array<i32>} : memref<4x8x768xf32, #tpu.memory_space<vmem>>, vector<1x1x16xf32>,
      %get3A_3900 = vector.shape_cast %get3A_3899 : vector<1x1x16xf32> to vector<16xf32>
      %swap3A_3901 = arith.constant 2 : i32
      %swap3A_3902 = arith.index_cast %swap3A_3901 : i32 to index
      %swap3A_3903 = arith.index_cast %scan3A_2568 : i32 to index
      %swap3A_3904 = arith.constant 400 : index
      %swap3A_3905 = tpu.vector_load %arg10[%swap3A_3902, %swap3A_3903, %swap3A_3904] {strides = array<i32>} : memref<4x8x768xf32, #tpu.memory_space<vmem>>, vector<1x1x16xf32>,
      %swap3A_3906 = vector.shape_cast %swap3A_3905 : vector<1x1x16xf32> to vector<16xf32>
      %swap3A_3907 = vector.shape_cast %get3A_3900 : vector<16xf32> to vector<1x1x16xf32>
      tpu.vector_store %arg10[%swap3A_3902, %swap3A_3903, %swap3A_3904], %swap3A_3907 {strides = array<i32>} : memref<4x8x768xf32, #tpu.memory_space<vmem>>, vector<1x1x16xf32>,
      %get3A_3908 = arith.constant 3 : i32
      %get3A_3909 = arith.index_cast %get3A_3908 : i32 to index
      %get3A_3910 = arith.index_cast %scan3A_2568 : i32 to index
      %get3A_3911 = arith.constant 400 : index
      %get3A_3912 = tpu.vector_load %arg8[%get3A_3909, %get3A_3910, %get3A_3911] {strides = array<i32>} : memref<4x8x768xf32, #tpu.memory_space<vmem>>, vector<1x1x16xf32>,
      %get3A_3913 = vector.shape_cast %get3A_3912 : vector<1x1x16xf32> to vector<16xf32>
      %swap3A_3914 = arith.constant 3 : i32
      %swap3A_3915 = arith.index_cast %swap3A_3914 : i32 to index
      %swap3A_3916 = arith.index_cast %scan3A_2568 : i32 to index
      %swap3A_3917 = arith.constant 400 : index
      %swap3A_3918 = tpu.vector_load %arg10[%swap3A_3915, %swap3A_3916, %swap3A_3917] {strides = array<i32>} : memref<4x8x768xf32, #tpu.memory_space<vmem>>, vector<1x1x16xf32>,
      %swap3A_3919 = vector.shape_cast %swap3A_3918 : vector<1x1x16xf32> to vector<16xf32>
      %swap3A_3920 = vector.shape_cast %get3A_3913 : vector<16xf32> to vector<1x1x16xf32>
      tpu.vector_store %arg10[%swap3A_3915, %swap3A_3916, %swap3A_3917], %swap3A_3920 {strides = array<i32>} : memref<4x8x768xf32, #tpu.memory_space<vmem>>, vector<1x1x16xf32>,
      %get3A_3921 = arith.constant 0 : i32
      %get3A_3922 = arith.index_cast %get3A_3921 : i32 to index
      %get3A_3923 = arith.index_cast %scan3A_2568 : i32 to index
      %get3A_3924 = arith.constant 416 : index
      %get3A_3925 = tpu.vector_load %arg8[%get3A_3922, %get3A_3923, %get3A_3924] {strides = array<i32>} : memref<4x8x768xf32, #tpu.memory_space<vmem>>, vector<1x1x16xf32>,
      %get3A_3926 = vector.shape_cast %get3A_3925 : vector<1x1x16xf32> to vector<16xf32>
      %swap3A_3927 = arith.constant 0 : i32
      %swap3A_3928 = arith.index_cast %swap3A_3927 : i32 to index
      %swap3A_3929 = arith.index_cast %scan3A_2568 : i32 to index
      %swap3A_3930 = arith.constant 416 : index
      %swap3A_3931 = tpu.vector_load %arg10[%swap3A_3928, %swap3A_3929, %swap3A_3930] {strides = array<i32>} : memref<4x8x768xf32, #tpu.memory_space<vmem>>, vector<1x1x16xf32>,
      %swap3A_3932 = vector.shape_cast %swap3A_3931 : vector<1x1x16xf32> to vector<16xf32>
      %swap3A_3933 = vector.shape_cast %get3A_3926 : vector<16xf32> to vector<1x1x16xf32>
      tpu.vector_store %arg10[%swap3A_3928, %swap3A_3929, %swap3A_3930], %swap3A_3933 {strides = array<i32>} : memref<4x8x768xf32, #tpu.memory_space<vmem>>, vector<1x1x16xf32>,
      %get3A_3934 = arith.constant 1 : i32
      %get3A_3935 = arith.index_cast %get3A_3934 : i32 to index
      %get3A_3936 = arith.index_cast %scan3A_2568 : i32 to index
      %get3A_3937 = arith.constant 416 : index
      %get3A_3938 = tpu.vector_load %arg8[%get3A_3935, %get3A_3936, %get3A_3937] {strides = array<i32>} : memref<4x8x768xf32, #tpu.memory_space<vmem>>, vector<1x1x16xf32>,
      %get3A_3939 = vector.shape_cast %get3A_3938 : vector<1x1x16xf32> to vector<16xf32>
      %swap3A_3940 = arith.constant 1 : i32
      %swap3A_3941 = arith.index_cast %swap3A_3940 : i32 to index
      %swap3A_3942 = arith.index_cast %scan3A_2568 : i32 to index
      %swap3A_3943 = arith.constant 416 : index
      %swap3A_3944 = tpu.vector_load %arg10[%swap3A_3941, %swap3A_3942, %swap3A_3943] {strides = array<i32>} : memref<4x8x768xf32, #tpu.memory_space<vmem>>, vector<1x1x16xf32>,
      %swap3A_3945 = vector.shape_cast %swap3A_3944 : vector<1x1x16xf32> to vector<16xf32>
      %swap3A_3946 = vector.shape_cast %get3A_3939 : vector<16xf32> to vector<1x1x16xf32>
      tpu.vector_store %arg10[%swap3A_3941, %swap3A_3942, %swap3A_3943], %swap3A_3946 {strides = array<i32>} : memref<4x8x768xf32, #tpu.memory_space<vmem>>, vector<1x1x16xf32>,
      %get3A_3947 = arith.constant 2 : i32
      %get3A_3948 = arith.index_cast %get3A_3947 : i32 to index
      %get3A_3949 = arith.index_cast %scan3A_2568 : i32 to index
      %get3A_3950 = arith.constant 416 : index
      %get3A_3951 = tpu.vector_load %arg8[%get3A_3948, %get3A_3949, %get3A_3950] {strides = array<i32>} : memref<4x8x768xf32, #tpu.memory_space<vmem>>, vector<1x1x16xf32>,
      %get3A_3952 = vector.shape_cast %get3A_3951 : vector<1x1x16xf32> to vector<16xf32>
      %swap3A_3953 = arith.constant 2 : i32
      %swap3A_3954 = arith.index_cast %swap3A_3953 : i32 to index
      %swap3A_3955 = arith.index_cast %scan3A_2568 : i32 to index
      %swap3A_3956 = arith.constant 416 : index
      %swap3A_3957 = tpu.vector_load %arg10[%swap3A_3954, %swap3A_3955, %swap3A_3956] {strides = array<i32>} : memref<4x8x768xf32, #tpu.memory_space<vmem>>, vector<1x1x16xf32>,
      %swap3A_3958 = vector.shape_cast %swap3A_3957 : vector<1x1x16xf32> to vector<16xf32>
      %swap3A_3959 = vector.shape_cast %get3A_3952 : vector<16xf32> to vector<1x1x16xf32>
      tpu.vector_store %arg10[%swap3A_3954, %swap3A_3955, %swap3A_3956], %swap3A_3959 {strides = array<i32>} : memref<4x8x768xf32, #tpu.memory_space<vmem>>, vector<1x1x16xf32>,
      %get3A_3960 = arith.constant 3 : i32
      %get3A_3961 = arith.index_cast %get3A_3960 : i32 to index
      %get3A_3962 = arith.index_cast %scan3A_2568 : i32 to index
      %get3A_3963 = arith.constant 416 : index
      %get3A_3964 = tpu.vector_load %arg8[%get3A_3961, %get3A_3962, %get3A_3963] {strides = array<i32>} : memref<4x8x768xf32, #tpu.memory_space<vmem>>, vector<1x1x16xf32>,
      %get3A_3965 = vector.shape_cast %get3A_3964 : vector<1x1x16xf32> to vector<16xf32>
      %swap3A_3966 = arith.constant 3 : i32
      %swap3A_3967 = arith.index_cast %swap3A_3966 : i32 to index
      %swap3A_3968 = arith.index_cast %scan3A_2568 : i32 to index
      %swap3A_3969 = arith.constant 416 : index
      %swap3A_3970 = tpu.vector_load %arg10[%swap3A_3967, %swap3A_3968, %swap3A_3969] {strides = array<i32>} : memref<4x8x768xf32, #tpu.memory_space<vmem>>, vector<1x1x16xf32>,
      %swap3A_3971 = vector.shape_cast %swap3A_3970 : vector<1x1x16xf32> to vector<16xf32>
      %swap3A_3972 = vector.shape_cast %get3A_3965 : vector<16xf32> to vector<1x1x16xf32>
      tpu.vector_store %arg10[%swap3A_3967, %swap3A_3968, %swap3A_3969], %swap3A_3972 {strides = array<i32>} : memref<4x8x768xf32, #tpu.memory_space<vmem>>, vector<1x1x16xf32>,
      %get3A_3973 = arith.constant 0 : i32
      %get3A_3974 = arith.index_cast %get3A_3973 : i32 to index
      %get3A_3975 = arith.index_cast %scan3A_2568 : i32 to index
      %get3A_3976 = arith.constant 432 : index
      %get3A_3977 = tpu.vector_load %arg8[%get3A_3974, %get3A_3975, %get3A_3976] {strides = array<i32>} : memref<4x8x768xf32, #tpu.memory_space<vmem>>, vector<1x1x16xf32>,
      %get3A_3978 = vector.shape_cast %get3A_3977 : vector<1x1x16xf32> to vector<16xf32>
      %swap3A_3979 = arith.constant 0 : i32
      %swap3A_3980 = arith.index_cast %swap3A_3979 : i32 to index
      %swap3A_3981 = arith.index_cast %scan3A_2568 : i32 to index
      %swap3A_3982 = arith.constant 432 : index
      %swap3A_3983 = tpu.vector_load %arg10[%swap3A_3980, %swap3A_3981, %swap3A_3982] {strides = array<i32>} : memref<4x8x768xf32, #tpu.memory_space<vmem>>, vector<1x1x16xf32>,
      %swap3A_3984 = vector.shape_cast %swap3A_3983 : vector<1x1x16xf32> to vector<16xf32>
      %swap3A_3985 = vector.shape_cast %get3A_3978 : vector<16xf32> to vector<1x1x16xf32>
      tpu.vector_store %arg10[%swap3A_3980, %swap3A_3981, %swap3A_3982], %swap3A_3985 {strides = array<i32>} : memref<4x8x768xf32, #tpu.memory_space<vmem>>, vector<1x1x16xf32>,
      %get3A_3986 = arith.constant 1 : i32
      %get3A_3987 = arith.index_cast %get3A_3986 : i32 to index
      %get3A_3988 = arith.index_cast %scan3A_2568 : i32 to index
      %get3A_3989 = arith.constant 432 : index
      %get3A_3990 = tpu.vector_load %arg8[%get3A_3987, %get3A_3988, %get3A_3989] {strides = array<i32>} : memref<4x8x768xf32, #tpu.memory_space<vmem>>, vector<1x1x16xf32>,
      %get3A_3991 = vector.shape_cast %get3A_3990 : vector<1x1x16xf32> to vector<16xf32>
      %swap3A_3992 = arith.constant 1 : i32
      %swap3A_3993 = arith.index_cast %swap3A_3992 : i32 to index
      %swap3A_3994 = arith.index_cast %scan3A_2568 : i32 to index
      %swap3A_3995 = arith.constant 432 : index
      %swap3A_3996 = tpu.vector_load %arg10[%swap3A_3993, %swap3A_3994, %swap3A_3995] {strides = array<i32>} : memref<4x8x768xf32, #tpu.memory_space<vmem>>, vector<1x1x16xf32>,
      %swap3A_3997 = vector.shape_cast %swap3A_3996 : vector<1x1x16xf32> to vector<16xf32>
      %swap3A_3998 = vector.shape_cast %get3A_3991 : vector<16xf32> to vector<1x1x16xf32>
      tpu.vector_store %arg10[%swap3A_3993, %swap3A_3994, %swap3A_3995], %swap3A_3998 {strides = array<i32>} : memref<4x8x768xf32, #tpu.memory_space<vmem>>, vector<1x1x16xf32>,
      %get3A_3999 = arith.constant 2 : i32
      %get3A_4000 = arith.index_cast %get3A_3999 : i32 to index
      %get3A_4001 = arith.index_cast %scan3A_2568 : i32 to index
      %get3A_4002 = arith.constant 432 : index
      %get3A_4003 = tpu.vector_load %arg8[%get3A_4000, %get3A_4001, %get3A_4002] {strides = array<i32>} : memref<4x8x768xf32, #tpu.memory_space<vmem>>, vector<1x1x16xf32>,
      %get3A_4004 = vector.shape_cast %get3A_4003 : vector<1x1x16xf32> to vector<16xf32>
      %swap3A_4005 = arith.constant 2 : i32
      %swap3A_4006 = arith.index_cast %swap3A_4005 : i32 to index
      %swap3A_4007 = arith.index_cast %scan3A_2568 : i32 to index
      %swap3A_4008 = arith.constant 432 : index
      %swap3A_4009 = tpu.vector_load %arg10[%swap3A_4006, %swap3A_4007, %swap3A_4008] {strides = array<i32>} : memref<4x8x768xf32, #tpu.memory_space<vmem>>, vector<1x1x16xf32>,
      %swap3A_4010 = vector.shape_cast %swap3A_4009 : vector<1x1x16xf32> to vector<16xf32>
      %swap3A_4011 = vector.shape_cast %get3A_4004 : vector<16xf32> to vector<1x1x16xf32>
      tpu.vector_store %arg10[%swap3A_4006, %swap3A_4007, %swap3A_4008], %swap3A_4011 {strides = array<i32>} : memref<4x8x768xf32, #tpu.memory_space<vmem>>, vector<1x1x16xf32>,
      %get3A_4012 = arith.constant 3 : i32
      %get3A_4013 = arith.index_cast %get3A_4012 : i32 to index
      %get3A_4014 = arith.index_cast %scan3A_2568 : i32 to index
      %get3A_4015 = arith.constant 432 : index
      %get3A_4016 = tpu.vector_load %arg8[%get3A_4013, %get3A_4014, %get3A_4015] {strides = array<i32>} : memref<4x8x768xf32, #tpu.memory_space<vmem>>, vector<1x1x16xf32>,
      %get3A_4017 = vector.shape_cast %get3A_4016 : vector<1x1x16xf32> to vector<16xf32>
      %swap3A_4018 = arith.constant 3 : i32
      %swap3A_4019 = arith.index_cast %swap3A_4018 : i32 to index
      %swap3A_4020 = arith.index_cast %scan3A_2568 : i32 to index
      %swap3A_4021 = arith.constant 432 : index
      %swap3A_4022 = tpu.vector_load %arg10[%swap3A_4019, %swap3A_4020, %swap3A_4021] {strides = array<i32>} : memref<4x8x768xf32, #tpu.memory_space<vmem>>, vector<1x1x16xf32>,
      %swap3A_4023 = vector.shape_cast %swap3A_4022 : vector<1x1x16xf32> to vector<16xf32>
      %swap3A_4024 = vector.shape_cast %get3A_4017 : vector<16xf32> to vector<1x1x16xf32>
      tpu.vector_store %arg10[%swap3A_4019, %swap3A_4020, %swap3A_4021], %swap3A_4024 {strides = array<i32>} : memref<4x8x768xf32, #tpu.memory_space<vmem>>, vector<1x1x16xf32>,
      %get3A_4025 = arith.constant 0 : i32
      %get3A_4026 = arith.index_cast %get3A_4025 : i32 to index
      %get3A_4027 = arith.index_cast %scan3A_2568 : i32 to index
      %get3A_4028 = arith.constant 448 : index
      %get3A_4029 = tpu.vector_load %arg8[%get3A_4026, %get3A_4027, %get3A_4028] {strides = array<i32>} : memref<4x8x768xf32, #tpu.memory_space<vmem>>, vector<1x1x16xf32>,
      %get3A_4030 = vector.shape_cast %get3A_4029 : vector<1x1x16xf32> to vector<16xf32>
      %swap3A_4031 = arith.constant 0 : i32
      %swap3A_4032 = arith.index_cast %swap3A_4031 : i32 to index
      %swap3A_4033 = arith.index_cast %scan3A_2568 : i32 to index
      %swap3A_4034 = arith.constant 448 : index
      %swap3A_4035 = tpu.vector_load %arg10[%swap3A_4032, %swap3A_4033, %swap3A_4034] {strides = array<i32>} : memref<4x8x768xf32, #tpu.memory_space<vmem>>, vector<1x1x16xf32>,
      %swap3A_4036 = vector.shape_cast %swap3A_4035 : vector<1x1x16xf32> to vector<16xf32>
      %swap3A_4037 = vector.shape_cast %get3A_4030 : vector<16xf32> to vector<1x1x16xf32>
      tpu.vector_store %arg10[%swap3A_4032, %swap3A_4033, %swap3A_4034], %swap3A_4037 {strides = array<i32>} : memref<4x8x768xf32, #tpu.memory_space<vmem>>, vector<1x1x16xf32>,
      %get3A_4038 = arith.constant 1 : i32
      %get3A_4039 = arith.index_cast %get3A_4038 : i32 to index
      %get3A_4040 = arith.index_cast %scan3A_2568 : i32 to index
      %get3A_4041 = arith.constant 448 : index
      %get3A_4042 = tpu.vector_load %arg8[%get3A_4039, %get3A_4040, %get3A_4041] {strides = array<i32>} : memref<4x8x768xf32, #tpu.memory_space<vmem>>, vector<1x1x16xf32>,
      %get3A_4043 = vector.shape_cast %get3A_4042 : vector<1x1x16xf32> to vector<16xf32>
      %swap3A_4044 = arith.constant 1 : i32
      %swap3A_4045 = arith.index_cast %swap3A_4044 : i32 to index
      %swap3A_4046 = arith.index_cast %scan3A_2568 : i32 to index
      %swap3A_4047 = arith.constant 448 : index
      %swap3A_4048 = tpu.vector_load %arg10[%swap3A_4045, %swap3A_4046, %swap3A_4047] {strides = array<i32>} : memref<4x8x768xf32, #tpu.memory_space<vmem>>, vector<1x1x16xf32>,
      %swap3A_4049 = vector.shape_cast %swap3A_4048 : vector<1x1x16xf32> to vector<16xf32>
      %swap3A_4050 = vector.shape_cast %get3A_4043 : vector<16xf32> to vector<1x1x16xf32>
      tpu.vector_store %arg10[%swap3A_4045, %swap3A_4046, %swap3A_4047], %swap3A_4050 {strides = array<i32>} : memref<4x8x768xf32, #tpu.memory_space<vmem>>, vector<1x1x16xf32>,
      %get3A_4051 = arith.constant 2 : i32
      %get3A_4052 = arith.index_cast %get3A_4051 : i32 to index
      %get3A_4053 = arith.index_cast %scan3A_2568 : i32 to index
      %get3A_4054 = arith.constant 448 : index
      %get3A_4055 = tpu.vector_load %arg8[%get3A_4052, %get3A_4053, %get3A_4054] {strides = array<i32>} : memref<4x8x768xf32, #tpu.memory_space<vmem>>, vector<1x1x16xf32>,
      %get3A_4056 = vector.shape_cast %get3A_4055 : vector<1x1x16xf32> to vector<16xf32>
      %swap3A_4057 = arith.constant 2 : i32
      %swap3A_4058 = arith.index_cast %swap3A_4057 : i32 to index
      %swap3A_4059 = arith.index_cast %scan3A_2568 : i32 to index
      %swap3A_4060 = arith.constant 448 : index
      %swap3A_4061 = tpu.vector_load %arg10[%swap3A_4058, %swap3A_4059, %swap3A_4060] {strides = array<i32>} : memref<4x8x768xf32, #tpu.memory_space<vmem>>, vector<1x1x16xf32>,
      %swap3A_4062 = vector.shape_cast %swap3A_4061 : vector<1x1x16xf32> to vector<16xf32>
      %swap3A_4063 = vector.shape_cast %get3A_4056 : vector<16xf32> to vector<1x1x16xf32>
      tpu.vector_store %arg10[%swap3A_4058, %swap3A_4059, %swap3A_4060], %swap3A_4063 {strides = array<i32>} : memref<4x8x768xf32, #tpu.memory_space<vmem>>, vector<1x1x16xf32>,
      %get3A_4064 = arith.constant 3 : i32
      %get3A_4065 = arith.index_cast %get3A_4064 : i32 to index
      %get3A_4066 = arith.index_cast %scan3A_2568 : i32 to index
      %get3A_4067 = arith.constant 448 : index
      %get3A_4068 = tpu.vector_load %arg8[%get3A_4065, %get3A_4066, %get3A_4067] {strides = array<i32>} : memref<4x8x768xf32, #tpu.memory_space<vmem>>, vector<1x1x16xf32>,
      %get3A_4069 = vector.shape_cast %get3A_4068 : vector<1x1x16xf32> to vector<16xf32>
      %swap3A_4070 = arith.constant 3 : i32
      %swap3A_4071 = arith.index_cast %swap3A_4070 : i32 to index
      %swap3A_4072 = arith.index_cast %scan3A_2568 : i32 to index
      %swap3A_4073 = arith.constant 448 : index
      %swap3A_4074 = tpu.vector_load %arg10[%swap3A_4071, %swap3A_4072, %swap3A_4073] {strides = array<i32>} : memref<4x8x768xf32, #tpu.memory_space<vmem>>, vector<1x1x16xf32>,
      %swap3A_4075 = vector.shape_cast %swap3A_4074 : vector<1x1x16xf32> to vector<16xf32>
      %swap3A_4076 = vector.shape_cast %get3A_4069 : vector<16xf32> to vector<1x1x16xf32>
      tpu.vector_store %arg10[%swap3A_4071, %swap3A_4072, %swap3A_4073], %swap3A_4076 {strides = array<i32>} : memref<4x8x768xf32, #tpu.memory_space<vmem>>, vector<1x1x16xf32>,
      %get3A_4077 = arith.constant 0 : i32
      %get3A_4078 = arith.index_cast %get3A_4077 : i32 to index
      %get3A_4079 = arith.index_cast %scan3A_2568 : i32 to index
      %get3A_4080 = arith.constant 464 : index
      %get3A_4081 = tpu.vector_load %arg8[%get3A_4078, %get3A_4079, %get3A_4080] {strides = array<i32>} : memref<4x8x768xf32, #tpu.memory_space<vmem>>, vector<1x1x16xf32>,
      %get3A_4082 = vector.shape_cast %get3A_4081 : vector<1x1x16xf32> to vector<16xf32>
      %swap3A_4083 = arith.constant 0 : i32
      %swap3A_4084 = arith.index_cast %swap3A_4083 : i32 to index
      %swap3A_4085 = arith.index_cast %scan3A_2568 : i32 to index
      %swap3A_4086 = arith.constant 464 : index
      %swap3A_4087 = tpu.vector_load %arg10[%swap3A_4084, %swap3A_4085, %swap3A_4086] {strides = array<i32>} : memref<4x8x768xf32, #tpu.memory_space<vmem>>, vector<1x1x16xf32>,
      %swap3A_4088 = vector.shape_cast %swap3A_4087 : vector<1x1x16xf32> to vector<16xf32>
      %swap3A_4089 = vector.shape_cast %get3A_4082 : vector<16xf32> to vector<1x1x16xf32>
      tpu.vector_store %arg10[%swap3A_4084, %swap3A_4085, %swap3A_4086], %swap3A_4089 {strides = array<i32>} : memref<4x8x768xf32, #tpu.memory_space<vmem>>, vector<1x1x16xf32>,
      %get3A_4090 = arith.constant 1 : i32
      %get3A_4091 = arith.index_cast %get3A_4090 : i32 to index
      %get3A_4092 = arith.index_cast %scan3A_2568 : i32 to index
      %get3A_4093 = arith.constant 464 : index
      %get3A_4094 = tpu.vector_load %arg8[%get3A_4091, %get3A_4092, %get3A_4093] {strides = array<i32>} : memref<4x8x768xf32, #tpu.memory_space<vmem>>, vector<1x1x16xf32>,
      %get3A_4095 = vector.shape_cast %get3A_4094 : vector<1x1x16xf32> to vector<16xf32>
      %swap3A_4096 = arith.constant 1 : i32
      %swap3A_4097 = arith.index_cast %swap3A_4096 : i32 to index
      %swap3A_4098 = arith.index_cast %scan3A_2568 : i32 to index
      %swap3A_4099 = arith.constant 464 : index
      %swap3A_4100 = tpu.vector_load %arg10[%swap3A_4097, %swap3A_4098, %swap3A_4099] {strides = array<i32>} : memref<4x8x768xf32, #tpu.memory_space<vmem>>, vector<1x1x16xf32>,
      %swap3A_4101 = vector.shape_cast %swap3A_4100 : vector<1x1x16xf32> to vector<16xf32>
      %swap3A_4102 = vector.shape_cast %get3A_4095 : vector<16xf32> to vector<1x1x16xf32>
      tpu.vector_store %arg10[%swap3A_4097, %swap3A_4098, %swap3A_4099], %swap3A_4102 {strides = array<i32>} : memref<4x8x768xf32, #tpu.memory_space<vmem>>, vector<1x1x16xf32>,
      %get3A_4103 = arith.constant 2 : i32
      %get3A_4104 = arith.index_cast %get3A_4103 : i32 to index
      %get3A_4105 = arith.index_cast %scan3A_2568 : i32 to index
      %get3A_4106 = arith.constant 464 : index
      %get3A_4107 = tpu.vector_load %arg8[%get3A_4104, %get3A_4105, %get3A_4106] {strides = array<i32>} : memref<4x8x768xf32, #tpu.memory_space<vmem>>, vector<1x1x16xf32>,
      %get3A_4108 = vector.shape_cast %get3A_4107 : vector<1x1x16xf32> to vector<16xf32>
      %swap3A_4109 = arith.constant 2 : i32
      %swap3A_4110 = arith.index_cast %swap3A_4109 : i32 to index
      %swap3A_4111 = arith.index_cast %scan3A_2568 : i32 to index
      %swap3A_4112 = arith.constant 464 : index
      %swap3A_4113 = tpu.vector_load %arg10[%swap3A_4110, %swap3A_4111, %swap3A_4112] {strides = array<i32>} : memref<4x8x768xf32, #tpu.memory_space<vmem>>, vector<1x1x16xf32>,
      %swap3A_4114 = vector.shape_cast %swap3A_4113 : vector<1x1x16xf32> to vector<16xf32>
      %swap3A_4115 = vector.shape_cast %get3A_4108 : vector<16xf32> to vector<1x1x16xf32>
      tpu.vector_store %arg10[%swap3A_4110, %swap3A_4111, %swap3A_4112], %swap3A_4115 {strides = array<i32>} : memref<4x8x768xf32, #tpu.memory_space<vmem>>, vector<1x1x16xf32>,
      %get3A_4116 = arith.constant 3 : i32
      %get3A_4117 = arith.index_cast %get3A_4116 : i32 to index
      %get3A_4118 = arith.index_cast %scan3A_2568 : i32 to index
      %get3A_4119 = arith.constant 464 : index
      %get3A_4120 = tpu.vector_load %arg8[%get3A_4117, %get3A_4118, %get3A_4119] {strides = array<i32>} : memref<4x8x768xf32, #tpu.memory_space<vmem>>, vector<1x1x16xf32>,
      %get3A_4121 = vector.shape_cast %get3A_4120 : vector<1x1x16xf32> to vector<16xf32>
      %swap3A_4122 = arith.constant 3 : i32
      %swap3A_4123 = arith.index_cast %swap3A_4122 : i32 to index
      %swap3A_4124 = arith.index_cast %scan3A_2568 : i32 to index
      %swap3A_4125 = arith.constant 464 : index
      %swap3A_4126 = tpu.vector_load %arg10[%swap3A_4123, %swap3A_4124, %swap3A_4125] {strides = array<i32>} : memref<4x8x768xf32, #tpu.memory_space<vmem>>, vector<1x1x16xf32>,
      %swap3A_4127 = vector.shape_cast %swap3A_4126 : vector<1x1x16xf32> to vector<16xf32>
      %swap3A_4128 = vector.shape_cast %get3A_4121 : vector<16xf32> to vector<1x1x16xf32>
      tpu.vector_store %arg10[%swap3A_4123, %swap3A_4124, %swap3A_4125], %swap3A_4128 {strides = array<i32>} : memref<4x8x768xf32, #tpu.memory_space<vmem>>, vector<1x1x16xf32>,
      %get3A_4129 = arith.constant 0 : i32
      %get3A_4130 = arith.index_cast %get3A_4129 : i32 to index
      %get3A_4131 = arith.index_cast %scan3A_2568 : i32 to index
      %get3A_4132 = arith.constant 480 : index
      %get3A_4133 = tpu.vector_load %arg8[%get3A_4130, %get3A_4131, %get3A_4132] {strides = array<i32>} : memref<4x8x768xf32, #tpu.memory_space<vmem>>, vector<1x1x16xf32>,
      %get3A_4134 = vector.shape_cast %get3A_4133 : vector<1x1x16xf32> to vector<16xf32>
      %swap3A_4135 = arith.constant 0 : i32
      %swap3A_4136 = arith.index_cast %swap3A_4135 : i32 to index
      %swap3A_4137 = arith.index_cast %scan3A_2568 : i32 to index
      %swap3A_4138 = arith.constant 480 : index
      %swap3A_4139 = tpu.vector_load %arg10[%swap3A_4136, %swap3A_4137, %swap3A_4138] {strides = array<i32>} : memref<4x8x768xf32, #tpu.memory_space<vmem>>, vector<1x1x16xf32>,
      %swap3A_4140 = vector.shape_cast %swap3A_4139 : vector<1x1x16xf32> to vector<16xf32>
      %swap3A_4141 = vector.shape_cast %get3A_4134 : vector<16xf32> to vector<1x1x16xf32>
      tpu.vector_store %arg10[%swap3A_4136, %swap3A_4137, %swap3A_4138], %swap3A_4141 {strides = array<i32>} : memref<4x8x768xf32, #tpu.memory_space<vmem>>, vector<1x1x16xf32>,
      %get3A_4142 = arith.constant 1 : i32
      %get3A_4143 = arith.index_cast %get3A_4142 : i32 to index
      %get3A_4144 = arith.index_cast %scan3A_2568 : i32 to index
      %get3A_4145 = arith.constant 480 : index
      %get3A_4146 = tpu.vector_load %arg8[%get3A_4143, %get3A_4144, %get3A_4145] {strides = array<i32>} : memref<4x8x768xf32, #tpu.memory_space<vmem>>, vector<1x1x16xf32>,
      %get3A_4147 = vector.shape_cast %get3A_4146 : vector<1x1x16xf32> to vector<16xf32>
      %swap3A_4148 = arith.constant 1 : i32
      %swap3A_4149 = arith.index_cast %swap3A_4148 : i32 to index
      %swap3A_4150 = arith.index_cast %scan3A_2568 : i32 to index
      %swap3A_4151 = arith.constant 480 : index
      %swap3A_4152 = tpu.vector_load %arg10[%swap3A_4149, %swap3A_4150, %swap3A_4151] {strides = array<i32>} : memref<4x8x768xf32, #tpu.memory_space<vmem>>, vector<1x1x16xf32>,
      %swap3A_4153 = vector.shape_cast %swap3A_4152 : vector<1x1x16xf32> to vector<16xf32>
      %swap3A_4154 = vector.shape_cast %get3A_4147 : vector<16xf32> to vector<1x1x16xf32>
      tpu.vector_store %arg10[%swap3A_4149, %swap3A_4150, %swap3A_4151], %swap3A_4154 {strides = array<i32>} : memref<4x8x768xf32, #tpu.memory_space<vmem>>, vector<1x1x16xf32>,
      %get3A_4155 = arith.constant 2 : i32
      %get3A_4156 = arith.index_cast %get3A_4155 : i32 to index
      %get3A_4157 = arith.index_cast %scan3A_2568 : i32 to index
      %get3A_4158 = arith.constant 480 : index
      %get3A_4159 = tpu.vector_load %arg8[%get3A_4156, %get3A_4157, %get3A_4158] {strides = array<i32>} : memref<4x8x768xf32, #tpu.memory_space<vmem>>, vector<1x1x16xf32>,
      %get3A_4160 = vector.shape_cast %get3A_4159 : vector<1x1x16xf32> to vector<16xf32>
      %swap3A_4161 = arith.constant 2 : i32
      %swap3A_4162 = arith.index_cast %swap3A_4161 : i32 to index
      %swap3A_4163 = arith.index_cast %scan3A_2568 : i32 to index
      %swap3A_4164 = arith.constant 480 : index
      %swap3A_4165 = tpu.vector_load %arg10[%swap3A_4162, %swap3A_4163, %swap3A_4164] {strides = array<i32>} : memref<4x8x768xf32, #tpu.memory_space<vmem>>, vector<1x1x16xf32>,
      %swap3A_4166 = vector.shape_cast %swap3A_4165 : vector<1x1x16xf32> to vector<16xf32>
      %swap3A_4167 = vector.shape_cast %get3A_4160 : vector<16xf32> to vector<1x1x16xf32>
      tpu.vector_store %arg10[%swap3A_4162, %swap3A_4163, %swap3A_4164], %swap3A_4167 {strides = array<i32>} : memref<4x8x768xf32, #tpu.memory_space<vmem>>, vector<1x1x16xf32>,
      %get3A_4168 = arith.constant 3 : i32
      %get3A_4169 = arith.index_cast %get3A_4168 : i32 to index
      %get3A_4170 = arith.index_cast %scan3A_2568 : i32 to index
      %get3A_4171 = arith.constant 480 : index
      %get3A_4172 = tpu.vector_load %arg8[%get3A_4169, %get3A_4170, %get3A_4171] {strides = array<i32>} : memref<4x8x768xf32, #tpu.memory_space<vmem>>, vector<1x1x16xf32>,
      %get3A_4173 = vector.shape_cast %get3A_4172 : vector<1x1x16xf32> to vector<16xf32>
      %swap3A_4174 = arith.constant 3 : i32
      %swap3A_4175 = arith.index_cast %swap3A_4174 : i32 to index
      %swap3A_4176 = arith.index_cast %scan3A_2568 : i32 to index
      %swap3A_4177 = arith.constant 480 : index
      %swap3A_4178 = tpu.vector_load %arg10[%swap3A_4175, %swap3A_4176, %swap3A_4177] {strides = array<i32>} : memref<4x8x768xf32, #tpu.memory_space<vmem>>, vector<1x1x16xf32>,
      %swap3A_4179 = vector.shape_cast %swap3A_4178 : vector<1x1x16xf32> to vector<16xf32>
      %swap3A_4180 = vector.shape_cast %get3A_4173 : vector<16xf32> to vector<1x1x16xf32>
      tpu.vector_store %arg10[%swap3A_4175, %swap3A_4176, %swap3A_4177], %swap3A_4180 {strides = array<i32>} : memref<4x8x768xf32, #tpu.memory_space<vmem>>, vector<1x1x16xf32>,
      %get3A_4181 = arith.constant 0 : i32
      %get3A_4182 = arith.index_cast %get3A_4181 : i32 to index
      %get3A_4183 = arith.index_cast %scan3A_2568 : i32 to index
      %get3A_4184 = arith.constant 496 : index
      %get3A_4185 = tpu.vector_load %arg8[%get3A_4182, %get3A_4183, %get3A_4184] {strides = array<i32>} : memref<4x8x768xf32, #tpu.memory_space<vmem>>, vector<1x1x16xf32>,
      %get3A_4186 = vector.shape_cast %get3A_4185 : vector<1x1x16xf32> to vector<16xf32>
      %swap3A_4187 = arith.constant 0 : i32
      %swap3A_4188 = arith.index_cast %swap3A_4187 : i32 to index
      %swap3A_4189 = arith.index_cast %scan3A_2568 : i32 to index
      %swap3A_4190 = arith.constant 496 : index
      %swap3A_4191 = tpu.vector_load %arg10[%swap3A_4188, %swap3A_4189, %swap3A_4190] {strides = array<i32>} : memref<4x8x768xf32, #tpu.memory_space<vmem>>, vector<1x1x16xf32>,
      %swap3A_4192 = vector.shape_cast %swap3A_4191 : vector<1x1x16xf32> to vector<16xf32>
      %swap3A_4193 = vector.shape_cast %get3A_4186 : vector<16xf32> to vector<1x1x16xf32>
      tpu.vector_store %arg10[%swap3A_4188, %swap3A_4189, %swap3A_4190], %swap3A_4193 {strides = array<i32>} : memref<4x8x768xf32, #tpu.memory_space<vmem>>, vector<1x1x16xf32>,
      %get3A_4194 = arith.constant 1 : i32
      %get3A_4195 = arith.index_cast %get3A_4194 : i32 to index
      %get3A_4196 = arith.index_cast %scan3A_2568 : i32 to index
      %get3A_4197 = arith.constant 496 : index
      %get3A_4198 = tpu.vector_load %arg8[%get3A_4195, %get3A_4196, %get3A_4197] {strides = array<i32>} : memref<4x8x768xf32, #tpu.memory_space<vmem>>, vector<1x1x16xf32>,
      %get3A_4199 = vector.shape_cast %get3A_4198 : vector<1x1x16xf32> to vector<16xf32>
      %swap3A_4200 = arith.constant 1 : i32
      %swap3A_4201 = arith.index_cast %swap3A_4200 : i32 to index
      %swap3A_4202 = arith.index_cast %scan3A_2568 : i32 to index
      %swap3A_4203 = arith.constant 496 : index
      %swap3A_4204 = tpu.vector_load %arg10[%swap3A_4201, %swap3A_4202, %swap3A_4203] {strides = array<i32>} : memref<4x8x768xf32, #tpu.memory_space<vmem>>, vector<1x1x16xf32>,
      %swap3A_4205 = vector.shape_cast %swap3A_4204 : vector<1x1x16xf32> to vector<16xf32>
      %swap3A_4206 = vector.shape_cast %get3A_4199 : vector<16xf32> to vector<1x1x16xf32>
      tpu.vector_store %arg10[%swap3A_4201, %swap3A_4202, %swap3A_4203], %swap3A_4206 {strides = array<i32>} : memref<4x8x768xf32, #tpu.memory_space<vmem>>, vector<1x1x16xf32>,
      %get3A_4207 = arith.constant 2 : i32
      %get3A_4208 = arith.index_cast %get3A_4207 : i32 to index
      %get3A_4209 = arith.index_cast %scan3A_2568 : i32 to index
      %get3A_4210 = arith.constant 496 : index
      %get3A_4211 = tpu.vector_load %arg8[%get3A_4208, %get3A_4209, %get3A_4210] {strides = array<i32>} : memref<4x8x768xf32, #tpu.memory_space<vmem>>, vector<1x1x16xf32>,
      %get3A_4212 = vector.shape_cast %get3A_4211 : vector<1x1x16xf32> to vector<16xf32>
      %swap3A_4213 = arith.constant 2 : i32
      %swap3A_4214 = arith.index_cast %swap3A_4213 : i32 to index
      %swap3A_4215 = arith.index_cast %scan3A_2568 : i32 to index
      %swap3A_4216 = arith.constant 496 : index
      %swap3A_4217 = tpu.vector_load %arg10[%swap3A_4214, %swap3A_4215, %swap3A_4216] {strides = array<i32>} : memref<4x8x768xf32, #tpu.memory_space<vmem>>, vector<1x1x16xf32>,
      %swap3A_4218 = vector.shape_cast %swap3A_4217 : vector<1x1x16xf32> to vector<16xf32>
      %swap3A_4219 = vector.shape_cast %get3A_4212 : vector<16xf32> to vector<1x1x16xf32>
      tpu.vector_store %arg10[%swap3A_4214, %swap3A_4215, %swap3A_4216], %swap3A_4219 {strides = array<i32>} : memref<4x8x768xf32, #tpu.memory_space<vmem>>, vector<1x1x16xf32>,
      %get3A_4220 = arith.constant 3 : i32
      %get3A_4221 = arith.index_cast %get3A_4220 : i32 to index
      %get3A_4222 = arith.index_cast %scan3A_2568 : i32 to index
      %get3A_4223 = arith.constant 496 : index
      %get3A_4224 = tpu.vector_load %arg8[%get3A_4221, %get3A_4222, %get3A_4223] {strides = array<i32>} : memref<4x8x768xf32, #tpu.memory_space<vmem>>, vector<1x1x16xf32>,
      %get3A_4225 = vector.shape_cast %get3A_4224 : vector<1x1x16xf32> to vector<16xf32>
      %swap3A_4226 = arith.constant 3 : i32
      %swap3A_4227 = arith.index_cast %swap3A_4226 : i32 to index
      %swap3A_4228 = arith.index_cast %scan3A_2568 : i32 to index
      %swap3A_4229 = arith.constant 496 : index
      %swap3A_4230 = tpu.vector_load %arg10[%swap3A_4227, %swap3A_4228, %swap3A_4229] {strides = array<i32>} : memref<4x8x768xf32, #tpu.memory_space<vmem>>, vector<1x1x16xf32>,
      %swap3A_4231 = vector.shape_cast %swap3A_4230 : vector<1x1x16xf32> to vector<16xf32>
      %swap3A_4232 = vector.shape_cast %get3A_4225 : vector<16xf32> to vector<1x1x16xf32>
      tpu.vector_store %arg10[%swap3A_4227, %swap3A_4228, %swap3A_4229], %swap3A_4232 {strides = array<i32>} : memref<4x8x768xf32, #tpu.memory_space<vmem>>, vector<1x1x16xf32>,
      %get3A_4233 = arith.constant 0 : i32
      %get3A_4234 = arith.index_cast %get3A_4233 : i32 to index
      %get3A_4235 = arith.index_cast %scan3A_2568 : i32 to index
      %get3A_4236 = arith.constant 512 : index
      %get3A_4237 = tpu.vector_load %arg8[%get3A_4234, %get3A_4235, %get3A_4236] {strides = array<i32>} : memref<4x8x768xf32, #tpu.memory_space<vmem>>, vector<1x1x16xf32>,
      %get3A_4238 = vector.shape_cast %get3A_4237 : vector<1x1x16xf32> to vector<16xf32>
      %swap3A_4239 = arith.constant 0 : i32
      %swap3A_4240 = arith.index_cast %swap3A_4239 : i32 to index
      %swap3A_4241 = arith.index_cast %scan3A_2568 : i32 to index
      %swap3A_4242 = arith.constant 512 : index
      %swap3A_4243 = tpu.vector_load %arg10[%swap3A_4240, %swap3A_4241, %swap3A_4242] {strides = array<i32>} : memref<4x8x768xf32, #tpu.memory_space<vmem>>, vector<1x1x16xf32>,
      %swap3A_4244 = vector.shape_cast %swap3A_4243 : vector<1x1x16xf32> to vector<16xf32>
      %swap3A_4245 = vector.shape_cast %get3A_4238 : vector<16xf32> to vector<1x1x16xf32>
      tpu.vector_store %arg10[%swap3A_4240, %swap3A_4241, %swap3A_4242], %swap3A_4245 {strides = array<i32>} : memref<4x8x768xf32, #tpu.memory_space<vmem>>, vector<1x1x16xf32>,
      %get3A_4246 = arith.constant 1 : i32
      %get3A_4247 = arith.index_cast %get3A_4246 : i32 to index
      %get3A_4248 = arith.index_cast %scan3A_2568 : i32 to index
      %get3A_4249 = arith.constant 512 : index
      %get3A_4250 = tpu.vector_load %arg8[%get3A_4247, %get3A_4248, %get3A_4249] {strides = array<i32>} : memref<4x8x768xf32, #tpu.memory_space<vmem>>, vector<1x1x16xf32>,
      %get3A_4251 = vector.shape_cast %get3A_4250 : vector<1x1x16xf32> to vector<16xf32>
      %swap3A_4252 = arith.constant 1 : i32
      %swap3A_4253 = arith.index_cast %swap3A_4252 : i32 to index
      %swap3A_4254 = arith.index_cast %scan3A_2568 : i32 to index
      %swap3A_4255 = arith.constant 512 : index
      %swap3A_4256 = tpu.vector_load %arg10[%swap3A_4253, %swap3A_4254, %swap3A_4255] {strides = array<i32>} : memref<4x8x768xf32, #tpu.memory_space<vmem>>, vector<1x1x16xf32>,
      %swap3A_4257 = vector.shape_cast %swap3A_4256 : vector<1x1x16xf32> to vector<16xf32>
      %swap3A_4258 = vector.shape_cast %get3A_4251 : vector<16xf32> to vector<1x1x16xf32>
      tpu.vector_store %arg10[%swap3A_4253, %swap3A_4254, %swap3A_4255], %swap3A_4258 {strides = array<i32>} : memref<4x8x768xf32, #tpu.memory_space<vmem>>, vector<1x1x16xf32>,
      %get3A_4259 = arith.constant 2 : i32
      %get3A_4260 = arith.index_cast %get3A_4259 : i32 to index
      %get3A_4261 = arith.index_cast %scan3A_2568 : i32 to index
      %get3A_4262 = arith.constant 512 : index
      %get3A_4263 = tpu.vector_load %arg8[%get3A_4260, %get3A_4261, %get3A_4262] {strides = array<i32>} : memref<4x8x768xf32, #tpu.memory_space<vmem>>, vector<1x1x16xf32>,
      %get3A_4264 = vector.shape_cast %get3A_4263 : vector<1x1x16xf32> to vector<16xf32>
      %swap3A_4265 = arith.constant 2 : i32
      %swap3A_4266 = arith.index_cast %swap3A_4265 : i32 to index
      %swap3A_4267 = arith.index_cast %scan3A_2568 : i32 to index
      %swap3A_4268 = arith.constant 512 : index
      %swap3A_4269 = tpu.vector_load %arg10[%swap3A_4266, %swap3A_4267, %swap3A_4268] {strides = array<i32>} : memref<4x8x768xf32, #tpu.memory_space<vmem>>, vector<1x1x16xf32>,
      %swap3A_4270 = vector.shape_cast %swap3A_4269 : vector<1x1x16xf32> to vector<16xf32>
      %swap3A_4271 = vector.shape_cast %get3A_4264 : vector<16xf32> to vector<1x1x16xf32>
      tpu.vector_store %arg10[%swap3A_4266, %swap3A_4267, %swap3A_4268], %swap3A_4271 {strides = array<i32>} : memref<4x8x768xf32, #tpu.memory_space<vmem>>, vector<1x1x16xf32>,
      %get3A_4272 = arith.constant 3 : i32
      %get3A_4273 = arith.index_cast %get3A_4272 : i32 to index
      %get3A_4274 = arith.index_cast %scan3A_2568 : i32 to index
      %get3A_4275 = arith.constant 512 : index
      %get3A_4276 = tpu.vector_load %arg8[%get3A_4273, %get3A_4274, %get3A_4275] {strides = array<i32>} : memref<4x8x768xf32, #tpu.memory_space<vmem>>, vector<1x1x16xf32>,
      %get3A_4277 = vector.shape_cast %get3A_4276 : vector<1x1x16xf32> to vector<16xf32>
      %swap3A_4278 = arith.constant 3 : i32
      %swap3A_4279 = arith.index_cast %swap3A_4278 : i32 to index
      %swap3A_4280 = arith.index_cast %scan3A_2568 : i32 to index
      %swap3A_4281 = arith.constant 512 : index
      %swap3A_4282 = tpu.vector_load %arg10[%swap3A_4279, %swap3A_4280, %swap3A_4281] {strides = array<i32>} : memref<4x8x768xf32, #tpu.memory_space<vmem>>, vector<1x1x16xf32>,
      %swap3A_4283 = vector.shape_cast %swap3A_4282 : vector<1x1x16xf32> to vector<16xf32>
      %swap3A_4284 = vector.shape_cast %get3A_4277 : vector<16xf32> to vector<1x1x16xf32>
      tpu.vector_store %arg10[%swap3A_4279, %swap3A_4280, %swap3A_4281], %swap3A_4284 {strides = array<i32>} : memref<4x8x768xf32, #tpu.memory_space<vmem>>, vector<1x1x16xf32>,
      %get3A_4285 = arith.constant 0 : i32
      %get3A_4286 = arith.index_cast %get3A_4285 : i32 to index
      %get3A_4287 = arith.index_cast %scan3A_2568 : i32 to index
      %get3A_4288 = arith.constant 528 : index
      %get3A_4289 = tpu.vector_load %arg8[%get3A_4286, %get3A_4287, %get3A_4288] {strides = array<i32>} : memref<4x8x768xf32, #tpu.memory_space<vmem>>, vector<1x1x16xf32>,
      %get3A_4290 = vector.shape_cast %get3A_4289 : vector<1x1x16xf32> to vector<16xf32>
      %swap3A_4291 = arith.constant 0 : i32
      %swap3A_4292 = arith.index_cast %swap3A_4291 : i32 to index
      %swap3A_4293 = arith.index_cast %scan3A_2568 : i32 to index
      %swap3A_4294 = arith.constant 528 : index
      %swap3A_4295 = tpu.vector_load %arg10[%swap3A_4292, %swap3A_4293, %swap3A_4294] {strides = array<i32>} : memref<4x8x768xf32, #tpu.memory_space<vmem>>, vector<1x1x16xf32>,
      %swap3A_4296 = vector.shape_cast %swap3A_4295 : vector<1x1x16xf32> to vector<16xf32>
      %swap3A_4297 = vector.shape_cast %get3A_4290 : vector<16xf32> to vector<1x1x16xf32>
      tpu.vector_store %arg10[%swap3A_4292, %swap3A_4293, %swap3A_4294], %swap3A_4297 {strides = array<i32>} : memref<4x8x768xf32, #tpu.memory_space<vmem>>, vector<1x1x16xf32>,
      %get3A_4298 = arith.constant 1 : i32
      %get3A_4299 = arith.index_cast %get3A_4298 : i32 to index
      %get3A_4300 = arith.index_cast %scan3A_2568 : i32 to index
      %get3A_4301 = arith.constant 528 : index
      %get3A_4302 = tpu.vector_load %arg8[%get3A_4299, %get3A_4300, %get3A_4301] {strides = array<i32>} : memref<4x8x768xf32, #tpu.memory_space<vmem>>, vector<1x1x16xf32>,
      %get3A_4303 = vector.shape_cast %get3A_4302 : vector<1x1x16xf32> to vector<16xf32>
      %swap3A_4304 = arith.constant 1 : i32
      %swap3A_4305 = arith.index_cast %swap3A_4304 : i32 to index
      %swap3A_4306 = arith.index_cast %scan3A_2568 : i32 to index
      %swap3A_4307 = arith.constant 528 : index
      %swap3A_4308 = tpu.vector_load %arg10[%swap3A_4305, %swap3A_4306, %swap3A_4307] {strides = array<i32>} : memref<4x8x768xf32, #tpu.memory_space<vmem>>, vector<1x1x16xf32>,
      %swap3A_4309 = vector.shape_cast %swap3A_4308 : vector<1x1x16xf32> to vector<16xf32>
      %swap3A_4310 = vector.shape_cast %get3A_4303 : vector<16xf32> to vector<1x1x16xf32>
      tpu.vector_store %arg10[%swap3A_4305, %swap3A_4306, %swap3A_4307], %swap3A_4310 {strides = array<i32>} : memref<4x8x768xf32, #tpu.memory_space<vmem>>, vector<1x1x16xf32>,
      %get3A_4311 = arith.constant 2 : i32
      %get3A_4312 = arith.index_cast %get3A_4311 : i32 to index
      %get3A_4313 = arith.index_cast %scan3A_2568 : i32 to index
      %get3A_4314 = arith.constant 528 : index
      %get3A_4315 = tpu.vector_load %arg8[%get3A_4312, %get3A_4313, %get3A_4314] {strides = array<i32>} : memref<4x8x768xf32, #tpu.memory_space<vmem>>, vector<1x1x16xf32>,
      %get3A_4316 = vector.shape_cast %get3A_4315 : vector<1x1x16xf32> to vector<16xf32>
      %swap3A_4317 = arith.constant 2 : i32
      %swap3A_4318 = arith.index_cast %swap3A_4317 : i32 to index
      %swap3A_4319 = arith.index_cast %scan3A_2568 : i32 to index
      %swap3A_4320 = arith.constant 528 : index
      %swap3A_4321 = tpu.vector_load %arg10[%swap3A_4318, %swap3A_4319, %swap3A_4320] {strides = array<i32>} : memref<4x8x768xf32, #tpu.memory_space<vmem>>, vector<1x1x16xf32>,
      %swap3A_4322 = vector.shape_cast %swap3A_4321 : vector<1x1x16xf32> to vector<16xf32>
      %swap3A_4323 = vector.shape_cast %get3A_4316 : vector<16xf32> to vector<1x1x16xf32>
      tpu.vector_store %arg10[%swap3A_4318, %swap3A_4319, %swap3A_4320], %swap3A_4323 {strides = array<i32>} : memref<4x8x768xf32, #tpu.memory_space<vmem>>, vector<1x1x16xf32>,
      %get3A_4324 = arith.constant 3 : i32
      %get3A_4325 = arith.index_cast %get3A_4324 : i32 to index
      %get3A_4326 = arith.index_cast %scan3A_2568 : i32 to index
      %get3A_4327 = arith.constant 528 : index
      %get3A_4328 = tpu.vector_load %arg8[%get3A_4325, %get3A_4326, %get3A_4327] {strides = array<i32>} : memref<4x8x768xf32, #tpu.memory_space<vmem>>, vector<1x1x16xf32>,
      %get3A_4329 = vector.shape_cast %get3A_4328 : vector<1x1x16xf32> to vector<16xf32>
      %swap3A_4330 = arith.constant 3 : i32
      %swap3A_4331 = arith.index_cast %swap3A_4330 : i32 to index
      %swap3A_4332 = arith.index_cast %scan3A_2568 : i32 to index
      %swap3A_4333 = arith.constant 528 : index
      %swap3A_4334 = tpu.vector_load %arg10[%swap3A_4331, %swap3A_4332, %swap3A_4333] {strides = array<i32>} : memref<4x8x768xf32, #tpu.memory_space<vmem>>, vector<1x1x16xf32>,
      %swap3A_4335 = vector.shape_cast %swap3A_4334 : vector<1x1x16xf32> to vector<16xf32>
      %swap3A_4336 = vector.shape_cast %get3A_4329 : vector<16xf32> to vector<1x1x16xf32>
      tpu.vector_store %arg10[%swap3A_4331, %swap3A_4332, %swap3A_4333], %swap3A_4336 {strides = array<i32>} : memref<4x8x768xf32, #tpu.memory_space<vmem>>, vector<1x1x16xf32>,
      %get3A_4337 = arith.constant 0 : i32
      %get3A_4338 = arith.index_cast %get3A_4337 : i32 to index
      %get3A_4339 = arith.index_cast %scan3A_2568 : i32 to index
      %get3A_4340 = arith.constant 544 : index
      %get3A_4341 = tpu.vector_load %arg8[%get3A_4338, %get3A_4339, %get3A_4340] {strides = array<i32>} : memref<4x8x768xf32, #tpu.memory_space<vmem>>, vector<1x1x16xf32>,
      %get3A_4342 = vector.shape_cast %get3A_4341 : vector<1x1x16xf32> to vector<16xf32>
      %swap3A_4343 = arith.constant 0 : i32
      %swap3A_4344 = arith.index_cast %swap3A_4343 : i32 to index
      %swap3A_4345 = arith.index_cast %scan3A_2568 : i32 to index
      %swap3A_4346 = arith.constant 544 : index
      %swap3A_4347 = tpu.vector_load %arg10[%swap3A_4344, %swap3A_4345, %swap3A_4346] {strides = array<i32>} : memref<4x8x768xf32, #tpu.memory_space<vmem>>, vector<1x1x16xf32>,
      %swap3A_4348 = vector.shape_cast %swap3A_4347 : vector<1x1x16xf32> to vector<16xf32>
      %swap3A_4349 = vector.shape_cast %get3A_4342 : vector<16xf32> to vector<1x1x16xf32>
      tpu.vector_store %arg10[%swap3A_4344, %swap3A_4345, %swap3A_4346], %swap3A_4349 {strides = array<i32>} : memref<4x8x768xf32, #tpu.memory_space<vmem>>, vector<1x1x16xf32>,
      %get3A_4350 = arith.constant 1 : i32
      %get3A_4351 = arith.index_cast %get3A_4350 : i32 to index
      %get3A_4352 = arith.index_cast %scan3A_2568 : i32 to index
      %get3A_4353 = arith.constant 544 : index
      %get3A_4354 = tpu.vector_load %arg8[%get3A_4351, %get3A_4352, %get3A_4353] {strides = array<i32>} : memref<4x8x768xf32, #tpu.memory_space<vmem>>, vector<1x1x16xf32>,
      %get3A_4355 = vector.shape_cast %get3A_4354 : vector<1x1x16xf32> to vector<16xf32>
      %swap3A_4356 = arith.constant 1 : i32
      %swap3A_4357 = arith.index_cast %swap3A_4356 : i32 to index
      %swap3A_4358 = arith.index_cast %scan3A_2568 : i32 to index
      %swap3A_4359 = arith.constant 544 : index
      %swap3A_4360 = tpu.vector_load %arg10[%swap3A_4357, %swap3A_4358, %swap3A_4359] {strides = array<i32>} : memref<4x8x768xf32, #tpu.memory_space<vmem>>, vector<1x1x16xf32>,
      %swap3A_4361 = vector.shape_cast %swap3A_4360 : vector<1x1x16xf32> to vector<16xf32>
      %swap3A_4362 = vector.shape_cast %get3A_4355 : vector<16xf32> to vector<1x1x16xf32>
      tpu.vector_store %arg10[%swap3A_4357, %swap3A_4358, %swap3A_4359], %swap3A_4362 {strides = array<i32>} : memref<4x8x768xf32, #tpu.memory_space<vmem>>, vector<1x1x16xf32>,
      %get3A_4363 = arith.constant 2 : i32
      %get3A_4364 = arith.index_cast %get3A_4363 : i32 to index
      %get3A_4365 = arith.index_cast %scan3A_2568 : i32 to index
      %get3A_4366 = arith.constant 544 : index
      %get3A_4367 = tpu.vector_load %arg8[%get3A_4364, %get3A_4365, %get3A_4366] {strides = array<i32>} : memref<4x8x768xf32, #tpu.memory_space<vmem>>, vector<1x1x16xf32>,
      %get3A_4368 = vector.shape_cast %get3A_4367 : vector<1x1x16xf32> to vector<16xf32>
      %swap3A_4369 = arith.constant 2 : i32
      %swap3A_4370 = arith.index_cast %swap3A_4369 : i32 to index
      %swap3A_4371 = arith.index_cast %scan3A_2568 : i32 to index
      %swap3A_4372 = arith.constant 544 : index
      %swap3A_4373 = tpu.vector_load %arg10[%swap3A_4370, %swap3A_4371, %swap3A_4372] {strides = array<i32>} : memref<4x8x768xf32, #tpu.memory_space<vmem>>, vector<1x1x16xf32>,
      %swap3A_4374 = vector.shape_cast %swap3A_4373 : vector<1x1x16xf32> to vector<16xf32>
      %swap3A_4375 = vector.shape_cast %get3A_4368 : vector<16xf32> to vector<1x1x16xf32>
      tpu.vector_store %arg10[%swap3A_4370, %swap3A_4371, %swap3A_4372], %swap3A_4375 {strides = array<i32>} : memref<4x8x768xf32, #tpu.memory_space<vmem>>, vector<1x1x16xf32>,
      %get3A_4376 = arith.constant 3 : i32
      %get3A_4377 = arith.index_cast %get3A_4376 : i32 to index
      %get3A_4378 = arith.index_cast %scan3A_2568 : i32 to index
      %get3A_4379 = arith.constant 544 : index
      %get3A_4380 = tpu.vector_load %arg8[%get3A_4377, %get3A_4378, %get3A_4379] {strides = array<i32>} : memref<4x8x768xf32, #tpu.memory_space<vmem>>, vector<1x1x16xf32>,
      %get3A_4381 = vector.shape_cast %get3A_4380 : vector<1x1x16xf32> to vector<16xf32>
      %swap3A_4382 = arith.constant 3 : i32
      %swap3A_4383 = arith.index_cast %swap3A_4382 : i32 to index
      %swap3A_4384 = arith.index_cast %scan3A_2568 : i32 to index
      %swap3A_4385 = arith.constant 544 : index
      %swap3A_4386 = tpu.vector_load %arg10[%swap3A_4383, %swap3A_4384, %swap3A_4385] {strides = array<i32>} : memref<4x8x768xf32, #tpu.memory_space<vmem>>, vector<1x1x16xf32>,
      %swap3A_4387 = vector.shape_cast %swap3A_4386 : vector<1x1x16xf32> to vector<16xf32>
      %swap3A_4388 = vector.shape_cast %get3A_4381 : vector<16xf32> to vector<1x1x16xf32>
      tpu.vector_store %arg10[%swap3A_4383, %swap3A_4384, %swap3A_4385], %swap3A_4388 {strides = array<i32>} : memref<4x8x768xf32, #tpu.memory_space<vmem>>, vector<1x1x16xf32>,
      %get3A_4389 = arith.constant 0 : i32
      %get3A_4390 = arith.index_cast %get3A_4389 : i32 to index
      %get3A_4391 = arith.index_cast %scan3A_2568 : i32 to index
      %get3A_4392 = arith.constant 560 : index
      %get3A_4393 = tpu.vector_load %arg8[%get3A_4390, %get3A_4391, %get3A_4392] {strides = array<i32>} : memref<4x8x768xf32, #tpu.memory_space<vmem>>, vector<1x1x16xf32>,
      %get3A_4394 = vector.shape_cast %get3A_4393 : vector<1x1x16xf32> to vector<16xf32>
      %swap3A_4395 = arith.constant 0 : i32
      %swap3A_4396 = arith.index_cast %swap3A_4395 : i32 to index
      %swap3A_4397 = arith.index_cast %scan3A_2568 : i32 to index
      %swap3A_4398 = arith.constant 560 : index
      %swap3A_4399 = tpu.vector_load %arg10[%swap3A_4396, %swap3A_4397, %swap3A_4398] {strides = array<i32>} : memref<4x8x768xf32, #tpu.memory_space<vmem>>, vector<1x1x16xf32>,
      %swap3A_4400 = vector.shape_cast %swap3A_4399 : vector<1x1x16xf32> to vector<16xf32>
      %swap3A_4401 = vector.shape_cast %get3A_4394 : vector<16xf32> to vector<1x1x16xf32>
      tpu.vector_store %arg10[%swap3A_4396, %swap3A_4397, %swap3A_4398], %swap3A_4401 {strides = array<i32>} : memref<4x8x768xf32, #tpu.memory_space<vmem>>, vector<1x1x16xf32>,
      %get3A_4402 = arith.constant 1 : i32
      %get3A_4403 = arith.index_cast %get3A_4402 : i32 to index
      %get3A_4404 = arith.index_cast %scan3A_2568 : i32 to index
      %get3A_4405 = arith.constant 560 : index
      %get3A_4406 = tpu.vector_load %arg8[%get3A_4403, %get3A_4404, %get3A_4405] {strides = array<i32>} : memref<4x8x768xf32, #tpu.memory_space<vmem>>, vector<1x1x16xf32>,
      %get3A_4407 = vector.shape_cast %get3A_4406 : vector<1x1x16xf32> to vector<16xf32>
      %swap3A_4408 = arith.constant 1 : i32
      %swap3A_4409 = arith.index_cast %swap3A_4408 : i32 to index
      %swap3A_4410 = arith.index_cast %scan3A_2568 : i32 to index
      %swap3A_4411 = arith.constant 560 : index
      %swap3A_4412 = tpu.vector_load %arg10[%swap3A_4409, %swap3A_4410, %swap3A_4411] {strides = array<i32>} : memref<4x8x768xf32, #tpu.memory_space<vmem>>, vector<1x1x16xf32>,
      %swap3A_4413 = vector.shape_cast %swap3A_4412 : vector<1x1x16xf32> to vector<16xf32>
      %swap3A_4414 = vector.shape_cast %get3A_4407 : vector<16xf32> to vector<1x1x16xf32>
      tpu.vector_store %arg10[%swap3A_4409, %swap3A_4410, %swap3A_4411], %swap3A_4414 {strides = array<i32>} : memref<4x8x768xf32, #tpu.memory_space<vmem>>, vector<1x1x16xf32>,
      %get3A_4415 = arith.constant 2 : i32
      %get3A_4416 = arith.index_cast %get3A_4415 : i32 to index
      %get3A_4417 = arith.index_cast %scan3A_2568 : i32 to index
      %get3A_4418 = arith.constant 560 : index
      %get3A_4419 = tpu.vector_load %arg8[%get3A_4416, %get3A_4417, %get3A_4418] {strides = array<i32>} : memref<4x8x768xf32, #tpu.memory_space<vmem>>, vector<1x1x16xf32>,
      %get3A_4420 = vector.shape_cast %get3A_4419 : vector<1x1x16xf32> to vector<16xf32>
      %swap3A_4421 = arith.constant 2 : i32
      %swap3A_4422 = arith.index_cast %swap3A_4421 : i32 to index
      %swap3A_4423 = arith.index_cast %scan3A_2568 : i32 to index
      %swap3A_4424 = arith.constant 560 : index
      %swap3A_4425 = tpu.vector_load %arg10[%swap3A_4422, %swap3A_4423, %swap3A_4424] {strides = array<i32>} : memref<4x8x768xf32, #tpu.memory_space<vmem>>, vector<1x1x16xf32>,
      %swap3A_4426 = vector.shape_cast %swap3A_4425 : vector<1x1x16xf32> to vector<16xf32>
      %swap3A_4427 = vector.shape_cast %get3A_4420 : vector<16xf32> to vector<1x1x16xf32>
      tpu.vector_store %arg10[%swap3A_4422, %swap3A_4423, %swap3A_4424], %swap3A_4427 {strides = array<i32>} : memref<4x8x768xf32, #tpu.memory_space<vmem>>, vector<1x1x16xf32>,
      %get3A_4428 = arith.constant 3 : i32
      %get3A_4429 = arith.index_cast %get3A_4428 : i32 to index
      %get3A_4430 = arith.index_cast %scan3A_2568 : i32 to index
      %get3A_4431 = arith.constant 560 : index
      %get3A_4432 = tpu.vector_load %arg8[%get3A_4429, %get3A_4430, %get3A_4431] {strides = array<i32>} : memref<4x8x768xf32, #tpu.memory_space<vmem>>, vector<1x1x16xf32>,
      %get3A_4433 = vector.shape_cast %get3A_4432 : vector<1x1x16xf32> to vector<16xf32>
      %swap3A_4434 = arith.constant 3 : i32
      %swap3A_4435 = arith.index_cast %swap3A_4434 : i32 to index
      %swap3A_4436 = arith.index_cast %scan3A_2568 : i32 to index
      %swap3A_4437 = arith.constant 560 : index
      %swap3A_4438 = tpu.vector_load %arg10[%swap3A_4435, %swap3A_4436, %swap3A_4437] {strides = array<i32>} : memref<4x8x768xf32, #tpu.memory_space<vmem>>, vector<1x1x16xf32>,
      %swap3A_4439 = vector.shape_cast %swap3A_4438 : vector<1x1x16xf32> to vector<16xf32>
      %swap3A_4440 = vector.shape_cast %get3A_4433 : vector<16xf32> to vector<1x1x16xf32>
      tpu.vector_store %arg10[%swap3A_4435, %swap3A_4436, %swap3A_4437], %swap3A_4440 {strides = array<i32>} : memref<4x8x768xf32, #tpu.memory_space<vmem>>, vector<1x1x16xf32>,
      %get3A_4441 = arith.constant 0 : i32
      %get3A_4442 = arith.index_cast %get3A_4441 : i32 to index
      %get3A_4443 = arith.index_cast %scan3A_2568 : i32 to index
      %get3A_4444 = arith.constant 576 : index
      %get3A_4445 = tpu.vector_load %arg8[%get3A_4442, %get3A_4443, %get3A_4444] {strides = array<i32>} : memref<4x8x768xf32, #tpu.memory_space<vmem>>, vector<1x1x16xf32>,
      %get3A_4446 = vector.shape_cast %get3A_4445 : vector<1x1x16xf32> to vector<16xf32>
      %swap3A_4447 = arith.constant 0 : i32
      %swap3A_4448 = arith.index_cast %swap3A_4447 : i32 to index
      %swap3A_4449 = arith.index_cast %scan3A_2568 : i32 to index
      %swap3A_4450 = arith.constant 576 : index
      %swap3A_4451 = tpu.vector_load %arg10[%swap3A_4448, %swap3A_4449, %swap3A_4450] {strides = array<i32>} : memref<4x8x768xf32, #tpu.memory_space<vmem>>, vector<1x1x16xf32>,
      %swap3A_4452 = vector.shape_cast %swap3A_4451 : vector<1x1x16xf32> to vector<16xf32>
      %swap3A_4453 = vector.shape_cast %get3A_4446 : vector<16xf32> to vector<1x1x16xf32>
      tpu.vector_store %arg10[%swap3A_4448, %swap3A_4449, %swap3A_4450], %swap3A_4453 {strides = array<i32>} : memref<4x8x768xf32, #tpu.memory_space<vmem>>, vector<1x1x16xf32>,
      %get3A_4454 = arith.constant 1 : i32
      %get3A_4455 = arith.index_cast %get3A_4454 : i32 to index
      %get3A_4456 = arith.index_cast %scan3A_2568 : i32 to index
      %get3A_4457 = arith.constant 576 : index
      %get3A_4458 = tpu.vector_load %arg8[%get3A_4455, %get3A_4456, %get3A_4457] {strides = array<i32>} : memref<4x8x768xf32, #tpu.memory_space<vmem>>, vector<1x1x16xf32>,
      %get3A_4459 = vector.shape_cast %get3A_4458 : vector<1x1x16xf32> to vector<16xf32>
      %swap3A_4460 = arith.constant 1 : i32
      %swap3A_4461 = arith.index_cast %swap3A_4460 : i32 to index
      %swap3A_4462 = arith.index_cast %scan3A_2568 : i32 to index
      %swap3A_4463 = arith.constant 576 : index
      %swap3A_4464 = tpu.vector_load %arg10[%swap3A_4461, %swap3A_4462, %swap3A_4463] {strides = array<i32>} : memref<4x8x768xf32, #tpu.memory_space<vmem>>, vector<1x1x16xf32>,
      %swap3A_4465 = vector.shape_cast %swap3A_4464 : vector<1x1x16xf32> to vector<16xf32>
      %swap3A_4466 = vector.shape_cast %get3A_4459 : vector<16xf32> to vector<1x1x16xf32>
      tpu.vector_store %arg10[%swap3A_4461, %swap3A_4462, %swap3A_4463], %swap3A_4466 {strides = array<i32>} : memref<4x8x768xf32, #tpu.memory_space<vmem>>, vector<1x1x16xf32>,
      %get3A_4467 = arith.constant 2 : i32
      %get3A_4468 = arith.index_cast %get3A_4467 : i32 to index
      %get3A_4469 = arith.index_cast %scan3A_2568 : i32 to index
      %get3A_4470 = arith.constant 576 : index
      %get3A_4471 = tpu.vector_load %arg8[%get3A_4468, %get3A_4469, %get3A_4470] {strides = array<i32>} : memref<4x8x768xf32, #tpu.memory_space<vmem>>, vector<1x1x16xf32>,
      %get3A_4472 = vector.shape_cast %get3A_4471 : vector<1x1x16xf32> to vector<16xf32>
      %swap3A_4473 = arith.constant 2 : i32
      %swap3A_4474 = arith.index_cast %swap3A_4473 : i32 to index
      %swap3A_4475 = arith.index_cast %scan3A_2568 : i32 to index
      %swap3A_4476 = arith.constant 576 : index
      %swap3A_4477 = tpu.vector_load %arg10[%swap3A_4474, %swap3A_4475, %swap3A_4476] {strides = array<i32>} : memref<4x8x768xf32, #tpu.memory_space<vmem>>, vector<1x1x16xf32>,
      %swap3A_4478 = vector.shape_cast %swap3A_4477 : vector<1x1x16xf32> to vector<16xf32>
      %swap3A_4479 = vector.shape_cast %get3A_4472 : vector<16xf32> to vector<1x1x16xf32>
      tpu.vector_store %arg10[%swap3A_4474, %swap3A_4475, %swap3A_4476], %swap3A_4479 {strides = array<i32>} : memref<4x8x768xf32, #tpu.memory_space<vmem>>, vector<1x1x16xf32>,
      %get3A_4480 = arith.constant 3 : i32
      %get3A_4481 = arith.index_cast %get3A_4480 : i32 to index
      %get3A_4482 = arith.index_cast %scan3A_2568 : i32 to index
      %get3A_4483 = arith.constant 576 : index
      %get3A_4484 = tpu.vector_load %arg8[%get3A_4481, %get3A_4482, %get3A_4483] {strides = array<i32>} : memref<4x8x768xf32, #tpu.memory_space<vmem>>, vector<1x1x16xf32>,
      %get3A_4485 = vector.shape_cast %get3A_4484 : vector<1x1x16xf32> to vector<16xf32>
      %swap3A_4486 = arith.constant 3 : i32
      %swap3A_4487 = arith.index_cast %swap3A_4486 : i32 to index
      %swap3A_4488 = arith.index_cast %scan3A_2568 : i32 to index
      %swap3A_4489 = arith.constant 576 : index
      %swap3A_4490 = tpu.vector_load %arg10[%swap3A_4487, %swap3A_4488, %swap3A_4489] {strides = array<i32>} : memref<4x8x768xf32, #tpu.memory_space<vmem>>, vector<1x1x16xf32>,
      %swap3A_4491 = vector.shape_cast %swap3A_4490 : vector<1x1x16xf32> to vector<16xf32>
      %swap3A_4492 = vector.shape_cast %get3A_4485 : vector<16xf32> to vector<1x1x16xf32>
      tpu.vector_store %arg10[%swap3A_4487, %swap3A_4488, %swap3A_4489], %swap3A_4492 {strides = array<i32>} : memref<4x8x768xf32, #tpu.memory_space<vmem>>, vector<1x1x16xf32>,
      %get3A_4493 = arith.constant 0 : i32
      %get3A_4494 = arith.index_cast %get3A_4493 : i32 to index
      %get3A_4495 = arith.index_cast %scan3A_2568 : i32 to index
      %get3A_4496 = arith.constant 592 : index
      %get3A_4497 = tpu.vector_load %arg8[%get3A_4494, %get3A_4495, %get3A_4496] {strides = array<i32>} : memref<4x8x768xf32, #tpu.memory_space<vmem>>, vector<1x1x16xf32>,
      %get3A_4498 = vector.shape_cast %get3A_4497 : vector<1x1x16xf32> to vector<16xf32>
      %swap3A_4499 = arith.constant 0 : i32
      %swap3A_4500 = arith.index_cast %swap3A_4499 : i32 to index
      %swap3A_4501 = arith.index_cast %scan3A_2568 : i32 to index
      %swap3A_4502 = arith.constant 592 : index
      %swap3A_4503 = tpu.vector_load %arg10[%swap3A_4500, %swap3A_4501, %swap3A_4502] {strides = array<i32>} : memref<4x8x768xf32, #tpu.memory_space<vmem>>, vector<1x1x16xf32>,
      %swap3A_4504 = vector.shape_cast %swap3A_4503 : vector<1x1x16xf32> to vector<16xf32>
      %swap3A_4505 = vector.shape_cast %get3A_4498 : vector<16xf32> to vector<1x1x16xf32>
      tpu.vector_store %arg10[%swap3A_4500, %swap3A_4501, %swap3A_4502], %swap3A_4505 {strides = array<i32>} : memref<4x8x768xf32, #tpu.memory_space<vmem>>, vector<1x1x16xf32>,
      %get3A_4506 = arith.constant 1 : i32
      %get3A_4507 = arith.index_cast %get3A_4506 : i32 to index
      %get3A_4508 = arith.index_cast %scan3A_2568 : i32 to index
      %get3A_4509 = arith.constant 592 : index
      %get3A_4510 = tpu.vector_load %arg8[%get3A_4507, %get3A_4508, %get3A_4509] {strides = array<i32>} : memref<4x8x768xf32, #tpu.memory_space<vmem>>, vector<1x1x16xf32>,
      %get3A_4511 = vector.shape_cast %get3A_4510 : vector<1x1x16xf32> to vector<16xf32>
      %swap3A_4512 = arith.constant 1 : i32
      %swap3A_4513 = arith.index_cast %swap3A_4512 : i32 to index
      %swap3A_4514 = arith.index_cast %scan3A_2568 : i32 to index
      %swap3A_4515 = arith.constant 592 : index
      %swap3A_4516 = tpu.vector_load %arg10[%swap3A_4513, %swap3A_4514, %swap3A_4515] {strides = array<i32>} : memref<4x8x768xf32, #tpu.memory_space<vmem>>, vector<1x1x16xf32>,
      %swap3A_4517 = vector.shape_cast %swap3A_4516 : vector<1x1x16xf32> to vector<16xf32>
      %swap3A_4518 = vector.shape_cast %get3A_4511 : vector<16xf32> to vector<1x1x16xf32>
      tpu.vector_store %arg10[%swap3A_4513, %swap3A_4514, %swap3A_4515], %swap3A_4518 {strides = array<i32>} : memref<4x8x768xf32, #tpu.memory_space<vmem>>, vector<1x1x16xf32>,
      %get3A_4519 = arith.constant 2 : i32
      %get3A_4520 = arith.index_cast %get3A_4519 : i32 to index
      %get3A_4521 = arith.index_cast %scan3A_2568 : i32 to index
      %get3A_4522 = arith.constant 592 : index
      %get3A_4523 = tpu.vector_load %arg8[%get3A_4520, %get3A_4521, %get3A_4522] {strides = array<i32>} : memref<4x8x768xf32, #tpu.memory_space<vmem>>, vector<1x1x16xf32>,
      %get3A_4524 = vector.shape_cast %get3A_4523 : vector<1x1x16xf32> to vector<16xf32>
      %swap3A_4525 = arith.constant 2 : i32
      %swap3A_4526 = arith.index_cast %swap3A_4525 : i32 to index
      %swap3A_4527 = arith.index_cast %scan3A_2568 : i32 to index
      %swap3A_4528 = arith.constant 592 : index
      %swap3A_4529 = tpu.vector_load %arg10[%swap3A_4526, %swap3A_4527, %swap3A_4528] {strides = array<i32>} : memref<4x8x768xf32, #tpu.memory_space<vmem>>, vector<1x1x16xf32>,
      %swap3A_4530 = vector.shape_cast %swap3A_4529 : vector<1x1x16xf32> to vector<16xf32>
      %swap3A_4531 = vector.shape_cast %get3A_4524 : vector<16xf32> to vector<1x1x16xf32>
      tpu.vector_store %arg10[%swap3A_4526, %swap3A_4527, %swap3A_4528], %swap3A_4531 {strides = array<i32>} : memref<4x8x768xf32, #tpu.memory_space<vmem>>, vector<1x1x16xf32>,
      %get3A_4532 = arith.constant 3 : i32
      %get3A_4533 = arith.index_cast %get3A_4532 : i32 to index
      %get3A_4534 = arith.index_cast %scan3A_2568 : i32 to index
      %get3A_4535 = arith.constant 592 : index
      %get3A_4536 = tpu.vector_load %arg8[%get3A_4533, %get3A_4534, %get3A_4535] {strides = array<i32>} : memref<4x8x768xf32, #tpu.memory_space<vmem>>, vector<1x1x16xf32>,
      %get3A_4537 = vector.shape_cast %get3A_4536 : vector<1x1x16xf32> to vector<16xf32>
      %swap3A_4538 = arith.constant 3 : i32
      %swap3A_4539 = arith.index_cast %swap3A_4538 : i32 to index
      %swap3A_4540 = arith.index_cast %scan3A_2568 : i32 to index
      %swap3A_4541 = arith.constant 592 : index
      %swap3A_4542 = tpu.vector_load %arg10[%swap3A_4539, %swap3A_4540, %swap3A_4541] {strides = array<i32>} : memref<4x8x768xf32, #tpu.memory_space<vmem>>, vector<1x1x16xf32>,
      %swap3A_4543 = vector.shape_cast %swap3A_4542 : vector<1x1x16xf32> to vector<16xf32>
      %swap3A_4544 = vector.shape_cast %get3A_4537 : vector<16xf32> to vector<1x1x16xf32>
      tpu.vector_store %arg10[%swap3A_4539, %swap3A_4540, %swap3A_4541], %swap3A_4544 {strides = array<i32>} : memref<4x8x768xf32, #tpu.memory_space<vmem>>, vector<1x1x16xf32>,
      %get3A_4545 = arith.constant 0 : i32
      %get3A_4546 = arith.index_cast %get3A_4545 : i32 to index
      %get3A_4547 = arith.index_cast %scan3A_2568 : i32 to index
      %get3A_4548 = arith.constant 608 : index
      %get3A_4549 = tpu.vector_load %arg8[%get3A_4546, %get3A_4547, %get3A_4548] {strides = array<i32>} : memref<4x8x768xf32, #tpu.memory_space<vmem>>, vector<1x1x16xf32>,
      %get3A_4550 = vector.shape_cast %get3A_4549 : vector<1x1x16xf32> to vector<16xf32>
      %swap3A_4551 = arith.constant 0 : i32
      %swap3A_4552 = arith.index_cast %swap3A_4551 : i32 to index
      %swap3A_4553 = arith.index_cast %scan3A_2568 : i32 to index
      %swap3A_4554 = arith.constant 608 : index
      %swap3A_4555 = tpu.vector_load %arg10[%swap3A_4552, %swap3A_4553, %swap3A_4554] {strides = array<i32>} : memref<4x8x768xf32, #tpu.memory_space<vmem>>, vector<1x1x16xf32>,
      %swap3A_4556 = vector.shape_cast %swap3A_4555 : vector<1x1x16xf32> to vector<16xf32>
      %swap3A_4557 = vector.shape_cast %get3A_4550 : vector<16xf32> to vector<1x1x16xf32>
      tpu.vector_store %arg10[%swap3A_4552, %swap3A_4553, %swap3A_4554], %swap3A_4557 {strides = array<i32>} : memref<4x8x768xf32, #tpu.memory_space<vmem>>, vector<1x1x16xf32>,
      %get3A_4558 = arith.constant 1 : i32
      %get3A_4559 = arith.index_cast %get3A_4558 : i32 to index
      %get3A_4560 = arith.index_cast %scan3A_2568 : i32 to index
      %get3A_4561 = arith.constant 608 : index
      %get3A_4562 = tpu.vector_load %arg8[%get3A_4559, %get3A_4560, %get3A_4561] {strides = array<i32>} : memref<4x8x768xf32, #tpu.memory_space<vmem>>, vector<1x1x16xf32>,
      %get3A_4563 = vector.shape_cast %get3A_4562 : vector<1x1x16xf32> to vector<16xf32>
      %swap3A_4564 = arith.constant 1 : i32
      %swap3A_4565 = arith.index_cast %swap3A_4564 : i32 to index
      %swap3A_4566 = arith.index_cast %scan3A_2568 : i32 to index
      %swap3A_4567 = arith.constant 608 : index
      %swap3A_4568 = tpu.vector_load %arg10[%swap3A_4565, %swap3A_4566, %swap3A_4567] {strides = array<i32>} : memref<4x8x768xf32, #tpu.memory_space<vmem>>, vector<1x1x16xf32>,
      %swap3A_4569 = vector.shape_cast %swap3A_4568 : vector<1x1x16xf32> to vector<16xf32>
      %swap3A_4570 = vector.shape_cast %get3A_4563 : vector<16xf32> to vector<1x1x16xf32>
      tpu.vector_store %arg10[%swap3A_4565, %swap3A_4566, %swap3A_4567], %swap3A_4570 {strides = array<i32>} : memref<4x8x768xf32, #tpu.memory_space<vmem>>, vector<1x1x16xf32>,
      %get3A_4571 = arith.constant 2 : i32
      %get3A_4572 = arith.index_cast %get3A_4571 : i32 to index
      %get3A_4573 = arith.index_cast %scan3A_2568 : i32 to index
      %get3A_4574 = arith.constant 608 : index
      %get3A_4575 = tpu.vector_load %arg8[%get3A_4572, %get3A_4573, %get3A_4574] {strides = array<i32>} : memref<4x8x768xf32, #tpu.memory_space<vmem>>, vector<1x1x16xf32>,
      %get3A_4576 = vector.shape_cast %get3A_4575 : vector<1x1x16xf32> to vector<16xf32>
      %swap3A_4577 = arith.constant 2 : i32
      %swap3A_4578 = arith.index_cast %swap3A_4577 : i32 to index
      %swap3A_4579 = arith.index_cast %scan3A_2568 : i32 to index
      %swap3A_4580 = arith.constant 608 : index
      %swap3A_4581 = tpu.vector_load %arg10[%swap3A_4578, %swap3A_4579, %swap3A_4580] {strides = array<i32>} : memref<4x8x768xf32, #tpu.memory_space<vmem>>, vector<1x1x16xf32>,
      %swap3A_4582 = vector.shape_cast %swap3A_4581 : vector<1x1x16xf32> to vector<16xf32>
      %swap3A_4583 = vector.shape_cast %get3A_4576 : vector<16xf32> to vector<1x1x16xf32>
      tpu.vector_store %arg10[%swap3A_4578, %swap3A_4579, %swap3A_4580], %swap3A_4583 {strides = array<i32>} : memref<4x8x768xf32, #tpu.memory_space<vmem>>, vector<1x1x16xf32>,
      %get3A_4584 = arith.constant 3 : i32
      %get3A_4585 = arith.index_cast %get3A_4584 : i32 to index
      %get3A_4586 = arith.index_cast %scan3A_2568 : i32 to index
      %get3A_4587 = arith.constant 608 : index
      %get3A_4588 = tpu.vector_load %arg8[%get3A_4585, %get3A_4586, %get3A_4587] {strides = array<i32>} : memref<4x8x768xf32, #tpu.memory_space<vmem>>, vector<1x1x16xf32>,
      %get3A_4589 = vector.shape_cast %get3A_4588 : vector<1x1x16xf32> to vector<16xf32>
      %swap3A_4590 = arith.constant 3 : i32
      %swap3A_4591 = arith.index_cast %swap3A_4590 : i32 to index
      %swap3A_4592 = arith.index_cast %scan3A_2568 : i32 to index
      %swap3A_4593 = arith.constant 608 : index
      %swap3A_4594 = tpu.vector_load %arg10[%swap3A_4591, %swap3A_4592, %swap3A_4593] {strides = array<i32>} : memref<4x8x768xf32, #tpu.memory_space<vmem>>, vector<1x1x16xf32>,
      %swap3A_4595 = vector.shape_cast %swap3A_4594 : vector<1x1x16xf32> to vector<16xf32>
      %swap3A_4596 = vector.shape_cast %get3A_4589 : vector<16xf32> to vector<1x1x16xf32>
      tpu.vector_store %arg10[%swap3A_4591, %swap3A_4592, %swap3A_4593], %swap3A_4596 {strides = array<i32>} : memref<4x8x768xf32, #tpu.memory_space<vmem>>, vector<1x1x16xf32>,
      %get3A_4597 = arith.constant 0 : i32
      %get3A_4598 = arith.index_cast %get3A_4597 : i32 to index
      %get3A_4599 = arith.index_cast %scan3A_2568 : i32 to index
      %get3A_4600 = arith.constant 624 : index
      %get3A_4601 = tpu.vector_load %arg8[%get3A_4598, %get3A_4599, %get3A_4600] {strides = array<i32>} : memref<4x8x768xf32, #tpu.memory_space<vmem>>, vector<1x1x16xf32>,
      %get3A_4602 = vector.shape_cast %get3A_4601 : vector<1x1x16xf32> to vector<16xf32>
      %swap3A_4603 = arith.constant 0 : i32
      %swap3A_4604 = arith.index_cast %swap3A_4603 : i32 to index
      %swap3A_4605 = arith.index_cast %scan3A_2568 : i32 to index
      %swap3A_4606 = arith.constant 624 : index
      %swap3A_4607 = tpu.vector_load %arg10[%swap3A_4604, %swap3A_4605, %swap3A_4606] {strides = array<i32>} : memref<4x8x768xf32, #tpu.memory_space<vmem>>, vector<1x1x16xf32>,
      %swap3A_4608 = vector.shape_cast %swap3A_4607 : vector<1x1x16xf32> to vector<16xf32>
      %swap3A_4609 = vector.shape_cast %get3A_4602 : vector<16xf32> to vector<1x1x16xf32>
      tpu.vector_store %arg10[%swap3A_4604, %swap3A_4605, %swap3A_4606], %swap3A_4609 {strides = array<i32>} : memref<4x8x768xf32, #tpu.memory_space<vmem>>, vector<1x1x16xf32>,
      %get3A_4610 = arith.constant 1 : i32
      %get3A_4611 = arith.index_cast %get3A_4610 : i32 to index
      %get3A_4612 = arith.index_cast %scan3A_2568 : i32 to index
      %get3A_4613 = arith.constant 624 : index
      %get3A_4614 = tpu.vector_load %arg8[%get3A_4611, %get3A_4612, %get3A_4613] {strides = array<i32>} : memref<4x8x768xf32, #tpu.memory_space<vmem>>, vector<1x1x16xf32>,
      %get3A_4615 = vector.shape_cast %get3A_4614 : vector<1x1x16xf32> to vector<16xf32>
      %swap3A_4616 = arith.constant 1 : i32
      %swap3A_4617 = arith.index_cast %swap3A_4616 : i32 to index
      %swap3A_4618 = arith.index_cast %scan3A_2568 : i32 to index
      %swap3A_4619 = arith.constant 624 : index
      %swap3A_4620 = tpu.vector_load %arg10[%swap3A_4617, %swap3A_4618, %swap3A_4619] {strides = array<i32>} : memref<4x8x768xf32, #tpu.memory_space<vmem>>, vector<1x1x16xf32>,
      %swap3A_4621 = vector.shape_cast %swap3A_4620 : vector<1x1x16xf32> to vector<16xf32>
      %swap3A_4622 = vector.shape_cast %get3A_4615 : vector<16xf32> to vector<1x1x16xf32>
      tpu.vector_store %arg10[%swap3A_4617, %swap3A_4618, %swap3A_4619], %swap3A_4622 {strides = array<i32>} : memref<4x8x768xf32, #tpu.memory_space<vmem>>, vector<1x1x16xf32>,
      %get3A_4623 = arith.constant 2 : i32
      %get3A_4624 = arith.index_cast %get3A_4623 : i32 to index
      %get3A_4625 = arith.index_cast %scan3A_2568 : i32 to index
      %get3A_4626 = arith.constant 624 : index
      %get3A_4627 = tpu.vector_load %arg8[%get3A_4624, %get3A_4625, %get3A_4626] {strides = array<i32>} : memref<4x8x768xf32, #tpu.memory_space<vmem>>, vector<1x1x16xf32>,
      %get3A_4628 = vector.shape_cast %get3A_4627 : vector<1x1x16xf32> to vector<16xf32>
      %swap3A_4629 = arith.constant 2 : i32
      %swap3A_4630 = arith.index_cast %swap3A_4629 : i32 to index
      %swap3A_4631 = arith.index_cast %scan3A_2568 : i32 to index
      %swap3A_4632 = arith.constant 624 : index
      %swap3A_4633 = tpu.vector_load %arg10[%swap3A_4630, %swap3A_4631, %swap3A_4632] {strides = array<i32>} : memref<4x8x768xf32, #tpu.memory_space<vmem>>, vector<1x1x16xf32>,
      %swap3A_4634 = vector.shape_cast %swap3A_4633 : vector<1x1x16xf32> to vector<16xf32>
      %swap3A_4635 = vector.shape_cast %get3A_4628 : vector<16xf32> to vector<1x1x16xf32>
      tpu.vector_store %arg10[%swap3A_4630, %swap3A_4631, %swap3A_4632], %swap3A_4635 {strides = array<i32>} : memref<4x8x768xf32, #tpu.memory_space<vmem>>, vector<1x1x16xf32>,
      %get3A_4636 = arith.constant 3 : i32
      %get3A_4637 = arith.index_cast %get3A_4636 : i32 to index
      %get3A_4638 = arith.index_cast %scan3A_2568 : i32 to index
      %get3A_4639 = arith.constant 624 : index
      %get3A_4640 = tpu.vector_load %arg8[%get3A_4637, %get3A_4638, %get3A_4639] {strides = array<i32>} : memref<4x8x768xf32, #tpu.memory_space<vmem>>, vector<1x1x16xf32>,
      %get3A_4641 = vector.shape_cast %get3A_4640 : vector<1x1x16xf32> to vector<16xf32>
      %swap3A_4642 = arith.constant 3 : i32
      %swap3A_4643 = arith.index_cast %swap3A_4642 : i32 to index
      %swap3A_4644 = arith.index_cast %scan3A_2568 : i32 to index
      %swap3A_4645 = arith.constant 624 : index
      %swap3A_4646 = tpu.vector_load %arg10[%swap3A_4643, %swap3A_4644, %swap3A_4645] {strides = array<i32>} : memref<4x8x768xf32, #tpu.memory_space<vmem>>, vector<1x1x16xf32>,
      %swap3A_4647 = vector.shape_cast %swap3A_4646 : vector<1x1x16xf32> to vector<16xf32>
      %swap3A_4648 = vector.shape_cast %get3A_4641 : vector<16xf32> to vector<1x1x16xf32>
      tpu.vector_store %arg10[%swap3A_4643, %swap3A_4644, %swap3A_4645], %swap3A_4648 {strides = array<i32>} : memref<4x8x768xf32, #tpu.memory_space<vmem>>, vector<1x1x16xf32>,
      %get3A_4649 = arith.constant 0 : i32
      %get3A_4650 = arith.index_cast %get3A_4649 : i32 to index
      %get3A_4651 = arith.index_cast %scan3A_2568 : i32 to index
      %get3A_4652 = arith.constant 640 : index
      %get3A_4653 = tpu.vector_load %arg8[%get3A_4650, %get3A_4651, %get3A_4652] {strides = array<i32>} : memref<4x8x768xf32, #tpu.memory_space<vmem>>, vector<1x1x16xf32>,
      %get3A_4654 = vector.shape_cast %get3A_4653 : vector<1x1x16xf32> to vector<16xf32>
      %swap3A_4655 = arith.constant 0 : i32
      %swap3A_4656 = arith.index_cast %swap3A_4655 : i32 to index
      %swap3A_4657 = arith.index_cast %scan3A_2568 : i32 to index
      %swap3A_4658 = arith.constant 640 : index
      %swap3A_4659 = tpu.vector_load %arg10[%swap3A_4656, %swap3A_4657, %swap3A_4658] {strides = array<i32>} : memref<4x8x768xf32, #tpu.memory_space<vmem>>, vector<1x1x16xf32>,
      %swap3A_4660 = vector.shape_cast %swap3A_4659 : vector<1x1x16xf32> to vector<16xf32>
      %swap3A_4661 = vector.shape_cast %get3A_4654 : vector<16xf32> to vector<1x1x16xf32>
      tpu.vector_store %arg10[%swap3A_4656, %swap3A_4657, %swap3A_4658], %swap3A_4661 {strides = array<i32>} : memref<4x8x768xf32, #tpu.memory_space<vmem>>, vector<1x1x16xf32>,
      %get3A_4662 = arith.constant 1 : i32
      %get3A_4663 = arith.index_cast %get3A_4662 : i32 to index
      %get3A_4664 = arith.index_cast %scan3A_2568 : i32 to index
      %get3A_4665 = arith.constant 640 : index
      %get3A_4666 = tpu.vector_load %arg8[%get3A_4663, %get3A_4664, %get3A_4665] {strides = array<i32>} : memref<4x8x768xf32, #tpu.memory_space<vmem>>, vector<1x1x16xf32>,
      %get3A_4667 = vector.shape_cast %get3A_4666 : vector<1x1x16xf32> to vector<16xf32>
      %swap3A_4668 = arith.constant 1 : i32
      %swap3A_4669 = arith.index_cast %swap3A_4668 : i32 to index
      %swap3A_4670 = arith.index_cast %scan3A_2568 : i32 to index
      %swap3A_4671 = arith.constant 640 : index
      %swap3A_4672 = tpu.vector_load %arg10[%swap3A_4669, %swap3A_4670, %swap3A_4671] {strides = array<i32>} : memref<4x8x768xf32, #tpu.memory_space<vmem>>, vector<1x1x16xf32>,
      %swap3A_4673 = vector.shape_cast %swap3A_4672 : vector<1x1x16xf32> to vector<16xf32>
      %swap3A_4674 = vector.shape_cast %get3A_4667 : vector<16xf32> to vector<1x1x16xf32>
      tpu.vector_store %arg10[%swap3A_4669, %swap3A_4670, %swap3A_4671], %swap3A_4674 {strides = array<i32>} : memref<4x8x768xf32, #tpu.memory_space<vmem>>, vector<1x1x16xf32>,
      %get3A_4675 = arith.constant 2 : i32
      %get3A_4676 = arith.index_cast %get3A_4675 : i32 to index
      %get3A_4677 = arith.index_cast %scan3A_2568 : i32 to index
      %get3A_4678 = arith.constant 640 : index
      %get3A_4679 = tpu.vector_load %arg8[%get3A_4676, %get3A_4677, %get3A_4678] {strides = array<i32>} : memref<4x8x768xf32, #tpu.memory_space<vmem>>, vector<1x1x16xf32>,
      %get3A_4680 = vector.shape_cast %get3A_4679 : vector<1x1x16xf32> to vector<16xf32>
      %swap3A_4681 = arith.constant 2 : i32
      %swap3A_4682 = arith.index_cast %swap3A_4681 : i32 to index
      %swap3A_4683 = arith.index_cast %scan3A_2568 : i32 to index
      %swap3A_4684 = arith.constant 640 : index
      %swap3A_4685 = tpu.vector_load %arg10[%swap3A_4682, %swap3A_4683, %swap3A_4684] {strides = array<i32>} : memref<4x8x768xf32, #tpu.memory_space<vmem>>, vector<1x1x16xf32>,
      %swap3A_4686 = vector.shape_cast %swap3A_4685 : vector<1x1x16xf32> to vector<16xf32>
      %swap3A_4687 = vector.shape_cast %get3A_4680 : vector<16xf32> to vector<1x1x16xf32>
      tpu.vector_store %arg10[%swap3A_4682, %swap3A_4683, %swap3A_4684], %swap3A_4687 {strides = array<i32>} : memref<4x8x768xf32, #tpu.memory_space<vmem>>, vector<1x1x16xf32>,
      %get3A_4688 = arith.constant 3 : i32
      %get3A_4689 = arith.index_cast %get3A_4688 : i32 to index
      %get3A_4690 = arith.index_cast %scan3A_2568 : i32 to index
      %get3A_4691 = arith.constant 640 : index
      %get3A_4692 = tpu.vector_load %arg8[%get3A_4689, %get3A_4690, %get3A_4691] {strides = array<i32>} : memref<4x8x768xf32, #tpu.memory_space<vmem>>, vector<1x1x16xf32>,
      %get3A_4693 = vector.shape_cast %get3A_4692 : vector<1x1x16xf32> to vector<16xf32>
      %swap3A_4694 = arith.constant 3 : i32
      %swap3A_4695 = arith.index_cast %swap3A_4694 : i32 to index
      %swap3A_4696 = arith.index_cast %scan3A_2568 : i32 to index
      %swap3A_4697 = arith.constant 640 : index
      %swap3A_4698 = tpu.vector_load %arg10[%swap3A_4695, %swap3A_4696, %swap3A_4697] {strides = array<i32>} : memref<4x8x768xf32, #tpu.memory_space<vmem>>, vector<1x1x16xf32>,
      %swap3A_4699 = vector.shape_cast %swap3A_4698 : vector<1x1x16xf32> to vector<16xf32>
      %swap3A_4700 = vector.shape_cast %get3A_4693 : vector<16xf32> to vector<1x1x16xf32>
      tpu.vector_store %arg10[%swap3A_4695, %swap3A_4696, %swap3A_4697], %swap3A_4700 {strides = array<i32>} : memref<4x8x768xf32, #tpu.memory_space<vmem>>, vector<1x1x16xf32>,
      %get3A_4701 = arith.constant 0 : i32
      %get3A_4702 = arith.index_cast %get3A_4701 : i32 to index
      %get3A_4703 = arith.index_cast %scan3A_2568 : i32 to index
      %get3A_4704 = arith.constant 656 : index
      %get3A_4705 = tpu.vector_load %arg8[%get3A_4702, %get3A_4703, %get3A_4704] {strides = array<i32>} : memref<4x8x768xf32, #tpu.memory_space<vmem>>, vector<1x1x16xf32>,
      %get3A_4706 = vector.shape_cast %get3A_4705 : vector<1x1x16xf32> to vector<16xf32>
      %swap3A_4707 = arith.constant 0 : i32
      %swap3A_4708 = arith.index_cast %swap3A_4707 : i32 to index
      %swap3A_4709 = arith.index_cast %scan3A_2568 : i32 to index
      %swap3A_4710 = arith.constant 656 : index
      %swap3A_4711 = tpu.vector_load %arg10[%swap3A_4708, %swap3A_4709, %swap3A_4710] {strides = array<i32>} : memref<4x8x768xf32, #tpu.memory_space<vmem>>, vector<1x1x16xf32>,
      %swap3A_4712 = vector.shape_cast %swap3A_4711 : vector<1x1x16xf32> to vector<16xf32>
      %swap3A_4713 = vector.shape_cast %get3A_4706 : vector<16xf32> to vector<1x1x16xf32>
      tpu.vector_store %arg10[%swap3A_4708, %swap3A_4709, %swap3A_4710], %swap3A_4713 {strides = array<i32>} : memref<4x8x768xf32, #tpu.memory_space<vmem>>, vector<1x1x16xf32>,
      %get3A_4714 = arith.constant 1 : i32
      %get3A_4715 = arith.index_cast %get3A_4714 : i32 to index
      %get3A_4716 = arith.index_cast %scan3A_2568 : i32 to index
      %get3A_4717 = arith.constant 656 : index
      %get3A_4718 = tpu.vector_load %arg8[%get3A_4715, %get3A_4716, %get3A_4717] {strides = array<i32>} : memref<4x8x768xf32, #tpu.memory_space<vmem>>, vector<1x1x16xf32>,
      %get3A_4719 = vector.shape_cast %get3A_4718 : vector<1x1x16xf32> to vector<16xf32>
      %swap3A_4720 = arith.constant 1 : i32
      %swap3A_4721 = arith.index_cast %swap3A_4720 : i32 to index
      %swap3A_4722 = arith.index_cast %scan3A_2568 : i32 to index
      %swap3A_4723 = arith.constant 656 : index
      %swap3A_4724 = tpu.vector_load %arg10[%swap3A_4721, %swap3A_4722, %swap3A_4723] {strides = array<i32>} : memref<4x8x768xf32, #tpu.memory_space<vmem>>, vector<1x1x16xf32>,
      %swap3A_4725 = vector.shape_cast %swap3A_4724 : vector<1x1x16xf32> to vector<16xf32>
      %swap3A_4726 = vector.shape_cast %get3A_4719 : vector<16xf32> to vector<1x1x16xf32>
      tpu.vector_store %arg10[%swap3A_4721, %swap3A_4722, %swap3A_4723], %swap3A_4726 {strides = array<i32>} : memref<4x8x768xf32, #tpu.memory_space<vmem>>, vector<1x1x16xf32>,
      %get3A_4727 = arith.constant 2 : i32
      %get3A_4728 = arith.index_cast %get3A_4727 : i32 to index
      %get3A_4729 = arith.index_cast %scan3A_2568 : i32 to index
      %get3A_4730 = arith.constant 656 : index
      %get3A_4731 = tpu.vector_load %arg8[%get3A_4728, %get3A_4729, %get3A_4730] {strides = array<i32>} : memref<4x8x768xf32, #tpu.memory_space<vmem>>, vector<1x1x16xf32>,
      %get3A_4732 = vector.shape_cast %get3A_4731 : vector<1x1x16xf32> to vector<16xf32>
      %swap3A_4733 = arith.constant 2 : i32
      %swap3A_4734 = arith.index_cast %swap3A_4733 : i32 to index
      %swap3A_4735 = arith.index_cast %scan3A_2568 : i32 to index
      %swap3A_4736 = arith.constant 656 : index
      %swap3A_4737 = tpu.vector_load %arg10[%swap3A_4734, %swap3A_4735, %swap3A_4736] {strides = array<i32>} : memref<4x8x768xf32, #tpu.memory_space<vmem>>, vector<1x1x16xf32>,
      %swap3A_4738 = vector.shape_cast %swap3A_4737 : vector<1x1x16xf32> to vector<16xf32>
      %swap3A_4739 = vector.shape_cast %get3A_4732 : vector<16xf32> to vector<1x1x16xf32>
      tpu.vector_store %arg10[%swap3A_4734, %swap3A_4735, %swap3A_4736], %swap3A_4739 {strides = array<i32>} : memref<4x8x768xf32, #tpu.memory_space<vmem>>, vector<1x1x16xf32>,
      %get3A_4740 = arith.constant 3 : i32
      %get3A_4741 = arith.index_cast %get3A_4740 : i32 to index
      %get3A_4742 = arith.index_cast %scan3A_2568 : i32 to index
      %get3A_4743 = arith.constant 656 : index
      %get3A_4744 = tpu.vector_load %arg8[%get3A_4741, %get3A_4742, %get3A_4743] {strides = array<i32>} : memref<4x8x768xf32, #tpu.memory_space<vmem>>, vector<1x1x16xf32>,
      %get3A_4745 = vector.shape_cast %get3A_4744 : vector<1x1x16xf32> to vector<16xf32>
      %swap3A_4746 = arith.constant 3 : i32
      %swap3A_4747 = arith.index_cast %swap3A_4746 : i32 to index
      %swap3A_4748 = arith.index_cast %scan3A_2568 : i32 to index
      %swap3A_4749 = arith.constant 656 : index
      %swap3A_4750 = tpu.vector_load %arg10[%swap3A_4747, %swap3A_4748, %swap3A_4749] {strides = array<i32>} : memref<4x8x768xf32, #tpu.memory_space<vmem>>, vector<1x1x16xf32>,
      %swap3A_4751 = vector.shape_cast %swap3A_4750 : vector<1x1x16xf32> to vector<16xf32>
      %swap3A_4752 = vector.shape_cast %get3A_4745 : vector<16xf32> to vector<1x1x16xf32>
      tpu.vector_store %arg10[%swap3A_4747, %swap3A_4748, %swap3A_4749], %swap3A_4752 {strides = array<i32>} : memref<4x8x768xf32, #tpu.memory_space<vmem>>, vector<1x1x16xf32>,
      %get3A_4753 = arith.constant 0 : i32
      %get3A_4754 = arith.index_cast %get3A_4753 : i32 to index
      %get3A_4755 = arith.index_cast %scan3A_2568 : i32 to index
      %get3A_4756 = arith.constant 672 : index
      %get3A_4757 = tpu.vector_load %arg8[%get3A_4754, %get3A_4755, %get3A_4756] {strides = array<i32>} : memref<4x8x768xf32, #tpu.memory_space<vmem>>, vector<1x1x16xf32>,
      %get3A_4758 = vector.shape_cast %get3A_4757 : vector<1x1x16xf32> to vector<16xf32>
      %swap3A_4759 = arith.constant 0 : i32
      %swap3A_4760 = arith.index_cast %swap3A_4759 : i32 to index
      %swap3A_4761 = arith.index_cast %scan3A_2568 : i32 to index
      %swap3A_4762 = arith.constant 672 : index
      %swap3A_4763 = tpu.vector_load %arg10[%swap3A_4760, %swap3A_4761, %swap3A_4762] {strides = array<i32>} : memref<4x8x768xf32, #tpu.memory_space<vmem>>, vector<1x1x16xf32>,
      %swap3A_4764 = vector.shape_cast %swap3A_4763 : vector<1x1x16xf32> to vector<16xf32>
      %swap3A_4765 = vector.shape_cast %get3A_4758 : vector<16xf32> to vector<1x1x16xf32>
      tpu.vector_store %arg10[%swap3A_4760, %swap3A_4761, %swap3A_4762], %swap3A_4765 {strides = array<i32>} : memref<4x8x768xf32, #tpu.memory_space<vmem>>, vector<1x1x16xf32>,
      %get3A_4766 = arith.constant 1 : i32
      %get3A_4767 = arith.index_cast %get3A_4766 : i32 to index
      %get3A_4768 = arith.index_cast %scan3A_2568 : i32 to index
      %get3A_4769 = arith.constant 672 : index
      %get3A_4770 = tpu.vector_load %arg8[%get3A_4767, %get3A_4768, %get3A_4769] {strides = array<i32>} : memref<4x8x768xf32, #tpu.memory_space<vmem>>, vector<1x1x16xf32>,
      %get3A_4771 = vector.shape_cast %get3A_4770 : vector<1x1x16xf32> to vector<16xf32>
      %swap3A_4772 = arith.constant 1 : i32
      %swap3A_4773 = arith.index_cast %swap3A_4772 : i32 to index
      %swap3A_4774 = arith.index_cast %scan3A_2568 : i32 to index
      %swap3A_4775 = arith.constant 672 : index
      %swap3A_4776 = tpu.vector_load %arg10[%swap3A_4773, %swap3A_4774, %swap3A_4775] {strides = array<i32>} : memref<4x8x768xf32, #tpu.memory_space<vmem>>, vector<1x1x16xf32>,
      %swap3A_4777 = vector.shape_cast %swap3A_4776 : vector<1x1x16xf32> to vector<16xf32>
      %swap3A_4778 = vector.shape_cast %get3A_4771 : vector<16xf32> to vector<1x1x16xf32>
      tpu.vector_store %arg10[%swap3A_4773, %swap3A_4774, %swap3A_4775], %swap3A_4778 {strides = array<i32>} : memref<4x8x768xf32, #tpu.memory_space<vmem>>, vector<1x1x16xf32>,
      %get3A_4779 = arith.constant 2 : i32
      %get3A_4780 = arith.index_cast %get3A_4779 : i32 to index
      %get3A_4781 = arith.index_cast %scan3A_2568 : i32 to index
      %get3A_4782 = arith.constant 672 : index
      %get3A_4783 = tpu.vector_load %arg8[%get3A_4780, %get3A_4781, %get3A_4782] {strides = array<i32>} : memref<4x8x768xf32, #tpu.memory_space<vmem>>, vector<1x1x16xf32>,
      %get3A_4784 = vector.shape_cast %get3A_4783 : vector<1x1x16xf32> to vector<16xf32>
      %swap3A_4785 = arith.constant 2 : i32
      %swap3A_4786 = arith.index_cast %swap3A_4785 : i32 to index
      %swap3A_4787 = arith.index_cast %scan3A_2568 : i32 to index
      %swap3A_4788 = arith.constant 672 : index
      %swap3A_4789 = tpu.vector_load %arg10[%swap3A_4786, %swap3A_4787, %swap3A_4788] {strides = array<i32>} : memref<4x8x768xf32, #tpu.memory_space<vmem>>, vector<1x1x16xf32>,
      %swap3A_4790 = vector.shape_cast %swap3A_4789 : vector<1x1x16xf32> to vector<16xf32>
      %swap3A_4791 = vector.shape_cast %get3A_4784 : vector<16xf32> to vector<1x1x16xf32>
      tpu.vector_store %arg10[%swap3A_4786, %swap3A_4787, %swap3A_4788], %swap3A_4791 {strides = array<i32>} : memref<4x8x768xf32, #tpu.memory_space<vmem>>, vector<1x1x16xf32>,
      %get3A_4792 = arith.constant 3 : i32
      %get3A_4793 = arith.index_cast %get3A_4792 : i32 to index
      %get3A_4794 = arith.index_cast %scan3A_2568 : i32 to index
      %get3A_4795 = arith.constant 672 : index
      %get3A_4796 = tpu.vector_load %arg8[%get3A_4793, %get3A_4794, %get3A_4795] {strides = array<i32>} : memref<4x8x768xf32, #tpu.memory_space<vmem>>, vector<1x1x16xf32>,
      %get3A_4797 = vector.shape_cast %get3A_4796 : vector<1x1x16xf32> to vector<16xf32>
      %swap3A_4798 = arith.constant 3 : i32
      %swap3A_4799 = arith.index_cast %swap3A_4798 : i32 to index
      %swap3A_4800 = arith.index_cast %scan3A_2568 : i32 to index
      %swap3A_4801 = arith.constant 672 : index
      %swap3A_4802 = tpu.vector_load %arg10[%swap3A_4799, %swap3A_4800, %swap3A_4801] {strides = array<i32>} : memref<4x8x768xf32, #tpu.memory_space<vmem>>, vector<1x1x16xf32>,
      %swap3A_4803 = vector.shape_cast %swap3A_4802 : vector<1x1x16xf32> to vector<16xf32>
      %swap3A_4804 = vector.shape_cast %get3A_4797 : vector<16xf32> to vector<1x1x16xf32>
      tpu.vector_store %arg10[%swap3A_4799, %swap3A_4800, %swap3A_4801], %swap3A_4804 {strides = array<i32>} : memref<4x8x768xf32, #tpu.memory_space<vmem>>, vector<1x1x16xf32>,
      %get3A_4805 = arith.constant 0 : i32
      %get3A_4806 = arith.index_cast %get3A_4805 : i32 to index
      %get3A_4807 = arith.index_cast %scan3A_2568 : i32 to index
      %get3A_4808 = arith.constant 688 : index
      %get3A_4809 = tpu.vector_load %arg8[%get3A_4806, %get3A_4807, %get3A_4808] {strides = array<i32>} : memref<4x8x768xf32, #tpu.memory_space<vmem>>, vector<1x1x16xf32>,
      %get3A_4810 = vector.shape_cast %get3A_4809 : vector<1x1x16xf32> to vector<16xf32>
      %swap3A_4811 = arith.constant 0 : i32
      %swap3A_4812 = arith.index_cast %swap3A_4811 : i32 to index
      %swap3A_4813 = arith.index_cast %scan3A_2568 : i32 to index
      %swap3A_4814 = arith.constant 688 : index
      %swap3A_4815 = tpu.vector_load %arg10[%swap3A_4812, %swap3A_4813, %swap3A_4814] {strides = array<i32>} : memref<4x8x768xf32, #tpu.memory_space<vmem>>, vector<1x1x16xf32>,
      %swap3A_4816 = vector.shape_cast %swap3A_4815 : vector<1x1x16xf32> to vector<16xf32>
      %swap3A_4817 = vector.shape_cast %get3A_4810 : vector<16xf32> to vector<1x1x16xf32>
      tpu.vector_store %arg10[%swap3A_4812, %swap3A_4813, %swap3A_4814], %swap3A_4817 {strides = array<i32>} : memref<4x8x768xf32, #tpu.memory_space<vmem>>, vector<1x1x16xf32>,
      %get3A_4818 = arith.constant 1 : i32
      %get3A_4819 = arith.index_cast %get3A_4818 : i32 to index
      %get3A_4820 = arith.index_cast %scan3A_2568 : i32 to index
      %get3A_4821 = arith.constant 688 : index
      %get3A_4822 = tpu.vector_load %arg8[%get3A_4819, %get3A_4820, %get3A_4821] {strides = array<i32>} : memref<4x8x768xf32, #tpu.memory_space<vmem>>, vector<1x1x16xf32>,
      %get3A_4823 = vector.shape_cast %get3A_4822 : vector<1x1x16xf32> to vector<16xf32>
      %swap3A_4824 = arith.constant 1 : i32
      %swap3A_4825 = arith.index_cast %swap3A_4824 : i32 to index
      %swap3A_4826 = arith.index_cast %scan3A_2568 : i32 to index
      %swap3A_4827 = arith.constant 688 : index
      %swap3A_4828 = tpu.vector_load %arg10[%swap3A_4825, %swap3A_4826, %swap3A_4827] {strides = array<i32>} : memref<4x8x768xf32, #tpu.memory_space<vmem>>, vector<1x1x16xf32>,
      %swap3A_4829 = vector.shape_cast %swap3A_4828 : vector<1x1x16xf32> to vector<16xf32>
      %swap3A_4830 = vector.shape_cast %get3A_4823 : vector<16xf32> to vector<1x1x16xf32>
      tpu.vector_store %arg10[%swap3A_4825, %swap3A_4826, %swap3A_4827], %swap3A_4830 {strides = array<i32>} : memref<4x8x768xf32, #tpu.memory_space<vmem>>, vector<1x1x16xf32>,
      %get3A_4831 = arith.constant 2 : i32
      %get3A_4832 = arith.index_cast %get3A_4831 : i32 to index
      %get3A_4833 = arith.index_cast %scan3A_2568 : i32 to index
      %get3A_4834 = arith.constant 688 : index
      %get3A_4835 = tpu.vector_load %arg8[%get3A_4832, %get3A_4833, %get3A_4834] {strides = array<i32>} : memref<4x8x768xf32, #tpu.memory_space<vmem>>, vector<1x1x16xf32>,
      %get3A_4836 = vector.shape_cast %get3A_4835 : vector<1x1x16xf32> to vector<16xf32>
      %swap3A_4837 = arith.constant 2 : i32
      %swap3A_4838 = arith.index_cast %swap3A_4837 : i32 to index
      %swap3A_4839 = arith.index_cast %scan3A_2568 : i32 to index
      %swap3A_4840 = arith.constant 688 : index
      %swap3A_4841 = tpu.vector_load %arg10[%swap3A_4838, %swap3A_4839, %swap3A_4840] {strides = array<i32>} : memref<4x8x768xf32, #tpu.memory_space<vmem>>, vector<1x1x16xf32>,
      %swap3A_4842 = vector.shape_cast %swap3A_4841 : vector<1x1x16xf32> to vector<16xf32>
      %swap3A_4843 = vector.shape_cast %get3A_4836 : vector<16xf32> to vector<1x1x16xf32>
      tpu.vector_store %arg10[%swap3A_4838, %swap3A_4839, %swap3A_4840], %swap3A_4843 {strides = array<i32>} : memref<4x8x768xf32, #tpu.memory_space<vmem>>, vector<1x1x16xf32>,
      %get3A_4844 = arith.constant 3 : i32
      %get3A_4845 = arith.index_cast %get3A_4844 : i32 to index
      %get3A_4846 = arith.index_cast %scan3A_2568 : i32 to index
      %get3A_4847 = arith.constant 688 : index
      %get3A_4848 = tpu.vector_load %arg8[%get3A_4845, %get3A_4846, %get3A_4847] {strides = array<i32>} : memref<4x8x768xf32, #tpu.memory_space<vmem>>, vector<1x1x16xf32>,
      %get3A_4849 = vector.shape_cast %get3A_4848 : vector<1x1x16xf32> to vector<16xf32>
      %swap3A_4850 = arith.constant 3 : i32
      %swap3A_4851 = arith.index_cast %swap3A_4850 : i32 to index
      %swap3A_4852 = arith.index_cast %scan3A_2568 : i32 to index
      %swap3A_4853 = arith.constant 688 : index
      %swap3A_4854 = tpu.vector_load %arg10[%swap3A_4851, %swap3A_4852, %swap3A_4853] {strides = array<i32>} : memref<4x8x768xf32, #tpu.memory_space<vmem>>, vector<1x1x16xf32>,
      %swap3A_4855 = vector.shape_cast %swap3A_4854 : vector<1x1x16xf32> to vector<16xf32>
      %swap3A_4856 = vector.shape_cast %get3A_4849 : vector<16xf32> to vector<1x1x16xf32>
      tpu.vector_store %arg10[%swap3A_4851, %swap3A_4852, %swap3A_4853], %swap3A_4856 {strides = array<i32>} : memref<4x8x768xf32, #tpu.memory_space<vmem>>, vector<1x1x16xf32>,
      %get3A_4857 = arith.constant 0 : i32
      %get3A_4858 = arith.index_cast %get3A_4857 : i32 to index
      %get3A_4859 = arith.index_cast %scan3A_2568 : i32 to index
      %get3A_4860 = arith.constant 704 : index
      %get3A_4861 = tpu.vector_load %arg8[%get3A_4858, %get3A_4859, %get3A_4860] {strides = array<i32>} : memref<4x8x768xf32, #tpu.memory_space<vmem>>, vector<1x1x16xf32>,
      %get3A_4862 = vector.shape_cast %get3A_4861 : vector<1x1x16xf32> to vector<16xf32>
      %swap3A_4863 = arith.constant 0 : i32
      %swap3A_4864 = arith.index_cast %swap3A_4863 : i32 to index
      %swap3A_4865 = arith.index_cast %scan3A_2568 : i32 to index
      %swap3A_4866 = arith.constant 704 : index
      %swap3A_4867 = tpu.vector_load %arg10[%swap3A_4864, %swap3A_4865, %swap3A_4866] {strides = array<i32>} : memref<4x8x768xf32, #tpu.memory_space<vmem>>, vector<1x1x16xf32>,
      %swap3A_4868 = vector.shape_cast %swap3A_4867 : vector<1x1x16xf32> to vector<16xf32>
      %swap3A_4869 = vector.shape_cast %get3A_4862 : vector<16xf32> to vector<1x1x16xf32>
      tpu.vector_store %arg10[%swap3A_4864, %swap3A_4865, %swap3A_4866], %swap3A_4869 {strides = array<i32>} : memref<4x8x768xf32, #tpu.memory_space<vmem>>, vector<1x1x16xf32>,
      %get3A_4870 = arith.constant 1 : i32
      %get3A_4871 = arith.index_cast %get3A_4870 : i32 to index
      %get3A_4872 = arith.index_cast %scan3A_2568 : i32 to index
      %get3A_4873 = arith.constant 704 : index
      %get3A_4874 = tpu.vector_load %arg8[%get3A_4871, %get3A_4872, %get3A_4873] {strides = array<i32>} : memref<4x8x768xf32, #tpu.memory_space<vmem>>, vector<1x1x16xf32>,
      %get3A_4875 = vector.shape_cast %get3A_4874 : vector<1x1x16xf32> to vector<16xf32>
      %swap3A_4876 = arith.constant 1 : i32
      %swap3A_4877 = arith.index_cast %swap3A_4876 : i32 to index
      %swap3A_4878 = arith.index_cast %scan3A_2568 : i32 to index
      %swap3A_4879 = arith.constant 704 : index
      %swap3A_4880 = tpu.vector_load %arg10[%swap3A_4877, %swap3A_4878, %swap3A_4879] {strides = array<i32>} : memref<4x8x768xf32, #tpu.memory_space<vmem>>, vector<1x1x16xf32>,
      %swap3A_4881 = vector.shape_cast %swap3A_4880 : vector<1x1x16xf32> to vector<16xf32>
      %swap3A_4882 = vector.shape_cast %get3A_4875 : vector<16xf32> to vector<1x1x16xf32>
      tpu.vector_store %arg10[%swap3A_4877, %swap3A_4878, %swap3A_4879], %swap3A_4882 {strides = array<i32>} : memref<4x8x768xf32, #tpu.memory_space<vmem>>, vector<1x1x16xf32>,
      %get3A_4883 = arith.constant 2 : i32
      %get3A_4884 = arith.index_cast %get3A_4883 : i32 to index
      %get3A_4885 = arith.index_cast %scan3A_2568 : i32 to index
      %get3A_4886 = arith.constant 704 : index
      %get3A_4887 = tpu.vector_load %arg8[%get3A_4884, %get3A_4885, %get3A_4886] {strides = array<i32>} : memref<4x8x768xf32, #tpu.memory_space<vmem>>, vector<1x1x16xf32>,
      %get3A_4888 = vector.shape_cast %get3A_4887 : vector<1x1x16xf32> to vector<16xf32>
      %swap3A_4889 = arith.constant 2 : i32
      %swap3A_4890 = arith.index_cast %swap3A_4889 : i32 to index
      %swap3A_4891 = arith.index_cast %scan3A_2568 : i32 to index
      %swap3A_4892 = arith.constant 704 : index
      %swap3A_4893 = tpu.vector_load %arg10[%swap3A_4890, %swap3A_4891, %swap3A_4892] {strides = array<i32>} : memref<4x8x768xf32, #tpu.memory_space<vmem>>, vector<1x1x16xf32>,
      %swap3A_4894 = vector.shape_cast %swap3A_4893 : vector<1x1x16xf32> to vector<16xf32>
      %swap3A_4895 = vector.shape_cast %get3A_4888 : vector<16xf32> to vector<1x1x16xf32>
      tpu.vector_store %arg10[%swap3A_4890, %swap3A_4891, %swap3A_4892], %swap3A_4895 {strides = array<i32>} : memref<4x8x768xf32, #tpu.memory_space<vmem>>, vector<1x1x16xf32>,
      %get3A_4896 = arith.constant 3 : i32
      %get3A_4897 = arith.index_cast %get3A_4896 : i32 to index
      %get3A_4898 = arith.index_cast %scan3A_2568 : i32 to index
      %get3A_4899 = arith.constant 704 : index
      %get3A_4900 = tpu.vector_load %arg8[%get3A_4897, %get3A_4898, %get3A_4899] {strides = array<i32>} : memref<4x8x768xf32, #tpu.memory_space<vmem>>, vector<1x1x16xf32>,
      %get3A_4901 = vector.shape_cast %get3A_4900 : vector<1x1x16xf32> to vector<16xf32>
      %swap3A_4902 = arith.constant 3 : i32
      %swap3A_4903 = arith.index_cast %swap3A_4902 : i32 to index
      %swap3A_4904 = arith.index_cast %scan3A_2568 : i32 to index
      %swap3A_4905 = arith.constant 704 : index
      %swap3A_4906 = tpu.vector_load %arg10[%swap3A_4903, %swap3A_4904, %swap3A_4905] {strides = array<i32>} : memref<4x8x768xf32, #tpu.memory_space<vmem>>, vector<1x1x16xf32>,
      %swap3A_4907 = vector.shape_cast %swap3A_4906 : vector<1x1x16xf32> to vector<16xf32>
      %swap3A_4908 = vector.shape_cast %get3A_4901 : vector<16xf32> to vector<1x1x16xf32>
      tpu.vector_store %arg10[%swap3A_4903, %swap3A_4904, %swap3A_4905], %swap3A_4908 {strides = array<i32>} : memref<4x8x768xf32, #tpu.memory_space<vmem>>, vector<1x1x16xf32>,
      %get3A_4909 = arith.constant 0 : i32
      %get3A_4910 = arith.index_cast %get3A_4909 : i32 to index
      %get3A_4911 = arith.index_cast %scan3A_2568 : i32 to index
      %get3A_4912 = arith.constant 720 : index
      %get3A_4913 = tpu.vector_load %arg8[%get3A_4910, %get3A_4911, %get3A_4912] {strides = array<i32>} : memref<4x8x768xf32, #tpu.memory_space<vmem>>, vector<1x1x16xf32>,
      %get3A_4914 = vector.shape_cast %get3A_4913 : vector<1x1x16xf32> to vector<16xf32>
      %swap3A_4915 = arith.constant 0 : i32
      %swap3A_4916 = arith.index_cast %swap3A_4915 : i32 to index
      %swap3A_4917 = arith.index_cast %scan3A_2568 : i32 to index
      %swap3A_4918 = arith.constant 720 : index
      %swap3A_4919 = tpu.vector_load %arg10[%swap3A_4916, %swap3A_4917, %swap3A_4918] {strides = array<i32>} : memref<4x8x768xf32, #tpu.memory_space<vmem>>, vector<1x1x16xf32>,
      %swap3A_4920 = vector.shape_cast %swap3A_4919 : vector<1x1x16xf32> to vector<16xf32>
      %swap3A_4921 = vector.shape_cast %get3A_4914 : vector<16xf32> to vector<1x1x16xf32>
      tpu.vector_store %arg10[%swap3A_4916, %swap3A_4917, %swap3A_4918], %swap3A_4921 {strides = array<i32>} : memref<4x8x768xf32, #tpu.memory_space<vmem>>, vector<1x1x16xf32>,
      %get3A_4922 = arith.constant 1 : i32
      %get3A_4923 = arith.index_cast %get3A_4922 : i32 to index
      %get3A_4924 = arith.index_cast %scan3A_2568 : i32 to index
      %get3A_4925 = arith.constant 720 : index
      %get3A_4926 = tpu.vector_load %arg8[%get3A_4923, %get3A_4924, %get3A_4925] {strides = array<i32>} : memref<4x8x768xf32, #tpu.memory_space<vmem>>, vector<1x1x16xf32>,
      %get3A_4927 = vector.shape_cast %get3A_4926 : vector<1x1x16xf32> to vector<16xf32>
      %swap3A_4928 = arith.constant 1 : i32
      %swap3A_4929 = arith.index_cast %swap3A_4928 : i32 to index
      %swap3A_4930 = arith.index_cast %scan3A_2568 : i32 to index
      %swap3A_4931 = arith.constant 720 : index
      %swap3A_4932 = tpu.vector_load %arg10[%swap3A_4929, %swap3A_4930, %swap3A_4931] {strides = array<i32>} : memref<4x8x768xf32, #tpu.memory_space<vmem>>, vector<1x1x16xf32>,
      %swap3A_4933 = vector.shape_cast %swap3A_4932 : vector<1x1x16xf32> to vector<16xf32>
      %swap3A_4934 = vector.shape_cast %get3A_4927 : vector<16xf32> to vector<1x1x16xf32>
      tpu.vector_store %arg10[%swap3A_4929, %swap3A_4930, %swap3A_4931], %swap3A_4934 {strides = array<i32>} : memref<4x8x768xf32, #tpu.memory_space<vmem>>, vector<1x1x16xf32>,
      %get3A_4935 = arith.constant 2 : i32
      %get3A_4936 = arith.index_cast %get3A_4935 : i32 to index
      %get3A_4937 = arith.index_cast %scan3A_2568 : i32 to index
      %get3A_4938 = arith.constant 720 : index
      %get3A_4939 = tpu.vector_load %arg8[%get3A_4936, %get3A_4937, %get3A_4938] {strides = array<i32>} : memref<4x8x768xf32, #tpu.memory_space<vmem>>, vector<1x1x16xf32>,
      %get3A_4940 = vector.shape_cast %get3A_4939 : vector<1x1x16xf32> to vector<16xf32>
      %swap3A_4941 = arith.constant 2 : i32
      %swap3A_4942 = arith.index_cast %swap3A_4941 : i32 to index
      %swap3A_4943 = arith.index_cast %scan3A_2568 : i32 to index
      %swap3A_4944 = arith.constant 720 : index
      %swap3A_4945 = tpu.vector_load %arg10[%swap3A_4942, %swap3A_4943, %swap3A_4944] {strides = array<i32>} : memref<4x8x768xf32, #tpu.memory_space<vmem>>, vector<1x1x16xf32>,
      %swap3A_4946 = vector.shape_cast %swap3A_4945 : vector<1x1x16xf32> to vector<16xf32>
      %swap3A_4947 = vector.shape_cast %get3A_4940 : vector<16xf32> to vector<1x1x16xf32>
      tpu.vector_store %arg10[%swap3A_4942, %swap3A_4943, %swap3A_4944], %swap3A_4947 {strides = array<i32>} : memref<4x8x768xf32, #tpu.memory_space<vmem>>, vector<1x1x16xf32>,
      %get3A_4948 = arith.constant 3 : i32
      %get3A_4949 = arith.index_cast %get3A_4948 : i32 to index
      %get3A_4950 = arith.index_cast %scan3A_2568 : i32 to index
      %get3A_4951 = arith.constant 720 : index
      %get3A_4952 = tpu.vector_load %arg8[%get3A_4949, %get3A_4950, %get3A_4951] {strides = array<i32>} : memref<4x8x768xf32, #tpu.memory_space<vmem>>, vector<1x1x16xf32>,
      %get3A_4953 = vector.shape_cast %get3A_4952 : vector<1x1x16xf32> to vector<16xf32>
      %swap3A_4954 = arith.constant 3 : i32
      %swap3A_4955 = arith.index_cast %swap3A_4954 : i32 to index
      %swap3A_4956 = arith.index_cast %scan3A_2568 : i32 to index
      %swap3A_4957 = arith.constant 720 : index
      %swap3A_4958 = tpu.vector_load %arg10[%swap3A_4955, %swap3A_4956, %swap3A_4957] {strides = array<i32>} : memref<4x8x768xf32, #tpu.memory_space<vmem>>, vector<1x1x16xf32>,
      %swap3A_4959 = vector.shape_cast %swap3A_4958 : vector<1x1x16xf32> to vector<16xf32>
      %swap3A_4960 = vector.shape_cast %get3A_4953 : vector<16xf32> to vector<1x1x16xf32>
      tpu.vector_store %arg10[%swap3A_4955, %swap3A_4956, %swap3A_4957], %swap3A_4960 {strides = array<i32>} : memref<4x8x768xf32, #tpu.memory_space<vmem>>, vector<1x1x16xf32>,
      %get3A_4961 = arith.constant 0 : i32
      %get3A_4962 = arith.index_cast %get3A_4961 : i32 to index
      %get3A_4963 = arith.index_cast %scan3A_2568 : i32 to index
      %get3A_4964 = arith.constant 736 : index
      %get3A_4965 = tpu.vector_load %arg8[%get3A_4962, %get3A_4963, %get3A_4964] {strides = array<i32>} : memref<4x8x768xf32, #tpu.memory_space<vmem>>, vector<1x1x16xf32>,
      %get3A_4966 = vector.shape_cast %get3A_4965 : vector<1x1x16xf32> to vector<16xf32>
      %swap3A_4967 = arith.constant 0 : i32
      %swap3A_4968 = arith.index_cast %swap3A_4967 : i32 to index
      %swap3A_4969 = arith.index_cast %scan3A_2568 : i32 to index
      %swap3A_4970 = arith.constant 736 : index
      %swap3A_4971 = tpu.vector_load %arg10[%swap3A_4968, %swap3A_4969, %swap3A_4970] {strides = array<i32>} : memref<4x8x768xf32, #tpu.memory_space<vmem>>, vector<1x1x16xf32>,
      %swap3A_4972 = vector.shape_cast %swap3A_4971 : vector<1x1x16xf32> to vector<16xf32>
      %swap3A_4973 = vector.shape_cast %get3A_4966 : vector<16xf32> to vector<1x1x16xf32>
      tpu.vector_store %arg10[%swap3A_4968, %swap3A_4969, %swap3A_4970], %swap3A_4973 {strides = array<i32>} : memref<4x8x768xf32, #tpu.memory_space<vmem>>, vector<1x1x16xf32>,
      %get3A_4974 = arith.constant 1 : i32
      %get3A_4975 = arith.index_cast %get3A_4974 : i32 to index
      %get3A_4976 = arith.index_cast %scan3A_2568 : i32 to index
      %get3A_4977 = arith.constant 736 : index
      %get3A_4978 = tpu.vector_load %arg8[%get3A_4975, %get3A_4976, %get3A_4977] {strides = array<i32>} : memref<4x8x768xf32, #tpu.memory_space<vmem>>, vector<1x1x16xf32>,
      %get3A_4979 = vector.shape_cast %get3A_4978 : vector<1x1x16xf32> to vector<16xf32>
      %swap3A_4980 = arith.constant 1 : i32
      %swap3A_4981 = arith.index_cast %swap3A_4980 : i32 to index
      %swap3A_4982 = arith.index_cast %scan3A_2568 : i32 to index
      %swap3A_4983 = arith.constant 736 : index
      %swap3A_4984 = tpu.vector_load %arg10[%swap3A_4981, %swap3A_4982, %swap3A_4983] {strides = array<i32>} : memref<4x8x768xf32, #tpu.memory_space<vmem>>, vector<1x1x16xf32>,
      %swap3A_4985 = vector.shape_cast %swap3A_4984 : vector<1x1x16xf32> to vector<16xf32>
      %swap3A_4986 = vector.shape_cast %get3A_4979 : vector<16xf32> to vector<1x1x16xf32>
      tpu.vector_store %arg10[%swap3A_4981, %swap3A_4982, %swap3A_4983], %swap3A_4986 {strides = array<i32>} : memref<4x8x768xf32, #tpu.memory_space<vmem>>, vector<1x1x16xf32>,
      %get3A_4987 = arith.constant 2 : i32
      %get3A_4988 = arith.index_cast %get3A_4987 : i32 to index
      %get3A_4989 = arith.index_cast %scan3A_2568 : i32 to index
      %get3A_4990 = arith.constant 736 : index
      %get3A_4991 = tpu.vector_load %arg8[%get3A_4988, %get3A_4989, %get3A_4990] {strides = array<i32>} : memref<4x8x768xf32, #tpu.memory_space<vmem>>, vector<1x1x16xf32>,
      %get3A_4992 = vector.shape_cast %get3A_4991 : vector<1x1x16xf32> to vector<16xf32>
      %swap3A_4993 = arith.constant 2 : i32
      %swap3A_4994 = arith.index_cast %swap3A_4993 : i32 to index
      %swap3A_4995 = arith.index_cast %scan3A_2568 : i32 to index
      %swap3A_4996 = arith.constant 736 : index
      %swap3A_4997 = tpu.vector_load %arg10[%swap3A_4994, %swap3A_4995, %swap3A_4996] {strides = array<i32>} : memref<4x8x768xf32, #tpu.memory_space<vmem>>, vector<1x1x16xf32>,
      %swap3A_4998 = vector.shape_cast %swap3A_4997 : vector<1x1x16xf32> to vector<16xf32>
      %swap3A_4999 = vector.shape_cast %get3A_4992 : vector<16xf32> to vector<1x1x16xf32>
      tpu.vector_store %arg10[%swap3A_4994, %swap3A_4995, %swap3A_4996], %swap3A_4999 {strides = array<i32>} : memref<4x8x768xf32, #tpu.memory_space<vmem>>, vector<1x1x16xf32>,
      %get3A_5000 = arith.constant 3 : i32
      %get3A_5001 = arith.index_cast %get3A_5000 : i32 to index
      %get3A_5002 = arith.index_cast %scan3A_2568 : i32 to index
      %get3A_5003 = arith.constant 736 : index
      %get3A_5004 = tpu.vector_load %arg8[%get3A_5001, %get3A_5002, %get3A_5003] {strides = array<i32>} : memref<4x8x768xf32, #tpu.memory_space<vmem>>, vector<1x1x16xf32>,
      %get3A_5005 = vector.shape_cast %get3A_5004 : vector<1x1x16xf32> to vector<16xf32>
      %swap3A_5006 = arith.constant 3 : i32
      %swap3A_5007 = arith.index_cast %swap3A_5006 : i32 to index
      %swap3A_5008 = arith.index_cast %scan3A_2568 : i32 to index
      %swap3A_5009 = arith.constant 736 : index
      %swap3A_5010 = tpu.vector_load %arg10[%swap3A_5007, %swap3A_5008, %swap3A_5009] {strides = array<i32>} : memref<4x8x768xf32, #tpu.memory_space<vmem>>, vector<1x1x16xf32>,
      %swap3A_5011 = vector.shape_cast %swap3A_5010 : vector<1x1x16xf32> to vector<16xf32>
      %swap3A_5012 = vector.shape_cast %get3A_5005 : vector<16xf32> to vector<1x1x16xf32>
      tpu.vector_store %arg10[%swap3A_5007, %swap3A_5008, %swap3A_5009], %swap3A_5012 {strides = array<i32>} : memref<4x8x768xf32, #tpu.memory_space<vmem>>, vector<1x1x16xf32>,
      %get3A_5013 = arith.constant 0 : i32
      %get3A_5014 = arith.index_cast %get3A_5013 : i32 to index
      %get3A_5015 = arith.index_cast %scan3A_2568 : i32 to index
      %get3A_5016 = arith.constant 752 : index
      %get3A_5017 = tpu.vector_load %arg8[%get3A_5014, %get3A_5015, %get3A_5016] {strides = array<i32>} : memref<4x8x768xf32, #tpu.memory_space<vmem>>, vector<1x1x16xf32>,
      %get3A_5018 = vector.shape_cast %get3A_5017 : vector<1x1x16xf32> to vector<16xf32>
      %swap3A_5019 = arith.constant 0 : i32
      %swap3A_5020 = arith.index_cast %swap3A_5019 : i32 to index
      %swap3A_5021 = arith.index_cast %scan3A_2568 : i32 to index
      %swap3A_5022 = arith.constant 752 : index
      %swap3A_5023 = tpu.vector_load %arg10[%swap3A_5020, %swap3A_5021, %swap3A_5022] {strides = array<i32>} : memref<4x8x768xf32, #tpu.memory_space<vmem>>, vector<1x1x16xf32>,
      %swap3A_5024 = vector.shape_cast %swap3A_5023 : vector<1x1x16xf32> to vector<16xf32>
      %swap3A_5025 = vector.shape_cast %get3A_5018 : vector<16xf32> to vector<1x1x16xf32>
      tpu.vector_store %arg10[%swap3A_5020, %swap3A_5021, %swap3A_5022], %swap3A_5025 {strides = array<i32>} : memref<4x8x768xf32, #tpu.memory_space<vmem>>, vector<1x1x16xf32>,
      %get3A_5026 = arith.constant 1 : i32
      %get3A_5027 = arith.index_cast %get3A_5026 : i32 to index
      %get3A_5028 = arith.index_cast %scan3A_2568 : i32 to index
      %get3A_5029 = arith.constant 752 : index
      %get3A_5030 = tpu.vector_load %arg8[%get3A_5027, %get3A_5028, %get3A_5029] {strides = array<i32>} : memref<4x8x768xf32, #tpu.memory_space<vmem>>, vector<1x1x16xf32>,
      %get3A_5031 = vector.shape_cast %get3A_5030 : vector<1x1x16xf32> to vector<16xf32>
      %swap3A_5032 = arith.constant 1 : i32
      %swap3A_5033 = arith.index_cast %swap3A_5032 : i32 to index
      %swap3A_5034 = arith.index_cast %scan3A_2568 : i32 to index
      %swap3A_5035 = arith.constant 752 : index
      %swap3A_5036 = tpu.vector_load %arg10[%swap3A_5033, %swap3A_5034, %swap3A_5035] {strides = array<i32>} : memref<4x8x768xf32, #tpu.memory_space<vmem>>, vector<1x1x16xf32>,
      %swap3A_5037 = vector.shape_cast %swap3A_5036 : vector<1x1x16xf32> to vector<16xf32>
      %swap3A_5038 = vector.shape_cast %get3A_5031 : vector<16xf32> to vector<1x1x16xf32>
      tpu.vector_store %arg10[%swap3A_5033, %swap3A_5034, %swap3A_5035], %swap3A_5038 {strides = array<i32>} : memref<4x8x768xf32, #tpu.memory_space<vmem>>, vector<1x1x16xf32>,
      %get3A_5039 = arith.constant 2 : i32
      %get3A_5040 = arith.index_cast %get3A_5039 : i32 to index
      %get3A_5041 = arith.index_cast %scan3A_2568 : i32 to index
      %get3A_5042 = arith.constant 752 : index
      %get3A_5043 = tpu.vector_load %arg8[%get3A_5040, %get3A_5041, %get3A_5042] {strides = array<i32>} : memref<4x8x768xf32, #tpu.memory_space<vmem>>, vector<1x1x16xf32>,
      %get3A_5044 = vector.shape_cast %get3A_5043 : vector<1x1x16xf32> to vector<16xf32>
      %swap3A_5045 = arith.constant 2 : i32
      %swap3A_5046 = arith.index_cast %swap3A_5045 : i32 to index
      %swap3A_5047 = arith.index_cast %scan3A_2568 : i32 to index
      %swap3A_5048 = arith.constant 752 : index
      %swap3A_5049 = tpu.vector_load %arg10[%swap3A_5046, %swap3A_5047, %swap3A_5048] {strides = array<i32>} : memref<4x8x768xf32, #tpu.memory_space<vmem>>, vector<1x1x16xf32>,
      %swap3A_5050 = vector.shape_cast %swap3A_5049 : vector<1x1x16xf32> to vector<16xf32>
      %swap3A_5051 = vector.shape_cast %get3A_5044 : vector<16xf32> to vector<1x1x16xf32>
      tpu.vector_store %arg10[%swap3A_5046, %swap3A_5047, %swap3A_5048], %swap3A_5051 {strides = array<i32>} : memref<4x8x768xf32, #tpu.memory_space<vmem>>, vector<1x1x16xf32>,
      %get3A_5052 = arith.constant 3 : i32
      %get3A_5053 = arith.index_cast %get3A_5052 : i32 to index
      %get3A_5054 = arith.index_cast %scan3A_2568 : i32 to index
      %get3A_5055 = arith.constant 752 : index
      %get3A_5056 = tpu.vector_load %arg8[%get3A_5053, %get3A_5054, %get3A_5055] {strides = array<i32>} : memref<4x8x768xf32, #tpu.memory_space<vmem>>, vector<1x1x16xf32>,
      %get3A_5057 = vector.shape_cast %get3A_5056 : vector<1x1x16xf32> to vector<16xf32>
      %swap3A_5058 = arith.constant 3 : i32
      %swap3A_5059 = arith.index_cast %swap3A_5058 : i32 to index
      %swap3A_5060 = arith.index_cast %scan3A_2568 : i32 to index
      %swap3A_5061 = arith.constant 752 : index
      %swap3A_5062 = tpu.vector_load %arg10[%swap3A_5059, %swap3A_5060, %swap3A_5061] {strides = array<i32>} : memref<4x8x768xf32, #tpu.memory_space<vmem>>, vector<1x1x16xf32>,
      %swap3A_5063 = vector.shape_cast %swap3A_5062 : vector<1x1x16xf32> to vector<16xf32>
      %swap3A_5064 = vector.shape_cast %get3A_5057 : vector<16xf32> to vector<1x1x16xf32>
      tpu.vector_store %arg10[%swap3A_5059, %swap3A_5060, %swap3A_5061], %swap3A_5064 {strides = array<i32>} : memref<4x8x768xf32, #tpu.memory_space<vmem>>, vector<1x1x16xf32>,
      %scan3A_5065 = arith.constant 1 : i32
      %mul3A_5066 = arith.constant 8 : i32
      %mul3A_5067 = arith.muli %add3A_2555, %mul3A_5066 : i32
      %dma_start3A_5068 = arith.constant 0 : i32
      %dma_start3A_5069 = tpu.memref_slice %arg4[%mul3A_2, %mul3A_5067, %dma_start3A_5068] : memref<128x576x768xf32, #tpu.memory_space<hbm>> -> memref<4x8x768xf32, #tpu.memory_space<hbm>>
      %dma_start3A_5070 = arith.constant 0 : i32
      %dma_start3A_5071 = tpu.memref_slice %arg4[%mul3A_2, %mul3A_5067, %dma_start3A_5070] : memref<128x576x768xf32, #tpu.memory_space<hbm>> -> memref<4x8x768xf32, #tpu.memory_space<hbm>>
      tpu.enqueue_dma source(%arg10 : memref<4x8x768xf32, #tpu.memory_space<vmem>>) target(%dma_start3A_5071 : memref<4x8x768xf32, #tpu.memory_space<hbm>>) target_semaphore(%arg16 : memref<!tpu.dma_semaphore, #tpu.memory_space<semaphore_mem>>)
      %add3A_5072 = arith.constant 2 : i32
      %add3A_5073 = arith.addi %add3A_2555, %add3A_5072 : i32
      %lt3A_5074 = arith.constant 72 : i32
      %lt3A_5075 = arith.cmpi slt, %add3A_5073, %lt3A_5074 : i32
      %convert_element_type3A_5076 = arith.extui %lt3A_5075 : i1 to i32
      %cond3A_5077 = arith.constant 0 : i32
      %cond3A_5078 = arith.cmpi ne, %convert_element_type3A_5076, %cond3A_5077 : i32
      scf.if %cond3A_5078 {
        %add3A_5079 = arith.constant 2 : i32
        %add3A_5080 = arith.addi %add3A_2555, %add3A_5079 : i32
        %mul3A_5081 = arith.constant 8 : i32
        %mul3A_5082 = arith.muli %add3A_5080, %mul3A_5081 : i32
        %dma_start3A_5083 = arith.constant 0 : i32
        %dma_start3A_5084 = tpu.memref_slice %arg2[%mul3A_2, %mul3A_5082, %dma_start3A_5083] : memref<128x576x768xf32, #tpu.memory_space<hbm>> -> memref<4x8x768xf32, #tpu.memory_space<hbm>>
        %dma_start3A_5085 = arith.constant 0 : i32
        %dma_start3A_5086 = tpu.memref_slice %arg2[%mul3A_2, %mul3A_5082, %dma_start3A_5085] : memref<128x576x768xf32, #tpu.memory_space<hbm>> -> memref<4x8x768xf32, #tpu.memory_space<hbm>>
        tpu.enqueue_dma source(%dma_start3A_5086 : memref<4x8x768xf32, #tpu.memory_space<hbm>>) target(%arg8 : memref<4x8x768xf32, #tpu.memory_space<vmem>>) target_semaphore(%arg14 : memref<!tpu.dma_semaphore, #tpu.memory_space<semaphore_mem>>)
      } else {
      }
    }
    %scan3A_18 = arith.constant 36 : i32
    %dma_wait3A = arith.constant 560 : i32
    %dma_wait3A_19 = arith.constant 0 : i32
    %dma_wait3A_20 = tpu.memref_slice %arg4[%mul3A_2, %dma_wait3A, %dma_wait3A_19] : memref<128x576x768xf32, #tpu.memory_space<hbm>> -> memref<4x8x768xf32, #tpu.memory_space<hbm>>
    %dma_wait3A_21 = arith.constant 560 : i32
    %dma_wait3A_22 = arith.constant 0 : i32
    %dma_wait3A_23 = tpu.memref_slice %arg4[%mul3A_2, %dma_wait3A_21, %dma_wait3A_22] : memref<128x576x768xf32, #tpu.memory_space<hbm>> -> memref<4x8x768xf32, #tpu.memory_space<hbm>>
    tpu.wait_dma2 semaphore(%arg15 : memref<!tpu.dma_semaphore, #tpu.memory_space<semaphore_mem>>) src(%arg9 : memref<4x8x768xf32, #tpu.memory_space<vmem>>) dst(%dma_wait3A_23 : memref<4x8x768xf32, #tpu.memory_space<hbm>>)
    %dma_wait3A_24 = arith.constant 568 : i32
    %dma_wait3A_25 = arith.constant 0 : i32
    %dma_wait3A_26 = tpu.memref_slice %arg4[%mul3A_2, %dma_wait3A_24, %dma_wait3A_25] : memref<128x576x768xf32, #tpu.memory_space<hbm>> -> memref<4x8x768xf32, #tpu.memory_space<hbm>>
    %dma_wait3A_27 = arith.constant 568 : i32
    %dma_wait3A_28 = arith.constant 0 : i32
    %dma_wait3A_29 = tpu.memref_slice %arg4[%mul3A_2, %dma_wait3A_27, %dma_wait3A_28] : memref<128x576x768xf32, #tpu.memory_space<hbm>> -> memref<4x8x768xf32, #tpu.memory_space<hbm>>
    tpu.wait_dma2 semaphore(%arg16 : memref<!tpu.dma_semaphore, #tpu.memory_space<semaphore_mem>>) src(%arg10 : memref<4x8x768xf32, #tpu.memory_space<vmem>>) dst(%dma_wait3A_29 : memref<4x8x768xf32, #tpu.memory_space<hbm>>)
    return
  }
}

</mosaic_0001>

<sc_bundles>
// kernel: kernel.3.cloned.1.call-start
scs
__scs_entry_jumppad:
0x0: {  	(pc) =	sbr.rel $0x88, $3  }
0x1: {  	(tag) =	ssettag $0x0;
	lr =	simm.s32 $0x1  }
0x2: {  	[smem:$0x3F9F] =	sst lr;
	_ =	strace $0xD0000000  }
0x3: {  	_ = 	snop  }
0x4: {  	_ = 	snop  }
0x5: {  	_ = 	snop  }
0x6: {  	_ = 	snop  }
0x7: {  	_ = 	snop  }
__scs_overlays_trampoline_lowered:
0x8: {  	[smem:$0x3FAE] =	sst s0  }
0x9: {  	[smem:$0x3FAF] =	sst s1  }
0xa: {  	[smem:$0x3FB0] =	sst s2  }
0xb: {  	[smem:$0x3FB1] =	sst s3  }
0xc: {  	[smem:$0x3FB2] =	sst s4  }
0xd: {  	[smem:$0x3FB3] =	sst s5  }
0xe: {  	[smem:$0x3FB4] =	sst s6  }
0xf: {  	[smem:$0x3FB5] =	sst s7  }
0x10: {  	[smem:$0x3FB6] =	sst s8  }
0x11: {  	[smem:$0x3FB7] =	sst s9;
	s0 =	simm.s32 @!p0 $0x0  }
0x12: {  	s1 =	sld [smem:$0x3F9D];
	s0 =	simm.s32 @p0 $0x1  }
0x13: {  	[smem:$0x3FB8] =	sst s0;
	s0 =	simm.s32 @!p1 $0x0  }
0x14: {  	s2 =	sld [smem:$0x3F9C];
	s0 =	simm.s32 @p1 $0x1  }
0x15: {  	[smem:$0x3FB9] =	sst s0;
	s0 =	simm.s32 @!p2 $0x0  }
0x16: {  	s3 =	sld [smem:$0x3FDB];
	s0 =	simm.s32 @p2 $0x1  }
0x17: {  	s4 =	simm.s32 $0x1BF5;
	[smem:$0x3FBB] =	sst s0  }
0x18: {  	s0 =	sld [smem:$0x3F9E];
	_ =	swait.ge [sflag:s4], $0x0  }
0x19: {  	s7 =	sld [smem:$0x3F9F]  }
0x1a: {  	s8 =	sadd.s32 $0xFFFFE003, lr  }
0x1b: {  	s9 =	sadd.s32 $0xFFFFFEF7, lr;
	s5 =	simm.s32 $0xFFFFFFFF;
	p2 =	slt.u32 s8, $0xFFFFF086  }
0x1c: {  	p1 =	slt.u32 s9, $0xF7A;
	s5 =	simm.s32 @!p2 $0x0  }
0x1d: {  	s5 =	simm.s32 @p1 $0x1;
	p0 =	seq.s32 s7, s2  }
0x1e: {  	s7 =	smul.u32 @!p0 $0xF7A, s2;
	p2 =	seq.s32 @!p0 s5, $0x0  }
0x1f: {  	s9 =	smul.u32 $0xF7A, s1;
	s8 =	simm.s32 @!p0 $0x1BF5;
	p2 =	por !p2, p0  }
0x20: {  	[sflag:s8] =	ssyncset.s32 @!p0 $0xFFFFF086;
	s6 =	sadd.s32 @!p0 s3, s7;
	s7 =	simm.s32 @!p0 $0x108  }
0x21: {  	s3 =	sadd.s32 s3, s9;
	s6 =	sadd.s32 @!p0 $0x88, s6;
	s7 =	simm.s32 @p2 $0x1082  }
0x22: {  	[simem:s7], [sflag:s8] =	dma.local @!p0 [hbm:s6], $0xF7A  }
0x23: {  	s9 =	sor.u32 $0xD0000000, s2;
	s6 =	simm.s32 $0x108;
	_ =	swait.ge @!p0 [sflag:s8], $0x0  }
0x24: {  	s3 =	sadd.s32 $0x88, s3;
	s6 =	simm.s32 @!p1 $0x1082;
	[sflag:s4] =	ssyncset.s32 $0xFFFFF086  }
0x25: {  	[simem:s6], [sflag:s4] =	dma.local [hbm:s3], $0xF7A  }
0x26: {  	[smem:$0x3F9F] =	sst s1;
	(tag) =	ssettag s2;
	_ =	strace s9  }
0x27: {  	s1 =	sld [smem:$0x3FAF]  }
0x28: {  	s2 =	sld [smem:$0x3FB0]  }
0x29: {  	s4 =	sld [smem:$0x3FB2]  }
0x2a: {  	p0 =	seq.s32 s5, $0x0;
	s5 =	sld [smem:$0x3FB3]  }
0x2b: {  	s6 =	sld [smem:$0x3FB4]  }
0x2c: {  	s7 =	sld [smem:$0x3FB5]  }
0x2d: {  	s3 =	simm.s32 $0x108;
	s8 =	sld [smem:$0x3FB6]  }
0x2e: {  	s3 =	simm.s32 @!p0 $0x1082;
	s9 =	sld [smem:$0x3FB7]  }
0x2f: {  	lr =	sadd.s32 s0, s3;
	s0 =	sld [smem:$0x3FAE]  }
0x30: {  	s3 =	sld [smem:$0x3FB1]  }
0x31: {  	[smem:$0x3FBA] =	sst s10  }
0x32: {  	s10 =	sld [smem:$0x3FB8];
	_ =	sdelay $0x3  }
0x33: {  	p0 =	seq.s32 s10, $0x1;
	s10 =	sld [smem:$0x3FBA];
	_ =	sdelay $0x3  }
0x34: {  	[smem:$0x3FBA] =	sst s10  }
0x35: {  	s10 =	sld [smem:$0x3FB9];
	_ =	sdelay $0x3  }
0x36: {  	p1 =	seq.s32 s10, $0x1;
	s10 =	sld [smem:$0x3FBA];
	_ =	sdelay $0x3  }
0x37: {  	[smem:$0x3FBA] =	sst s10  }
0x38: {  	s10 =	sld [smem:$0x3FBB]  }
0x39: {  	_ = 	snop;
	(pc) =	sbr.ind lr, $3  }
0x3a: {  	_ = 	snop  }
0x3b: {  	_ = 	snop  }
0x3c: {  	p2 =	seq.s32 s10, $0x1;
	s10 =	sld [smem:$0x3FBA]  }
0x3d: {  	_ =	shalt  }
0x3e: {  	_ =	shalt  }
0x3f: {  	_ =	shalt  }
0x40: {  	_ =	shalt  }
0x41: {  	_ =	shalt  }
0x42: {  	_ =	shalt  }
0x43: {  	_ =	shalt  }
0x44: {  	_ =	shalt  }
0x45: {  	_ =	shalt  }
0x46: {  	_ =	shalt  }
0x47: {  	_ =	shalt  }
0x48: {  	_ =	shalt  }
0x49: {  	_ =	shalt  }
0x4a: {  	_ =	shalt  }
0x4b: {  	_ =	shalt  }
0x4c: {  	_ =	shalt  }
0x4d: {  	_ =	shalt  }
0x4e: {  	_ =	shalt  }
0x4f: {  	_ =	shalt  }
0x50: {  	_ =	shalt  }
0x51: {  	_ =	shalt  }
0x52: {  	_ =	shalt  }
0x53: {  	_ =	shalt  }
0x54: {  	_ =	shalt  }
0x55: {  	_ =	shalt  }
0x56: {  	_ =	shalt  }
0x57: {  	_ =	shalt  }
0x58: {  	_ =	shalt  }
0x59: {  	_ =	shalt  }
0x5a: {  	_ =	shalt  }
0x5b: {  	_ =	shalt  }
0x5c: {  	_ =	shalt  }
0x5d: {  	_ =	shalt  }
0x5e: {  	_ =	shalt  }
0x5f: {  	_ =	shalt  }
0x60: {  	_ =	shalt  }
0x61: {  	_ =	shalt  }
0x62: {  	_ =	shalt  }
0x63: {  	_ =	shalt  }
0x64: {  	_ =	shalt  }
0x65: {  	_ =	shalt  }
0x66: {  	_ =	shalt  }
0x67: {  	_ =	shalt  }
0x68: {  	_ =	shalt  }
0x69: {  	_ =	shalt  }
0x6a: {  	_ =	shalt  }
0x6b: {  	_ =	shalt  }
0x6c: {  	_ =	shalt  }
0x6d: {  	_ =	shalt  }
0x6e: {  	_ =	shalt  }
0x6f: {  	_ =	shalt  }
0x70: {  	_ =	shalt  }
0x71: {  	_ =	shalt  }
0x72: {  	_ =	shalt  }
0x73: {  	_ =	shalt  }
0x74: {  	_ =	shalt  }
0x75: {  	_ =	shalt  }
0x76: {  	_ =	shalt  }
0x77: {  	_ =	shalt  }
0x78: {  	_ =	shalt  }
0x79: {  	_ =	shalt  }
0x7a: {  	_ =	shalt  }
0x7b: {  	_ =	shalt  }
0x7c: {  	_ =	shalt  }
0x7d: {  	_ =	shalt  }
0x7e: {  	_ =	shalt  }
0x7f: {  	_ =	shalt  }
0x80: {  	_ =	shalt  }
0x81: {  	_ =	shalt  }
0x82: {  	_ =	shalt  }
0x83: {  	_ =	shalt  }
0x84: {  	_ =	shalt  }
0x85: {  	_ =	shalt  }
0x86: {  	_ =	shalt  }
0x87: {  	_ =	shalt  }
.Lfunc_end0:
.L_simem_size_0:
called_computation_lowered:
.L_overlay_start_0:
0x88: {  	s2 =	sld [smem:$0x3FD9]  }
0x89: {  	s3 =	sld [smem:$0x3FFE];
	_ =	sdelay $0x1  }
0x8a: {  	s1 =	srdreg.scid  }
0x8b: {  	s0 =	sand.u32 $0x1, s1  }
0x8c: {  	s18 =	sshll.u32 s0, $0xA;
	s2 =	sadd.s32 s3, s2  }
0x8d: {  	s2 =	sadd.s32 s2, s18  }
0x8e: {  	[smem:$0x3FC6] =	sst s2  }
0x8f: {  	_ = 	snop  }
0x90: {  	s2 =	sld [smem:$0x3FC9]  }
0x91: {  	s19 =	sld [smem:$0x3FD0];
	(tm) =	ssettm $0x1  }
0x92: {  	s4 =	sld [smem:$0x3FFB];
	_ =	sdelay $0x3  }
0x93: {  	_ =	strace s4  }
0x94: {  	s4 =	sld [smem:$0x3FFC];
	_ =	sdelay $0x3  }
0x95: {  	_ =	strace s4  }
0x96: {  	s4 =	sld [smem:$0x3FFD];
	_ =	sdelay $0x3  }
0x97: {  	_ =	strace s4  }
0x98: {  	_ =	strace $0x8FFFFFFF  }
0x99: {  	s20 =	sld [smem:$0x3FDB];
	_ =	sdelay $0x1  }
0x9a: {  	s5 =	simm.s32 $_scs_section_size  }
0x9b: {  	s6 =	simm.s32 $_size__tile_overlayer_lowered;
	s7 =	simm.s32 $_tile_overlayer_lowered  }
0x9c: {  	s23 =	simm.s32 $0x1BFF;
	s22 =	sshll.u32 s7, $0x1;
	s4 =	sadd.s32 s5, s20  }
0x9d: {  	s8 =	simm.s32 $0x0;
	s21 =	sshll.u32 s6, $0x1;
	s6 =	sadd.s32 s22, s4  }
0x9e: {  	[timem:s8], [sflag:s23] =	dma.local [hbm:s6], s21  }
0x9f: {  	_ =	swait.ge [sflag:s23], s21  }
0xa0: {  	s5 =	ssub.s32 $0x0, s21;
	[sflag:s23] =	ssyncset.done $0x0  }
0xa1: {  	[sflag:s23] =	ssyncadd.s32 s5;
	_ =	sdelay $0x1  }
0xa2: {  	s24 =	simm.s32 $0x1B8B  }
0xa3: {  	_ =	swait.ge [sflag:s24], $0x1  }
0xa4: {  	[sflag:s24] =	ssyncset.done $0x0  }
0xa5: {  	s25 =	simm.s32 $0x1B8E;
	[sflag:s24] =	ssyncadd.s32 $0xFFFFFFFF  }
0xa6: {  	s26 =	simm.s32 $execute0_lowered;
	[smem:$0x3FD2] =	sst s25  }
0xa7: {  	s5 =	sshll.u32 s26, $0x1;
	_ =	strace $0x80000046;
	[dreg:$0x1] =	wrdreg $0xFFFFFFFF  }
0xa8: {  	s28 =	simm.s32 $_size_execute0_lowered;
	s4 =	sadd.s32 s4, s5;
	[dreg:$0x0] =	wrdreg $0x0  }
0xa9: {  	s5 =	sshll.u32 s28, $0x1;
	[dreg:$0x2] =	wrdreg s4  }
0xaa: {  	[dreg:$0x3] =	wrdreg s5  }
0xab: {  	[dreg:$0x4] =	wrdreg $0xC0  }
0xac: {  	_ =	task [dreg:s8], $0x5FFFF  }
0xad: {  	[dreg:$0x1] =	wrdreg $0xFFFFFFFF  }
0xae: {  	[dreg:$0x0] =	wrdreg $0x60  }
0xaf: {  	[dreg:$0x2] =	wrdreg s2  }
0xb0: {  	[dreg:$0x3] =	wrdreg s19  }
0xb1: {  	[dreg:$0x4] =	wrdreg $0x9  }
0xb2: {  	_ =	task.clear_ibuf [dreg:s8], $0x5FFFF;
	_ =	strace $0x90000046  }
0xb3: {  	s29 =	simm.s32 $0x9;
	_ =	strace $0x80000048  }
0xb4: {  	_ =	swait.ge [sflag:s29], $0x1  }
0xb5: {  	[sflag:s29] =	ssyncadd.s32 $0xFFFFFFFF  }
0xb6: {  	_ =	strace $0x90000048  }
0xb7: {  	_ =	sfence  }
0xb8: {  	s30 =	sld [smem:$0x0];
	_ =	sdelay $0x2  }
0xb9: {  	s31 =	sshll.u32 s1, $0xD;
	s1 =	sshrl.u32 s1, $0x2  }
0xba: {  	s3 =	sand.u32 $0x4000, s31;
	s1 =	sadd.s32 s1, s30  }
0xbb: {  	s0 =	sor.u32 s3, s0;
	s1 =	sshll.u32 s1, $0x11  }
0xbc: {  	s0 =	sor.u32 s1, s0  }
0xbd: {  	s0 =	sadd.s32 $0x8F2B, s0  }
0xbe: {  	[sflag:s0] =	ssyncadd.remote.s32 $0x1  }
0xbf: {  	_ =	sfence.sel $0xFFFF  }
0xc0: {  	[dreg:$0x0] =	wrdreg $0xFFFFFFFF;
	(pc) =	sbr.abs _section_cstart, $3  }
0xc1: {  	[dreg:$0x1] =	wrdreg $0xFFFFFFFF  }
0xc2: {  	_ =	task.clear_ibuf [dreg:s8], $0x2FFFF;
	_ =	strace $0x9FFFFFFF  }
0xc3: {  	(tm) =	ssettm $0x7FFFFFFF  }
tec
execute0_lowered:
.L_overlay_start_1:
0x0: {  	(tag) =	ssettag $0x1  }
0x1: {  	s1 =	srdreg.scid  }
0x2: {  	s0 =	stileid.u32;
	s8 =	rddreg [dreg:$0x0]  }
0x3: {  	s9 =	rddreg [dreg:$0x1];
	s12 =	simm.s32 $0x6000;
	s13 =	simm.s32 $0x1  }
0x4: {  	s14 =	simm.s32 $0xC000;
	s15 =	simm.s32 $0x2;
	s16 =	simm.s32 $0x4  }
0x5: {  	s17 =	simm.s32 $0x12000;
	s18 =	simm.s32 $0x3;
	s3 =	sand.u32 $0x1, s1  }
0x6: {  	s26 =	sshll.u32 s0, $0x3;
	s5 =	smul.u32 $0x360000, s0;
	s2 =	sshll.u32 s3, $0x2  }
0x7: {  	s6 =	smul.u32 $0x1B0000, s3;
	s7 =	ssub.s32 $0x2, s3;
	s1 =	sor.u32 s2, s26  }
0x8: {  	s2 =	simm.s32 $0x0;
	s4 =	smul.u32 $0x6C000, s1;
	s1 =	rddreg [dreg:$0x2]  }
0x9: {  	s19 =	simm.s32 $0x0;
	s29 =	sshrl.u32 s7, $0x1;
	[smem:$0x7FF] =	sst s2  }
0xa: {  	s10 =	sadd.s32 s6, s5;
	s30 =	ssub.s32 s7, s29;
	_ =	strace $0x80000047  }
0xb: {  	s6 =	sor.u32 $0x4800, s10;
	s5 =	smax.u32 s30, $0x1;
	s31 =	sor.u32 $0x1800, s10  }
.Ltmp0:
0xc: {  	s11 =	sor.u32 $0x3000, s10;
	s10 =	sshrl.u32 s10, $0x3;
	(pc) =	sbr.rel .LBB2_1-.Ltmp0, $4  }
0xd: {  	s28 =	sshrl.u32 s4, $0x3;
	s6 =	sshrl.u32 s6, $0x3;
	s7 =	sshrl.u32 s31, $0x3  }
0xe: {  	s11 =	sshrl.u32 s11, $0x3;
	s3 =	sadd.s32 s8, s28;
	s6 =	sadd.s32 s6, s8  }
0xf: {  	s7 =	sadd.s32 s7, s9;
	s8 =	sadd.s32 s11, s8;
	s9 =	sadd.s32 s10, s9  }
0x10: {  	s10 =	simm.s32 $0x1800;
	s11 =	simm.s32 $0x6C000;
	s4 =	sadd.s32 $0x300, s3  }
.LBB2_8:
0x11: {  	s19 =	sadd.s32 $0x1, s19  }
0x12: {  	_ =	swait.ge [sflag:s18], $0x6000;
	p0 =	sne.s32 s19, s5  }
.Ltmp1:
0x13: {  	[sflag:s18] =	ssyncset.done $0x0;
	(pc) =	sbr.rel @!p0 .LBB2_9-.Ltmp1, $4  }
0x14: {  	[sflag:s18] =	ssyncadd.s32 $0xFFFFA000  }
0x15: {  	_ =	swait.ge [sflag:s16], $0x6000  }
0x16: {  	[sflag:s16] =	ssyncset.done $0x0  }
0x17: {  	[sflag:s16] =	ssyncadd.s32 $0xFFFFA000  }
.LBB2_1:
0x18: {  	[tilespmem:s2], [sflag:$0x1] =	stream.strided.gather [hbm4b:s3+s10], $0x6000, s11, s10, $0x38;
	[tilespmem:$0x18000] =	vst v63  }
0x19: {  	s20 =	simm.s32 $0x0  }
0x1a: {  	[tilespmem:s12], [sflag:$0x2] =	stream.strided.gather [hbm4b:s4+s10], $0x6000, s11, s10, $0x38;
	[tilespmem:$0x18000] =	vst v63  }
.LBB2_2:
0x1b: {  	_ =	swait.ge [sflag:s13], $0x6000  }
0x1c: {  	p0 =	seq.s32 s20, $0x0;
	[sflag:s13] =	ssyncset.done $0x0  }
0x1d: {  	s21 =	simm.s32 @!p0 $0x3;
	[sflag:s13] =	ssyncadd.s32 $0xFFFFA000  }
0x1e: {  	_ =	swait.ge @!p0 [sflag:s21], $0x6000  }
0x1f: {  	[sflag:s21] =	ssyncset.done @!p0 $0x0  }
0x20: {  	[sflag:s21] =	ssyncadd.s32 @!p0 $0xFFFFA000  }
0x21: {  	v0 =	vld [tilespmem:$0x0]  }
0x22: {  	v1 =	vld [tilespmem:$0x1800]  }
0x23: {  	v2 =	vld [tilespmem:$0x3000]  }
0x24: {  	v3 =	vld [tilespmem:$0x4800]  }
0x25: {  	v4 =	vld [tilespmem:$0x10]  }
0x26: {  	v45 =	vld [tilespmem:$0x1810];
	[tilespmem:$0xC000] =	vst v0  }
0x27: {  	v46 =	vld [tilespmem:$0x3010];
	[tilespmem:$0xD800] =	vst v1  }
0x28: {  	v47 =	vld [tilespmem:$0x4810];
	[tilespmem:$0xF000] =	vst v2  }
0x29: {  	v48 =	vld [tilespmem:$0x20];
	[tilespmem:$0x10800] =	vst v3  }
0x2a: {  	v49 =	vld [tilespmem:$0x1820];
	[tilespmem:$0xC010] =	vst v4  }
0x2b: {  	v50 =	vld [tilespmem:$0x3020];
	[tilespmem:$0xD810] =	vst v45  }
0x2c: {  	v51 =	vld [tilespmem:$0x4820];
	[tilespmem:$0xF010] =	vst v46  }
0x2d: {  	v52 =	vld [tilespmem:$0x30];
	[tilespmem:$0x10810] =	vst v47  }
0x2e: {  	v53 =	vld [tilespmem:$0x1830];
	[tilespmem:$0xC020] =	vst v48  }
0x2f: {  	v54 =	vld [tilespmem:$0x3030];
	[tilespmem:$0xD820] =	vst v49  }
0x30: {  	v55 =	vld [tilespmem:$0x4830];
	[tilespmem:$0xF020] =	vst v50  }
0x31: {  	v56 =	vld [tilespmem:$0x40];
	[tilespmem:$0x10820] =	vst v51  }
0x32: {  	v57 =	vld [tilespmem:$0x1840];
	[tilespmem:$0xC030] =	vst v52  }
0x33: {  	v58 =	vld [tilespmem:$0x3040];
	[tilespmem:$0xD830] =	vst v53  }
0x34: {  	v59 =	vld [tilespmem:$0x4840];
	[tilespmem:$0xF030] =	vst v54  }
0x35: {  	v60 =	vld [tilespmem:$0x50];
	[tilespmem:$0x10830] =	vst v55  }
0x36: {  	v61 =	vld [tilespmem:$0x1850];
	[tilespmem:$0xC040] =	vst v56  }
0x37: {  	v62 =	vld [tilespmem:$0x3050];
	[tilespmem:$0xD840] =	vst v57  }
0x38: {  	v63 =	vld [tilespmem:$0x4850];
	[tilespmem:$0xF040] =	vst v58  }
0x39: {  	v8 =	vld [tilespmem:$0x60];
	[tilespmem:$0x10840] =	vst v59  }
0x3a: {  	v9 =	vld [tilespmem:$0x1860];
	[tilespmem:$0xC050] =	vst v60  }
0x3b: {  	v10 =	vld [tilespmem:$0x3060];
	[tilespmem:$0xD850] =	vst v61  }
0x3c: {  	v11 =	vld [tilespmem:$0x4860];
	[tilespmem:$0xF050] =	vst v62  }
0x3d: {  	v12 =	vld [tilespmem:$0x70];
	[tilespmem:$0x10850] =	vst v63  }
0x3e: {  	v13 =	vld [tilespmem:$0x1870];
	[tilespmem:$0xC060] =	vst v8  }
0x3f: {  	v14 =	vld [tilespmem:$0x3070];
	[tilespmem:$0xD860] =	vst v9  }
0x40: {  	v15 =	vld [tilespmem:$0x4870];
	[tilespmem:$0xF060] =	vst v10  }
0x41: {  	v16 =	vld [tilespmem:$0x400];
	[tilespmem:$0x10860] =	vst v11  }
0x42: {  	v17 =	vld [tilespmem:$0x1C00];
	[tilespmem:$0xC070] =	vst v12  }
0x43: {  	v18 =	vld [tilespmem:$0x3400];
	[tilespmem:$0xD870] =	vst v13  }
0x44: {  	v19 =	vld [tilespmem:$0x4C00];
	[tilespmem:$0xF070] =	vst v14  }
0x45: {  	v20 =	vld [tilespmem:$0x410];
	[tilespmem:$0x10870] =	vst v15  }
0x46: {  	v21 =	vld [tilespmem:$0x1C10];
	[tilespmem:$0xC400] =	vst v16  }
0x47: {  	v22 =	vld [tilespmem:$0x3410];
	[tilespmem:$0xDC00] =	vst v17  }
0x48: {  	v23 =	vld [tilespmem:$0x4C10];
	[tilespmem:$0xF400] =	vst v18  }
0x49: {  	v24 =	vld [tilespmem:$0x420];
	[tilespmem:$0x10C00] =	vst v19  }
0x4a: {  	v25 =	vld [tilespmem:$0x1C20];
	[tilespmem:$0xC410] =	vst v20  }
0x4b: {  	v26 =	vld [tilespmem:$0x3420];
	[tilespmem:$0xDC10] =	vst v21  }
0x4c: {  	v27 =	vld [tilespmem:$0x4C20];
	[tilespmem:$0xF410] =	vst v22  }
0x4d: {  	v28 =	vld [tilespmem:$0x430];
	[tilespmem:$0x10C10] =	vst v23  }
0x4e: {  	v29 =	vld [tilespmem:$0x1C30];
	[tilespmem:$0xC420] =	vst v24  }
0x4f: {  	v30 =	vld [tilespmem:$0x3430];
	[tilespmem:$0xDC20] =	vst v25  }
0x50: {  	v31 =	vld [tilespmem:$0x4C30];
	[tilespmem:$0xF420] =	vst v26  }
0x51: {  	v32 =	vld [tilespmem:$0x440];
	[tilespmem:$0x10C20] =	vst v27  }
0x52: {  	v33 =	vld [tilespmem:$0x1C40];
	[tilespmem:$0xC430] =	vst v28  }
0x53: {  	v34 =	vld [tilespmem:$0x3440];
	[tilespmem:$0xDC30] =	vst v29  }
0x54: {  	v35 =	vld [tilespmem:$0x4C40];
	[tilespmem:$0xF430] =	vst v30  }
0x55: {  	v36 =	vld [tilespmem:$0x450];
	[tilespmem:$0x10C30] =	vst v31  }
0x56: {  	v37 =	vld [tilespmem:$0x1C50];
	[tilespmem:$0xC440] =	vst v32  }
0x57: {  	v38 =	vld [tilespmem:$0x3450];
	[tilespmem:$0xDC40] =	vst v33  }
0x58: {  	v39 =	vld [tilespmem:$0x4C50];
	[tilespmem:$0xF440] =	vst v34  }
0x59: {  	v40 =	vld [tilespmem:$0x460];
	[tilespmem:$0x10C40] =	vst v35  }
0x5a: {  	v41 =	vld [tilespmem:$0x1C60];
	[tilespmem:$0xC450] =	vst v36  }
0x5b: {  	v42 =	vld [tilespmem:$0x3460];
	[tilespmem:$0xDC50] =	vst v37  }
0x5c: {  	v43 =	vld [tilespmem:$0x4C60];
	[tilespmem:$0xF450] =	vst v38  }
0x5d: {  	v44 =	vld [tilespmem:$0x470];
	[tilespmem:$0x10C50] =	vst v39  }
0x5e: {  	[tilespmem:$0xC460] =	vst v40;
	v45 =	vld [tilespmem:$0x1C70]  }
0x5f: {  	[tilespmem:$0xDC60] =	vst v41;
	v46 =	vld [tilespmem:$0x3470]  }
0x60: {  	[tilespmem:$0xF460] =	vst v42;
	v47 =	vld [tilespmem:$0x4C70]  }
0x61: {  	[tilespmem:$0x10C60] =	vst v43;
	v48 =	vld [tilespmem:$0x800]  }
0x62: {  	[tilespmem:$0xC470] =	vst v44;
	v49 =	vld [tilespmem:$0x2000]  }
0x63: {  	v50 =	vld [tilespmem:$0x3800];
	[tilespmem:$0xDC70] =	vst v45  }
0x64: {  	v51 =	vld [tilespmem:$0x5000];
	[tilespmem:$0xF470] =	vst v46  }
0x65: {  	v52 =	vld [tilespmem:$0x810];
	[tilespmem:$0x10C70] =	vst v47  }
0x66: {  	v53 =	vld [tilespmem:$0x2010];
	[tilespmem:$0xC800] =	vst v48  }
0x67: {  	v54 =	vld [tilespmem:$0x3810];
	[tilespmem:$0xE000] =	vst v49  }
0x68: {  	v55 =	vld [tilespmem:$0x5010];
	[tilespmem:$0xF800] =	vst v50  }
0x69: {  	v56 =	vld [tilespmem:$0x820];
	[tilespmem:$0x11000] =	vst v51  }
0x6a: {  	v57 =	vld [tilespmem:$0x2020];
	[tilespmem:$0xC810] =	vst v52  }
0x6b: {  	v58 =	vld [tilespmem:$0x3820];
	[tilespmem:$0xE010] =	vst v53  }
0x6c: {  	v59 =	vld [tilespmem:$0x5020];
	[tilespmem:$0xF810] =	vst v54  }
0x6d: {  	v60 =	vld [tilespmem:$0x830];
	[tilespmem:$0x11010] =	vst v55  }
0x6e: {  	v61 =	vld [tilespmem:$0x2030];
	[tilespmem:$0xC820] =	vst v56  }
0x6f: {  	v62 =	vld [tilespmem:$0x3830];
	[tilespmem:$0xE020] =	vst v57  }
0x70: {  	v63 =	vld [tilespmem:$0x5030];
	[tilespmem:$0xF820] =	vst v58  }
0x71: {  	v8 =	vld [tilespmem:$0x840];
	[tilespmem:$0x11020] =	vst v59  }
0x72: {  	v9 =	vld [tilespmem:$0x2040];
	[tilespmem:$0xC830] =	vst v60  }
0x73: {  	v10 =	vld [tilespmem:$0x3840];
	[tilespmem:$0xE030] =	vst v61  }
0x74: {  	v11 =	vld [tilespmem:$0x5040];
	[tilespmem:$0xF830] =	vst v62  }
0x75: {  	v12 =	vld [tilespmem:$0x850];
	[tilespmem:$0x11030] =	vst v63  }
0x76: {  	v13 =	vld [tilespmem:$0x2050];
	[tilespmem:$0xC840] =	vst v8  }
0x77: {  	v14 =	vld [tilespmem:$0x3850];
	[tilespmem:$0xE040] =	vst v9  }
0x78: {  	v15 =	vld [tilespmem:$0x5050];
	[tilespmem:$0xF840] =	vst v10  }
0x79: {  	v16 =	vld [tilespmem:$0x860];
	[tilespmem:$0x11040] =	vst v11  }
0x7a: {  	v17 =	vld [tilespmem:$0x2060];
	[tilespmem:$0xC850] =	vst v12  }
0x7b: {  	v18 =	vld [tilespmem:$0x3860];
	[tilespmem:$0xE050] =	vst v13  }
0x7c: {  	v19 =	vld [tilespmem:$0x5060];
	[tilespmem:$0xF850] =	vst v14  }
0x7d: {  	v20 =	vld [tilespmem:$0x870];
	[tilespmem:$0x11050] =	vst v15  }
0x7e: {  	v21 =	vld [tilespmem:$0x2070];
	[tilespmem:$0xC860] =	vst v16  }
0x7f: {  	v22 =	vld [tilespmem:$0x3870];
	[tilespmem:$0xE060] =	vst v17  }
0x80: {  	v23 =	vld [tilespmem:$0x5070];
	[tilespmem:$0xF860] =	vst v18  }
0x81: {  	v24 =	vld [tilespmem:$0xC00];
	[tilespmem:$0x11060] =	vst v19  }
0x82: {  	v25 =	vld [tilespmem:$0x2400];
	[tilespmem:$0xC870] =	vst v20  }
0x83: {  	v26 =	vld [tilespmem:$0x3C00];
	[tilespmem:$0xE070] =	vst v21  }
0x84: {  	v27 =	vld [tilespmem:$0x5400];
	[tilespmem:$0xF870] =	vst v22  }
0x85: {  	v28 =	vld [tilespmem:$0xC10];
	[tilespmem:$0x11070] =	vst v23  }
0x86: {  	v29 =	vld [tilespmem:$0x2410];
	[tilespmem:$0xCC00] =	vst v24  }
0x87: {  	v30 =	vld [tilespmem:$0x3C10];
	[tilespmem:$0xE400] =	vst v25  }
0x88: {  	v31 =	vld [tilespmem:$0x5410];
	[tilespmem:$0xFC00] =	vst v26  }
0x89: {  	v32 =	vld [tilespmem:$0xC20];
	[tilespmem:$0x11400] =	vst v27  }
0x8a: {  	v33 =	vld [tilespmem:$0x2420];
	[tilespmem:$0xCC10] =	vst v28  }
0x8b: {  	v34 =	vld [tilespmem:$0x3C20];
	[tilespmem:$0xE410] =	vst v29  }
0x8c: {  	v35 =	vld [tilespmem:$0x5420];
	[tilespmem:$0xFC10] =	vst v30  }
0x8d: {  	v36 =	vld [tilespmem:$0xC30];
	[tilespmem:$0x11410] =	vst v31  }
0x8e: {  	v37 =	vld [tilespmem:$0x2430];
	[tilespmem:$0xCC20] =	vst v32  }
0x8f: {  	v38 =	vld [tilespmem:$0x3C30];
	[tilespmem:$0xE420] =	vst v33  }
0x90: {  	v39 =	vld [tilespmem:$0x5430];
	[tilespmem:$0xFC20] =	vst v34  }
0x91: {  	v40 =	vld [tilespmem:$0xC40];
	[tilespmem:$0x11420] =	vst v35  }
0x92: {  	v41 =	vld [tilespmem:$0x2440];
	[tilespmem:$0xCC30] =	vst v36  }
0x93: {  	v42 =	vld [tilespmem:$0x3C40];
	[tilespmem:$0xE430] =	vst v37  }
0x94: {  	v43 =	vld [tilespmem:$0x5440];
	[tilespmem:$0xFC30] =	vst v38  }
0x95: {  	v44 =	vld [tilespmem:$0xC50];
	[tilespmem:$0x11430] =	vst v39  }
0x96: {  	[tilespmem:$0xCC40] =	vst v40;
	v45 =	vld [tilespmem:$0x2450]  }
0x97: {  	[tilespmem:$0xE440] =	vst v41;
	v46 =	vld [tilespmem:$0x3C50]  }
0x98: {  	[tilespmem:$0xFC40] =	vst v42;
	v47 =	vld [tilespmem:$0x5450]  }
0x99: {  	[tilespmem:$0x11440] =	vst v43;
	v48 =	vld [tilespmem:$0xC60]  }
0x9a: {  	[tilespmem:$0xCC50] =	vst v44;
	v49 =	vld [tilespmem:$0x2460]  }
0x9b: {  	v50 =	vld [tilespmem:$0x3C60];
	[tilespmem:$0xE450] =	vst v45  }
0x9c: {  	v51 =	vld [tilespmem:$0x5460];
	[tilespmem:$0xFC50] =	vst v46  }
0x9d: {  	v52 =	vld [tilespmem:$0xC70];
	[tilespmem:$0x11450] =	vst v47  }
0x9e: {  	v53 =	vld [tilespmem:$0x2470];
	[tilespmem:$0xCC60] =	vst v48  }
0x9f: {  	v54 =	vld [tilespmem:$0x3C70];
	[tilespmem:$0xE460] =	vst v49  }
0xa0: {  	v55 =	vld [tilespmem:$0x5470];
	[tilespmem:$0xFC60] =	vst v50  }
0xa1: {  	v56 =	vld [tilespmem:$0x1000];
	[tilespmem:$0x11460] =	vst v51  }
0xa2: {  	v57 =	vld [tilespmem:$0x2800];
	[tilespmem:$0xCC70] =	vst v52  }
0xa3: {  	v58 =	vld [tilespmem:$0x4000];
	[tilespmem:$0xE470] =	vst v53  }
0xa4: {  	v59 =	vld [tilespmem:$0x5800];
	[tilespmem:$0xFC70] =	vst v54  }
0xa5: {  	v60 =	vld [tilespmem:$0x1010];
	[tilespmem:$0x11470] =	vst v55  }
0xa6: {  	v61 =	vld [tilespmem:$0x2810];
	[tilespmem:$0xD000] =	vst v56  }
0xa7: {  	v62 =	vld [tilespmem:$0x4010];
	[tilespmem:$0xE800] =	vst v57  }
0xa8: {  	v63 =	vld [tilespmem:$0x5810];
	[tilespmem:$0x10000] =	vst v58  }
0xa9: {  	v8 =	vld [tilespmem:$0x1020];
	[tilespmem:$0x11800] =	vst v59  }
0xaa: {  	v9 =	vld [tilespmem:$0x2820];
	[tilespmem:$0xD010] =	vst v60  }
0xab: {  	v10 =	vld [tilespmem:$0x4020];
	[tilespmem:$0xE810] =	vst v61  }
0xac: {  	v11 =	vld [tilespmem:$0x5820];
	[tilespmem:$0x10010] =	vst v62  }
0xad: {  	v12 =	vld [tilespmem:$0x1030];
	[tilespmem:$0x11810] =	vst v63  }
0xae: {  	v13 =	vld [tilespmem:$0x2830];
	[tilespmem:$0xD020] =	vst v8  }
0xaf: {  	v14 =	vld [tilespmem:$0x4030];
	[tilespmem:$0xE820] =	vst v9  }
0xb0: {  	v15 =	vld [tilespmem:$0x5830];
	[tilespmem:$0x10020] =	vst v10  }
0xb1: {  	v16 =	vld [tilespmem:$0x1040];
	[tilespmem:$0x11820] =	vst v11  }
0xb2: {  	v17 =	vld [tilespmem:$0x2840];
	[tilespmem:$0xD030] =	vst v12  }
0xb3: {  	v18 =	vld [tilespmem:$0x4040];
	[tilespmem:$0xE830] =	vst v13  }
0xb4: {  	v19 =	vld [tilespmem:$0x5840];
	[tilespmem:$0x10030] =	vst v14  }
0xb5: {  	v20 =	vld [tilespmem:$0x1050];
	[tilespmem:$0x11830] =	vst v15  }
0xb6: {  	v21 =	vld [tilespmem:$0x2850];
	[tilespmem:$0xD040] =	vst v16  }
0xb7: {  	v22 =	vld [tilespmem:$0x4050];
	[tilespmem:$0xE840] =	vst v17  }
0xb8: {  	v23 =	vld [tilespmem:$0x5850];
	[tilespmem:$0x10040] =	vst v18  }
0xb9: {  	v24 =	vld [tilespmem:$0x1060];
	[tilespmem:$0x11840] =	vst v19  }
0xba: {  	v25 =	vld [tilespmem:$0x2860];
	[tilespmem:$0xD050] =	vst v20  }
0xbb: {  	v26 =	vld [tilespmem:$0x4060];
	[tilespmem:$0xE850] =	vst v21  }
0xbc: {  	v27 =	vld [tilespmem:$0x5860];
	[tilespmem:$0x10050] =	vst v22  }
0xbd: {  	v28 =	vld [tilespmem:$0x1070];
	[tilespmem:$0x11850] =	vst v23  }
0xbe: {  	v29 =	vld [tilespmem:$0x2870];
	[tilespmem:$0xD060] =	vst v24  }
0xbf: {  	v30 =	vld [tilespmem:$0x4070];
	[tilespmem:$0xE860] =	vst v25  }
0xc0: {  	v31 =	vld [tilespmem:$0x5870];
	[tilespmem:$0x10060] =	vst v26  }
0xc1: {  	v32 =	vld [tilespmem:$0x1400];
	[tilespmem:$0x11860] =	vst v27  }
0xc2: {  	v33 =	vld [tilespmem:$0x2C00];
	[tilespmem:$0xD070] =	vst v28  }
0xc3: {  	v34 =	vld [tilespmem:$0x4400];
	[tilespmem:$0xE870] =	vst v29  }
0xc4: {  	v35 =	vld [tilespmem:$0x5C00];
	[tilespmem:$0x10070] =	vst v30  }
0xc5: {  	v36 =	vld [tilespmem:$0x1410];
	[tilespmem:$0x11870] =	vst v31  }
0xc6: {  	v37 =	vld [tilespmem:$0x2C10];
	[tilespmem:$0xD400] =	vst v32  }
0xc7: {  	v38 =	vld [tilespmem:$0x4410];
	[tilespmem:$0xEC00] =	vst v33  }
0xc8: {  	v39 =	vld [tilespmem:$0x5C10];
	[tilespmem:$0x10400] =	vst v34  }
0xc9: {  	v40 =	vld [tilespmem:$0x1420];
	[tilespmem:$0x11C00] =	vst v35  }
0xca: {  	v41 =	vld [tilespmem:$0x2C20];
	[tilespmem:$0xD410] =	vst v36  }
0xcb: {  	v42 =	vld [tilespmem:$0x4420];
	[tilespmem:$0xEC10] =	vst v37  }
0xcc: {  	v43 =	vld [tilespmem:$0x5C20];
	[tilespmem:$0x10410] =	vst v38  }
0xcd: {  	v44 =	vld [tilespmem:$0x1430];
	[tilespmem:$0x11C10] =	vst v39  }
0xce: {  	[tilespmem:$0xD420] =	vst v40;
	v45 =	vld [tilespmem:$0x2C30]  }
0xcf: {  	[tilespmem:$0xEC20] =	vst v41;
	v46 =	vld [tilespmem:$0x4430]  }
0xd0: {  	[tilespmem:$0x10420] =	vst v42;
	v47 =	vld [tilespmem:$0x5C30]  }
0xd1: {  	[tilespmem:$0x11C20] =	vst v43;
	v48 =	vld [tilespmem:$0x1440]  }
0xd2: {  	[tilespmem:$0xD430] =	vst v44;
	v49 =	vld [tilespmem:$0x2C40]  }
0xd3: {  	v50 =	vld [tilespmem:$0x4440];
	[tilespmem:$0xEC30] =	vst v45  }
0xd4: {  	v51 =	vld [tilespmem:$0x5C40];
	[tilespmem:$0x10430] =	vst v46  }
0xd5: {  	v52 =	vld [tilespmem:$0x1450];
	[tilespmem:$0x11C30] =	vst v47  }
0xd6: {  	v53 =	vld [tilespmem:$0x2C50];
	[tilespmem:$0xD440] =	vst v48  }
0xd7: {  	v54 =	vld [tilespmem:$0x4450];
	[tilespmem:$0xEC40] =	vst v49  }
0xd8: {  	v55 =	vld [tilespmem:$0x5C50];
	[tilespmem:$0x10440] =	vst v50  }
0xd9: {  	v56 =	vld [tilespmem:$0x1460];
	[tilespmem:$0x11C40] =	vst v51  }
0xda: {  	v57 =	vld [tilespmem:$0x2C60];
	[tilespmem:$0xD450] =	vst v52  }
0xdb: {  	v58 =	vld [tilespmem:$0x4460];
	[tilespmem:$0xEC50] =	vst v53  }
0xdc: {  	v59 =	vld [tilespmem:$0x5C60];
	[tilespmem:$0x10450] =	vst v54  }
0xdd: {  	v60 =	vld [tilespmem:$0x1470];
	[tilespmem:$0x11C50] =	vst v55  }
0xde: {  	v61 =	vld [tilespmem:$0x2C70];
	[tilespmem:$0xD460] =	vst v56  }
0xdf: {  	v62 =	vld [tilespmem:$0x4470];
	[tilespmem:$0xEC60] =	vst v57  }
0xe0: {  	v63 =	vld [tilespmem:$0x5C70];
	[tilespmem:$0x10460] =	vst v58  }
0xe1: {  	p1 =	sne.s32 s20, $0xD200;
	[tilespmem:$0x11C60] =	vst v59  }
.Ltmp2:
0xe2: {  	[tilespmem:$0xD470] =	vst v60;
	(pc) =	sbr.rel @p1 .LBB2_4-.Ltmp2, $4  }
0xe3: {  	[tilespmem:$0xEC70] =	vst v61  }
0xe4: {  	[tilespmem:$0x10470] =	vst v62  }
0xe5: {  	s31 =	sadd.s32 s20, s9;
	[tilespmem:$0x11C70] =	vst v63  }
0xe6: {  	[hbm4b:s31+s10] =	stream.strided.scatter [tilespmem:s14], [sflag:$0x3], $0x6000, s11, s10, $0x38;
	[tilespmem:$0x18000] =	vst v63  }
.Ltmp3:
0xe7: {  	(pc) =	sbr.rel .LBB2_5-.Ltmp3, $4  }
0xe8: {  	_ = 	snop  }
0xe9: {  	_ =	swait.ge [sflag:s15], $0x6000  }
0xea: {  	[sflag:s15] =	ssyncset.done $0x0  }
0xeb: {  	[sflag:s15] =	ssyncadd.s32 $0xFFFFA000  }
.LBB2_4:
.Ltmp4:
0xec: {  	s21 =	sadd.s32 s20, s8;
	(pc) =	sbr.rel @p0 .LBB2_6-.Ltmp4, $4  }
0xed: {  	[tilespmem:s2], [sflag:$0x1] =	stream.strided.gather [hbm4b:s21+s10], $0x6000, s11, s10, $0x38;
	[tilespmem:$0x18000] =	vst v63  }
0xee: {  	_ =	swait.ge [sflag:s15], $0x6000  }
0xef: {  	[sflag:s15] =	ssyncset.done $0x0  }
0xf0: {  	[sflag:s15] =	ssyncadd.s32 $0xFFFFA000  }
.LBB2_5:
0xf1: {  	_ =	swait.ge [sflag:s16], $0x6000  }
0xf2: {  	[sflag:s16] =	ssyncset.done $0x0  }
0xf3: {  	[sflag:s16] =	ssyncadd.s32 $0xFFFFA000  }
.LBB2_6:
0xf4: {  	v0 =	vld [tilespmem:$0x6000]  }
0xf5: {  	v1 =	vld [tilespmem:$0x7800]  }
0xf6: {  	v2 =	vld [tilespmem:$0x9000]  }
0xf7: {  	v3 =	vld [tilespmem:$0xA800]  }
0xf8: {  	v4 =	vld [tilespmem:$0x6010]  }
0xf9: {  	v45 =	vld [tilespmem:$0x7810];
	[tilespmem:$0x12000] =	vst v0  }
0xfa: {  	v46 =	vld [tilespmem:$0x9010];
	[tilespmem:$0x13800] =	vst v1  }
0xfb: {  	v47 =	vld [tilespmem:$0xA810];
	[tilespmem:$0x15000] =	vst v2  }
0xfc: {  	v48 =	vld [tilespmem:$0x6020];
	[tilespmem:$0x16800] =	vst v3  }
0xfd: {  	v49 =	vld [tilespmem:$0x7820];
	[tilespmem:$0x12010] =	vst v4  }
0xfe: {  	v50 =	vld [tilespmem:$0x9020];
	[tilespmem:$0x13810] =	vst v45  }
0xff: {  	v51 =	vld [tilespmem:$0xA820];
	[tilespmem:$0x15010] =	vst v46  }
0x100: {  	v52 =	vld [tilespmem:$0x6030];
	[tilespmem:$0x16810] =	vst v47  }
0x101: {  	v53 =	vld [tilespmem:$0x7830];
	[tilespmem:$0x12020] =	vst v48  }
0x102: {  	v54 =	vld [tilespmem:$0x9030];
	[tilespmem:$0x13820] =	vst v49  }
0x103: {  	v55 =	vld [tilespmem:$0xA830];
	[tilespmem:$0x15020] =	vst v50  }
0x104: {  	v56 =	vld [tilespmem:$0x6040];
	[tilespmem:$0x16820] =	vst v51  }
0x105: {  	v57 =	vld [tilespmem:$0x7840];
	[tilespmem:$0x12030] =	vst v52  }
0x106: {  	v58 =	vld [tilespmem:$0x9040];
	[tilespmem:$0x13830] =	vst v53  }
0x107: {  	v59 =	vld [tilespmem:$0xA840];
	[tilespmem:$0x15030] =	vst v54  }
0x108: {  	v60 =	vld [tilespmem:$0x6050];
	[tilespmem:$0x16830] =	vst v55  }
0x109: {  	v61 =	vld [tilespmem:$0x7850];
	[tilespmem:$0x12040] =	vst v56  }
0x10a: {  	v62 =	vld [tilespmem:$0x9050];
	[tilespmem:$0x13840] =	vst v57  }
0x10b: {  	v63 =	vld [tilespmem:$0xA850];
	[tilespmem:$0x15040] =	vst v58  }
0x10c: {  	v8 =	vld [tilespmem:$0x6060];
	[tilespmem:$0x16840] =	vst v59  }
0x10d: {  	v9 =	vld [tilespmem:$0x7860];
	[tilespmem:$0x12050] =	vst v60  }
0x10e: {  	v10 =	vld [tilespmem:$0x9060];
	[tilespmem:$0x13850] =	vst v61  }
0x10f: {  	v11 =	vld [tilespmem:$0xA860];
	[tilespmem:$0x15050] =	vst v62  }
0x110: {  	v12 =	vld [tilespmem:$0x6070];
	[tilespmem:$0x16850] =	vst v63  }
0x111: {  	v13 =	vld [tilespmem:$0x7870];
	[tilespmem:$0x12060] =	vst v8  }
0x112: {  	v14 =	vld [tilespmem:$0x9070];
	[tilespmem:$0x13860] =	vst v9  }
0x113: {  	v15 =	vld [tilespmem:$0xA870];
	[tilespmem:$0x15060] =	vst v10  }
0x114: {  	v16 =	vld [tilespmem:$0x6400];
	[tilespmem:$0x16860] =	vst v11  }
0x115: {  	v17 =	vld [tilespmem:$0x7C00];
	[tilespmem:$0x12070] =	vst v12  }
0x116: {  	v18 =	vld [tilespmem:$0x9400];
	[tilespmem:$0x13870] =	vst v13  }
0x117: {  	v19 =	vld [tilespmem:$0xAC00];
	[tilespmem:$0x15070] =	vst v14  }
0x118: {  	v20 =	vld [tilespmem:$0x6410];
	[tilespmem:$0x16870] =	vst v15  }
0x119: {  	v21 =	vld [tilespmem:$0x7C10];
	[tilespmem:$0x12400] =	vst v16  }
0x11a: {  	v22 =	vld [tilespmem:$0x9410];
	[tilespmem:$0x13C00] =	vst v17  }
0x11b: {  	v23 =	vld [tilespmem:$0xAC10];
	[tilespmem:$0x15400] =	vst v18  }
0x11c: {  	v24 =	vld [tilespmem:$0x6420];
	[tilespmem:$0x16C00] =	vst v19  }
0x11d: {  	v25 =	vld [tilespmem:$0x7C20];
	[tilespmem:$0x12410] =	vst v20  }
0x11e: {  	v26 =	vld [tilespmem:$0x9420];
	[tilespmem:$0x13C10] =	vst v21  }
0x11f: {  	v27 =	vld [tilespmem:$0xAC20];
	[tilespmem:$0x15410] =	vst v22  }
0x120: {  	v28 =	vld [tilespmem:$0x6430];
	[tilespmem:$0x16C10] =	vst v23  }
0x121: {  	v29 =	vld [tilespmem:$0x7C30];
	[tilespmem:$0x12420] =	vst v24  }
0x122: {  	v30 =	vld [tilespmem:$0x9430];
	[tilespmem:$0x13C20] =	vst v25  }
0x123: {  	v31 =	vld [tilespmem:$0xAC30];
	[tilespmem:$0x15420] =	vst v26  }
0x124: {  	v32 =	vld [tilespmem:$0x6440];
	[tilespmem:$0x16C20] =	vst v27  }
0x125: {  	v33 =	vld [tilespmem:$0x7C40];
	[tilespmem:$0x12430] =	vst v28  }
0x126: {  	v34 =	vld [tilespmem:$0x9440];
	[tilespmem:$0x13C30] =	vst v29  }
0x127: {  	v35 =	vld [tilespmem:$0xAC40];
	[tilespmem:$0x15430] =	vst v30  }
0x128: {  	v36 =	vld [tilespmem:$0x6450];
	[tilespmem:$0x16C30] =	vst v31  }
0x129: {  	v37 =	vld [tilespmem:$0x7C50];
	[tilespmem:$0x12440] =	vst v32  }
0x12a: {  	v38 =	vld [tilespmem:$0x9450];
	[tilespmem:$0x13C40] =	vst v33  }
0x12b: {  	v39 =	vld [tilespmem:$0xAC50];
	[tilespmem:$0x15440] =	vst v34  }
0x12c: {  	v40 =	vld [tilespmem:$0x6460];
	[tilespmem:$0x16C40] =	vst v35  }
0x12d: {  	v41 =	vld [tilespmem:$0x7C60];
	[tilespmem:$0x12450] =	vst v36  }
0x12e: {  	v42 =	vld [tilespmem:$0x9460];
	[tilespmem:$0x13C50] =	vst v37  }
0x12f: {  	v43 =	vld [tilespmem:$0xAC60];
	[tilespmem:$0x15450] =	vst v38  }
0x130: {  	v44 =	vld [tilespmem:$0x6470];
	[tilespmem:$0x16C50] =	vst v39  }
0x131: {  	[tilespmem:$0x12460] =	vst v40;
	v45 =	vld [tilespmem:$0x7C70]  }
0x132: {  	[tilespmem:$0x13C60] =	vst v41;
	v46 =	vld [tilespmem:$0x9470]  }
0x133: {  	[tilespmem:$0x15460] =	vst v42;
	v47 =	vld [tilespmem:$0xAC70]  }
0x134: {  	[tilespmem:$0x16C60] =	vst v43;
	v48 =	vld [tilespmem:$0x6800]  }
0x135: {  	[tilespmem:$0x12470] =	vst v44;
	v49 =	vld [tilespmem:$0x8000]  }
0x136: {  	v50 =	vld [tilespmem:$0x9800];
	[tilespmem:$0x13C70] =	vst v45  }
0x137: {  	v51 =	vld [tilespmem:$0xB000];
	[tilespmem:$0x15470] =	vst v46  }
0x138: {  	v52 =	vld [tilespmem:$0x6810];
	[tilespmem:$0x16C70] =	vst v47  }
0x139: {  	v53 =	vld [tilespmem:$0x8010];
	[tilespmem:$0x12800] =	vst v48  }
0x13a: {  	v54 =	vld [tilespmem:$0x9810];
	[tilespmem:$0x14000] =	vst v49  }
0x13b: {  	v55 =	vld [tilespmem:$0xB010];
	[tilespmem:$0x15800] =	vst v50  }
0x13c: {  	v56 =	vld [tilespmem:$0x6820];
	[tilespmem:$0x17000] =	vst v51  }
0x13d: {  	v57 =	vld [tilespmem:$0x8020];
	[tilespmem:$0x12810] =	vst v52  }
0x13e: {  	v58 =	vld [tilespmem:$0x9820];
	[tilespmem:$0x14010] =	vst v53  }
0x13f: {  	v59 =	vld [tilespmem:$0xB020];
	[tilespmem:$0x15810] =	vst v54  }
0x140: {  	v60 =	vld [tilespmem:$0x6830];
	[tilespmem:$0x17010] =	vst v55  }
0x141: {  	v61 =	vld [tilespmem:$0x8030];
	[tilespmem:$0x12820] =	vst v56  }
0x142: {  	v62 =	vld [tilespmem:$0x9830];
	[tilespmem:$0x14020] =	vst v57  }
0x143: {  	v63 =	vld [tilespmem:$0xB030];
	[tilespmem:$0x15820] =	vst v58  }
0x144: {  	v8 =	vld [tilespmem:$0x6840];
	[tilespmem:$0x17020] =	vst v59  }
0x145: {  	v9 =	vld [tilespmem:$0x8040];
	[tilespmem:$0x12830] =	vst v60  }
0x146: {  	v10 =	vld [tilespmem:$0x9840];
	[tilespmem:$0x14030] =	vst v61  }
0x147: {  	v11 =	vld [tilespmem:$0xB040];
	[tilespmem:$0x15830] =	vst v62  }
0x148: {  	v12 =	vld [tilespmem:$0x6850];
	[tilespmem:$0x17030] =	vst v63  }
0x149: {  	v13 =	vld [tilespmem:$0x8050];
	[tilespmem:$0x12840] =	vst v8  }
0x14a: {  	v14 =	vld [tilespmem:$0x9850];
	[tilespmem:$0x14040] =	vst v9  }
0x14b: {  	v15 =	vld [tilespmem:$0xB050];
	[tilespmem:$0x15840] =	vst v10  }
0x14c: {  	v16 =	vld [tilespmem:$0x6860];
	[tilespmem:$0x17040] =	vst v11  }
0x14d: {  	v17 =	vld [tilespmem:$0x8060];
	[tilespmem:$0x12850] =	vst v12  }
0x14e: {  	v18 =	vld [tilespmem:$0x9860];
	[tilespmem:$0x14050] =	vst v13  }
0x14f: {  	v19 =	vld [tilespmem:$0xB060];
	[tilespmem:$0x15850] =	vst v14  }
0x150: {  	v20 =	vld [tilespmem:$0x6870];
	[tilespmem:$0x17050] =	vst v15  }
0x151: {  	v21 =	vld [tilespmem:$0x8070];
	[tilespmem:$0x12860] =	vst v16  }
0x152: {  	v22 =	vld [tilespmem:$0x9870];
	[tilespmem:$0x14060] =	vst v17  }
0x153: {  	v23 =	vld [tilespmem:$0xB070];
	[tilespmem:$0x15860] =	vst v18  }
0x154: {  	v24 =	vld [tilespmem:$0x6C00];
	[tilespmem:$0x17060] =	vst v19  }
0x155: {  	v25 =	vld [tilespmem:$0x8400];
	[tilespmem:$0x12870] =	vst v20  }
0x156: {  	v26 =	vld [tilespmem:$0x9C00];
	[tilespmem:$0x14070] =	vst v21  }
0x157: {  	v27 =	vld [tilespmem:$0xB400];
	[tilespmem:$0x15870] =	vst v22  }
0x158: {  	v28 =	vld [tilespmem:$0x6C10];
	[tilespmem:$0x17070] =	vst v23  }
0x159: {  	v29 =	vld [tilespmem:$0x8410];
	[tilespmem:$0x12C00] =	vst v24  }
0x15a: {  	v30 =	vld [tilespmem:$0x9C10];
	[tilespmem:$0x14400] =	vst v25  }
0x15b: {  	v31 =	vld [tilespmem:$0xB410];
	[tilespmem:$0x15C00] =	vst v26  }
0x15c: {  	v32 =	vld [tilespmem:$0x6C20];
	[tilespmem:$0x17400] =	vst v27  }
0x15d: {  	v33 =	vld [tilespmem:$0x8420];
	[tilespmem:$0x12C10] =	vst v28  }
0x15e: {  	v34 =	vld [tilespmem:$0x9C20];
	[tilespmem:$0x14410] =	vst v29  }
0x15f: {  	v35 =	vld [tilespmem:$0xB420];
	[tilespmem:$0x15C10] =	vst v30  }
0x160: {  	v36 =	vld [tilespmem:$0x6C30];
	[tilespmem:$0x17410] =	vst v31  }
0x161: {  	v37 =	vld [tilespmem:$0x8430];
	[tilespmem:$0x12C20] =	vst v32  }
0x162: {  	v38 =	vld [tilespmem:$0x9C30];
	[tilespmem:$0x14420] =	vst v33  }
0x163: {  	v39 =	vld [tilespmem:$0xB430];
	[tilespmem:$0x15C20] =	vst v34  }
0x164: {  	v40 =	vld [tilespmem:$0x6C40];
	[tilespmem:$0x17420] =	vst v35  }
0x165: {  	v41 =	vld [tilespmem:$0x8440];
	[tilespmem:$0x12C30] =	vst v36  }
0x166: {  	v42 =	vld [tilespmem:$0x9C40];
	[tilespmem:$0x14430] =	vst v37  }
0x167: {  	v43 =	vld [tilespmem:$0xB440];
	[tilespmem:$0x15C30] =	vst v38  }
0x168: {  	v44 =	vld [tilespmem:$0x6C50];
	[tilespmem:$0x17430] =	vst v39  }
0x169: {  	[tilespmem:$0x12C40] =	vst v40;
	v45 =	vld [tilespmem:$0x8450]  }
0x16a: {  	[tilespmem:$0x14440] =	vst v41;
	v46 =	vld [tilespmem:$0x9C50]  }
0x16b: {  	[tilespmem:$0x15C40] =	vst v42;
	v47 =	vld [tilespmem:$0xB450]  }
0x16c: {  	[tilespmem:$0x17440] =	vst v43;
	v48 =	vld [tilespmem:$0x6C60]  }
0x16d: {  	[tilespmem:$0x12C50] =	vst v44;
	v49 =	vld [tilespmem:$0x8460]  }
0x16e: {  	v50 =	vld [tilespmem:$0x9C60];
	[tilespmem:$0x14450] =	vst v45  }
0x16f: {  	v51 =	vld [tilespmem:$0xB460];
	[tilespmem:$0x15C50] =	vst v46  }
0x170: {  	v52 =	vld [tilespmem:$0x6C70];
	[tilespmem:$0x17450] =	vst v47  }
0x171: {  	v53 =	vld [tilespmem:$0x8470];
	[tilespmem:$0x12C60] =	vst v48  }
0x172: {  	v54 =	vld [tilespmem:$0x9C70];
	[tilespmem:$0x14460] =	vst v49  }
0x173: {  	v55 =	vld [tilespmem:$0xB470];
	[tilespmem:$0x15C60] =	vst v50  }
0x174: {  	v56 =	vld [tilespmem:$0x7000];
	[tilespmem:$0x17460] =	vst v51  }
0x175: {  	v57 =	vld [tilespmem:$0x8800];
	[tilespmem:$0x12C70] =	vst v52  }
0x176: {  	v58 =	vld [tilespmem:$0xA000];
	[tilespmem:$0x14470] =	vst v53  }
0x177: {  	v59 =	vld [tilespmem:$0xB800];
	[tilespmem:$0x15C70] =	vst v54  }
0x178: {  	v60 =	vld [tilespmem:$0x7010];
	[tilespmem:$0x17470] =	vst v55  }
0x179: {  	v61 =	vld [tilespmem:$0x8810];
	[tilespmem:$0x13000] =	vst v56  }
0x17a: {  	v62 =	vld [tilespmem:$0xA010];
	[tilespmem:$0x14800] =	vst v57  }
0x17b: {  	v63 =	vld [tilespmem:$0xB810];
	[tilespmem:$0x16000] =	vst v58  }
0x17c: {  	v8 =	vld [tilespmem:$0x7020];
	[tilespmem:$0x17800] =	vst v59  }
0x17d: {  	v9 =	vld [tilespmem:$0x8820];
	[tilespmem:$0x13010] =	vst v60  }
0x17e: {  	v10 =	vld [tilespmem:$0xA020];
	[tilespmem:$0x14810] =	vst v61  }
0x17f: {  	v11 =	vld [tilespmem:$0xB820];
	[tilespmem:$0x16010] =	vst v62  }
0x180: {  	v12 =	vld [tilespmem:$0x7030];
	[tilespmem:$0x17810] =	vst v63  }
0x181: {  	v13 =	vld [tilespmem:$0x8830];
	[tilespmem:$0x13020] =	vst v8  }
0x182: {  	v14 =	vld [tilespmem:$0xA030];
	[tilespmem:$0x14820] =	vst v9  }
0x183: {  	v15 =	vld [tilespmem:$0xB830];
	[tilespmem:$0x16020] =	vst v10  }
0x184: {  	v16 =	vld [tilespmem:$0x7040];
	[tilespmem:$0x17820] =	vst v11  }
0x185: {  	v17 =	vld [tilespmem:$0x8840];
	[tilespmem:$0x13030] =	vst v12  }
0x186: {  	v18 =	vld [tilespmem:$0xA040];
	[tilespmem:$0x14830] =	vst v13  }
0x187: {  	v19 =	vld [tilespmem:$0xB840];
	[tilespmem:$0x16030] =	vst v14  }
0x188: {  	v20 =	vld [tilespmem:$0x7050];
	[tilespmem:$0x17830] =	vst v15  }
0x189: {  	v21 =	vld [tilespmem:$0x8850];
	[tilespmem:$0x13040] =	vst v16  }
0x18a: {  	v22 =	vld [tilespmem:$0xA050];
	[tilespmem:$0x14840] =	vst v17  }
0x18b: {  	v23 =	vld [tilespmem:$0xB850];
	[tilespmem:$0x16040] =	vst v18  }
0x18c: {  	v24 =	vld [tilespmem:$0x7060];
	[tilespmem:$0x17840] =	vst v19  }
0x18d: {  	v25 =	vld [tilespmem:$0x8860];
	[tilespmem:$0x13050] =	vst v20  }
0x18e: {  	v26 =	vld [tilespmem:$0xA060];
	[tilespmem:$0x14850] =	vst v21  }
0x18f: {  	v27 =	vld [tilespmem:$0xB860];
	[tilespmem:$0x16050] =	vst v22  }
0x190: {  	v28 =	vld [tilespmem:$0x7070];
	[tilespmem:$0x17850] =	vst v23  }
0x191: {  	v29 =	vld [tilespmem:$0x8870];
	[tilespmem:$0x13060] =	vst v24  }
0x192: {  	v30 =	vld [tilespmem:$0xA070];
	[tilespmem:$0x14860] =	vst v25  }
0x193: {  	v31 =	vld [tilespmem:$0xB870];
	[tilespmem:$0x16060] =	vst v26  }
0x194: {  	v32 =	vld [tilespmem:$0x7400];
	[tilespmem:$0x17860] =	vst v27  }
0x195: {  	v33 =	vld [tilespmem:$0x8C00];
	[tilespmem:$0x13070] =	vst v28  }
0x196: {  	v34 =	vld [tilespmem:$0xA400];
	[tilespmem:$0x14870] =	vst v29  }
0x197: {  	v35 =	vld [tilespmem:$0xBC00];
	[tilespmem:$0x16070] =	vst v30  }
0x198: {  	v36 =	vld [tilespmem:$0x7410];
	[tilespmem:$0x17870] =	vst v31  }
0x199: {  	v37 =	vld [tilespmem:$0x8C10];
	[tilespmem:$0x13400] =	vst v32  }
0x19a: {  	v38 =	vld [tilespmem:$0xA410];
	[tilespmem:$0x14C00] =	vst v33  }
0x19b: {  	v39 =	vld [tilespmem:$0xBC10];
	[tilespmem:$0x16400] =	vst v34  }
0x19c: {  	v40 =	vld [tilespmem:$0x7420];
	[tilespmem:$0x17C00] =	vst v35  }
0x19d: {  	v41 =	vld [tilespmem:$0x8C20];
	[tilespmem:$0x13410] =	vst v36  }
0x19e: {  	v42 =	vld [tilespmem:$0xA420];
	[tilespmem:$0x14C10] =	vst v37  }
0x19f: {  	v43 =	vld [tilespmem:$0xBC20];
	[tilespmem:$0x16410] =	vst v38  }
0x1a0: {  	v44 =	vld [tilespmem:$0x7430];
	[tilespmem:$0x17C10] =	vst v39  }
0x1a1: {  	[tilespmem:$0x13420] =	vst v40;
	v45 =	vld [tilespmem:$0x8C30]  }
0x1a2: {  	[tilespmem:$0x14C20] =	vst v41;
	v46 =	vld [tilespmem:$0xA430]  }
0x1a3: {  	[tilespmem:$0x16420] =	vst v42;
	v47 =	vld [tilespmem:$0xBC30]  }
0x1a4: {  	[tilespmem:$0x17C20] =	vst v43;
	v48 =	vld [tilespmem:$0x7440]  }
0x1a5: {  	[tilespmem:$0x13430] =	vst v44;
	v49 =	vld [tilespmem:$0x8C40]  }
0x1a6: {  	v50 =	vld [tilespmem:$0xA440];
	[tilespmem:$0x14C30] =	vst v45  }
0x1a7: {  	v51 =	vld [tilespmem:$0xBC40];
	[tilespmem:$0x16430] =	vst v46  }
0x1a8: {  	v52 =	vld [tilespmem:$0x7450];
	[tilespmem:$0x17C30] =	vst v47  }
0x1a9: {  	v53 =	vld [tilespmem:$0x8C50];
	[tilespmem:$0x13440] =	vst v48  }
0x1aa: {  	v54 =	vld [tilespmem:$0xA450];
	[tilespmem:$0x14C40] =	vst v49  }
0x1ab: {  	v55 =	vld [tilespmem:$0xBC50];
	[tilespmem:$0x16440] =	vst v50  }
0x1ac: {  	v56 =	vld [tilespmem:$0x7460];
	[tilespmem:$0x17C40] =	vst v51  }
0x1ad: {  	v57 =	vld [tilespmem:$0x8C60];
	[tilespmem:$0x13450] =	vst v52  }
0x1ae: {  	v58 =	vld [tilespmem:$0xA460];
	[tilespmem:$0x14C50] =	vst v53  }
0x1af: {  	v59 =	vld [tilespmem:$0xBC60];
	[tilespmem:$0x16450] =	vst v54  }
0x1b0: {  	v60 =	vld [tilespmem:$0x7470];
	[tilespmem:$0x17C50] =	vst v55  }
0x1b1: {  	v61 =	vld [tilespmem:$0x8C70];
	[tilespmem:$0x13460] =	vst v56  }
0x1b2: {  	v62 =	vld [tilespmem:$0xA470];
	[tilespmem:$0x14C60] =	vst v57  }
0x1b3: {  	v63 =	vld [tilespmem:$0xBC70];
	[tilespmem:$0x16460] =	vst v58  }
0x1b4: {  	p0 =	seq.s32 s20, $0xD200;
	[tilespmem:$0x17C60] =	vst v59  }
.Ltmp5:
0x1b5: {  	[tilespmem:$0x13470] =	vst v60;
	(pc) =	sbr.rel @p0 .LBB2_8-.Ltmp5, $4  }
0x1b6: {  	[tilespmem:$0x14C70] =	vst v61  }
0x1b7: {  	[tilespmem:$0x16470] =	vst v62  }
0x1b8: {  	s21 =	sadd.s32 s20, s7;
	[tilespmem:$0x17C70] =	vst v63  }
0x1b9: {  	[hbm4b:s21+s10] =	stream.strided.scatter [tilespmem:s17], [sflag:$0x4], $0x6000, s11, s10, $0x38;
	[tilespmem:$0x18000] =	vst v63  }
.Ltmp6:
0x1ba: {  	(pc) =	sbr.rel .LBB2_2-.Ltmp6, $3  }
0x1bb: {  	_ =	sdelay $0x1  }
0x1bc: {  	s21 =	sadd.s32 s20, s6;
	s20 =	sadd.s32 $0x600, s20  }
0x1bd: {  	[tilespmem:s12], [sflag:$0x2] =	stream.strided.gather [hbm4b:s21+s10], $0x6000, s11, s10, $0x38;
	[tilespmem:$0x18000] =	vst v63  }
.LBB2_9:
0x1be: {  	_ =	sfence.sel $0x180000  }
0x1bf: {  	[bflag:$0x0] =	sbarrier.arrive $0xFFFF  }
0x1c0: {  	p0 =	sne.s32 s0, $0x0;
	_ =	strace $0x90000047  }
0x1c1: {  	s0 =	sadd.s32 @!p0 $0x100000, s1;
	[bflag:$0x2] =	sbarrier.arrive $0xFFFF  }
0x1c2: {  	[sflag:s0] =	ssyncadd.tile.s32 @!p0 $0x1;
	_ =	shalt  }
.Lfunc_end2:
_tile_overlayer_lowered:
.L_overlay_start_2:
0x1c3: {  	(tag) =	ssettag $0x2  }
0x1c4: {  	s0 =	rddreg [dreg:$0x0];
	s2 =	stileid.u32  }
0x1c5: {  	s1 =	rddreg [dreg:$0x1];
	p0 =	sne.s32 s2, $0x0  }
0x1c6: {  	s3 =	rddreg [dreg:$0x2];
	[bflag:$0x3] =	sbarrier.arrive $0xFFFF;
	s2 =	simm.s32 @!p0 $0x1C05  }
0x1c7: {  	[timem:s3], [sflag:s2] =	dma.local @!p0 [hbm:s0], s1  }
0x1c8: {  	s0 =	simm.s32 @!p0 $0x5  }
0x1c9: {  	_ =	swait.ge @!p0 [sflag:s0], s1  }
0x1ca: {  	s1 =	ssub.s32 @!p0 $0x0, s1;
	[sflag:s0] =	ssyncset.done @!p0 $0x0  }
0x1cb: {  	[sflag:s0] =	ssyncadd.s32 @!p0 s1  }
0x1cc: {  	[bflag:$0x3] =	sbarrier.arrive $0xFFFF  }
0x1cd: {  	_ =	shalt  }

</sc_bundles>
